<compile_context>
chip_gen: v7x
topology: tpu7x:2x2x1
jax: 0.10.2.dev20260603
libtpu: 0.0.44.dev20260713+nightly
codegen_flags: <defaults>
</compile_context>

<pallas_src>
import jax
import jax.numpy as jnp
from jax import lax
from jax.experimental import pallas as pl
from jax.experimental.pallas import tpu as pltpu
from jax.experimental.pallas import tpu_sc as plsc

NUM_CLASS = 100
N_BINS = 15
PAD_CLASS = 100
C_PAD = 128
NW = 32
LANES = 16
SUB = 4096
TILE = 512
NSTAGE = SUB // TILE
N_PADDED = NW * LANES * SUB
ROWS = NW * LANES
ACC_W = 1504
HIST_N = ROWS * C_PAD
ACC_N = ROWS * ACC_W


def _histogram_body(lab_hbm, hist_hbm, lab_t, hist_v, sem):
    w = lax.axis_index("s") * 2 + lax.axis_index("c")
    lane = lax.iota(jnp.int32, LANES)
    lane_c = lane * C_PAD
    ones = jnp.full((LANES,), 1, jnp.int32)
    zi = jnp.zeros((LANES,), jnp.int32)

    def issue(s, buf):
        return pltpu.async_copy(
            lab_hbm.at[pl.ds(w * LANES, LANES), pl.ds(s * TILE, TILE)],
            lab_t.at[buf, :, pl.ds(0, TILE)], sem)

    cps = [None, None]
    cps[0] = issue(0, 0)

    def zinit(j, _):
        hist_v[pl.ds(j * LANES, LANES)] = zi
        return ()

    lax.fori_loop(0, LANES * C_PAD // LANES, zinit, ())

    for s in range(NSTAGE):
        cur = s % 2
        cps[cur].wait()
        if s + 1 < NSTAGE:
            cps[1 - cur] = issue(s + 1, 1 - cur)
        bufv = jnp.full((LANES,), cur, jnp.int32)

        def body(t, _):
            for u in range(4):
                ttv = jnp.full((LANES,), t * 4 + u, jnp.int32)
                v = plsc.load_gather(lab_t, [bufv, lane, ttv])
                plsc.addupdate_scatter(hist_v, [lane_c + v], ones)
            return ()

        lax.fori_loop(0, TILE // 4, body, ())

    plsc.subcore_barrier()
    pl.delay(300)
    pltpu.sync_copy(hist_v, hist_hbm.at[pl.ds(w * LANES * C_PAD, LANES * C_PAD)])


def _prefix_kernel(hist_ref, base_ref, mass_ref, rinv_ref):
    hist_f = hist_ref[...].astype(jnp.float32)
    r = lax.broadcasted_iota(jnp.int32, (ROWS, ROWS), 0)
    c = lax.broadcasted_iota(jnp.int32, (ROWS, ROWS), 1)
    ltri = (c < r).astype(jnp.float32)
    base_f = jnp.dot(ltri, hist_f, precision=lax.Precision.HIGHEST)
    base_ref[...] = base_f.astype(jnp.int32)
    totals = base_f[ROWS - 1:ROWS, :] + hist_f[ROWS - 1:ROWS, :]
    mass_f = jnp.floor(totals / float(N_BINS))
    col = lax.broadcasted_iota(jnp.int32, (1, C_PAD), 1)
    live = (col < NUM_CLASS) & (mass_f > 0)
    mass_ref[...] = jnp.where(live, mass_f, 0.0).astype(jnp.int32)
    rinv_ref[...] = jnp.where(live, 1.0 / jnp.maximum(mass_f, 1.0), 0.0)


def _binning_body(lab_hbm, conf_hbm, hit_hbm, base_hbm, mass_hbm,
                  acc_c_hbm, acc_h_hbm,
                  lab_t, conf_t, hit_t, cnt_v, mass_v, acc_cv, acc_hv, sem):
    w = lax.axis_index("s") * 2 + lax.axis_index("c")
    lane = lax.iota(jnp.int32, LANES)
    lane_c = lane * C_PAD
    lane_a = lane * ACC_W
    zf = jnp.zeros((LANES,), jnp.float32)

    def issue(s, buf):
        rows = pl.ds(w * LANES, LANES)
        cols = pl.ds(s * TILE, TILE)
        dst = (buf, slice(None), pl.ds(0, TILE))
        return [
            pltpu.async_copy(lab_hbm.at[rows, cols], lab_t.at[dst], sem),
            pltpu.async_copy(conf_hbm.at[rows, cols], conf_t.at[dst], sem),
            pltpu.async_copy(hit_hbm.at[rows, cols], hit_t.at[dst], sem),
        ]

    cps = [None, None]
    cps[0] = issue(0, 0)

    pltpu.sync_copy(base_hbm.at[pl.ds(w * LANES * C_PAD, LANES * C_PAD)], cnt_v)
    pltpu.sync_copy(mass_hbm, mass_v)

    def zinit(j, _):
        acc_cv[pl.ds(j * LANES, LANES)] = zf
        acc_hv[pl.ds(j * LANES, LANES)] = zf
        return ()

    lax.fori_loop(0, LANES * ACC_W // LANES, zinit, ())

    for s in range(NSTAGE):
        cur = s % 2
        for cp in cps[cur]:
            cp.wait()
        if s + 1 < NSTAGE:
            cps[1 - cur] = issue(s + 1, 1 - cur)
        bufv = jnp.full((LANES,), cur, jnp.int32)

        def body(t, _):
            for u in range(4):
                ttv = jnp.full((LANES,), t * 4 + u, jnp.int32)
                v_lab = plsc.load_gather(lab_t, [bufv, lane, ttv])
                v_conf = plsc.load_gather(conf_t, [bufv, lane, ttv])
                v_hit = plsc.load_gather(hit_t, [bufv, lane, ttv])
                cidx = lane_c + v_lab
                rank = plsc.load_gather(cnt_v, [cidx])
                plsc.store_scatter(cnt_v, [cidx], rank + 1)
                rinv = plsc.load_gather(mass_v, [v_lab])
                bf = (rank.astype(jnp.float32) + 0.5) * rinv
                b = bf.astype(jnp.int32)
                valid = (rinv > 0.0) & (b < N_BINS)
                fidx = lane_a + v_lab * N_BINS + b
                plsc.addupdate_scatter(acc_cv, [fidx], v_conf, mask=valid)
                plsc.addupdate_scatter(acc_hv, [fidx], v_hit, mask=valid)
            return ()

        lax.fori_loop(0, TILE // 4, body, ())

    plsc.subcore_barrier()
    pl.delay(300)
    pltpu.sync_copy(acc_cv, acc_c_hbm.at[pl.ds(w * LANES * ACC_W, LANES * ACC_W)])
    pltpu.sync_copy(acc_hv, acc_h_hbm.at[pl.ds(w * LANES * ACC_W, LANES * ACC_W)])


def _combine_kernel(acc_c_ref, acc_h_ref, mass_rep_ref, out_ref):
    cs = jnp.sum(acc_c_ref[...], axis=0, keepdims=True)
    hs = jnp.sum(acc_h_ref[...], axis=0, keepdims=True)
    mrep = mass_rep_ref[...]
    d = jnp.abs(cs / mrep - hs / mrep)
    f = lax.broadcasted_iota(jnp.int32, (ACC_W, NUM_CLASS), 0)
    c = lax.broadcasted_iota(jnp.int32, (ACC_W, NUM_CLASS), 1)
    sel = (lax.div(f, N_BINS) == c).astype(jnp.float32)
    ece = jnp.dot(d, sel, precision=lax.Precision.HIGHEST) / float(N_BINS)
    num = jnp.sum(ece * ece)
    den = jnp.sum(ece)
    out_ref[...] = (num / den).reshape(1, 1)


def kernel(confidences, hits, labels):
    n = labels.shape[0]
    pad = N_PADDED - n
    lab_p = jnp.concatenate(
        [labels.astype(jnp.int32),
         jnp.full((pad,), PAD_CLASS, jnp.int32)])
    conf_p = jnp.concatenate([confidences, jnp.zeros((pad,), jnp.float32)])
    hit_p = jnp.concatenate([hits, jnp.zeros((pad,), jnp.float32)])
    lab3 = lab_p.reshape(ROWS, SUB)
    conf3 = conf_p.reshape(ROWS, SUB)
    hit3 = hit_p.reshape(ROWS, SUB)

    mesh = plsc.VectorSubcoreMesh(core_axis_name="c", subcore_axis_name="s")
    sc_params = pltpu.CompilerParams(
        needs_layout_passes=False, use_tc_tiling_on_sc=False)

    hist1 = pl.kernel(
        _histogram_body,
        mesh=mesh,
        compiler_params=sc_params,
        out_type=jax.ShapeDtypeStruct((HIST_N,), jnp.int32),
        scratch_types=[
            pltpu.VMEM((2, LANES, TILE + 1), jnp.int32),
            pltpu.VMEM((LANES * C_PAD,), jnp.int32),
            pltpu.SemaphoreType.DMA,
        ],
    )(lab3)

    base2, mass2, rinv2 = pl.pallas_call(
        _prefix_kernel,
        out_shape=(
            jax.ShapeDtypeStruct((ROWS, C_PAD), jnp.int32),
            jax.ShapeDtypeStruct((1, C_PAD), jnp.int32),
            jax.ShapeDtypeStruct((1, C_PAD), jnp.float32),
        ),
    )(hist1.reshape(ROWS, C_PAD))

    acc_c1, acc_h1 = pl.kernel(
        _binning_body,
        mesh=mesh,
        compiler_params=sc_params,
        out_type=(
            jax.ShapeDtypeStruct((ACC_N,), jnp.float32),
            jax.ShapeDtypeStruct((ACC_N,), jnp.float32),
        ),
        scratch_types=[
            pltpu.VMEM((2, LANES, TILE + 1), jnp.int32),
            pltpu.VMEM((2, LANES, TILE + 1), jnp.float32),
            pltpu.VMEM((2, LANES, TILE + 1), jnp.float32),
            pltpu.VMEM((LANES * C_PAD,), jnp.int32),
            pltpu.VMEM((C_PAD,), jnp.float32),
            pltpu.VMEM((LANES * ACC_W,), jnp.float32),
            pltpu.VMEM((LANES * ACC_W,), jnp.float32),
            pltpu.SemaphoreType.DMA,
        ],
    )(lab3, conf3, hit3, base2.reshape(HIST_N), rinv2.reshape(C_PAD))

    mass_f = mass2.reshape(C_PAD)[:NUM_CLASS].astype(jnp.float32)
    mass_rep = jnp.concatenate(
        [jnp.repeat(mass_f, N_BINS),
         jnp.ones((ACC_W - NUM_CLASS * N_BINS,), jnp.float32)]
    ).reshape(1, ACC_W)

    out = pl.pallas_call(
        _combine_kernel,
        out_shape=jax.ShapeDtypeStruct((1, 1), jnp.float32),
    )(acc_c1.reshape(ROWS, ACC_W), acc_h1.reshape(ROWS, ACC_W), mass_rep)
    return out[0, 0]

# --- scband reference (transcript-rebuilt; emitter-appended) ---
"""Pipeline reference for scband-cece-62448824484157 (READ-ONLY COPY).

The authoritative reference and input builder live on the scoring server;
editing this copy changes nothing except your own understanding.
"""

import jax, jax.numpy as jnp
import numpy as np

NUM_CLASS = 100
N_BINS = 15
N = 2000000

def setup_inputs(seed: int = 0) -> dict:
    key = jax.random.key(seed)
    k1, k2, k3 = jax.random.split(key, 3)
    confidences = jax.random.uniform(k1, (N,), dtype=jnp.float32)
    hits = jax.random.uniform(k2, (N,), dtype=jnp.float32)
    labels = jax.random.randint(k3, (N,), 0, NUM_CLASS, dtype=jnp.int32)
    return {"confidences": confidences, "hits": hits, "labels": labels}

def reference(confidences, hits, labels):
    order = jnp.argsort(labels, stable=True)
    sorted_labels = labels[order]
    sorted_conf = confidences[order]
    sorted_hits = hits[order]
    counts = jnp.bincount(labels, length=NUM_CLASS)
    starts = jnp.cumsum(counts) - counts
    mass = counts // N_BINS
    pos = jnp.arange(N, dtype=counts.dtype)
    rank = pos - starts[sorted_labels]
    mass_elem = mass[sorted_labels]
    safe_mass = jnp.maximum(mass_elem, 1)
    bin_idx = rank // safe_mass
    valid = (mass_elem > 0) & (rank < mass_elem * N_BINS)
    seg = jnp.where(valid, sorted_labels * N_BINS + bin_idx, NUM_CLASS * N_BINS)
    num_segments = NUM_CLASS * N_BINS + 1
    conf_sums = jax.ops.segment_sum(sorted_conf, seg, num_segments=num_segments)
    hit_sums = jax.ops.segment_sum(sorted_hits, seg, num_segments=num_segments)
    mass_f = mass.astype(jnp.float32)
    Ps_all = conf_sums[: NUM_CLASS * N_BINS].reshape(NUM_CLASS, N_BINS) / mass_f[:, None]
    Acc_all = hit_sums[: NUM_CLASS * N_BINS].reshape(NUM_CLASS, N_BINS) / mass_f[:, None]
    cece_numerator = 0.0
    cece_denominator = 0.0
    for c in range(NUM_CLASS):
        ece = 0.0
        for b in range(N_BINS):
            Ps = Ps_all[c, b]
            acc_in_bin = Acc_all[c, b]
            ece = ece + jnp.abs(Ps - acc_in_bin) / N_BINS
        cece_numerator = cece_numerator + ece ** 2
        cece_denominator = cece_denominator + ece
    cece = cece_numerator / cece_denominator
    return cece

if __name__ == "__main__":
    import jax
    _d = setup_inputs()
    print(jax.jit(kernel)(*tuple(_d.values())))

</pallas_src>

<mosaic_0001>
#map = affine_map<(d0, d1) -> (0, 0)>
#map1 = affine_map<(d0, d1) -> (0)>
module attributes {stable_mosaic.version = 14 : i64} {
  func.func @_histogram_body(%arg0: i32, %arg1: i32, %arg2: memref<512x4096xi32, #tpu.memory_space<hbm>>, %arg3: memref<65536xi32, #tpu.memory_space<hbm>>, %arg4: memref<2x16x513xi32, #tpu.memory_space<vmem>>, %arg5: memref<2048xi32, #tpu.memory_space<vmem>>, %arg6: memref<!tpu.dma_semaphore, #tpu.memory_space<semaphore_mem>>) attributes {dimension_semantics = [#tpu.dimension_semantics<core_parallel>, #tpu.dimension_semantics<subcore_parallel>], iteration_bounds = array<i64: 2, 16>, scalar_prefetch = 0 : i64, scratch_operands = 3 : i64, tpu.core_type = #tpu.core_type<sc_vector_subcore>, window_params = [{transform_indices = #map}, {transform_indices = #map1}]} {
    %mul3A = arith.constant 2 : i32
    %mul3A_0 = arith.muli %arg1, %mul3A : i32
    %add3A = arith.addi %mul3A_0, %arg0 : i32
    %iota3A = tpu.iota {dimensions = array<i32: 0>} : vector<16xi32>
    %mul3A_1 = arith.constant 128 : i32
    %mul3A_2 = vector.broadcast %mul3A_1 : i32 to vector<16xi32>
    %mul3A_3 = arith.muli %iota3A, %mul3A_2 : vector<16xi32>
    %broadcast_in_dim3A = arith.constant 1 : i32
    %broadcast_in_dim3A_4 = vector.broadcast %broadcast_in_dim3A : i32 to vector<16xi32>
    %broadcast_in_dim3A_5 = arith.constant 0 : i32
    %broadcast_in_dim3A_6 = vector.broadcast %broadcast_in_dim3A_5 : i32 to vector<16xi32>
    %mul3A_7 = arith.constant 16 : i32
    %mul3A_8 = arith.muli %add3A, %mul3A_7 : i32
    %dma_start3A = arith.constant 0 : i32
    %dma_start3A_9 = arith.constant 0 : i32
    %dma_start3A_10 = arith.constant 0 : i32
    %dma_start3A_11 = tpu.memref_slice %arg4[%dma_start3A, %dma_start3A_9, %dma_start3A_10] : memref<2x16x513xi32, #tpu.memory_space<vmem>> -> memref<1x16x512xi32, #tpu.memory_space<vmem>>
    %dma_start3A_12 = tpu.memref_squeeze %dma_start3A_11 : memref<1x16x512xi32, #tpu.memory_space<vmem>> -> memref<16x512xi32, #tpu.memory_space<vmem>>
    %dma_start3A_13 = arith.constant 0 : i32
    %dma_start3A_14 = tpu.memref_slice %arg2[%mul3A_8, %dma_start3A_13] : memref<512x4096xi32, #tpu.memory_space<hbm>> -> memref<16x512xi32, #tpu.memory_space<hbm>>
    %dma_start3A_15 = arith.constant 0 : i32
    %dma_start3A_16 = arith.constant 0 : i32
    %dma_start3A_17 = tpu.memref_slice %arg4[%dma_start3A, %dma_start3A_15, %dma_start3A_16] : memref<2x16x513xi32, #tpu.memory_space<vmem>> -> memref<1x16x512xi32, #tpu.memory_space<vmem>>
    %dma_start3A_18 = tpu.memref_squeeze %dma_start3A_17 : memref<1x16x512xi32, #tpu.memory_space<vmem>> -> memref<16x512xi32, #tpu.memory_space<vmem>>
    %dma_start3A_19 = arith.constant 0 : i32
    %dma_start3A_20 = tpu.memref_slice %arg2[%mul3A_8, %dma_start3A_19] : memref<512x4096xi32, #tpu.memory_space<hbm>> -> memref<16x512xi32, #tpu.memory_space<hbm>>
    tpu.enqueue_dma source(%dma_start3A_20 : memref<16x512xi32, #tpu.memory_space<hbm>>) target(%dma_start3A_18 : memref<16x512xi32, #tpu.memory_space<vmem>>) target_semaphore(%arg6 : memref<!tpu.dma_semaphore, #tpu.memory_space<semaphore_mem>>)
    %scan3A = arith.constant 0 : i32
    %scan3A_21 = arith.constant 128 : i32
    %scan3A_22 = arith.addi %scan3A, %scan3A_21 : i32
    %scan3A_23 = arith.constant 1 : i32
    scf.for %scan3A_293 = %scan3A to %scan3A_22 step %scan3A_23  : i32 {
      %mul3A_294 = arith.constant 16 : i32
      %mul3A_295 = arith.muli %scan3A_293, %mul3A_294 : i32
      %swap3A = arith.index_cast %mul3A_295 : i32 to index
      %swap3A_296 = tpu.vector_load %arg5[%swap3A] {strides = array<i32>} : memref<2048xi32, #tpu.memory_space<vmem>>, vector<16xi32>,
      tpu.vector_store %arg5[%swap3A], %broadcast_in_dim3A_6 {strides = array<i32>} : memref<2048xi32, #tpu.memory_space<vmem>>, vector<16xi32>,
    }
    %scan3A_24 = arith.constant 128 : i32
    %dma_wait3A = arith.constant 0 : i32
    %dma_wait3A_25 = arith.constant 0 : i32
    %dma_wait3A_26 = arith.constant 0 : i32
    %dma_wait3A_27 = tpu.memref_slice %arg4[%dma_wait3A, %dma_wait3A_25, %dma_wait3A_26] : memref<2x16x513xi32, #tpu.memory_space<vmem>> -> memref<1x16x512xi32, #tpu.memory_space<vmem>>
    %dma_wait3A_28 = tpu.memref_squeeze %dma_wait3A_27 : memref<1x16x512xi32, #tpu.memory_space<vmem>> -> memref<16x512xi32, #tpu.memory_space<vmem>>
    %dma_wait3A_29 = arith.constant 0 : i32
    %dma_wait3A_30 = tpu.memref_slice %arg2[%mul3A_8, %dma_wait3A_29] : memref<512x4096xi32, #tpu.memory_space<hbm>> -> memref<16x512xi32, #tpu.memory_space<hbm>>
    %dma_wait3A_31 = arith.constant 0 : i32
    %dma_wait3A_32 = arith.constant 0 : i32
    %dma_wait3A_33 = tpu.memref_slice %arg4[%dma_wait3A, %dma_wait3A_31, %dma_wait3A_32] : memref<2x16x513xi32, #tpu.memory_space<vmem>> -> memref<1x16x512xi32, #tpu.memory_space<vmem>>
    %dma_wait3A_34 = tpu.memref_squeeze %dma_wait3A_33 : memref<1x16x512xi32, #tpu.memory_space<vmem>> -> memref<16x512xi32, #tpu.memory_space<vmem>>
    %dma_wait3A_35 = arith.constant 0 : i32
    %dma_wait3A_36 = tpu.memref_slice %arg2[%mul3A_8, %dma_wait3A_35] : memref<512x4096xi32, #tpu.memory_space<hbm>> -> memref<16x512xi32, #tpu.memory_space<hbm>>
    tpu.wait_dma2 semaphore(%arg6 : memref<!tpu.dma_semaphore, #tpu.memory_space<semaphore_mem>>) src(%dma_wait3A_36 : memref<16x512xi32, #tpu.memory_space<hbm>>) dst(%dma_wait3A_34 : memref<16x512xi32, #tpu.memory_space<vmem>>)
    %mul3A_37 = arith.constant 16 : i32
    %mul3A_38 = arith.muli %add3A, %mul3A_37 : i32
    %dma_start3A_39 = arith.constant 1 : i32
    %dma_start3A_40 = arith.constant 0 : i32
    %dma_start3A_41 = arith.constant 0 : i32
    %dma_start3A_42 = tpu.memref_slice %arg4[%dma_start3A_39, %dma_start3A_40, %dma_start3A_41] : memref<2x16x513xi32, #tpu.memory_space<vmem>> -> memref<1x16x512xi32, #tpu.memory_space<vmem>>
    %dma_start3A_43 = tpu.memref_squeeze %dma_start3A_42 : memref<1x16x512xi32, #tpu.memory_space<vmem>> -> memref<16x512xi32, #tpu.memory_space<vmem>>
    %dma_start3A_44 = arith.constant 512 : i32
    %dma_start3A_45 = tpu.memref_slice %arg2[%mul3A_38, %dma_start3A_44] : memref<512x4096xi32, #tpu.memory_space<hbm>> -> memref<16x512xi32, #tpu.memory_space<hbm>>
    %dma_start3A_46 = arith.constant 0 : i32
    %dma_start3A_47 = arith.constant 0 : i32
    %dma_start3A_48 = tpu.memref_slice %arg4[%dma_start3A_39, %dma_start3A_46, %dma_start3A_47] : memref<2x16x513xi32, #tpu.memory_space<vmem>> -> memref<1x16x512xi32, #tpu.memory_space<vmem>>
    %dma_start3A_49 = tpu.memref_squeeze %dma_start3A_48 : memref<1x16x512xi32, #tpu.memory_space<vmem>> -> memref<16x512xi32, #tpu.memory_space<vmem>>
    %dma_start3A_50 = arith.constant 512 : i32
    %dma_start3A_51 = tpu.memref_slice %arg2[%mul3A_38, %dma_start3A_50] : memref<512x4096xi32, #tpu.memory_space<hbm>> -> memref<16x512xi32, #tpu.memory_space<hbm>>
    tpu.enqueue_dma source(%dma_start3A_51 : memref<16x512xi32, #tpu.memory_space<hbm>>) target(%dma_start3A_49 : memref<16x512xi32, #tpu.memory_space<vmem>>) target_semaphore(%arg6 : memref<!tpu.dma_semaphore, #tpu.memory_space<semaphore_mem>>)
    %broadcast_in_dim3A_52 = arith.constant 0 : i32
    %broadcast_in_dim3A_53 = vector.broadcast %broadcast_in_dim3A_52 : i32 to vector<16xi32>
    %scan3A_54 = arith.constant 0 : i32
    %scan3A_55 = arith.constant 128 : i32
    %scan3A_56 = arith.addi %scan3A_54, %scan3A_55 : i32
    %scan3A_57 = arith.constant 1 : i32
    scf.for %scan3A_293 = %scan3A_54 to %scan3A_56 step %scan3A_57  : i32 {
      %mul3A_294 = arith.constant 4 : i32
      %mul3A_295 = arith.muli %scan3A_293, %mul3A_294 : i32
      %add3A_296 = arith.constant 0 : i32
      %add3A_297 = arith.addi %mul3A_295, %add3A_296 : i32
      %broadcast_in_dim3A_298 = vector.broadcast %add3A_297 : i32 to vector<16xi32>
      %gather3A = tpu.vector_load_idx %arg4[%broadcast_in_dim3A_53, %iota3A, %broadcast_in_dim3A_298] : memref<2x16x513xi32, #tpu.memory_space<vmem>>[vector<16xi32>, vector<16xi32>, vector<16xi32>], vector<16xi32>,
      %add3A_299 = arith.addi %mul3A_3, %gather3A : vector<16xi32>
      tpu.vector_store_idx %arg5[%add3A_299], %broadcast_in_dim3A_4 {add = true} : memref<2048xi32, #tpu.memory_space<vmem>>[vector<16xi32>], vector<16xi32>,
      %mul3A_300 = arith.constant 4 : i32
      %mul3A_301 = arith.muli %scan3A_293, %mul3A_300 : i32
      %add3A_302 = arith.constant 1 : i32
      %add3A_303 = arith.addi %mul3A_301, %add3A_302 : i32
      %broadcast_in_dim3A_304 = vector.broadcast %add3A_303 : i32 to vector<16xi32>
      %gather3A_305 = tpu.vector_load_idx %arg4[%broadcast_in_dim3A_53, %iota3A, %broadcast_in_dim3A_304] : memref<2x16x513xi32, #tpu.memory_space<vmem>>[vector<16xi32>, vector<16xi32>, vector<16xi32>], vector<16xi32>,
      %add3A_306 = arith.addi %mul3A_3, %gather3A_305 : vector<16xi32>
      tpu.vector_store_idx %arg5[%add3A_306], %broadcast_in_dim3A_4 {add = true} : memref<2048xi32, #tpu.memory_space<vmem>>[vector<16xi32>], vector<16xi32>,
      %mul3A_307 = arith.constant 4 : i32
      %mul3A_308 = arith.muli %scan3A_293, %mul3A_307 : i32
      %add3A_309 = arith.constant 2 : i32
      %add3A_310 = arith.addi %mul3A_308, %add3A_309 : i32
      %broadcast_in_dim3A_311 = vector.broadcast %add3A_310 : i32 to vector<16xi32>
      %gather3A_312 = tpu.vector_load_idx %arg4[%broadcast_in_dim3A_53, %iota3A, %broadcast_in_dim3A_311] : memref<2x16x513xi32, #tpu.memory_space<vmem>>[vector<16xi32>, vector<16xi32>, vector<16xi32>], vector<16xi32>,
      %add3A_313 = arith.addi %mul3A_3, %gather3A_312 : vector<16xi32>
      tpu.vector_store_idx %arg5[%add3A_313], %broadcast_in_dim3A_4 {add = true} : memref<2048xi32, #tpu.memory_space<vmem>>[vector<16xi32>], vector<16xi32>,
      %mul3A_314 = arith.constant 4 : i32
      %mul3A_315 = arith.muli %scan3A_293, %mul3A_314 : i32
      %add3A_316 = arith.constant 3 : i32
      %add3A_317 = arith.addi %mul3A_315, %add3A_316 : i32
      %broadcast_in_dim3A_318 = vector.broadcast %add3A_317 : i32 to vector<16xi32>
      %gather3A_319 = tpu.vector_load_idx %arg4[%broadcast_in_dim3A_53, %iota3A, %broadcast_in_dim3A_318] : memref<2x16x513xi32, #tpu.memory_space<vmem>>[vector<16xi32>, vector<16xi32>, vector<16xi32>], vector<16xi32>,
      %add3A_320 = arith.addi %mul3A_3, %gather3A_319 : vector<16xi32>
      tpu.vector_store_idx %arg5[%add3A_320], %broadcast_in_dim3A_4 {add = true} : memref<2048xi32, #tpu.memory_space<vmem>>[vector<16xi32>], vector<16xi32>,
    }
    %scan3A_58 = arith.constant 128 : i32
    %dma_wait3A_59 = arith.constant 1 : i32
    %dma_wait3A_60 = arith.constant 0 : i32
    %dma_wait3A_61 = arith.constant 0 : i32
    %dma_wait3A_62 = tpu.memref_slice %arg4[%dma_wait3A_59, %dma_wait3A_60, %dma_wait3A_61] : memref<2x16x513xi32, #tpu.memory_space<vmem>> -> memref<1x16x512xi32, #tpu.memory_space<vmem>>
    %dma_wait3A_63 = tpu.memref_squeeze %dma_wait3A_62 : memref<1x16x512xi32, #tpu.memory_space<vmem>> -> memref<16x512xi32, #tpu.memory_space<vmem>>
    %dma_wait3A_64 = arith.constant 512 : i32
    %dma_wait3A_65 = tpu.memref_slice %arg2[%mul3A_38, %dma_wait3A_64] : memref<512x4096xi32, #tpu.memory_space<hbm>> -> memref<16x512xi32, #tpu.memory_space<hbm>>
    %dma_wait3A_66 = arith.constant 0 : i32
    %dma_wait3A_67 = arith.constant 0 : i32
    %dma_wait3A_68 = tpu.memref_slice %arg4[%dma_wait3A_59, %dma_wait3A_66, %dma_wait3A_67] : memref<2x16x513xi32, #tpu.memory_space<vmem>> -> memref<1x16x512xi32, #tpu.memory_space<vmem>>
    %dma_wait3A_69 = tpu.memref_squeeze %dma_wait3A_68 : memref<1x16x512xi32, #tpu.memory_space<vmem>> -> memref<16x512xi32, #tpu.memory_space<vmem>>
    %dma_wait3A_70 = arith.constant 512 : i32
    %dma_wait3A_71 = tpu.memref_slice %arg2[%mul3A_38, %dma_wait3A_70] : memref<512x4096xi32, #tpu.memory_space<hbm>> -> memref<16x512xi32, #tpu.memory_space<hbm>>
    tpu.wait_dma2 semaphore(%arg6 : memref<!tpu.dma_semaphore, #tpu.memory_space<semaphore_mem>>) src(%dma_wait3A_71 : memref<16x512xi32, #tpu.memory_space<hbm>>) dst(%dma_wait3A_69 : memref<16x512xi32, #tpu.memory_space<vmem>>)
    %mul3A_72 = arith.constant 16 : i32
    %mul3A_73 = arith.muli %add3A, %mul3A_72 : i32
    %dma_start3A_74 = arith.constant 0 : i32
    %dma_start3A_75 = arith.constant 0 : i32
    %dma_start3A_76 = arith.constant 0 : i32
    %dma_start3A_77 = tpu.memref_slice %arg4[%dma_start3A_74, %dma_start3A_75, %dma_start3A_76] : memref<2x16x513xi32, #tpu.memory_space<vmem>> -> memref<1x16x512xi32, #tpu.memory_space<vmem>>
    %dma_start3A_78 = tpu.memref_squeeze %dma_start3A_77 : memref<1x16x512xi32, #tpu.memory_space<vmem>> -> memref<16x512xi32, #tpu.memory_space<vmem>>
    %dma_start3A_79 = arith.constant 1024 : i32
    %dma_start3A_80 = tpu.memref_slice %arg2[%mul3A_73, %dma_start3A_79] : memref<512x4096xi32, #tpu.memory_space<hbm>> -> memref<16x512xi32, #tpu.memory_space<hbm>>
    %dma_start3A_81 = arith.constant 0 : i32
    %dma_start3A_82 = arith.constant 0 : i32
    %dma_start3A_83 = tpu.memref_slice %arg4[%dma_start3A_74, %dma_start3A_81, %dma_start3A_82] : memref<2x16x513xi32, #tpu.memory_space<vmem>> -> memref<1x16x512xi32, #tpu.memory_space<vmem>>
    %dma_start3A_84 = tpu.memref_squeeze %dma_start3A_83 : memref<1x16x512xi32, #tpu.memory_space<vmem>> -> memref<16x512xi32, #tpu.memory_space<vmem>>
    %dma_start3A_85 = arith.constant 1024 : i32
    %dma_start3A_86 = tpu.memref_slice %arg2[%mul3A_73, %dma_start3A_85] : memref<512x4096xi32, #tpu.memory_space<hbm>> -> memref<16x512xi32, #tpu.memory_space<hbm>>
    tpu.enqueue_dma source(%dma_start3A_86 : memref<16x512xi32, #tpu.memory_space<hbm>>) target(%dma_start3A_84 : memref<16x512xi32, #tpu.memory_space<vmem>>) target_semaphore(%arg6 : memref<!tpu.dma_semaphore, #tpu.memory_space<semaphore_mem>>)
    %broadcast_in_dim3A_87 = arith.constant 1 : i32
    %broadcast_in_dim3A_88 = vector.broadcast %broadcast_in_dim3A_87 : i32 to vector<16xi32>
    %scan3A_89 = arith.constant 0 : i32
    %scan3A_90 = arith.constant 128 : i32
    %scan3A_91 = arith.addi %scan3A_89, %scan3A_90 : i32
    %scan3A_92 = arith.constant 1 : i32
    scf.for %scan3A_293 = %scan3A_89 to %scan3A_91 step %scan3A_92  : i32 {
      %mul3A_294 = arith.constant 4 : i32
      %mul3A_295 = arith.muli %scan3A_293, %mul3A_294 : i32
      %add3A_296 = arith.constant 0 : i32
      %add3A_297 = arith.addi %mul3A_295, %add3A_296 : i32
      %broadcast_in_dim3A_298 = vector.broadcast %add3A_297 : i32 to vector<16xi32>
      %gather3A = tpu.vector_load_idx %arg4[%broadcast_in_dim3A_88, %iota3A, %broadcast_in_dim3A_298] : memref<2x16x513xi32, #tpu.memory_space<vmem>>[vector<16xi32>, vector<16xi32>, vector<16xi32>], vector<16xi32>,
      %add3A_299 = arith.addi %mul3A_3, %gather3A : vector<16xi32>
      tpu.vector_store_idx %arg5[%add3A_299], %broadcast_in_dim3A_4 {add = true} : memref<2048xi32, #tpu.memory_space<vmem>>[vector<16xi32>], vector<16xi32>,
      %mul3A_300 = arith.constant 4 : i32
      %mul3A_301 = arith.muli %scan3A_293, %mul3A_300 : i32
      %add3A_302 = arith.constant 1 : i32
      %add3A_303 = arith.addi %mul3A_301, %add3A_302 : i32
      %broadcast_in_dim3A_304 = vector.broadcast %add3A_303 : i32 to vector<16xi32>
      %gather3A_305 = tpu.vector_load_idx %arg4[%broadcast_in_dim3A_88, %iota3A, %broadcast_in_dim3A_304] : memref<2x16x513xi32, #tpu.memory_space<vmem>>[vector<16xi32>, vector<16xi32>, vector<16xi32>], vector<16xi32>,
      %add3A_306 = arith.addi %mul3A_3, %gather3A_305 : vector<16xi32>
      tpu.vector_store_idx %arg5[%add3A_306], %broadcast_in_dim3A_4 {add = true} : memref<2048xi32, #tpu.memory_space<vmem>>[vector<16xi32>], vector<16xi32>,
      %mul3A_307 = arith.constant 4 : i32
      %mul3A_308 = arith.muli %scan3A_293, %mul3A_307 : i32
      %add3A_309 = arith.constant 2 : i32
      %add3A_310 = arith.addi %mul3A_308, %add3A_309 : i32
      %broadcast_in_dim3A_311 = vector.broadcast %add3A_310 : i32 to vector<16xi32>
      %gather3A_312 = tpu.vector_load_idx %arg4[%broadcast_in_dim3A_88, %iota3A, %broadcast_in_dim3A_311] : memref<2x16x513xi32, #tpu.memory_space<vmem>>[vector<16xi32>, vector<16xi32>, vector<16xi32>], vector<16xi32>,
      %add3A_313 = arith.addi %mul3A_3, %gather3A_312 : vector<16xi32>
      tpu.vector_store_idx %arg5[%add3A_313], %broadcast_in_dim3A_4 {add = true} : memref<2048xi32, #tpu.memory_space<vmem>>[vector<16xi32>], vector<16xi32>,
      %mul3A_314 = arith.constant 4 : i32
      %mul3A_315 = arith.muli %scan3A_293, %mul3A_314 : i32
      %add3A_316 = arith.constant 3 : i32
      %add3A_317 = arith.addi %mul3A_315, %add3A_316 : i32
      %broadcast_in_dim3A_318 = vector.broadcast %add3A_317 : i32 to vector<16xi32>
      %gather3A_319 = tpu.vector_load_idx %arg4[%broadcast_in_dim3A_88, %iota3A, %broadcast_in_dim3A_318] : memref<2x16x513xi32, #tpu.memory_space<vmem>>[vector<16xi32>, vector<16xi32>, vector<16xi32>], vector<16xi32>,
      %add3A_320 = arith.addi %mul3A_3, %gather3A_319 : vector<16xi32>
      tpu.vector_store_idx %arg5[%add3A_320], %broadcast_in_dim3A_4 {add = true} : memref<2048xi32, #tpu.memory_space<vmem>>[vector<16xi32>], vector<16xi32>,
    }
    %scan3A_93 = arith.constant 128 : i32
    %dma_wait3A_94 = arith.constant 0 : i32
    %dma_wait3A_95 = arith.constant 0 : i32
    %dma_wait3A_96 = arith.constant 0 : i32
    %dma_wait3A_97 = tpu.memref_slice %arg4[%dma_wait3A_94, %dma_wait3A_95, %dma_wait3A_96] : memref<2x16x513xi32, #tpu.memory_space<vmem>> -> memref<1x16x512xi32, #tpu.memory_space<vmem>>
    %dma_wait3A_98 = tpu.memref_squeeze %dma_wait3A_97 : memref<1x16x512xi32, #tpu.memory_space<vmem>> -> memref<16x512xi32, #tpu.memory_space<vmem>>
    %dma_wait3A_99 = arith.constant 1024 : i32
    %dma_wait3A_100 = tpu.memref_slice %arg2[%mul3A_73, %dma_wait3A_99] : memref<512x4096xi32, #tpu.memory_space<hbm>> -> memref<16x512xi32, #tpu.memory_space<hbm>>
    %dma_wait3A_101 = arith.constant 0 : i32
    %dma_wait3A_102 = arith.constant 0 : i32
    %dma_wait3A_103 = tpu.memref_slice %arg4[%dma_wait3A_94, %dma_wait3A_101, %dma_wait3A_102] : memref<2x16x513xi32, #tpu.memory_space<vmem>> -> memref<1x16x512xi32, #tpu.memory_space<vmem>>
    %dma_wait3A_104 = tpu.memref_squeeze %dma_wait3A_103 : memref<1x16x512xi32, #tpu.memory_space<vmem>> -> memref<16x512xi32, #tpu.memory_space<vmem>>
    %dma_wait3A_105 = arith.constant 1024 : i32
    %dma_wait3A_106 = tpu.memref_slice %arg2[%mul3A_73, %dma_wait3A_105] : memref<512x4096xi32, #tpu.memory_space<hbm>> -> memref<16x512xi32, #tpu.memory_space<hbm>>
    tpu.wait_dma2 semaphore(%arg6 : memref<!tpu.dma_semaphore, #tpu.memory_space<semaphore_mem>>) src(%dma_wait3A_106 : memref<16x512xi32, #tpu.memory_space<hbm>>) dst(%dma_wait3A_104 : memref<16x512xi32, #tpu.memory_space<vmem>>)
    %mul3A_107 = arith.constant 16 : i32
    %mul3A_108 = arith.muli %add3A, %mul3A_107 : i32
    %dma_start3A_109 = arith.constant 1 : i32
    %dma_start3A_110 = arith.constant 0 : i32
    %dma_start3A_111 = arith.constant 0 : i32
    %dma_start3A_112 = tpu.memref_slice %arg4[%dma_start3A_109, %dma_start3A_110, %dma_start3A_111] : memref<2x16x513xi32, #tpu.memory_space<vmem>> -> memref<1x16x512xi32, #tpu.memory_space<vmem>>
    %dma_start3A_113 = tpu.memref_squeeze %dma_start3A_112 : memref<1x16x512xi32, #tpu.memory_space<vmem>> -> memref<16x512xi32, #tpu.memory_space<vmem>>
    %dma_start3A_114 = arith.constant 1536 : i32
    %dma_start3A_115 = tpu.memref_slice %arg2[%mul3A_108, %dma_start3A_114] : memref<512x4096xi32, #tpu.memory_space<hbm>> -> memref<16x512xi32, #tpu.memory_space<hbm>>
    %dma_start3A_116 = arith.constant 0 : i32
    %dma_start3A_117 = arith.constant 0 : i32
    %dma_start3A_118 = tpu.memref_slice %arg4[%dma_start3A_109, %dma_start3A_116, %dma_start3A_117] : memref<2x16x513xi32, #tpu.memory_space<vmem>> -> memref<1x16x512xi32, #tpu.memory_space<vmem>>
    %dma_start3A_119 = tpu.memref_squeeze %dma_start3A_118 : memref<1x16x512xi32, #tpu.memory_space<vmem>> -> memref<16x512xi32, #tpu.memory_space<vmem>>
    %dma_start3A_120 = arith.constant 1536 : i32
    %dma_start3A_121 = tpu.memref_slice %arg2[%mul3A_108, %dma_start3A_120] : memref<512x4096xi32, #tpu.memory_space<hbm>> -> memref<16x512xi32, #tpu.memory_space<hbm>>
    tpu.enqueue_dma source(%dma_start3A_121 : memref<16x512xi32, #tpu.memory_space<hbm>>) target(%dma_start3A_119 : memref<16x512xi32, #tpu.memory_space<vmem>>) target_semaphore(%arg6 : memref<!tpu.dma_semaphore, #tpu.memory_space<semaphore_mem>>)
    %broadcast_in_dim3A_122 = arith.constant 0 : i32
    %broadcast_in_dim3A_123 = vector.broadcast %broadcast_in_dim3A_122 : i32 to vector<16xi32>
    %scan3A_124 = arith.constant 0 : i32
    %scan3A_125 = arith.constant 128 : i32
    %scan3A_126 = arith.addi %scan3A_124, %scan3A_125 : i32
    %scan3A_127 = arith.constant 1 : i32
    scf.for %scan3A_293 = %scan3A_124 to %scan3A_126 step %scan3A_127  : i32 {
      %mul3A_294 = arith.constant 4 : i32
      %mul3A_295 = arith.muli %scan3A_293, %mul3A_294 : i32
      %add3A_296 = arith.constant 0 : i32
      %add3A_297 = arith.addi %mul3A_295, %add3A_296 : i32
      %broadcast_in_dim3A_298 = vector.broadcast %add3A_297 : i32 to vector<16xi32>
      %gather3A = tpu.vector_load_idx %arg4[%broadcast_in_dim3A_123, %iota3A, %broadcast_in_dim3A_298] : memref<2x16x513xi32, #tpu.memory_space<vmem>>[vector<16xi32>, vector<16xi32>, vector<16xi32>], vector<16xi32>,
      %add3A_299 = arith.addi %mul3A_3, %gather3A : vector<16xi32>
      tpu.vector_store_idx %arg5[%add3A_299], %broadcast_in_dim3A_4 {add = true} : memref<2048xi32, #tpu.memory_space<vmem>>[vector<16xi32>], vector<16xi32>,
      %mul3A_300 = arith.constant 4 : i32
      %mul3A_301 = arith.muli %scan3A_293, %mul3A_300 : i32
      %add3A_302 = arith.constant 1 : i32
      %add3A_303 = arith.addi %mul3A_301, %add3A_302 : i32
      %broadcast_in_dim3A_304 = vector.broadcast %add3A_303 : i32 to vector<16xi32>
      %gather3A_305 = tpu.vector_load_idx %arg4[%broadcast_in_dim3A_123, %iota3A, %broadcast_in_dim3A_304] : memref<2x16x513xi32, #tpu.memory_space<vmem>>[vector<16xi32>, vector<16xi32>, vector<16xi32>], vector<16xi32>,
      %add3A_306 = arith.addi %mul3A_3, %gather3A_305 : vector<16xi32>
      tpu.vector_store_idx %arg5[%add3A_306], %broadcast_in_dim3A_4 {add = true} : memref<2048xi32, #tpu.memory_space<vmem>>[vector<16xi32>], vector<16xi32>,
      %mul3A_307 = arith.constant 4 : i32
      %mul3A_308 = arith.muli %scan3A_293, %mul3A_307 : i32
      %add3A_309 = arith.constant 2 : i32
      %add3A_310 = arith.addi %mul3A_308, %add3A_309 : i32
      %broadcast_in_dim3A_311 = vector.broadcast %add3A_310 : i32 to vector<16xi32>
      %gather3A_312 = tpu.vector_load_idx %arg4[%broadcast_in_dim3A_123, %iota3A, %broadcast_in_dim3A_311] : memref<2x16x513xi32, #tpu.memory_space<vmem>>[vector<16xi32>, vector<16xi32>, vector<16xi32>], vector<16xi32>,
      %add3A_313 = arith.addi %mul3A_3, %gather3A_312 : vector<16xi32>
      tpu.vector_store_idx %arg5[%add3A_313], %broadcast_in_dim3A_4 {add = true} : memref<2048xi32, #tpu.memory_space<vmem>>[vector<16xi32>], vector<16xi32>,
      %mul3A_314 = arith.constant 4 : i32
      %mul3A_315 = arith.muli %scan3A_293, %mul3A_314 : i32
      %add3A_316 = arith.constant 3 : i32
      %add3A_317 = arith.addi %mul3A_315, %add3A_316 : i32
      %broadcast_in_dim3A_318 = vector.broadcast %add3A_317 : i32 to vector<16xi32>
      %gather3A_319 = tpu.vector_load_idx %arg4[%broadcast_in_dim3A_123, %iota3A, %broadcast_in_dim3A_318] : memref<2x16x513xi32, #tpu.memory_space<vmem>>[vector<16xi32>, vector<16xi32>, vector<16xi32>], vector<16xi32>,
      %add3A_320 = arith.addi %mul3A_3, %gather3A_319 : vector<16xi32>
      tpu.vector_store_idx %arg5[%add3A_320], %broadcast_in_dim3A_4 {add = true} : memref<2048xi32, #tpu.memory_space<vmem>>[vector<16xi32>], vector<16xi32>,
    }
    %scan3A_128 = arith.constant 128 : i32
    %dma_wait3A_129 = arith.constant 1 : i32
    %dma_wait3A_130 = arith.constant 0 : i32
    %dma_wait3A_131 = arith.constant 0 : i32
    %dma_wait3A_132 = tpu.memref_slice %arg4[%dma_wait3A_129, %dma_wait3A_130, %dma_wait3A_131] : memref<2x16x513xi32, #tpu.memory_space<vmem>> -> memref<1x16x512xi32, #tpu.memory_space<vmem>>
    %dma_wait3A_133 = tpu.memref_squeeze %dma_wait3A_132 : memref<1x16x512xi32, #tpu.memory_space<vmem>> -> memref<16x512xi32, #tpu.memory_space<vmem>>
    %dma_wait3A_134 = arith.constant 1536 : i32
    %dma_wait3A_135 = tpu.memref_slice %arg2[%mul3A_108, %dma_wait3A_134] : memref<512x4096xi32, #tpu.memory_space<hbm>> -> memref<16x512xi32, #tpu.memory_space<hbm>>
    %dma_wait3A_136 = arith.constant 0 : i32
    %dma_wait3A_137 = arith.constant 0 : i32
    %dma_wait3A_138 = tpu.memref_slice %arg4[%dma_wait3A_129, %dma_wait3A_136, %dma_wait3A_137] : memref<2x16x513xi32, #tpu.memory_space<vmem>> -> memref<1x16x512xi32, #tpu.memory_space<vmem>>
    %dma_wait3A_139 = tpu.memref_squeeze %dma_wait3A_138 : memref<1x16x512xi32, #tpu.memory_space<vmem>> -> memref<16x512xi32, #tpu.memory_space<vmem>>
    %dma_wait3A_140 = arith.constant 1536 : i32
    %dma_wait3A_141 = tpu.memref_slice %arg2[%mul3A_108, %dma_wait3A_140] : memref<512x4096xi32, #tpu.memory_space<hbm>> -> memref<16x512xi32, #tpu.memory_space<hbm>>
    tpu.wait_dma2 semaphore(%arg6 : memref<!tpu.dma_semaphore, #tpu.memory_space<semaphore_mem>>) src(%dma_wait3A_141 : memref<16x512xi32, #tpu.memory_space<hbm>>) dst(%dma_wait3A_139 : memref<16x512xi32, #tpu.memory_space<vmem>>)
    %mul3A_142 = arith.constant 16 : i32
    %mul3A_143 = arith.muli %add3A, %mul3A_142 : i32
    %dma_start3A_144 = arith.constant 0 : i32
    %dma_start3A_145 = arith.constant 0 : i32
    %dma_start3A_146 = arith.constant 0 : i32
    %dma_start3A_147 = tpu.memref_slice %arg4[%dma_start3A_144, %dma_start3A_145, %dma_start3A_146] : memref<2x16x513xi32, #tpu.memory_space<vmem>> -> memref<1x16x512xi32, #tpu.memory_space<vmem>>
    %dma_start3A_148 = tpu.memref_squeeze %dma_start3A_147 : memref<1x16x512xi32, #tpu.memory_space<vmem>> -> memref<16x512xi32, #tpu.memory_space<vmem>>
    %dma_start3A_149 = arith.constant 2048 : i32
    %dma_start3A_150 = tpu.memref_slice %arg2[%mul3A_143, %dma_start3A_149] : memref<512x4096xi32, #tpu.memory_space<hbm>> -> memref<16x512xi32, #tpu.memory_space<hbm>>
    %dma_start3A_151 = arith.constant 0 : i32
    %dma_start3A_152 = arith.constant 0 : i32
    %dma_start3A_153 = tpu.memref_slice %arg4[%dma_start3A_144, %dma_start3A_151, %dma_start3A_152] : memref<2x16x513xi32, #tpu.memory_space<vmem>> -> memref<1x16x512xi32, #tpu.memory_space<vmem>>
    %dma_start3A_154 = tpu.memref_squeeze %dma_start3A_153 : memref<1x16x512xi32, #tpu.memory_space<vmem>> -> memref<16x512xi32, #tpu.memory_space<vmem>>
    %dma_start3A_155 = arith.constant 2048 : i32
    %dma_start3A_156 = tpu.memref_slice %arg2[%mul3A_143, %dma_start3A_155] : memref<512x4096xi32, #tpu.memory_space<hbm>> -> memref<16x512xi32, #tpu.memory_space<hbm>>
    tpu.enqueue_dma source(%dma_start3A_156 : memref<16x512xi32, #tpu.memory_space<hbm>>) target(%dma_start3A_154 : memref<16x512xi32, #tpu.memory_space<vmem>>) target_semaphore(%arg6 : memref<!tpu.dma_semaphore, #tpu.memory_space<semaphore_mem>>)
    %broadcast_in_dim3A_157 = arith.constant 1 : i32
    %broadcast_in_dim3A_158 = vector.broadcast %broadcast_in_dim3A_157 : i32 to vector<16xi32>
    %scan3A_159 = arith.constant 0 : i32
    %scan3A_160 = arith.constant 128 : i32
    %scan3A_161 = arith.addi %scan3A_159, %scan3A_160 : i32
    %scan3A_162 = arith.constant 1 : i32
    scf.for %scan3A_293 = %scan3A_159 to %scan3A_161 step %scan3A_162  : i32 {
      %mul3A_294 = arith.constant 4 : i32
      %mul3A_295 = arith.muli %scan3A_293, %mul3A_294 : i32
      %add3A_296 = arith.constant 0 : i32
      %add3A_297 = arith.addi %mul3A_295, %add3A_296 : i32
      %broadcast_in_dim3A_298 = vector.broadcast %add3A_297 : i32 to vector<16xi32>
      %gather3A = tpu.vector_load_idx %arg4[%broadcast_in_dim3A_158, %iota3A, %broadcast_in_dim3A_298] : memref<2x16x513xi32, #tpu.memory_space<vmem>>[vector<16xi32>, vector<16xi32>, vector<16xi32>], vector<16xi32>,
      %add3A_299 = arith.addi %mul3A_3, %gather3A : vector<16xi32>
      tpu.vector_store_idx %arg5[%add3A_299], %broadcast_in_dim3A_4 {add = true} : memref<2048xi32, #tpu.memory_space<vmem>>[vector<16xi32>], vector<16xi32>,
      %mul3A_300 = arith.constant 4 : i32
      %mul3A_301 = arith.muli %scan3A_293, %mul3A_300 : i32
      %add3A_302 = arith.constant 1 : i32
      %add3A_303 = arith.addi %mul3A_301, %add3A_302 : i32
      %broadcast_in_dim3A_304 = vector.broadcast %add3A_303 : i32 to vector<16xi32>
      %gather3A_305 = tpu.vector_load_idx %arg4[%broadcast_in_dim3A_158, %iota3A, %broadcast_in_dim3A_304] : memref<2x16x513xi32, #tpu.memory_space<vmem>>[vector<16xi32>, vector<16xi32>, vector<16xi32>], vector<16xi32>,
      %add3A_306 = arith.addi %mul3A_3, %gather3A_305 : vector<16xi32>
      tpu.vector_store_idx %arg5[%add3A_306], %broadcast_in_dim3A_4 {add = true} : memref<2048xi32, #tpu.memory_space<vmem>>[vector<16xi32>], vector<16xi32>,
      %mul3A_307 = arith.constant 4 : i32
      %mul3A_308 = arith.muli %scan3A_293, %mul3A_307 : i32
      %add3A_309 = arith.constant 2 : i32
      %add3A_310 = arith.addi %mul3A_308, %add3A_309 : i32
      %broadcast_in_dim3A_311 = vector.broadcast %add3A_310 : i32 to vector<16xi32>
      %gather3A_312 = tpu.vector_load_idx %arg4[%broadcast_in_dim3A_158, %iota3A, %broadcast_in_dim3A_311] : memref<2x16x513xi32, #tpu.memory_space<vmem>>[vector<16xi32>, vector<16xi32>, vector<16xi32>], vector<16xi32>,
      %add3A_313 = arith.addi %mul3A_3, %gather3A_312 : vector<16xi32>
      tpu.vector_store_idx %arg5[%add3A_313], %broadcast_in_dim3A_4 {add = true} : memref<2048xi32, #tpu.memory_space<vmem>>[vector<16xi32>], vector<16xi32>,
      %mul3A_314 = arith.constant 4 : i32
      %mul3A_315 = arith.muli %scan3A_293, %mul3A_314 : i32
      %add3A_316 = arith.constant 3 : i32
      %add3A_317 = arith.addi %mul3A_315, %add3A_316 : i32
      %broadcast_in_dim3A_318 = vector.broadcast %add3A_317 : i32 to vector<16xi32>
      %gather3A_319 = tpu.vector_load_idx %arg4[%broadcast_in_dim3A_158, %iota3A, %broadcast_in_dim3A_318] : memref<2x16x513xi32, #tpu.memory_space<vmem>>[vector<16xi32>, vector<16xi32>, vector<16xi32>], vector<16xi32>,
      %add3A_320 = arith.addi %mul3A_3, %gather3A_319 : vector<16xi32>
      tpu.vector_store_idx %arg5[%add3A_320], %broadcast_in_dim3A_4 {add = true} : memref<2048xi32, #tpu.memory_space<vmem>>[vector<16xi32>], vector<16xi32>,
    }
    %scan3A_163 = arith.constant 128 : i32
    %dma_wait3A_164 = arith.constant 0 : i32
    %dma_wait3A_165 = arith.constant 0 : i32
    %dma_wait3A_166 = arith.constant 0 : i32
    %dma_wait3A_167 = tpu.memref_slice %arg4[%dma_wait3A_164, %dma_wait3A_165, %dma_wait3A_166] : memref<2x16x513xi32, #tpu.memory_space<vmem>> -> memref<1x16x512xi32, #tpu.memory_space<vmem>>
    %dma_wait3A_168 = tpu.memref_squeeze %dma_wait3A_167 : memref<1x16x512xi32, #tpu.memory_space<vmem>> -> memref<16x512xi32, #tpu.memory_space<vmem>>
    %dma_wait3A_169 = arith.constant 2048 : i32
    %dma_wait3A_170 = tpu.memref_slice %arg2[%mul3A_143, %dma_wait3A_169] : memref<512x4096xi32, #tpu.memory_space<hbm>> -> memref<16x512xi32, #tpu.memory_space<hbm>>
    %dma_wait3A_171 = arith.constant 0 : i32
    %dma_wait3A_172 = arith.constant 0 : i32
    %dma_wait3A_173 = tpu.memref_slice %arg4[%dma_wait3A_164, %dma_wait3A_171, %dma_wait3A_172] : memref<2x16x513xi32, #tpu.memory_space<vmem>> -> memref<1x16x512xi32, #tpu.memory_space<vmem>>
    %dma_wait3A_174 = tpu.memref_squeeze %dma_wait3A_173 : memref<1x16x512xi32, #tpu.memory_space<vmem>> -> memref<16x512xi32, #tpu.memory_space<vmem>>
    %dma_wait3A_175 = arith.constant 2048 : i32
    %dma_wait3A_176 = tpu.memref_slice %arg2[%mul3A_143, %dma_wait3A_175] : memref<512x4096xi32, #tpu.memory_space<hbm>> -> memref<16x512xi32, #tpu.memory_space<hbm>>
    tpu.wait_dma2 semaphore(%arg6 : memref<!tpu.dma_semaphore, #tpu.memory_space<semaphore_mem>>) src(%dma_wait3A_176 : memref<16x512xi32, #tpu.memory_space<hbm>>) dst(%dma_wait3A_174 : memref<16x512xi32, #tpu.memory_space<vmem>>)
    %mul3A_177 = arith.constant 16 : i32
    %mul3A_178 = arith.muli %add3A, %mul3A_177 : i32
    %dma_start3A_179 = arith.constant 1 : i32
    %dma_start3A_180 = arith.constant 0 : i32
    %dma_start3A_181 = arith.constant 0 : i32
    %dma_start3A_182 = tpu.memref_slice %arg4[%dma_start3A_179, %dma_start3A_180, %dma_start3A_181] : memref<2x16x513xi32, #tpu.memory_space<vmem>> -> memref<1x16x512xi32, #tpu.memory_space<vmem>>
    %dma_start3A_183 = tpu.memref_squeeze %dma_start3A_182 : memref<1x16x512xi32, #tpu.memory_space<vmem>> -> memref<16x512xi32, #tpu.memory_space<vmem>>
    %dma_start3A_184 = arith.constant 2560 : i32
    %dma_start3A_185 = tpu.memref_slice %arg2[%mul3A_178, %dma_start3A_184] : memref<512x4096xi32, #tpu.memory_space<hbm>> -> memref<16x512xi32, #tpu.memory_space<hbm>>
    %dma_start3A_186 = arith.constant 0 : i32
    %dma_start3A_187 = arith.constant 0 : i32
    %dma_start3A_188 = tpu.memref_slice %arg4[%dma_start3A_179, %dma_start3A_186, %dma_start3A_187] : memref<2x16x513xi32, #tpu.memory_space<vmem>> -> memref<1x16x512xi32, #tpu.memory_space<vmem>>
    %dma_start3A_189 = tpu.memref_squeeze %dma_start3A_188 : memref<1x16x512xi32, #tpu.memory_space<vmem>> -> memref<16x512xi32, #tpu.memory_space<vmem>>
    %dma_start3A_190 = arith.constant 2560 : i32
    %dma_start3A_191 = tpu.memref_slice %arg2[%mul3A_178, %dma_start3A_190] : memref<512x4096xi32, #tpu.memory_space<hbm>> -> memref<16x512xi32, #tpu.memory_space<hbm>>
    tpu.enqueue_dma source(%dma_start3A_191 : memref<16x512xi32, #tpu.memory_space<hbm>>) target(%dma_start3A_189 : memref<16x512xi32, #tpu.memory_space<vmem>>) target_semaphore(%arg6 : memref<!tpu.dma_semaphore, #tpu.memory_space<semaphore_mem>>)
    %broadcast_in_dim3A_192 = arith.constant 0 : i32
    %broadcast_in_dim3A_193 = vector.broadcast %broadcast_in_dim3A_192 : i32 to vector<16xi32>
    %scan3A_194 = arith.constant 0 : i32
    %scan3A_195 = arith.constant 128 : i32
    %scan3A_196 = arith.addi %scan3A_194, %scan3A_195 : i32
    %scan3A_197 = arith.constant 1 : i32
    scf.for %scan3A_293 = %scan3A_194 to %scan3A_196 step %scan3A_197  : i32 {
      %mul3A_294 = arith.constant 4 : i32
      %mul3A_295 = arith.muli %scan3A_293, %mul3A_294 : i32
      %add3A_296 = arith.constant 0 : i32
      %add3A_297 = arith.addi %mul3A_295, %add3A_296 : i32
      %broadcast_in_dim3A_298 = vector.broadcast %add3A_297 : i32 to vector<16xi32>
      %gather3A = tpu.vector_load_idx %arg4[%broadcast_in_dim3A_193, %iota3A, %broadcast_in_dim3A_298] : memref<2x16x513xi32, #tpu.memory_space<vmem>>[vector<16xi32>, vector<16xi32>, vector<16xi32>], vector<16xi32>,
      %add3A_299 = arith.addi %mul3A_3, %gather3A : vector<16xi32>
      tpu.vector_store_idx %arg5[%add3A_299], %broadcast_in_dim3A_4 {add = true} : memref<2048xi32, #tpu.memory_space<vmem>>[vector<16xi32>], vector<16xi32>,
      %mul3A_300 = arith.constant 4 : i32
      %mul3A_301 = arith.muli %scan3A_293, %mul3A_300 : i32
      %add3A_302 = arith.constant 1 : i32
      %add3A_303 = arith.addi %mul3A_301, %add3A_302 : i32
      %broadcast_in_dim3A_304 = vector.broadcast %add3A_303 : i32 to vector<16xi32>
      %gather3A_305 = tpu.vector_load_idx %arg4[%broadcast_in_dim3A_193, %iota3A, %broadcast_in_dim3A_304] : memref<2x16x513xi32, #tpu.memory_space<vmem>>[vector<16xi32>, vector<16xi32>, vector<16xi32>], vector<16xi32>,
      %add3A_306 = arith.addi %mul3A_3, %gather3A_305 : vector<16xi32>
      tpu.vector_store_idx %arg5[%add3A_306], %broadcast_in_dim3A_4 {add = true} : memref<2048xi32, #tpu.memory_space<vmem>>[vector<16xi32>], vector<16xi32>,
      %mul3A_307 = arith.constant 4 : i32
      %mul3A_308 = arith.muli %scan3A_293, %mul3A_307 : i32
      %add3A_309 = arith.constant 2 : i32
      %add3A_310 = arith.addi %mul3A_308, %add3A_309 : i32
      %broadcast_in_dim3A_311 = vector.broadcast %add3A_310 : i32 to vector<16xi32>
      %gather3A_312 = tpu.vector_load_idx %arg4[%broadcast_in_dim3A_193, %iota3A, %broadcast_in_dim3A_311] : memref<2x16x513xi32, #tpu.memory_space<vmem>>[vector<16xi32>, vector<16xi32>, vector<16xi32>], vector<16xi32>,
      %add3A_313 = arith.addi %mul3A_3, %gather3A_312 : vector<16xi32>
      tpu.vector_store_idx %arg5[%add3A_313], %broadcast_in_dim3A_4 {add = true} : memref<2048xi32, #tpu.memory_space<vmem>>[vector<16xi32>], vector<16xi32>,
      %mul3A_314 = arith.constant 4 : i32
      %mul3A_315 = arith.muli %scan3A_293, %mul3A_314 : i32
      %add3A_316 = arith.constant 3 : i32
      %add3A_317 = arith.addi %mul3A_315, %add3A_316 : i32
      %broadcast_in_dim3A_318 = vector.broadcast %add3A_317 : i32 to vector<16xi32>
      %gather3A_319 = tpu.vector_load_idx %arg4[%broadcast_in_dim3A_193, %iota3A, %broadcast_in_dim3A_318] : memref<2x16x513xi32, #tpu.memory_space<vmem>>[vector<16xi32>, vector<16xi32>, vector<16xi32>], vector<16xi32>,
      %add3A_320 = arith.addi %mul3A_3, %gather3A_319 : vector<16xi32>
      tpu.vector_store_idx %arg5[%add3A_320], %broadcast_in_dim3A_4 {add = true} : memref<2048xi32, #tpu.memory_space<vmem>>[vector<16xi32>], vector<16xi32>,
    }
    %scan3A_198 = arith.constant 128 : i32
    %dma_wait3A_199 = arith.constant 1 : i32
    %dma_wait3A_200 = arith.constant 0 : i32
    %dma_wait3A_201 = arith.constant 0 : i32
    %dma_wait3A_202 = tpu.memref_slice %arg4[%dma_wait3A_199, %dma_wait3A_200, %dma_wait3A_201] : memref<2x16x513xi32, #tpu.memory_space<vmem>> -> memref<1x16x512xi32, #tpu.memory_space<vmem>>
    %dma_wait3A_203 = tpu.memref_squeeze %dma_wait3A_202 : memref<1x16x512xi32, #tpu.memory_space<vmem>> -> memref<16x512xi32, #tpu.memory_space<vmem>>
    %dma_wait3A_204 = arith.constant 2560 : i32
    %dma_wait3A_205 = tpu.memref_slice %arg2[%mul3A_178, %dma_wait3A_204] : memref<512x4096xi32, #tpu.memory_space<hbm>> -> memref<16x512xi32, #tpu.memory_space<hbm>>
    %dma_wait3A_206 = arith.constant 0 : i32
    %dma_wait3A_207 = arith.constant 0 : i32
    %dma_wait3A_208 = tpu.memref_slice %arg4[%dma_wait3A_199, %dma_wait3A_206, %dma_wait3A_207] : memref<2x16x513xi32, #tpu.memory_space<vmem>> -> memref<1x16x512xi32, #tpu.memory_space<vmem>>
    %dma_wait3A_209 = tpu.memref_squeeze %dma_wait3A_208 : memref<1x16x512xi32, #tpu.memory_space<vmem>> -> memref<16x512xi32, #tpu.memory_space<vmem>>
    %dma_wait3A_210 = arith.constant 2560 : i32
    %dma_wait3A_211 = tpu.memref_slice %arg2[%mul3A_178, %dma_wait3A_210] : memref<512x4096xi32, #tpu.memory_space<hbm>> -> memref<16x512xi32, #tpu.memory_space<hbm>>
    tpu.wait_dma2 semaphore(%arg6 : memref<!tpu.dma_semaphore, #tpu.memory_space<semaphore_mem>>) src(%dma_wait3A_211 : memref<16x512xi32, #tpu.memory_space<hbm>>) dst(%dma_wait3A_209 : memref<16x512xi32, #tpu.memory_space<vmem>>)
    %mul3A_212 = arith.constant 16 : i32
    %mul3A_213 = arith.muli %add3A, %mul3A_212 : i32
    %dma_start3A_214 = arith.constant 0 : i32
    %dma_start3A_215 = arith.constant 0 : i32
    %dma_start3A_216 = arith.constant 0 : i32
    %dma_start3A_217 = tpu.memref_slice %arg4[%dma_start3A_214, %dma_start3A_215, %dma_start3A_216] : memref<2x16x513xi32, #tpu.memory_space<vmem>> -> memref<1x16x512xi32, #tpu.memory_space<vmem>>
    %dma_start3A_218 = tpu.memref_squeeze %dma_start3A_217 : memref<1x16x512xi32, #tpu.memory_space<vmem>> -> memref<16x512xi32, #tpu.memory_space<vmem>>
    %dma_start3A_219 = arith.constant 3072 : i32
    %dma_start3A_220 = tpu.memref_slice %arg2[%mul3A_213, %dma_start3A_219] : memref<512x4096xi32, #tpu.memory_space<hbm>> -> memref<16x512xi32, #tpu.memory_space<hbm>>
    %dma_start3A_221 = arith.constant 0 : i32
    %dma_start3A_222 = arith.constant 0 : i32
    %dma_start3A_223 = tpu.memref_slice %arg4[%dma_start3A_214, %dma_start3A_221, %dma_start3A_222] : memref<2x16x513xi32, #tpu.memory_space<vmem>> -> memref<1x16x512xi32, #tpu.memory_space<vmem>>
    %dma_start3A_224 = tpu.memref_squeeze %dma_start3A_223 : memref<1x16x512xi32, #tpu.memory_space<vmem>> -> memref<16x512xi32, #tpu.memory_space<vmem>>
    %dma_start3A_225 = arith.constant 3072 : i32
    %dma_start3A_226 = tpu.memref_slice %arg2[%mul3A_213, %dma_start3A_225] : memref<512x4096xi32, #tpu.memory_space<hbm>> -> memref<16x512xi32, #tpu.memory_space<hbm>>
    tpu.enqueue_dma source(%dma_start3A_226 : memref<16x512xi32, #tpu.memory_space<hbm>>) target(%dma_start3A_224 : memref<16x512xi32, #tpu.memory_space<vmem>>) target_semaphore(%arg6 : memref<!tpu.dma_semaphore, #tpu.memory_space<semaphore_mem>>)
    %broadcast_in_dim3A_227 = arith.constant 1 : i32
    %broadcast_in_dim3A_228 = vector.broadcast %broadcast_in_dim3A_227 : i32 to vector<16xi32>
    %scan3A_229 = arith.constant 0 : i32
    %scan3A_230 = arith.constant 128 : i32
    %scan3A_231 = arith.addi %scan3A_229, %scan3A_230 : i32
    %scan3A_232 = arith.constant 1 : i32
    scf.for %scan3A_293 = %scan3A_229 to %scan3A_231 step %scan3A_232  : i32 {
      %mul3A_294 = arith.constant 4 : i32
      %mul3A_295 = arith.muli %scan3A_293, %mul3A_294 : i32
      %add3A_296 = arith.constant 0 : i32
      %add3A_297 = arith.addi %mul3A_295, %add3A_296 : i32
      %broadcast_in_dim3A_298 = vector.broadcast %add3A_297 : i32 to vector<16xi32>
      %gather3A = tpu.vector_load_idx %arg4[%broadcast_in_dim3A_228, %iota3A, %broadcast_in_dim3A_298] : memref<2x16x513xi32, #tpu.memory_space<vmem>>[vector<16xi32>, vector<16xi32>, vector<16xi32>], vector<16xi32>,
      %add3A_299 = arith.addi %mul3A_3, %gather3A : vector<16xi32>
      tpu.vector_store_idx %arg5[%add3A_299], %broadcast_in_dim3A_4 {add = true} : memref<2048xi32, #tpu.memory_space<vmem>>[vector<16xi32>], vector<16xi32>,
      %mul3A_300 = arith.constant 4 : i32
      %mul3A_301 = arith.muli %scan3A_293, %mul3A_300 : i32
      %add3A_302 = arith.constant 1 : i32
      %add3A_303 = arith.addi %mul3A_301, %add3A_302 : i32
      %broadcast_in_dim3A_304 = vector.broadcast %add3A_303 : i32 to vector<16xi32>
      %gather3A_305 = tpu.vector_load_idx %arg4[%broadcast_in_dim3A_228, %iota3A, %broadcast_in_dim3A_304] : memref<2x16x513xi32, #tpu.memory_space<vmem>>[vector<16xi32>, vector<16xi32>, vector<16xi32>], vector<16xi32>,
      %add3A_306 = arith.addi %mul3A_3, %gather3A_305 : vector<16xi32>
      tpu.vector_store_idx %arg5[%add3A_306], %broadcast_in_dim3A_4 {add = true} : memref<2048xi32, #tpu.memory_space<vmem>>[vector<16xi32>], vector<16xi32>,
      %mul3A_307 = arith.constant 4 : i32
      %mul3A_308 = arith.muli %scan3A_293, %mul3A_307 : i32
      %add3A_309 = arith.constant 2 : i32
      %add3A_310 = arith.addi %mul3A_308, %add3A_309 : i32
      %broadcast_in_dim3A_311 = vector.broadcast %add3A_310 : i32 to vector<16xi32>
      %gather3A_312 = tpu.vector_load_idx %arg4[%broadcast_in_dim3A_228, %iota3A, %broadcast_in_dim3A_311] : memref<2x16x513xi32, #tpu.memory_space<vmem>>[vector<16xi32>, vector<16xi32>, vector<16xi32>], vector<16xi32>,
      %add3A_313 = arith.addi %mul3A_3, %gather3A_312 : vector<16xi32>
      tpu.vector_store_idx %arg5[%add3A_313], %broadcast_in_dim3A_4 {add = true} : memref<2048xi32, #tpu.memory_space<vmem>>[vector<16xi32>], vector<16xi32>,
      %mul3A_314 = arith.constant 4 : i32
      %mul3A_315 = arith.muli %scan3A_293, %mul3A_314 : i32
      %add3A_316 = arith.constant 3 : i32
      %add3A_317 = arith.addi %mul3A_315, %add3A_316 : i32
      %broadcast_in_dim3A_318 = vector.broadcast %add3A_317 : i32 to vector<16xi32>
      %gather3A_319 = tpu.vector_load_idx %arg4[%broadcast_in_dim3A_228, %iota3A, %broadcast_in_dim3A_318] : memref<2x16x513xi32, #tpu.memory_space<vmem>>[vector<16xi32>, vector<16xi32>, vector<16xi32>], vector<16xi32>,
      %add3A_320 = arith.addi %mul3A_3, %gather3A_319 : vector<16xi32>
      tpu.vector_store_idx %arg5[%add3A_320], %broadcast_in_dim3A_4 {add = true} : memref<2048xi32, #tpu.memory_space<vmem>>[vector<16xi32>], vector<16xi32>,
    }
    %scan3A_233 = arith.constant 128 : i32
    %dma_wait3A_234 = arith.constant 0 : i32
    %dma_wait3A_235 = arith.constant 0 : i32
    %dma_wait3A_236 = arith.constant 0 : i32
    %dma_wait3A_237 = tpu.memref_slice %arg4[%dma_wait3A_234, %dma_wait3A_235, %dma_wait3A_236] : memref<2x16x513xi32, #tpu.memory_space<vmem>> -> memref<1x16x512xi32, #tpu.memory_space<vmem>>
    %dma_wait3A_238 = tpu.memref_squeeze %dma_wait3A_237 : memref<1x16x512xi32, #tpu.memory_space<vmem>> -> memref<16x512xi32, #tpu.memory_space<vmem>>
    %dma_wait3A_239 = arith.constant 3072 : i32
    %dma_wait3A_240 = tpu.memref_slice %arg2[%mul3A_213, %dma_wait3A_239] : memref<512x4096xi32, #tpu.memory_space<hbm>> -> memref<16x512xi32, #tpu.memory_space<hbm>>
    %dma_wait3A_241 = arith.constant 0 : i32
    %dma_wait3A_242 = arith.constant 0 : i32
    %dma_wait3A_243 = tpu.memref_slice %arg4[%dma_wait3A_234, %dma_wait3A_241, %dma_wait3A_242] : memref<2x16x513xi32, #tpu.memory_space<vmem>> -> memref<1x16x512xi32, #tpu.memory_space<vmem>>
    %dma_wait3A_244 = tpu.memref_squeeze %dma_wait3A_243 : memref<1x16x512xi32, #tpu.memory_space<vmem>> -> memref<16x512xi32, #tpu.memory_space<vmem>>
    %dma_wait3A_245 = arith.constant 3072 : i32
    %dma_wait3A_246 = tpu.memref_slice %arg2[%mul3A_213, %dma_wait3A_245] : memref<512x4096xi32, #tpu.memory_space<hbm>> -> memref<16x512xi32, #tpu.memory_space<hbm>>
    tpu.wait_dma2 semaphore(%arg6 : memref<!tpu.dma_semaphore, #tpu.memory_space<semaphore_mem>>) src(%dma_wait3A_246 : memref<16x512xi32, #tpu.memory_space<hbm>>) dst(%dma_wait3A_244 : memref<16x512xi32, #tpu.memory_space<vmem>>)
    %mul3A_247 = arith.constant 16 : i32
    %mul3A_248 = arith.muli %add3A, %mul3A_247 : i32
    %dma_start3A_249 = arith.constant 1 : i32
    %dma_start3A_250 = arith.constant 0 : i32
    %dma_start3A_251 = arith.constant 0 : i32
    %dma_start3A_252 = tpu.memref_slice %arg4[%dma_start3A_249, %dma_start3A_250, %dma_start3A_251] : memref<2x16x513xi32, #tpu.memory_space<vmem>> -> memref<1x16x512xi32, #tpu.memory_space<vmem>>
    %dma_start3A_253 = tpu.memref_squeeze %dma_start3A_252 : memref<1x16x512xi32, #tpu.memory_space<vmem>> -> memref<16x512xi32, #tpu.memory_space<vmem>>
    %dma_start3A_254 = arith.constant 3584 : i32
    %dma_start3A_255 = tpu.memref_slice %arg2[%mul3A_248, %dma_start3A_254] : memref<512x4096xi32, #tpu.memory_space<hbm>> -> memref<16x512xi32, #tpu.memory_space<hbm>>
    %dma_start3A_256 = arith.constant 0 : i32
    %dma_start3A_257 = arith.constant 0 : i32
    %dma_start3A_258 = tpu.memref_slice %arg4[%dma_start3A_249, %dma_start3A_256, %dma_start3A_257] : memref<2x16x513xi32, #tpu.memory_space<vmem>> -> memref<1x16x512xi32, #tpu.memory_space<vmem>>
    %dma_start3A_259 = tpu.memref_squeeze %dma_start3A_258 : memref<1x16x512xi32, #tpu.memory_space<vmem>> -> memref<16x512xi32, #tpu.memory_space<vmem>>
    %dma_start3A_260 = arith.constant 3584 : i32
    %dma_start3A_261 = tpu.memref_slice %arg2[%mul3A_248, %dma_start3A_260] : memref<512x4096xi32, #tpu.memory_space<hbm>> -> memref<16x512xi32, #tpu.memory_space<hbm>>
    tpu.enqueue_dma source(%dma_start3A_261 : memref<16x512xi32, #tpu.memory_space<hbm>>) target(%dma_start3A_259 : memref<16x512xi32, #tpu.memory_space<vmem>>) target_semaphore(%arg6 : memref<!tpu.dma_semaphore, #tpu.memory_space<semaphore_mem>>)
    %broadcast_in_dim3A_262 = arith.constant 0 : i32
    %broadcast_in_dim3A_263 = vector.broadcast %broadcast_in_dim3A_262 : i32 to vector<16xi32>
    %scan3A_264 = arith.constant 0 : i32
    %scan3A_265 = arith.constant 128 : i32
    %scan3A_266 = arith.addi %scan3A_264, %scan3A_265 : i32
    %scan3A_267 = arith.constant 1 : i32
    scf.for %scan3A_293 = %scan3A_264 to %scan3A_266 step %scan3A_267  : i32 {
      %mul3A_294 = arith.constant 4 : i32
      %mul3A_295 = arith.muli %scan3A_293, %mul3A_294 : i32
      %add3A_296 = arith.constant 0 : i32
      %add3A_297 = arith.addi %mul3A_295, %add3A_296 : i32
      %broadcast_in_dim3A_298 = vector.broadcast %add3A_297 : i32 to vector<16xi32>
      %gather3A = tpu.vector_load_idx %arg4[%broadcast_in_dim3A_263, %iota3A, %broadcast_in_dim3A_298] : memref<2x16x513xi32, #tpu.memory_space<vmem>>[vector<16xi32>, vector<16xi32>, vector<16xi32>], vector<16xi32>,
      %add3A_299 = arith.addi %mul3A_3, %gather3A : vector<16xi32>
      tpu.vector_store_idx %arg5[%add3A_299], %broadcast_in_dim3A_4 {add = true} : memref<2048xi32, #tpu.memory_space<vmem>>[vector<16xi32>], vector<16xi32>,
      %mul3A_300 = arith.constant 4 : i32
      %mul3A_301 = arith.muli %scan3A_293, %mul3A_300 : i32
      %add3A_302 = arith.constant 1 : i32
      %add3A_303 = arith.addi %mul3A_301, %add3A_302 : i32
      %broadcast_in_dim3A_304 = vector.broadcast %add3A_303 : i32 to vector<16xi32>
      %gather3A_305 = tpu.vector_load_idx %arg4[%broadcast_in_dim3A_263, %iota3A, %broadcast_in_dim3A_304] : memref<2x16x513xi32, #tpu.memory_space<vmem>>[vector<16xi32>, vector<16xi32>, vector<16xi32>], vector<16xi32>,
      %add3A_306 = arith.addi %mul3A_3, %gather3A_305 : vector<16xi32>
      tpu.vector_store_idx %arg5[%add3A_306], %broadcast_in_dim3A_4 {add = true} : memref<2048xi32, #tpu.memory_space<vmem>>[vector<16xi32>], vector<16xi32>,
      %mul3A_307 = arith.constant 4 : i32
      %mul3A_308 = arith.muli %scan3A_293, %mul3A_307 : i32
      %add3A_309 = arith.constant 2 : i32
      %add3A_310 = arith.addi %mul3A_308, %add3A_309 : i32
      %broadcast_in_dim3A_311 = vector.broadcast %add3A_310 : i32 to vector<16xi32>
      %gather3A_312 = tpu.vector_load_idx %arg4[%broadcast_in_dim3A_263, %iota3A, %broadcast_in_dim3A_311] : memref<2x16x513xi32, #tpu.memory_space<vmem>>[vector<16xi32>, vector<16xi32>, vector<16xi32>], vector<16xi32>,
      %add3A_313 = arith.addi %mul3A_3, %gather3A_312 : vector<16xi32>
      tpu.vector_store_idx %arg5[%add3A_313], %broadcast_in_dim3A_4 {add = true} : memref<2048xi32, #tpu.memory_space<vmem>>[vector<16xi32>], vector<16xi32>,
      %mul3A_314 = arith.constant 4 : i32
      %mul3A_315 = arith.muli %scan3A_293, %mul3A_314 : i32
      %add3A_316 = arith.constant 3 : i32
      %add3A_317 = arith.addi %mul3A_315, %add3A_316 : i32
      %broadcast_in_dim3A_318 = vector.broadcast %add3A_317 : i32 to vector<16xi32>
      %gather3A_319 = tpu.vector_load_idx %arg4[%broadcast_in_dim3A_263, %iota3A, %broadcast_in_dim3A_318] : memref<2x16x513xi32, #tpu.memory_space<vmem>>[vector<16xi32>, vector<16xi32>, vector<16xi32>], vector<16xi32>,
      %add3A_320 = arith.addi %mul3A_3, %gather3A_319 : vector<16xi32>
      tpu.vector_store_idx %arg5[%add3A_320], %broadcast_in_dim3A_4 {add = true} : memref<2048xi32, #tpu.memory_space<vmem>>[vector<16xi32>], vector<16xi32>,
    }
    %scan3A_268 = arith.constant 128 : i32
    %dma_wait3A_269 = arith.constant 1 : i32
    %dma_wait3A_270 = arith.constant 0 : i32
    %dma_wait3A_271 = arith.constant 0 : i32
    %dma_wait3A_272 = tpu.memref_slice %arg4[%dma_wait3A_269, %dma_wait3A_270, %dma_wait3A_271] : memref<2x16x513xi32, #tpu.memory_space<vmem>> -> memref<1x16x512xi32, #tpu.memory_space<vmem>>
    %dma_wait3A_273 = tpu.memref_squeeze %dma_wait3A_272 : memref<1x16x512xi32, #tpu.memory_space<vmem>> -> memref<16x512xi32, #tpu.memory_space<vmem>>
    %dma_wait3A_274 = arith.constant 3584 : i32
    %dma_wait3A_275 = tpu.memref_slice %arg2[%mul3A_248, %dma_wait3A_274] : memref<512x4096xi32, #tpu.memory_space<hbm>> -> memref<16x512xi32, #tpu.memory_space<hbm>>
    %dma_wait3A_276 = arith.constant 0 : i32
    %dma_wait3A_277 = arith.constant 0 : i32
    %dma_wait3A_278 = tpu.memref_slice %arg4[%dma_wait3A_269, %dma_wait3A_276, %dma_wait3A_277] : memref<2x16x513xi32, #tpu.memory_space<vmem>> -> memref<1x16x512xi32, #tpu.memory_space<vmem>>
    %dma_wait3A_279 = tpu.memref_squeeze %dma_wait3A_278 : memref<1x16x512xi32, #tpu.memory_space<vmem>> -> memref<16x512xi32, #tpu.memory_space<vmem>>
    %dma_wait3A_280 = arith.constant 3584 : i32
    %dma_wait3A_281 = tpu.memref_slice %arg2[%mul3A_248, %dma_wait3A_280] : memref<512x4096xi32, #tpu.memory_space<hbm>> -> memref<16x512xi32, #tpu.memory_space<hbm>>
    tpu.wait_dma2 semaphore(%arg6 : memref<!tpu.dma_semaphore, #tpu.memory_space<semaphore_mem>>) src(%dma_wait3A_281 : memref<16x512xi32, #tpu.memory_space<hbm>>) dst(%dma_wait3A_279 : memref<16x512xi32, #tpu.memory_space<vmem>>)
    %broadcast_in_dim3A_282 = arith.constant 1 : i32
    %broadcast_in_dim3A_283 = vector.broadcast %broadcast_in_dim3A_282 : i32 to vector<16xi32>
    %scan3A_284 = arith.constant 0 : i32
    %scan3A_285 = arith.constant 128 : i32
    %scan3A_286 = arith.addi %scan3A_284, %scan3A_285 : i32
    %scan3A_287 = arith.constant 1 : i32
    scf.for %scan3A_293 = %scan3A_284 to %scan3A_286 step %scan3A_287  : i32 {
      %mul3A_294 = arith.constant 4 : i32
      %mul3A_295 = arith.muli %scan3A_293, %mul3A_294 : i32
      %add3A_296 = arith.constant 0 : i32
      %add3A_297 = arith.addi %mul3A_295, %add3A_296 : i32
      %broadcast_in_dim3A_298 = vector.broadcast %add3A_297 : i32 to vector<16xi32>
      %gather3A = tpu.vector_load_idx %arg4[%broadcast_in_dim3A_283, %iota3A, %broadcast_in_dim3A_298] : memref<2x16x513xi32, #tpu.memory_space<vmem>>[vector<16xi32>, vector<16xi32>, vector<16xi32>], vector<16xi32>,
      %add3A_299 = arith.addi %mul3A_3, %gather3A : vector<16xi32>
      tpu.vector_store_idx %arg5[%add3A_299], %broadcast_in_dim3A_4 {add = true} : memref<2048xi32, #tpu.memory_space<vmem>>[vector<16xi32>], vector<16xi32>,
      %mul3A_300 = arith.constant 4 : i32
      %mul3A_301 = arith.muli %scan3A_293, %mul3A_300 : i32
      %add3A_302 = arith.constant 1 : i32
      %add3A_303 = arith.addi %mul3A_301, %add3A_302 : i32
      %broadcast_in_dim3A_304 = vector.broadcast %add3A_303 : i32 to vector<16xi32>
      %gather3A_305 = tpu.vector_load_idx %arg4[%broadcast_in_dim3A_283, %iota3A, %broadcast_in_dim3A_304] : memref<2x16x513xi32, #tpu.memory_space<vmem>>[vector<16xi32>, vector<16xi32>, vector<16xi32>], vector<16xi32>,
      %add3A_306 = arith.addi %mul3A_3, %gather3A_305 : vector<16xi32>
      tpu.vector_store_idx %arg5[%add3A_306], %broadcast_in_dim3A_4 {add = true} : memref<2048xi32, #tpu.memory_space<vmem>>[vector<16xi32>], vector<16xi32>,
      %mul3A_307 = arith.constant 4 : i32
      %mul3A_308 = arith.muli %scan3A_293, %mul3A_307 : i32
      %add3A_309 = arith.constant 2 : i32
      %add3A_310 = arith.addi %mul3A_308, %add3A_309 : i32
      %broadcast_in_dim3A_311 = vector.broadcast %add3A_310 : i32 to vector<16xi32>
      %gather3A_312 = tpu.vector_load_idx %arg4[%broadcast_in_dim3A_283, %iota3A, %broadcast_in_dim3A_311] : memref<2x16x513xi32, #tpu.memory_space<vmem>>[vector<16xi32>, vector<16xi32>, vector<16xi32>], vector<16xi32>,
      %add3A_313 = arith.addi %mul3A_3, %gather3A_312 : vector<16xi32>
      tpu.vector_store_idx %arg5[%add3A_313], %broadcast_in_dim3A_4 {add = true} : memref<2048xi32, #tpu.memory_space<vmem>>[vector<16xi32>], vector<16xi32>,
      %mul3A_314 = arith.constant 4 : i32
      %mul3A_315 = arith.muli %scan3A_293, %mul3A_314 : i32
      %add3A_316 = arith.constant 3 : i32
      %add3A_317 = arith.addi %mul3A_315, %add3A_316 : i32
      %broadcast_in_dim3A_318 = vector.broadcast %add3A_317 : i32 to vector<16xi32>
      %gather3A_319 = tpu.vector_load_idx %arg4[%broadcast_in_dim3A_283, %iota3A, %broadcast_in_dim3A_318] : memref<2x16x513xi32, #tpu.memory_space<vmem>>[vector<16xi32>, vector<16xi32>, vector<16xi32>], vector<16xi32>,
      %add3A_320 = arith.addi %mul3A_3, %gather3A_319 : vector<16xi32>
      tpu.vector_store_idx %arg5[%add3A_320], %broadcast_in_dim3A_4 {add = true} : memref<2048xi32, #tpu.memory_space<vmem>>[vector<16xi32>], vector<16xi32>,
    }
    %scan3A_288 = arith.constant 128 : i32
    %barrier3A = arith.constant 0 : index
    tpu.barrier barrier_id(%barrier3A)
    %delay3A = arith.constant 300 : i32
    tpu.delay %delay3A
    %mul3A_289 = arith.constant 16 : i32
    %mul3A_290 = arith.muli %add3A, %mul3A_289 : i32
    %mul3A_291 = arith.constant 128 : i32
    %mul3A_292 = arith.muli %mul3A_290, %mul3A_291 : i32
    "tpu.region"() ({
      %run_scoped3A = tpu.sem_alloc : memref<!tpu.dma_semaphore, #tpu.memory_space<semaphore_mem>>
      %dma_start3A_293 = tpu.memref_slice %arg3[%mul3A_292] : memref<65536xi32, #tpu.memory_space<hbm>> -> memref<2048xi32, #tpu.memory_space<hbm>>
      %dma_start3A_294 = tpu.memref_slice %arg3[%mul3A_292] : memref<65536xi32, #tpu.memory_space<hbm>> -> memref<2048xi32, #tpu.memory_space<hbm>>
      tpu.enqueue_dma source(%arg5 : memref<2048xi32, #tpu.memory_space<vmem>>) target(%dma_start3A_294 : memref<2048xi32, #tpu.memory_space<hbm>>) target_semaphore(%run_scoped3A : memref<!tpu.dma_semaphore, #tpu.memory_space<semaphore_mem>>)
      %dma_wait3A_295 = tpu.memref_slice %arg3[%mul3A_292] : memref<65536xi32, #tpu.memory_space<hbm>> -> memref<2048xi32, #tpu.memory_space<hbm>>
      %dma_wait3A_296 = tpu.memref_slice %arg3[%mul3A_292] : memref<65536xi32, #tpu.memory_space<hbm>> -> memref<2048xi32, #tpu.memory_space<hbm>>
      tpu.wait_dma2 semaphore(%run_scoped3A : memref<!tpu.dma_semaphore, #tpu.memory_space<semaphore_mem>>) src(%arg5 : memref<2048xi32, #tpu.memory_space<vmem>>) dst(%dma_wait3A_296 : memref<2048xi32, #tpu.memory_space<hbm>>)
      tpu.yield
    }) : () -> ()
    return
  }
}

#map = affine_map<(d0, d1) -> (0, 0)>
#map1 = affine_map<(d0, d1) -> (0)>
module attributes {stable_mosaic.version = 14 : i64} {
  func.func @_binning_body(%arg0: i32, %arg1: i32, %arg2: memref<512x4096xi32, #tpu.memory_space<hbm>>, %arg3: memref<512x4096xf32, #tpu.memory_space<hbm>>, %arg4: memref<512x4096xf32, #tpu.memory_space<hbm>>, %arg5: memref<65536xi32, #tpu.memory_space<hbm>>, %arg6: memref<128xf32, #tpu.memory_space<hbm>>, %arg7: memref<770048xf32, #tpu.memory_space<hbm>>, %arg8: memref<770048xf32, #tpu.memory_space<hbm>>, %arg9: memref<2x16x513xi32, #tpu.memory_space<vmem>>, %arg10: memref<2x16x513xf32, #tpu.memory_space<vmem>>, %arg11: memref<2x16x513xf32, #tpu.memory_space<vmem>>, %arg12: memref<2048xi32, #tpu.memory_space<vmem>>, %arg13: memref<128xf32, #tpu.memory_space<vmem>>, %arg14: memref<24064xf32, #tpu.memory_space<vmem>>, %arg15: memref<24064xf32, #tpu.memory_space<vmem>>, %arg16: memref<!tpu.dma_semaphore, #tpu.memory_space<semaphore_mem>>) attributes {dimension_semantics = [#tpu.dimension_semantics<core_parallel>, #tpu.dimension_semantics<subcore_parallel>], iteration_bounds = array<i64: 2, 16>, scalar_prefetch = 0 : i64, scratch_operands = 8 : i64, tpu.core_type = #tpu.core_type<sc_vector_subcore>, window_params = [{transform_indices = #map}, {transform_indices = #map}, {transform_indices = #map}, {transform_indices = #map1}, {transform_indices = #map1}, {transform_indices = #map1}, {transform_indices = #map1}]} {
    %mul3A = arith.constant 2 : i32
    %mul3A_0 = arith.muli %arg1, %mul3A : i32
    %add3A = arith.addi %mul3A_0, %arg0 : i32
    %iota3A = tpu.iota {dimensions = array<i32: 0>} : vector<16xi32>
    %mul3A_1 = arith.constant 128 : i32
    %mul3A_2 = vector.broadcast %mul3A_1 : i32 to vector<16xi32>
    %mul3A_3 = arith.muli %iota3A, %mul3A_2 : vector<16xi32>
    %mul3A_4 = arith.constant 1504 : i32
    %mul3A_5 = vector.broadcast %mul3A_4 : i32 to vector<16xi32>
    %mul3A_6 = arith.muli %iota3A, %mul3A_5 : vector<16xi32>
    %broadcast_in_dim3A = arith.constant 0.000000e+00 : f32
    %broadcast_in_dim3A_7 = vector.broadcast %broadcast_in_dim3A : f32 to vector<16xf32>
    %mul3A_8 = arith.constant 16 : i32
    %mul3A_9 = arith.muli %add3A, %mul3A_8 : i32
    %dma_start3A = arith.constant 0 : i32
    %dma_start3A_10 = arith.constant 0 : i32
    %dma_start3A_11 = arith.constant 0 : i32
    %dma_start3A_12 = tpu.memref_slice %arg9[%dma_start3A, %dma_start3A_10, %dma_start3A_11] : memref<2x16x513xi32, #tpu.memory_space<vmem>> -> memref<1x16x512xi32, #tpu.memory_space<vmem>>
    %dma_start3A_13 = tpu.memref_squeeze %dma_start3A_12 : memref<1x16x512xi32, #tpu.memory_space<vmem>> -> memref<16x512xi32, #tpu.memory_space<vmem>>
    %dma_start3A_14 = arith.constant 0 : i32
    %dma_start3A_15 = tpu.memref_slice %arg2[%mul3A_9, %dma_start3A_14] : memref<512x4096xi32, #tpu.memory_space<hbm>> -> memref<16x512xi32, #tpu.memory_space<hbm>>
    %dma_start3A_16 = arith.constant 0 : i32
    %dma_start3A_17 = arith.constant 0 : i32
    %dma_start3A_18 = tpu.memref_slice %arg9[%dma_start3A, %dma_start3A_16, %dma_start3A_17] : memref<2x16x513xi32, #tpu.memory_space<vmem>> -> memref<1x16x512xi32, #tpu.memory_space<vmem>>
    %dma_start3A_19 = tpu.memref_squeeze %dma_start3A_18 : memref<1x16x512xi32, #tpu.memory_space<vmem>> -> memref<16x512xi32, #tpu.memory_space<vmem>>
    %dma_start3A_20 = arith.constant 0 : i32
    %dma_start3A_21 = tpu.memref_slice %arg2[%mul3A_9, %dma_start3A_20] : memref<512x4096xi32, #tpu.memory_space<hbm>> -> memref<16x512xi32, #tpu.memory_space<hbm>>
    tpu.enqueue_dma source(%dma_start3A_21 : memref<16x512xi32, #tpu.memory_space<hbm>>) target(%dma_start3A_19 : memref<16x512xi32, #tpu.memory_space<vmem>>) target_semaphore(%arg16 : memref<!tpu.dma_semaphore, #tpu.memory_space<semaphore_mem>>)
    %dma_start3A_22 = arith.constant 0 : i32
    %dma_start3A_23 = arith.constant 0 : i32
    %dma_start3A_24 = arith.constant 0 : i32
    %dma_start3A_25 = tpu.memref_slice %arg10[%dma_start3A_22, %dma_start3A_23, %dma_start3A_24] : memref<2x16x513xf32, #tpu.memory_space<vmem>> -> memref<1x16x512xf32, #tpu.memory_space<vmem>>
    %dma_start3A_26 = tpu.memref_squeeze %dma_start3A_25 : memref<1x16x512xf32, #tpu.memory_space<vmem>> -> memref<16x512xf32, #tpu.memory_space<vmem>>
    %dma_start3A_27 = arith.constant 0 : i32
    %dma_start3A_28 = tpu.memref_slice %arg3[%mul3A_9, %dma_start3A_27] : memref<512x4096xf32, #tpu.memory_space<hbm>> -> memref<16x512xf32, #tpu.memory_space<hbm>>
    %dma_start3A_29 = arith.constant 0 : i32
    %dma_start3A_30 = arith.constant 0 : i32
    %dma_start3A_31 = tpu.memref_slice %arg10[%dma_start3A_22, %dma_start3A_29, %dma_start3A_30] : memref<2x16x513xf32, #tpu.memory_space<vmem>> -> memref<1x16x512xf32, #tpu.memory_space<vmem>>
    %dma_start3A_32 = tpu.memref_squeeze %dma_start3A_31 : memref<1x16x512xf32, #tpu.memory_space<vmem>> -> memref<16x512xf32, #tpu.memory_space<vmem>>
    %dma_start3A_33 = arith.constant 0 : i32
    %dma_start3A_34 = tpu.memref_slice %arg3[%mul3A_9, %dma_start3A_33] : memref<512x4096xf32, #tpu.memory_space<hbm>> -> memref<16x512xf32, #tpu.memory_space<hbm>>
    tpu.enqueue_dma source(%dma_start3A_34 : memref<16x512xf32, #tpu.memory_space<hbm>>) target(%dma_start3A_32 : memref<16x512xf32, #tpu.memory_space<vmem>>) target_semaphore(%arg16 : memref<!tpu.dma_semaphore, #tpu.memory_space<semaphore_mem>>)
    %dma_start3A_35 = arith.constant 0 : i32
    %dma_start3A_36 = arith.constant 0 : i32
    %dma_start3A_37 = arith.constant 0 : i32
    %dma_start3A_38 = tpu.memref_slice %arg11[%dma_start3A_35, %dma_start3A_36, %dma_start3A_37] : memref<2x16x513xf32, #tpu.memory_space<vmem>> -> memref<1x16x512xf32, #tpu.memory_space<vmem>>
    %dma_start3A_39 = tpu.memref_squeeze %dma_start3A_38 : memref<1x16x512xf32, #tpu.memory_space<vmem>> -> memref<16x512xf32, #tpu.memory_space<vmem>>
    %dma_start3A_40 = arith.constant 0 : i32
    %dma_start3A_41 = tpu.memref_slice %arg4[%mul3A_9, %dma_start3A_40] : memref<512x4096xf32, #tpu.memory_space<hbm>> -> memref<16x512xf32, #tpu.memory_space<hbm>>
    %dma_start3A_42 = arith.constant 0 : i32
    %dma_start3A_43 = arith.constant 0 : i32
    %dma_start3A_44 = tpu.memref_slice %arg11[%dma_start3A_35, %dma_start3A_42, %dma_start3A_43] : memref<2x16x513xf32, #tpu.memory_space<vmem>> -> memref<1x16x512xf32, #tpu.memory_space<vmem>>
    %dma_start3A_45 = tpu.memref_squeeze %dma_start3A_44 : memref<1x16x512xf32, #tpu.memory_space<vmem>> -> memref<16x512xf32, #tpu.memory_space<vmem>>
    %dma_start3A_46 = arith.constant 0 : i32
    %dma_start3A_47 = tpu.memref_slice %arg4[%mul3A_9, %dma_start3A_46] : memref<512x4096xf32, #tpu.memory_space<hbm>> -> memref<16x512xf32, #tpu.memory_space<hbm>>
    tpu.enqueue_dma source(%dma_start3A_47 : memref<16x512xf32, #tpu.memory_space<hbm>>) target(%dma_start3A_45 : memref<16x512xf32, #tpu.memory_space<vmem>>) target_semaphore(%arg16 : memref<!tpu.dma_semaphore, #tpu.memory_space<semaphore_mem>>)
    %mul3A_48 = arith.constant 16 : i32
    %mul3A_49 = arith.muli %add3A, %mul3A_48 : i32
    %mul3A_50 = arith.constant 128 : i32
    %mul3A_51 = arith.muli %mul3A_49, %mul3A_50 : i32
    "tpu.region"() ({
      %run_scoped3A = tpu.sem_alloc : memref<!tpu.dma_semaphore, #tpu.memory_space<semaphore_mem>>
      %dma_start3A_718 = tpu.memref_slice %arg5[%mul3A_51] : memref<65536xi32, #tpu.memory_space<hbm>> -> memref<2048xi32, #tpu.memory_space<hbm>>
      %dma_start3A_719 = tpu.memref_slice %arg5[%mul3A_51] : memref<65536xi32, #tpu.memory_space<hbm>> -> memref<2048xi32, #tpu.memory_space<hbm>>
      tpu.enqueue_dma source(%dma_start3A_719 : memref<2048xi32, #tpu.memory_space<hbm>>) target(%arg12 : memref<2048xi32, #tpu.memory_space<vmem>>) target_semaphore(%run_scoped3A : memref<!tpu.dma_semaphore, #tpu.memory_space<semaphore_mem>>)
      %dma_wait3A_720 = tpu.memref_slice %arg5[%mul3A_51] : memref<65536xi32, #tpu.memory_space<hbm>> -> memref<2048xi32, #tpu.memory_space<hbm>>
      %dma_wait3A_721 = tpu.memref_slice %arg5[%mul3A_51] : memref<65536xi32, #tpu.memory_space<hbm>> -> memref<2048xi32, #tpu.memory_space<hbm>>
      tpu.wait_dma2 semaphore(%run_scoped3A : memref<!tpu.dma_semaphore, #tpu.memory_space<semaphore_mem>>) src(%dma_wait3A_721 : memref<2048xi32, #tpu.memory_space<hbm>>) dst(%arg12 : memref<2048xi32, #tpu.memory_space<vmem>>)
      tpu.yield
    }) : () -> ()
    "tpu.region"() ({
      %run_scoped3A = tpu.sem_alloc : memref<!tpu.dma_semaphore, #tpu.memory_space<semaphore_mem>>
      tpu.enqueue_dma source(%arg6 : memref<128xf32, #tpu.memory_space<hbm>>) target(%arg13 : memref<128xf32, #tpu.memory_space<vmem>>) target_semaphore(%run_scoped3A : memref<!tpu.dma_semaphore, #tpu.memory_space<semaphore_mem>>)
      tpu.wait_dma2 semaphore(%run_scoped3A : memref<!tpu.dma_semaphore, #tpu.memory_space<semaphore_mem>>) src(%arg6 : memref<128xf32, #tpu.memory_space<hbm>>) dst(%arg13 : memref<128xf32, #tpu.memory_space<vmem>>)
      tpu.yield
    }) : () -> ()
    %scan3A = arith.constant 0 : i32
    %scan3A_52 = arith.constant 1504 : i32
    %scan3A_53 = arith.addi %scan3A, %scan3A_52 : i32
    %scan3A_54 = arith.constant 1 : i32
    scf.for %scan3A_718 = %scan3A to %scan3A_53 step %scan3A_54  : i32 {
      %mul3A_719 = arith.constant 16 : i32
      %mul3A_720 = arith.muli %scan3A_718, %mul3A_719 : i32
      %swap3A = arith.index_cast %mul3A_720 : i32 to index
      %swap3A_721 = tpu.vector_load %arg14[%swap3A] {strides = array<i32>} : memref<24064xf32, #tpu.memory_space<vmem>>, vector<16xf32>,
      tpu.vector_store %arg14[%swap3A], %broadcast_in_dim3A_7 {strides = array<i32>} : memref<24064xf32, #tpu.memory_space<vmem>>, vector<16xf32>,
      %mul3A_722 = arith.constant 16 : i32
      %mul3A_723 = arith.muli %scan3A_718, %mul3A_722 : i32
      %swap3A_724 = arith.index_cast %mul3A_723 : i32 to index
      %swap3A_725 = tpu.vector_load %arg15[%swap3A_724] {strides = array<i32>} : memref<24064xf32, #tpu.memory_space<vmem>>, vector<16xf32>,
      tpu.vector_store %arg15[%swap3A_724], %broadcast_in_dim3A_7 {strides = array<i32>} : memref<24064xf32, #tpu.memory_space<vmem>>, vector<16xf32>,
    }
    %scan3A_55 = arith.constant 1504 : i32
    %dma_wait3A = arith.constant 0 : i32
    %dma_wait3A_56 = arith.constant 0 : i32
    %dma_wait3A_57 = arith.constant 0 : i32
    %dma_wait3A_58 = tpu.memref_slice %arg9[%dma_wait3A, %dma_wait3A_56, %dma_wait3A_57] : memref<2x16x513xi32, #tpu.memory_space<vmem>> -> memref<1x16x512xi32, #tpu.memory_space<vmem>>
    %dma_wait3A_59 = tpu.memref_squeeze %dma_wait3A_58 : memref<1x16x512xi32, #tpu.memory_space<vmem>> -> memref<16x512xi32, #tpu.memory_space<vmem>>
    %dma_wait3A_60 = arith.constant 0 : i32
    %dma_wait3A_61 = tpu.memref_slice %arg2[%mul3A_9, %dma_wait3A_60] : memref<512x4096xi32, #tpu.memory_space<hbm>> -> memref<16x512xi32, #tpu.memory_space<hbm>>
    %dma_wait3A_62 = arith.constant 0 : i32
    %dma_wait3A_63 = arith.constant 0 : i32
    %dma_wait3A_64 = tpu.memref_slice %arg9[%dma_wait3A, %dma_wait3A_62, %dma_wait3A_63] : memref<2x16x513xi32, #tpu.memory_space<vmem>> -> memref<1x16x512xi32, #tpu.memory_space<vmem>>
    %dma_wait3A_65 = tpu.memref_squeeze %dma_wait3A_64 : memref<1x16x512xi32, #tpu.memory_space<vmem>> -> memref<16x512xi32, #tpu.memory_space<vmem>>
    %dma_wait3A_66 = arith.constant 0 : i32
    %dma_wait3A_67 = tpu.memref_slice %arg2[%mul3A_9, %dma_wait3A_66] : memref<512x4096xi32, #tpu.memory_space<hbm>> -> memref<16x512xi32, #tpu.memory_space<hbm>>
    tpu.wait_dma2 semaphore(%arg16 : memref<!tpu.dma_semaphore, #tpu.memory_space<semaphore_mem>>) src(%dma_wait3A_67 : memref<16x512xi32, #tpu.memory_space<hbm>>) dst(%dma_wait3A_65 : memref<16x512xi32, #tpu.memory_space<vmem>>)
    %dma_wait3A_68 = arith.constant 0 : i32
    %dma_wait3A_69 = arith.constant 0 : i32
    %dma_wait3A_70 = arith.constant 0 : i32
    %dma_wait3A_71 = tpu.memref_slice %arg10[%dma_wait3A_68, %dma_wait3A_69, %dma_wait3A_70] : memref<2x16x513xf32, #tpu.memory_space<vmem>> -> memref<1x16x512xf32, #tpu.memory_space<vmem>>
    %dma_wait3A_72 = tpu.memref_squeeze %dma_wait3A_71 : memref<1x16x512xf32, #tpu.memory_space<vmem>> -> memref<16x512xf32, #tpu.memory_space<vmem>>
    %dma_wait3A_73 = arith.constant 0 : i32
    %dma_wait3A_74 = tpu.memref_slice %arg3[%mul3A_9, %dma_wait3A_73] : memref<512x4096xf32, #tpu.memory_space<hbm>> -> memref<16x512xf32, #tpu.memory_space<hbm>>
    %dma_wait3A_75 = arith.constant 0 : i32
    %dma_wait3A_76 = arith.constant 0 : i32
    %dma_wait3A_77 = tpu.memref_slice %arg10[%dma_wait3A_68, %dma_wait3A_75, %dma_wait3A_76] : memref<2x16x513xf32, #tpu.memory_space<vmem>> -> memref<1x16x512xf32, #tpu.memory_space<vmem>>
    %dma_wait3A_78 = tpu.memref_squeeze %dma_wait3A_77 : memref<1x16x512xf32, #tpu.memory_space<vmem>> -> memref<16x512xf32, #tpu.memory_space<vmem>>
    %dma_wait3A_79 = arith.constant 0 : i32
    %dma_wait3A_80 = tpu.memref_slice %arg3[%mul3A_9, %dma_wait3A_79] : memref<512x4096xf32, #tpu.memory_space<hbm>> -> memref<16x512xf32, #tpu.memory_space<hbm>>
    tpu.wait_dma2 semaphore(%arg16 : memref<!tpu.dma_semaphore, #tpu.memory_space<semaphore_mem>>) src(%dma_wait3A_80 : memref<16x512xf32, #tpu.memory_space<hbm>>) dst(%dma_wait3A_78 : memref<16x512xf32, #tpu.memory_space<vmem>>)
    %dma_wait3A_81 = arith.constant 0 : i32
    %dma_wait3A_82 = arith.constant 0 : i32
    %dma_wait3A_83 = arith.constant 0 : i32
    %dma_wait3A_84 = tpu.memref_slice %arg11[%dma_wait3A_81, %dma_wait3A_82, %dma_wait3A_83] : memref<2x16x513xf32, #tpu.memory_space<vmem>> -> memref<1x16x512xf32, #tpu.memory_space<vmem>>
    %dma_wait3A_85 = tpu.memref_squeeze %dma_wait3A_84 : memref<1x16x512xf32, #tpu.memory_space<vmem>> -> memref<16x512xf32, #tpu.memory_space<vmem>>
    %dma_wait3A_86 = arith.constant 0 : i32
    %dma_wait3A_87 = tpu.memref_slice %arg4[%mul3A_9, %dma_wait3A_86] : memref<512x4096xf32, #tpu.memory_space<hbm>> -> memref<16x512xf32, #tpu.memory_space<hbm>>
    %dma_wait3A_88 = arith.constant 0 : i32
    %dma_wait3A_89 = arith.constant 0 : i32
    %dma_wait3A_90 = tpu.memref_slice %arg11[%dma_wait3A_81, %dma_wait3A_88, %dma_wait3A_89] : memref<2x16x513xf32, #tpu.memory_space<vmem>> -> memref<1x16x512xf32, #tpu.memory_space<vmem>>
    %dma_wait3A_91 = tpu.memref_squeeze %dma_wait3A_90 : memref<1x16x512xf32, #tpu.memory_space<vmem>> -> memref<16x512xf32, #tpu.memory_space<vmem>>
    %dma_wait3A_92 = arith.constant 0 : i32
    %dma_wait3A_93 = tpu.memref_slice %arg4[%mul3A_9, %dma_wait3A_92] : memref<512x4096xf32, #tpu.memory_space<hbm>> -> memref<16x512xf32, #tpu.memory_space<hbm>>
    tpu.wait_dma2 semaphore(%arg16 : memref<!tpu.dma_semaphore, #tpu.memory_space<semaphore_mem>>) src(%dma_wait3A_93 : memref<16x512xf32, #tpu.memory_space<hbm>>) dst(%dma_wait3A_91 : memref<16x512xf32, #tpu.memory_space<vmem>>)
    %mul3A_94 = arith.constant 16 : i32
    %mul3A_95 = arith.muli %add3A, %mul3A_94 : i32
    %dma_start3A_96 = arith.constant 1 : i32
    %dma_start3A_97 = arith.constant 0 : i32
    %dma_start3A_98 = arith.constant 0 : i32
    %dma_start3A_99 = tpu.memref_slice %arg9[%dma_start3A_96, %dma_start3A_97, %dma_start3A_98] : memref<2x16x513xi32, #tpu.memory_space<vmem>> -> memref<1x16x512xi32, #tpu.memory_space<vmem>>
    %dma_start3A_100 = tpu.memref_squeeze %dma_start3A_99 : memref<1x16x512xi32, #tpu.memory_space<vmem>> -> memref<16x512xi32, #tpu.memory_space<vmem>>
    %dma_start3A_101 = arith.constant 512 : i32
    %dma_start3A_102 = tpu.memref_slice %arg2[%mul3A_95, %dma_start3A_101] : memref<512x4096xi32, #tpu.memory_space<hbm>> -> memref<16x512xi32, #tpu.memory_space<hbm>>
    %dma_start3A_103 = arith.constant 0 : i32
    %dma_start3A_104 = arith.constant 0 : i32
    %dma_start3A_105 = tpu.memref_slice %arg9[%dma_start3A_96, %dma_start3A_103, %dma_start3A_104] : memref<2x16x513xi32, #tpu.memory_space<vmem>> -> memref<1x16x512xi32, #tpu.memory_space<vmem>>
    %dma_start3A_106 = tpu.memref_squeeze %dma_start3A_105 : memref<1x16x512xi32, #tpu.memory_space<vmem>> -> memref<16x512xi32, #tpu.memory_space<vmem>>
    %dma_start3A_107 = arith.constant 512 : i32
    %dma_start3A_108 = tpu.memref_slice %arg2[%mul3A_95, %dma_start3A_107] : memref<512x4096xi32, #tpu.memory_space<hbm>> -> memref<16x512xi32, #tpu.memory_space<hbm>>
    tpu.enqueue_dma source(%dma_start3A_108 : memref<16x512xi32, #tpu.memory_space<hbm>>) target(%dma_start3A_106 : memref<16x512xi32, #tpu.memory_space<vmem>>) target_semaphore(%arg16 : memref<!tpu.dma_semaphore, #tpu.memory_space<semaphore_mem>>)
    %dma_start3A_109 = arith.constant 1 : i32
    %dma_start3A_110 = arith.constant 0 : i32
    %dma_start3A_111 = arith.constant 0 : i32
    %dma_start3A_112 = tpu.memref_slice %arg10[%dma_start3A_109, %dma_start3A_110, %dma_start3A_111] : memref<2x16x513xf32, #tpu.memory_space<vmem>> -> memref<1x16x512xf32, #tpu.memory_space<vmem>>
    %dma_start3A_113 = tpu.memref_squeeze %dma_start3A_112 : memref<1x16x512xf32, #tpu.memory_space<vmem>> -> memref<16x512xf32, #tpu.memory_space<vmem>>
    %dma_start3A_114 = arith.constant 512 : i32
    %dma_start3A_115 = tpu.memref_slice %arg3[%mul3A_95, %dma_start3A_114] : memref<512x4096xf32, #tpu.memory_space<hbm>> -> memref<16x512xf32, #tpu.memory_space<hbm>>
    %dma_start3A_116 = arith.constant 0 : i32
    %dma_start3A_117 = arith.constant 0 : i32
    %dma_start3A_118 = tpu.memref_slice %arg10[%dma_start3A_109, %dma_start3A_116, %dma_start3A_117] : memref<2x16x513xf32, #tpu.memory_space<vmem>> -> memref<1x16x512xf32, #tpu.memory_space<vmem>>
    %dma_start3A_119 = tpu.memref_squeeze %dma_start3A_118 : memref<1x16x512xf32, #tpu.memory_space<vmem>> -> memref<16x512xf32, #tpu.memory_space<vmem>>
    %dma_start3A_120 = arith.constant 512 : i32
    %dma_start3A_121 = tpu.memref_slice %arg3[%mul3A_95, %dma_start3A_120] : memref<512x4096xf32, #tpu.memory_space<hbm>> -> memref<16x512xf32, #tpu.memory_space<hbm>>
    tpu.enqueue_dma source(%dma_start3A_121 : memref<16x512xf32, #tpu.memory_space<hbm>>) target(%dma_start3A_119 : memref<16x512xf32, #tpu.memory_space<vmem>>) target_semaphore(%arg16 : memref<!tpu.dma_semaphore, #tpu.memory_space<semaphore_mem>>)
    %dma_start3A_122 = arith.constant 1 : i32
    %dma_start3A_123 = arith.constant 0 : i32
    %dma_start3A_124 = arith.constant 0 : i32
    %dma_start3A_125 = tpu.memref_slice %arg11[%dma_start3A_122, %dma_start3A_123, %dma_start3A_124] : memref<2x16x513xf32, #tpu.memory_space<vmem>> -> memref<1x16x512xf32, #tpu.memory_space<vmem>>
    %dma_start3A_126 = tpu.memref_squeeze %dma_start3A_125 : memref<1x16x512xf32, #tpu.memory_space<vmem>> -> memref<16x512xf32, #tpu.memory_space<vmem>>
    %dma_start3A_127 = arith.constant 512 : i32
    %dma_start3A_128 = tpu.memref_slice %arg4[%mul3A_95, %dma_start3A_127] : memref<512x4096xf32, #tpu.memory_space<hbm>> -> memref<16x512xf32, #tpu.memory_space<hbm>>
    %dma_start3A_129 = arith.constant 0 : i32
    %dma_start3A_130 = arith.constant 0 : i32
    %dma_start3A_131 = tpu.memref_slice %arg11[%dma_start3A_122, %dma_start3A_129, %dma_start3A_130] : memref<2x16x513xf32, #tpu.memory_space<vmem>> -> memref<1x16x512xf32, #tpu.memory_space<vmem>>
    %dma_start3A_132 = tpu.memref_squeeze %dma_start3A_131 : memref<1x16x512xf32, #tpu.memory_space<vmem>> -> memref<16x512xf32, #tpu.memory_space<vmem>>
    %dma_start3A_133 = arith.constant 512 : i32
    %dma_start3A_134 = tpu.memref_slice %arg4[%mul3A_95, %dma_start3A_133] : memref<512x4096xf32, #tpu.memory_space<hbm>> -> memref<16x512xf32, #tpu.memory_space<hbm>>
    tpu.enqueue_dma source(%dma_start3A_134 : memref<16x512xf32, #tpu.memory_space<hbm>>) target(%dma_start3A_132 : memref<16x512xf32, #tpu.memory_space<vmem>>) target_semaphore(%arg16 : memref<!tpu.dma_semaphore, #tpu.memory_space<semaphore_mem>>)
    %broadcast_in_dim3A_135 = arith.constant 0 : i32
    %broadcast_in_dim3A_136 = vector.broadcast %broadcast_in_dim3A_135 : i32 to vector<16xi32>
    %scan3A_137 = arith.constant 0 : i32
    %scan3A_138 = arith.constant 128 : i32
    %scan3A_139 = arith.addi %scan3A_137, %scan3A_138 : i32
    %scan3A_140 = arith.constant 1 : i32
    scf.for %scan3A_718 = %scan3A_137 to %scan3A_139 step %scan3A_140  : i32 {
      %mul3A_719 = arith.constant 4 : i32
      %mul3A_720 = arith.muli %scan3A_718, %mul3A_719 : i32
      %add3A_721 = arith.constant 0 : i32
      %add3A_722 = arith.addi %mul3A_720, %add3A_721 : i32
      %broadcast_in_dim3A_723 = vector.broadcast %add3A_722 : i32 to vector<16xi32>
      %gather3A = tpu.vector_load_idx %arg9[%broadcast_in_dim3A_136, %iota3A, %broadcast_in_dim3A_723] : memref<2x16x513xi32, #tpu.memory_space<vmem>>[vector<16xi32>, vector<16xi32>, vector<16xi32>], vector<16xi32>,
      %gather3A_724 = tpu.vector_load_idx %arg10[%broadcast_in_dim3A_136, %iota3A, %broadcast_in_dim3A_723] : memref<2x16x513xf32, #tpu.memory_space<vmem>>[vector<16xi32>, vector<16xi32>, vector<16xi32>], vector<16xf32>,
      %gather3A_725 = tpu.vector_load_idx %arg11[%broadcast_in_dim3A_136, %iota3A, %broadcast_in_dim3A_723] : memref<2x16x513xf32, #tpu.memory_space<vmem>>[vector<16xi32>, vector<16xi32>, vector<16xi32>], vector<16xf32>,
      %add3A_726 = arith.addi %mul3A_3, %gather3A : vector<16xi32>
      %gather3A_727 = tpu.vector_load_idx %arg12[%add3A_726] : memref<2048xi32, #tpu.memory_space<vmem>>[vector<16xi32>], vector<16xi32>,
      %add3A_728 = arith.constant 1 : i32
      %add3A_729 = vector.broadcast %add3A_728 : i32 to vector<16xi32>
      %add3A_730 = arith.addi %gather3A_727, %add3A_729 : vector<16xi32>
      tpu.vector_store_idx %arg12[%add3A_726], %add3A_730 : memref<2048xi32, #tpu.memory_space<vmem>>[vector<16xi32>], vector<16xi32>,
      %gather3A_731 = tpu.vector_load_idx %arg13[%gather3A] : memref<128xf32, #tpu.memory_space<vmem>>[vector<16xi32>], vector<16xf32>,
      %convert_element_type3A = arith.sitofp %gather3A_727 : vector<16xi32> to vector<16xf32>
      %add3A_732 = arith.constant 5.000000e-01 : f32
      %add3A_733 = vector.broadcast %add3A_732 : f32 to vector<16xf32>
      %add3A_734 = arith.addf %convert_element_type3A, %add3A_733 : vector<16xf32>
      %mul3A_735 = arith.mulf %add3A_734, %gather3A_731 : vector<16xf32>
      %convert_element_type3A_736 = arith.fptosi %mul3A_735 : vector<16xf32> to vector<16xi32>
      %gt3A = arith.constant 0.000000e+00 : f32
      %gt3A_737 = vector.broadcast %gt3A : f32 to vector<16xf32>
      %gt3A_738 = arith.cmpf ogt, %gather3A_731, %gt3A_737 : vector<16xf32>
      %lt3A = arith.constant 15 : i32
      %lt3A_739 = vector.broadcast %lt3A : i32 to vector<16xi32>
      %lt3A_740 = arith.cmpi slt, %convert_element_type3A_736, %lt3A_739 : vector<16xi32>
      %and3A = arith.andi %gt3A_738, %lt3A_740 : vector<16xi1>
      %mul3A_741 = arith.constant 15 : i32
      %mul3A_742 = vector.broadcast %mul3A_741 : i32 to vector<16xi32>
      %mul3A_743 = arith.muli %gather3A, %mul3A_742 : vector<16xi32>
      %add3A_744 = arith.addi %mul3A_6, %mul3A_743 : vector<16xi32>
      %add3A_745 = arith.addi %add3A_744, %convert_element_type3A_736 : vector<16xi32>
      tpu.vector_store_idx %arg14[%add3A_745], %gather3A_724 masked %and3A {add = true} : memref<24064xf32, #tpu.memory_space<vmem>>[vector<16xi32>], vector<16xf32>, vector<16xi1>
      tpu.vector_store_idx %arg15[%add3A_745], %gather3A_725 masked %and3A {add = true} : memref<24064xf32, #tpu.memory_space<vmem>>[vector<16xi32>], vector<16xf32>, vector<16xi1>
      %mul3A_746 = arith.constant 4 : i32
      %mul3A_747 = arith.muli %scan3A_718, %mul3A_746 : i32
      %add3A_748 = arith.constant 1 : i32
      %add3A_749 = arith.addi %mul3A_747, %add3A_748 : i32
      %broadcast_in_dim3A_750 = vector.broadcast %add3A_749 : i32 to vector<16xi32>
      %gather3A_751 = tpu.vector_load_idx %arg9[%broadcast_in_dim3A_136, %iota3A, %broadcast_in_dim3A_750] : memref<2x16x513xi32, #tpu.memory_space<vmem>>[vector<16xi32>, vector<16xi32>, vector<16xi32>], vector<16xi32>,
      %gather3A_752 = tpu.vector_load_idx %arg10[%broadcast_in_dim3A_136, %iota3A, %broadcast_in_dim3A_750] : memref<2x16x513xf32, #tpu.memory_space<vmem>>[vector<16xi32>, vector<16xi32>, vector<16xi32>], vector<16xf32>,
      %gather3A_753 = tpu.vector_load_idx %arg11[%broadcast_in_dim3A_136, %iota3A, %broadcast_in_dim3A_750] : memref<2x16x513xf32, #tpu.memory_space<vmem>>[vector<16xi32>, vector<16xi32>, vector<16xi32>], vector<16xf32>,
      %add3A_754 = arith.addi %mul3A_3, %gather3A_751 : vector<16xi32>
      %gather3A_755 = tpu.vector_load_idx %arg12[%add3A_754] : memref<2048xi32, #tpu.memory_space<vmem>>[vector<16xi32>], vector<16xi32>,
      %add3A_756 = arith.constant 1 : i32
      %add3A_757 = vector.broadcast %add3A_756 : i32 to vector<16xi32>
      %add3A_758 = arith.addi %gather3A_755, %add3A_757 : vector<16xi32>
      tpu.vector_store_idx %arg12[%add3A_754], %add3A_758 : memref<2048xi32, #tpu.memory_space<vmem>>[vector<16xi32>], vector<16xi32>,
      %gather3A_759 = tpu.vector_load_idx %arg13[%gather3A_751] : memref<128xf32, #tpu.memory_space<vmem>>[vector<16xi32>], vector<16xf32>,
      %convert_element_type3A_760 = arith.sitofp %gather3A_755 : vector<16xi32> to vector<16xf32>
      %add3A_761 = arith.constant 5.000000e-01 : f32
      %add3A_762 = vector.broadcast %add3A_761 : f32 to vector<16xf32>
      %add3A_763 = arith.addf %convert_element_type3A_760, %add3A_762 : vector<16xf32>
      %mul3A_764 = arith.mulf %add3A_763, %gather3A_759 : vector<16xf32>
      %convert_element_type3A_765 = arith.fptosi %mul3A_764 : vector<16xf32> to vector<16xi32>
      %gt3A_766 = arith.constant 0.000000e+00 : f32
      %gt3A_767 = vector.broadcast %gt3A_766 : f32 to vector<16xf32>
      %gt3A_768 = arith.cmpf ogt, %gather3A_759, %gt3A_767 : vector<16xf32>
      %lt3A_769 = arith.constant 15 : i32
      %lt3A_770 = vector.broadcast %lt3A_769 : i32 to vector<16xi32>
      %lt3A_771 = arith.cmpi slt, %convert_element_type3A_765, %lt3A_770 : vector<16xi32>
      %and3A_772 = arith.andi %gt3A_768, %lt3A_771 : vector<16xi1>
      %mul3A_773 = arith.constant 15 : i32
      %mul3A_774 = vector.broadcast %mul3A_773 : i32 to vector<16xi32>
      %mul3A_775 = arith.muli %gather3A_751, %mul3A_774 : vector<16xi32>
      %add3A_776 = arith.addi %mul3A_6, %mul3A_775 : vector<16xi32>
      %add3A_777 = arith.addi %add3A_776, %convert_element_type3A_765 : vector<16xi32>
      tpu.vector_store_idx %arg14[%add3A_777], %gather3A_752 masked %and3A_772 {add = true} : memref<24064xf32, #tpu.memory_space<vmem>>[vector<16xi32>], vector<16xf32>, vector<16xi1>
      tpu.vector_store_idx %arg15[%add3A_777], %gather3A_753 masked %and3A_772 {add = true} : memref<24064xf32, #tpu.memory_space<vmem>>[vector<16xi32>], vector<16xf32>, vector<16xi1>
      %mul3A_778 = arith.constant 4 : i32
      %mul3A_779 = arith.muli %scan3A_718, %mul3A_778 : i32
      %add3A_780 = arith.constant 2 : i32
      %add3A_781 = arith.addi %mul3A_779, %add3A_780 : i32
      %broadcast_in_dim3A_782 = vector.broadcast %add3A_781 : i32 to vector<16xi32>
      %gather3A_783 = tpu.vector_load_idx %arg9[%broadcast_in_dim3A_136, %iota3A, %broadcast_in_dim3A_782] : memref<2x16x513xi32, #tpu.memory_space<vmem>>[vector<16xi32>, vector<16xi32>, vector<16xi32>], vector<16xi32>,
      %gather3A_784 = tpu.vector_load_idx %arg10[%broadcast_in_dim3A_136, %iota3A, %broadcast_in_dim3A_782] : memref<2x16x513xf32, #tpu.memory_space<vmem>>[vector<16xi32>, vector<16xi32>, vector<16xi32>], vector<16xf32>,
      %gather3A_785 = tpu.vector_load_idx %arg11[%broadcast_in_dim3A_136, %iota3A, %broadcast_in_dim3A_782] : memref<2x16x513xf32, #tpu.memory_space<vmem>>[vector<16xi32>, vector<16xi32>, vector<16xi32>], vector<16xf32>,
      %add3A_786 = arith.addi %mul3A_3, %gather3A_783 : vector<16xi32>
      %gather3A_787 = tpu.vector_load_idx %arg12[%add3A_786] : memref<2048xi32, #tpu.memory_space<vmem>>[vector<16xi32>], vector<16xi32>,
      %add3A_788 = arith.constant 1 : i32
      %add3A_789 = vector.broadcast %add3A_788 : i32 to vector<16xi32>
      %add3A_790 = arith.addi %gather3A_787, %add3A_789 : vector<16xi32>
      tpu.vector_store_idx %arg12[%add3A_786], %add3A_790 : memref<2048xi32, #tpu.memory_space<vmem>>[vector<16xi32>], vector<16xi32>,
      %gather3A_791 = tpu.vector_load_idx %arg13[%gather3A_783] : memref<128xf32, #tpu.memory_space<vmem>>[vector<16xi32>], vector<16xf32>,
      %convert_element_type3A_792 = arith.sitofp %gather3A_787 : vector<16xi32> to vector<16xf32>
      %add3A_793 = arith.constant 5.000000e-01 : f32
      %add3A_794 = vector.broadcast %add3A_793 : f32 to vector<16xf32>
      %add3A_795 = arith.addf %convert_element_type3A_792, %add3A_794 : vector<16xf32>
      %mul3A_796 = arith.mulf %add3A_795, %gather3A_791 : vector<16xf32>
      %convert_element_type3A_797 = arith.fptosi %mul3A_796 : vector<16xf32> to vector<16xi32>
      %gt3A_798 = arith.constant 0.000000e+00 : f32
      %gt3A_799 = vector.broadcast %gt3A_798 : f32 to vector<16xf32>
      %gt3A_800 = arith.cmpf ogt, %gather3A_791, %gt3A_799 : vector<16xf32>
      %lt3A_801 = arith.constant 15 : i32
      %lt3A_802 = vector.broadcast %lt3A_801 : i32 to vector<16xi32>
      %lt3A_803 = arith.cmpi slt, %convert_element_type3A_797, %lt3A_802 : vector<16xi32>
      %and3A_804 = arith.andi %gt3A_800, %lt3A_803 : vector<16xi1>
      %mul3A_805 = arith.constant 15 : i32
      %mul3A_806 = vector.broadcast %mul3A_805 : i32 to vector<16xi32>
      %mul3A_807 = arith.muli %gather3A_783, %mul3A_806 : vector<16xi32>
      %add3A_808 = arith.addi %mul3A_6, %mul3A_807 : vector<16xi32>
      %add3A_809 = arith.addi %add3A_808, %convert_element_type3A_797 : vector<16xi32>
      tpu.vector_store_idx %arg14[%add3A_809], %gather3A_784 masked %and3A_804 {add = true} : memref<24064xf32, #tpu.memory_space<vmem>>[vector<16xi32>], vector<16xf32>, vector<16xi1>
      tpu.vector_store_idx %arg15[%add3A_809], %gather3A_785 masked %and3A_804 {add = true} : memref<24064xf32, #tpu.memory_space<vmem>>[vector<16xi32>], vector<16xf32>, vector<16xi1>
      %mul3A_810 = arith.constant 4 : i32
      %mul3A_811 = arith.muli %scan3A_718, %mul3A_810 : i32
      %add3A_812 = arith.constant 3 : i32
      %add3A_813 = arith.addi %mul3A_811, %add3A_812 : i32
      %broadcast_in_dim3A_814 = vector.broadcast %add3A_813 : i32 to vector<16xi32>
      %gather3A_815 = tpu.vector_load_idx %arg9[%broadcast_in_dim3A_136, %iota3A, %broadcast_in_dim3A_814] : memref<2x16x513xi32, #tpu.memory_space<vmem>>[vector<16xi32>, vector<16xi32>, vector<16xi32>], vector<16xi32>,
      %gather3A_816 = tpu.vector_load_idx %arg10[%broadcast_in_dim3A_136, %iota3A, %broadcast_in_dim3A_814] : memref<2x16x513xf32, #tpu.memory_space<vmem>>[vector<16xi32>, vector<16xi32>, vector<16xi32>], vector<16xf32>,
      %gather3A_817 = tpu.vector_load_idx %arg11[%broadcast_in_dim3A_136, %iota3A, %broadcast_in_dim3A_814] : memref<2x16x513xf32, #tpu.memory_space<vmem>>[vector<16xi32>, vector<16xi32>, vector<16xi32>], vector<16xf32>,
      %add3A_818 = arith.addi %mul3A_3, %gather3A_815 : vector<16xi32>
      %gather3A_819 = tpu.vector_load_idx %arg12[%add3A_818] : memref<2048xi32, #tpu.memory_space<vmem>>[vector<16xi32>], vector<16xi32>,
      %add3A_820 = arith.constant 1 : i32
      %add3A_821 = vector.broadcast %add3A_820 : i32 to vector<16xi32>
      %add3A_822 = arith.addi %gather3A_819, %add3A_821 : vector<16xi32>
      tpu.vector_store_idx %arg12[%add3A_818], %add3A_822 : memref<2048xi32, #tpu.memory_space<vmem>>[vector<16xi32>], vector<16xi32>,
      %gather3A_823 = tpu.vector_load_idx %arg13[%gather3A_815] : memref<128xf32, #tpu.memory_space<vmem>>[vector<16xi32>], vector<16xf32>,
      %convert_element_type3A_824 = arith.sitofp %gather3A_819 : vector<16xi32> to vector<16xf32>
      %add3A_825 = arith.constant 5.000000e-01 : f32
      %add3A_826 = vector.broadcast %add3A_825 : f32 to vector<16xf32>
      %add3A_827 = arith.addf %convert_element_type3A_824, %add3A_826 : vector<16xf32>
      %mul3A_828 = arith.mulf %add3A_827, %gather3A_823 : vector<16xf32>
      %convert_element_type3A_829 = arith.fptosi %mul3A_828 : vector<16xf32> to vector<16xi32>
      %gt3A_830 = arith.constant 0.000000e+00 : f32
      %gt3A_831 = vector.broadcast %gt3A_830 : f32 to vector<16xf32>
      %gt3A_832 = arith.cmpf ogt, %gather3A_823, %gt3A_831 : vector<16xf32>
      %lt3A_833 = arith.constant 15 : i32
      %lt3A_834 = vector.broadcast %lt3A_833 : i32 to vector<16xi32>
      %lt3A_835 = arith.cmpi slt, %convert_element_type3A_829, %lt3A_834 : vector<16xi32>
      %and3A_836 = arith.andi %gt3A_832, %lt3A_835 : vector<16xi1>
      %mul3A_837 = arith.constant 15 : i32
      %mul3A_838 = vector.broadcast %mul3A_837 : i32 to vector<16xi32>
      %mul3A_839 = arith.muli %gather3A_815, %mul3A_838 : vector<16xi32>
      %add3A_840 = arith.addi %mul3A_6, %mul3A_839 : vector<16xi32>
      %add3A_841 = arith.addi %add3A_840, %convert_element_type3A_829 : vector<16xi32>
      tpu.vector_store_idx %arg14[%add3A_841], %gather3A_816 masked %and3A_836 {add = true} : memref<24064xf32, #tpu.memory_space<vmem>>[vector<16xi32>], vector<16xf32>, vector<16xi1>
      tpu.vector_store_idx %arg15[%add3A_841], %gather3A_817 masked %and3A_836 {add = true} : memref<24064xf32, #tpu.memory_space<vmem>>[vector<16xi32>], vector<16xf32>, vector<16xi1>
    }
    %scan3A_141 = arith.constant 128 : i32
    %dma_wait3A_142 = arith.constant 1 : i32
    %dma_wait3A_143 = arith.constant 0 : i32
    %dma_wait3A_144 = arith.constant 0 : i32
    %dma_wait3A_145 = tpu.memref_slice %arg9[%dma_wait3A_142, %dma_wait3A_143, %dma_wait3A_144] : memref<2x16x513xi32, #tpu.memory_space<vmem>> -> memref<1x16x512xi32, #tpu.memory_space<vmem>>
    %dma_wait3A_146 = tpu.memref_squeeze %dma_wait3A_145 : memref<1x16x512xi32, #tpu.memory_space<vmem>> -> memref<16x512xi32, #tpu.memory_space<vmem>>
    %dma_wait3A_147 = arith.constant 512 : i32
    %dma_wait3A_148 = tpu.memref_slice %arg2[%mul3A_95, %dma_wait3A_147] : memref<512x4096xi32, #tpu.memory_space<hbm>> -> memref<16x512xi32, #tpu.memory_space<hbm>>
    %dma_wait3A_149 = arith.constant 0 : i32
    %dma_wait3A_150 = arith.constant 0 : i32
    %dma_wait3A_151 = tpu.memref_slice %arg9[%dma_wait3A_142, %dma_wait3A_149, %dma_wait3A_150] : memref<2x16x513xi32, #tpu.memory_space<vmem>> -> memref<1x16x512xi32, #tpu.memory_space<vmem>>
    %dma_wait3A_152 = tpu.memref_squeeze %dma_wait3A_151 : memref<1x16x512xi32, #tpu.memory_space<vmem>> -> memref<16x512xi32, #tpu.memory_space<vmem>>
    %dma_wait3A_153 = arith.constant 512 : i32
    %dma_wait3A_154 = tpu.memref_slice %arg2[%mul3A_95, %dma_wait3A_153] : memref<512x4096xi32, #tpu.memory_space<hbm>> -> memref<16x512xi32, #tpu.memory_space<hbm>>
    tpu.wait_dma2 semaphore(%arg16 : memref<!tpu.dma_semaphore, #tpu.memory_space<semaphore_mem>>) src(%dma_wait3A_154 : memref<16x512xi32, #tpu.memory_space<hbm>>) dst(%dma_wait3A_152 : memref<16x512xi32, #tpu.memory_space<vmem>>)
    %dma_wait3A_155 = arith.constant 1 : i32
    %dma_wait3A_156 = arith.constant 0 : i32
    %dma_wait3A_157 = arith.constant 0 : i32
    %dma_wait3A_158 = tpu.memref_slice %arg10[%dma_wait3A_155, %dma_wait3A_156, %dma_wait3A_157] : memref<2x16x513xf32, #tpu.memory_space<vmem>> -> memref<1x16x512xf32, #tpu.memory_space<vmem>>
    %dma_wait3A_159 = tpu.memref_squeeze %dma_wait3A_158 : memref<1x16x512xf32, #tpu.memory_space<vmem>> -> memref<16x512xf32, #tpu.memory_space<vmem>>
    %dma_wait3A_160 = arith.constant 512 : i32
    %dma_wait3A_161 = tpu.memref_slice %arg3[%mul3A_95, %dma_wait3A_160] : memref<512x4096xf32, #tpu.memory_space<hbm>> -> memref<16x512xf32, #tpu.memory_space<hbm>>
    %dma_wait3A_162 = arith.constant 0 : i32
    %dma_wait3A_163 = arith.constant 0 : i32
    %dma_wait3A_164 = tpu.memref_slice %arg10[%dma_wait3A_155, %dma_wait3A_162, %dma_wait3A_163] : memref<2x16x513xf32, #tpu.memory_space<vmem>> -> memref<1x16x512xf32, #tpu.memory_space<vmem>>
    %dma_wait3A_165 = tpu.memref_squeeze %dma_wait3A_164 : memref<1x16x512xf32, #tpu.memory_space<vmem>> -> memref<16x512xf32, #tpu.memory_space<vmem>>
    %dma_wait3A_166 = arith.constant 512 : i32
    %dma_wait3A_167 = tpu.memref_slice %arg3[%mul3A_95, %dma_wait3A_166] : memref<512x4096xf32, #tpu.memory_space<hbm>> -> memref<16x512xf32, #tpu.memory_space<hbm>>
    tpu.wait_dma2 semaphore(%arg16 : memref<!tpu.dma_semaphore, #tpu.memory_space<semaphore_mem>>) src(%dma_wait3A_167 : memref<16x512xf32, #tpu.memory_space<hbm>>) dst(%dma_wait3A_165 : memref<16x512xf32, #tpu.memory_space<vmem>>)
    %dma_wait3A_168 = arith.constant 1 : i32
    %dma_wait3A_169 = arith.constant 0 : i32
    %dma_wait3A_170 = arith.constant 0 : i32
    %dma_wait3A_171 = tpu.memref_slice %arg11[%dma_wait3A_168, %dma_wait3A_169, %dma_wait3A_170] : memref<2x16x513xf32, #tpu.memory_space<vmem>> -> memref<1x16x512xf32, #tpu.memory_space<vmem>>
    %dma_wait3A_172 = tpu.memref_squeeze %dma_wait3A_171 : memref<1x16x512xf32, #tpu.memory_space<vmem>> -> memref<16x512xf32, #tpu.memory_space<vmem>>
    %dma_wait3A_173 = arith.constant 512 : i32
    %dma_wait3A_174 = tpu.memref_slice %arg4[%mul3A_95, %dma_wait3A_173] : memref<512x4096xf32, #tpu.memory_space<hbm>> -> memref<16x512xf32, #tpu.memory_space<hbm>>
    %dma_wait3A_175 = arith.constant 0 : i32
    %dma_wait3A_176 = arith.constant 0 : i32
    %dma_wait3A_177 = tpu.memref_slice %arg11[%dma_wait3A_168, %dma_wait3A_175, %dma_wait3A_176] : memref<2x16x513xf32, #tpu.memory_space<vmem>> -> memref<1x16x512xf32, #tpu.memory_space<vmem>>
    %dma_wait3A_178 = tpu.memref_squeeze %dma_wait3A_177 : memref<1x16x512xf32, #tpu.memory_space<vmem>> -> memref<16x512xf32, #tpu.memory_space<vmem>>
    %dma_wait3A_179 = arith.constant 512 : i32
    %dma_wait3A_180 = tpu.memref_slice %arg4[%mul3A_95, %dma_wait3A_179] : memref<512x4096xf32, #tpu.memory_space<hbm>> -> memref<16x512xf32, #tpu.memory_space<hbm>>
    tpu.wait_dma2 semaphore(%arg16 : memref<!tpu.dma_semaphore, #tpu.memory_space<semaphore_mem>>) src(%dma_wait3A_180 : memref<16x512xf32, #tpu.memory_space<hbm>>) dst(%dma_wait3A_178 : memref<16x512xf32, #tpu.memory_space<vmem>>)
    %mul3A_181 = arith.constant 16 : i32
    %mul3A_182 = arith.muli %add3A, %mul3A_181 : i32
    %dma_start3A_183 = arith.constant 0 : i32
    %dma_start3A_184 = arith.constant 0 : i32
    %dma_start3A_185 = arith.constant 0 : i32
    %dma_start3A_186 = tpu.memref_slice %arg9[%dma_start3A_183, %dma_start3A_184, %dma_start3A_185] : memref<2x16x513xi32, #tpu.memory_space<vmem>> -> memref<1x16x512xi32, #tpu.memory_space<vmem>>
    %dma_start3A_187 = tpu.memref_squeeze %dma_start3A_186 : memref<1x16x512xi32, #tpu.memory_space<vmem>> -> memref<16x512xi32, #tpu.memory_space<vmem>>
    %dma_start3A_188 = arith.constant 1024 : i32
    %dma_start3A_189 = tpu.memref_slice %arg2[%mul3A_182, %dma_start3A_188] : memref<512x4096xi32, #tpu.memory_space<hbm>> -> memref<16x512xi32, #tpu.memory_space<hbm>>
    %dma_start3A_190 = arith.constant 0 : i32
    %dma_start3A_191 = arith.constant 0 : i32
    %dma_start3A_192 = tpu.memref_slice %arg9[%dma_start3A_183, %dma_start3A_190, %dma_start3A_191] : memref<2x16x513xi32, #tpu.memory_space<vmem>> -> memref<1x16x512xi32, #tpu.memory_space<vmem>>
    %dma_start3A_193 = tpu.memref_squeeze %dma_start3A_192 : memref<1x16x512xi32, #tpu.memory_space<vmem>> -> memref<16x512xi32, #tpu.memory_space<vmem>>
    %dma_start3A_194 = arith.constant 1024 : i32
    %dma_start3A_195 = tpu.memref_slice %arg2[%mul3A_182, %dma_start3A_194] : memref<512x4096xi32, #tpu.memory_space<hbm>> -> memref<16x512xi32, #tpu.memory_space<hbm>>
    tpu.enqueue_dma source(%dma_start3A_195 : memref<16x512xi32, #tpu.memory_space<hbm>>) target(%dma_start3A_193 : memref<16x512xi32, #tpu.memory_space<vmem>>) target_semaphore(%arg16 : memref<!tpu.dma_semaphore, #tpu.memory_space<semaphore_mem>>)
    %dma_start3A_196 = arith.constant 0 : i32
    %dma_start3A_197 = arith.constant 0 : i32
    %dma_start3A_198 = arith.constant 0 : i32
    %dma_start3A_199 = tpu.memref_slice %arg10[%dma_start3A_196, %dma_start3A_197, %dma_start3A_198] : memref<2x16x513xf32, #tpu.memory_space<vmem>> -> memref<1x16x512xf32, #tpu.memory_space<vmem>>
    %dma_start3A_200 = tpu.memref_squeeze %dma_start3A_199 : memref<1x16x512xf32, #tpu.memory_space<vmem>> -> memref<16x512xf32, #tpu.memory_space<vmem>>
    %dma_start3A_201 = arith.constant 1024 : i32
    %dma_start3A_202 = tpu.memref_slice %arg3[%mul3A_182, %dma_start3A_201] : memref<512x4096xf32, #tpu.memory_space<hbm>> -> memref<16x512xf32, #tpu.memory_space<hbm>>
    %dma_start3A_203 = arith.constant 0 : i32
    %dma_start3A_204 = arith.constant 0 : i32
    %dma_start3A_205 = tpu.memref_slice %arg10[%dma_start3A_196, %dma_start3A_203, %dma_start3A_204] : memref<2x16x513xf32, #tpu.memory_space<vmem>> -> memref<1x16x512xf32, #tpu.memory_space<vmem>>
    %dma_start3A_206 = tpu.memref_squeeze %dma_start3A_205 : memref<1x16x512xf32, #tpu.memory_space<vmem>> -> memref<16x512xf32, #tpu.memory_space<vmem>>
    %dma_start3A_207 = arith.constant 1024 : i32
    %dma_start3A_208 = tpu.memref_slice %arg3[%mul3A_182, %dma_start3A_207] : memref<512x4096xf32, #tpu.memory_space<hbm>> -> memref<16x512xf32, #tpu.memory_space<hbm>>
    tpu.enqueue_dma source(%dma_start3A_208 : memref<16x512xf32, #tpu.memory_space<hbm>>) target(%dma_start3A_206 : memref<16x512xf32, #tpu.memory_space<vmem>>) target_semaphore(%arg16 : memref<!tpu.dma_semaphore, #tpu.memory_space<semaphore_mem>>)
    %dma_start3A_209 = arith.constant 0 : i32
    %dma_start3A_210 = arith.constant 0 : i32
    %dma_start3A_211 = arith.constant 0 : i32
    %dma_start3A_212 = tpu.memref_slice %arg11[%dma_start3A_209, %dma_start3A_210, %dma_start3A_211] : memref<2x16x513xf32, #tpu.memory_space<vmem>> -> memref<1x16x512xf32, #tpu.memory_space<vmem>>
    %dma_start3A_213 = tpu.memref_squeeze %dma_start3A_212 : memref<1x16x512xf32, #tpu.memory_space<vmem>> -> memref<16x512xf32, #tpu.memory_space<vmem>>
    %dma_start3A_214 = arith.constant 1024 : i32
    %dma_start3A_215 = tpu.memref_slice %arg4[%mul3A_182, %dma_start3A_214] : memref<512x4096xf32, #tpu.memory_space<hbm>> -> memref<16x512xf32, #tpu.memory_space<hbm>>
    %dma_start3A_216 = arith.constant 0 : i32
    %dma_start3A_217 = arith.constant 0 : i32
    %dma_start3A_218 = tpu.memref_slice %arg11[%dma_start3A_209, %dma_start3A_216, %dma_start3A_217] : memref<2x16x513xf32, #tpu.memory_space<vmem>> -> memref<1x16x512xf32, #tpu.memory_space<vmem>>
    %dma_start3A_219 = tpu.memref_squeeze %dma_start3A_218 : memref<1x16x512xf32, #tpu.memory_space<vmem>> -> memref<16x512xf32, #tpu.memory_space<vmem>>
    %dma_start3A_220 = arith.constant 1024 : i32
    %dma_start3A_221 = tpu.memref_slice %arg4[%mul3A_182, %dma_start3A_220] : memref<512x4096xf32, #tpu.memory_space<hbm>> -> memref<16x512xf32, #tpu.memory_space<hbm>>
    tpu.enqueue_dma source(%dma_start3A_221 : memref<16x512xf32, #tpu.memory_space<hbm>>) target(%dma_start3A_219 : memref<16x512xf32, #tpu.memory_space<vmem>>) target_semaphore(%arg16 : memref<!tpu.dma_semaphore, #tpu.memory_space<semaphore_mem>>)
    %broadcast_in_dim3A_222 = arith.constant 1 : i32
    %broadcast_in_dim3A_223 = vector.broadcast %broadcast_in_dim3A_222 : i32 to vector<16xi32>
    %scan3A_224 = arith.constant 0 : i32
    %scan3A_225 = arith.constant 128 : i32
    %scan3A_226 = arith.addi %scan3A_224, %scan3A_225 : i32
    %scan3A_227 = arith.constant 1 : i32
    scf.for %scan3A_718 = %scan3A_224 to %scan3A_226 step %scan3A_227  : i32 {
      %mul3A_719 = arith.constant 4 : i32
      %mul3A_720 = arith.muli %scan3A_718, %mul3A_719 : i32
      %add3A_721 = arith.constant 0 : i32
      %add3A_722 = arith.addi %mul3A_720, %add3A_721 : i32
      %broadcast_in_dim3A_723 = vector.broadcast %add3A_722 : i32 to vector<16xi32>
      %gather3A = tpu.vector_load_idx %arg9[%broadcast_in_dim3A_223, %iota3A, %broadcast_in_dim3A_723] : memref<2x16x513xi32, #tpu.memory_space<vmem>>[vector<16xi32>, vector<16xi32>, vector<16xi32>], vector<16xi32>,
      %gather3A_724 = tpu.vector_load_idx %arg10[%broadcast_in_dim3A_223, %iota3A, %broadcast_in_dim3A_723] : memref<2x16x513xf32, #tpu.memory_space<vmem>>[vector<16xi32>, vector<16xi32>, vector<16xi32>], vector<16xf32>,
      %gather3A_725 = tpu.vector_load_idx %arg11[%broadcast_in_dim3A_223, %iota3A, %broadcast_in_dim3A_723] : memref<2x16x513xf32, #tpu.memory_space<vmem>>[vector<16xi32>, vector<16xi32>, vector<16xi32>], vector<16xf32>,
      %add3A_726 = arith.addi %mul3A_3, %gather3A : vector<16xi32>
      %gather3A_727 = tpu.vector_load_idx %arg12[%add3A_726] : memref<2048xi32, #tpu.memory_space<vmem>>[vector<16xi32>], vector<16xi32>,
      %add3A_728 = arith.constant 1 : i32
      %add3A_729 = vector.broadcast %add3A_728 : i32 to vector<16xi32>
      %add3A_730 = arith.addi %gather3A_727, %add3A_729 : vector<16xi32>
      tpu.vector_store_idx %arg12[%add3A_726], %add3A_730 : memref<2048xi32, #tpu.memory_space<vmem>>[vector<16xi32>], vector<16xi32>,
      %gather3A_731 = tpu.vector_load_idx %arg13[%gather3A] : memref<128xf32, #tpu.memory_space<vmem>>[vector<16xi32>], vector<16xf32>,
      %convert_element_type3A = arith.sitofp %gather3A_727 : vector<16xi32> to vector<16xf32>
      %add3A_732 = arith.constant 5.000000e-01 : f32
      %add3A_733 = vector.broadcast %add3A_732 : f32 to vector<16xf32>
      %add3A_734 = arith.addf %convert_element_type3A, %add3A_733 : vector<16xf32>
      %mul3A_735 = arith.mulf %add3A_734, %gather3A_731 : vector<16xf32>
      %convert_element_type3A_736 = arith.fptosi %mul3A_735 : vector<16xf32> to vector<16xi32>
      %gt3A = arith.constant 0.000000e+00 : f32
      %gt3A_737 = vector.broadcast %gt3A : f32 to vector<16xf32>
      %gt3A_738 = arith.cmpf ogt, %gather3A_731, %gt3A_737 : vector<16xf32>
      %lt3A = arith.constant 15 : i32
      %lt3A_739 = vector.broadcast %lt3A : i32 to vector<16xi32>
      %lt3A_740 = arith.cmpi slt, %convert_element_type3A_736, %lt3A_739 : vector<16xi32>
      %and3A = arith.andi %gt3A_738, %lt3A_740 : vector<16xi1>
      %mul3A_741 = arith.constant 15 : i32
      %mul3A_742 = vector.broadcast %mul3A_741 : i32 to vector<16xi32>
      %mul3A_743 = arith.muli %gather3A, %mul3A_742 : vector<16xi32>
      %add3A_744 = arith.addi %mul3A_6, %mul3A_743 : vector<16xi32>
      %add3A_745 = arith.addi %add3A_744, %convert_element_type3A_736 : vector<16xi32>
      tpu.vector_store_idx %arg14[%add3A_745], %gather3A_724 masked %and3A {add = true} : memref<24064xf32, #tpu.memory_space<vmem>>[vector<16xi32>], vector<16xf32>, vector<16xi1>
      tpu.vector_store_idx %arg15[%add3A_745], %gather3A_725 masked %and3A {add = true} : memref<24064xf32, #tpu.memory_space<vmem>>[vector<16xi32>], vector<16xf32>, vector<16xi1>
      %mul3A_746 = arith.constant 4 : i32
      %mul3A_747 = arith.muli %scan3A_718, %mul3A_746 : i32
      %add3A_748 = arith.constant 1 : i32
      %add3A_749 = arith.addi %mul3A_747, %add3A_748 : i32
      %broadcast_in_dim3A_750 = vector.broadcast %add3A_749 : i32 to vector<16xi32>
      %gather3A_751 = tpu.vector_load_idx %arg9[%broadcast_in_dim3A_223, %iota3A, %broadcast_in_dim3A_750] : memref<2x16x513xi32, #tpu.memory_space<vmem>>[vector<16xi32>, vector<16xi32>, vector<16xi32>], vector<16xi32>,
      %gather3A_752 = tpu.vector_load_idx %arg10[%broadcast_in_dim3A_223, %iota3A, %broadcast_in_dim3A_750] : memref<2x16x513xf32, #tpu.memory_space<vmem>>[vector<16xi32>, vector<16xi32>, vector<16xi32>], vector<16xf32>,
      %gather3A_753 = tpu.vector_load_idx %arg11[%broadcast_in_dim3A_223, %iota3A, %broadcast_in_dim3A_750] : memref<2x16x513xf32, #tpu.memory_space<vmem>>[vector<16xi32>, vector<16xi32>, vector<16xi32>], vector<16xf32>,
      %add3A_754 = arith.addi %mul3A_3, %gather3A_751 : vector<16xi32>
      %gather3A_755 = tpu.vector_load_idx %arg12[%add3A_754] : memref<2048xi32, #tpu.memory_space<vmem>>[vector<16xi32>], vector<16xi32>,
      %add3A_756 = arith.constant 1 : i32
      %add3A_757 = vector.broadcast %add3A_756 : i32 to vector<16xi32>
      %add3A_758 = arith.addi %gather3A_755, %add3A_757 : vector<16xi32>
      tpu.vector_store_idx %arg12[%add3A_754], %add3A_758 : memref<2048xi32, #tpu.memory_space<vmem>>[vector<16xi32>], vector<16xi32>,
      %gather3A_759 = tpu.vector_load_idx %arg13[%gather3A_751] : memref<128xf32, #tpu.memory_space<vmem>>[vector<16xi32>], vector<16xf32>,
      %convert_element_type3A_760 = arith.sitofp %gather3A_755 : vector<16xi32> to vector<16xf32>
      %add3A_761 = arith.constant 5.000000e-01 : f32
      %add3A_762 = vector.broadcast %add3A_761 : f32 to vector<16xf32>
      %add3A_763 = arith.addf %convert_element_type3A_760, %add3A_762 : vector<16xf32>
      %mul3A_764 = arith.mulf %add3A_763, %gather3A_759 : vector<16xf32>
      %convert_element_type3A_765 = arith.fptosi %mul3A_764 : vector<16xf32> to vector<16xi32>
      %gt3A_766 = arith.constant 0.000000e+00 : f32
      %gt3A_767 = vector.broadcast %gt3A_766 : f32 to vector<16xf32>
      %gt3A_768 = arith.cmpf ogt, %gather3A_759, %gt3A_767 : vector<16xf32>
      %lt3A_769 = arith.constant 15 : i32
      %lt3A_770 = vector.broadcast %lt3A_769 : i32 to vector<16xi32>
      %lt3A_771 = arith.cmpi slt, %convert_element_type3A_765, %lt3A_770 : vector<16xi32>
      %and3A_772 = arith.andi %gt3A_768, %lt3A_771 : vector<16xi1>
      %mul3A_773 = arith.constant 15 : i32
      %mul3A_774 = vector.broadcast %mul3A_773 : i32 to vector<16xi32>
      %mul3A_775 = arith.muli %gather3A_751, %mul3A_774 : vector<16xi32>
      %add3A_776 = arith.addi %mul3A_6, %mul3A_775 : vector<16xi32>
      %add3A_777 = arith.addi %add3A_776, %convert_element_type3A_765 : vector<16xi32>
      tpu.vector_store_idx %arg14[%add3A_777], %gather3A_752 masked %and3A_772 {add = true} : memref<24064xf32, #tpu.memory_space<vmem>>[vector<16xi32>], vector<16xf32>, vector<16xi1>
      tpu.vector_store_idx %arg15[%add3A_777], %gather3A_753 masked %and3A_772 {add = true} : memref<24064xf32, #tpu.memory_space<vmem>>[vector<16xi32>], vector<16xf32>, vector<16xi1>
      %mul3A_778 = arith.constant 4 : i32
      %mul3A_779 = arith.muli %scan3A_718, %mul3A_778 : i32
      %add3A_780 = arith.constant 2 : i32
      %add3A_781 = arith.addi %mul3A_779, %add3A_780 : i32
      %broadcast_in_dim3A_782 = vector.broadcast %add3A_781 : i32 to vector<16xi32>
      %gather3A_783 = tpu.vector_load_idx %arg9[%broadcast_in_dim3A_223, %iota3A, %broadcast_in_dim3A_782] : memref<2x16x513xi32, #tpu.memory_space<vmem>>[vector<16xi32>, vector<16xi32>, vector<16xi32>], vector<16xi32>,
      %gather3A_784 = tpu.vector_load_idx %arg10[%broadcast_in_dim3A_223, %iota3A, %broadcast_in_dim3A_782] : memref<2x16x513xf32, #tpu.memory_space<vmem>>[vector<16xi32>, vector<16xi32>, vector<16xi32>], vector<16xf32>,
      %gather3A_785 = tpu.vector_load_idx %arg11[%broadcast_in_dim3A_223, %iota3A, %broadcast_in_dim3A_782] : memref<2x16x513xf32, #tpu.memory_space<vmem>>[vector<16xi32>, vector<16xi32>, vector<16xi32>], vector<16xf32>,
      %add3A_786 = arith.addi %mul3A_3, %gather3A_783 : vector<16xi32>
      %gather3A_787 = tpu.vector_load_idx %arg12[%add3A_786] : memref<2048xi32, #tpu.memory_space<vmem>>[vector<16xi32>], vector<16xi32>,
      %add3A_788 = arith.constant 1 : i32
      %add3A_789 = vector.broadcast %add3A_788 : i32 to vector<16xi32>
      %add3A_790 = arith.addi %gather3A_787, %add3A_789 : vector<16xi32>
      tpu.vector_store_idx %arg12[%add3A_786], %add3A_790 : memref<2048xi32, #tpu.memory_space<vmem>>[vector<16xi32>], vector<16xi32>,
      %gather3A_791 = tpu.vector_load_idx %arg13[%gather3A_783] : memref<128xf32, #tpu.memory_space<vmem>>[vector<16xi32>], vector<16xf32>,
      %convert_element_type3A_792 = arith.sitofp %gather3A_787 : vector<16xi32> to vector<16xf32>
      %add3A_793 = arith.constant 5.000000e-01 : f32
      %add3A_794 = vector.broadcast %add3A_793 : f32 to vector<16xf32>
      %add3A_795 = arith.addf %convert_element_type3A_792, %add3A_794 : vector<16xf32>
      %mul3A_796 = arith.mulf %add3A_795, %gather3A_791 : vector<16xf32>
      %convert_element_type3A_797 = arith.fptosi %mul3A_796 : vector<16xf32> to vector<16xi32>
      %gt3A_798 = arith.constant 0.000000e+00 : f32
      %gt3A_799 = vector.broadcast %gt3A_798 : f32 to vector<16xf32>
      %gt3A_800 = arith.cmpf ogt, %gather3A_791, %gt3A_799 : vector<16xf32>
      %lt3A_801 = arith.constant 15 : i32
      %lt3A_802 = vector.broadcast %lt3A_801 : i32 to vector<16xi32>
      %lt3A_803 = arith.cmpi slt, %convert_element_type3A_797, %lt3A_802 : vector<16xi32>
      %and3A_804 = arith.andi %gt3A_800, %lt3A_803 : vector<16xi1>
      %mul3A_805 = arith.constant 15 : i32
      %mul3A_806 = vector.broadcast %mul3A_805 : i32 to vector<16xi32>
      %mul3A_807 = arith.muli %gather3A_783, %mul3A_806 : vector<16xi32>
      %add3A_808 = arith.addi %mul3A_6, %mul3A_807 : vector<16xi32>
      %add3A_809 = arith.addi %add3A_808, %convert_element_type3A_797 : vector<16xi32>
      tpu.vector_store_idx %arg14[%add3A_809], %gather3A_784 masked %and3A_804 {add = true} : memref<24064xf32, #tpu.memory_space<vmem>>[vector<16xi32>], vector<16xf32>, vector<16xi1>
      tpu.vector_store_idx %arg15[%add3A_809], %gather3A_785 masked %and3A_804 {add = true} : memref<24064xf32, #tpu.memory_space<vmem>>[vector<16xi32>], vector<16xf32>, vector<16xi1>
      %mul3A_810 = arith.constant 4 : i32
      %mul3A_811 = arith.muli %scan3A_718, %mul3A_810 : i32
      %add3A_812 = arith.constant 3 : i32
      %add3A_813 = arith.addi %mul3A_811, %add3A_812 : i32
      %broadcast_in_dim3A_814 = vector.broadcast %add3A_813 : i32 to vector<16xi32>
      %gather3A_815 = tpu.vector_load_idx %arg9[%broadcast_in_dim3A_223, %iota3A, %broadcast_in_dim3A_814] : memref<2x16x513xi32, #tpu.memory_space<vmem>>[vector<16xi32>, vector<16xi32>, vector<16xi32>], vector<16xi32>,
      %gather3A_816 = tpu.vector_load_idx %arg10[%broadcast_in_dim3A_223, %iota3A, %broadcast_in_dim3A_814] : memref<2x16x513xf32, #tpu.memory_space<vmem>>[vector<16xi32>, vector<16xi32>, vector<16xi32>], vector<16xf32>,
      %gather3A_817 = tpu.vector_load_idx %arg11[%broadcast_in_dim3A_223, %iota3A, %broadcast_in_dim3A_814] : memref<2x16x513xf32, #tpu.memory_space<vmem>>[vector<16xi32>, vector<16xi32>, vector<16xi32>], vector<16xf32>,
      %add3A_818 = arith.addi %mul3A_3, %gather3A_815 : vector<16xi32>
      %gather3A_819 = tpu.vector_load_idx %arg12[%add3A_818] : memref<2048xi32, #tpu.memory_space<vmem>>[vector<16xi32>], vector<16xi32>,
      %add3A_820 = arith.constant 1 : i32
      %add3A_821 = vector.broadcast %add3A_820 : i32 to vector<16xi32>
      %add3A_822 = arith.addi %gather3A_819, %add3A_821 : vector<16xi32>
      tpu.vector_store_idx %arg12[%add3A_818], %add3A_822 : memref<2048xi32, #tpu.memory_space<vmem>>[vector<16xi32>], vector<16xi32>,
      %gather3A_823 = tpu.vector_load_idx %arg13[%gather3A_815] : memref<128xf32, #tpu.memory_space<vmem>>[vector<16xi32>], vector<16xf32>,
      %convert_element_type3A_824 = arith.sitofp %gather3A_819 : vector<16xi32> to vector<16xf32>
      %add3A_825 = arith.constant 5.000000e-01 : f32
      %add3A_826 = vector.broadcast %add3A_825 : f32 to vector<16xf32>
      %add3A_827 = arith.addf %convert_element_type3A_824, %add3A_826 : vector<16xf32>
      %mul3A_828 = arith.mulf %add3A_827, %gather3A_823 : vector<16xf32>
      %convert_element_type3A_829 = arith.fptosi %mul3A_828 : vector<16xf32> to vector<16xi32>
      %gt3A_830 = arith.constant 0.000000e+00 : f32
      %gt3A_831 = vector.broadcast %gt3A_830 : f32 to vector<16xf32>
      %gt3A_832 = arith.cmpf ogt, %gather3A_823, %gt3A_831 : vector<16xf32>
      %lt3A_833 = arith.constant 15 : i32
      %lt3A_834 = vector.broadcast %lt3A_833 : i32 to vector<16xi32>
      %lt3A_835 = arith.cmpi slt, %convert_element_type3A_829, %lt3A_834 : vector<16xi32>
      %and3A_836 = arith.andi %gt3A_832, %lt3A_835 : vector<16xi1>
      %mul3A_837 = arith.constant 15 : i32
      %mul3A_838 = vector.broadcast %mul3A_837 : i32 to vector<16xi32>
      %mul3A_839 = arith.muli %gather3A_815, %mul3A_838 : vector<16xi32>
      %add3A_840 = arith.addi %mul3A_6, %mul3A_839 : vector<16xi32>
      %add3A_841 = arith.addi %add3A_840, %convert_element_type3A_829 : vector<16xi32>
      tpu.vector_store_idx %arg14[%add3A_841], %gather3A_816 masked %and3A_836 {add = true} : memref<24064xf32, #tpu.memory_space<vmem>>[vector<16xi32>], vector<16xf32>, vector<16xi1>
      tpu.vector_store_idx %arg15[%add3A_841], %gather3A_817 masked %and3A_836 {add = true} : memref<24064xf32, #tpu.memory_space<vmem>>[vector<16xi32>], vector<16xf32>, vector<16xi1>
    }
    %scan3A_228 = arith.constant 128 : i32
    %dma_wait3A_229 = arith.constant 0 : i32
    %dma_wait3A_230 = arith.constant 0 : i32
    %dma_wait3A_231 = arith.constant 0 : i32
    %dma_wait3A_232 = tpu.memref_slice %arg9[%dma_wait3A_229, %dma_wait3A_230, %dma_wait3A_231] : memref<2x16x513xi32, #tpu.memory_space<vmem>> -> memref<1x16x512xi32, #tpu.memory_space<vmem>>
    %dma_wait3A_233 = tpu.memref_squeeze %dma_wait3A_232 : memref<1x16x512xi32, #tpu.memory_space<vmem>> -> memref<16x512xi32, #tpu.memory_space<vmem>>
    %dma_wait3A_234 = arith.constant 1024 : i32
    %dma_wait3A_235 = tpu.memref_slice %arg2[%mul3A_182, %dma_wait3A_234] : memref<512x4096xi32, #tpu.memory_space<hbm>> -> memref<16x512xi32, #tpu.memory_space<hbm>>
    %dma_wait3A_236 = arith.constant 0 : i32
    %dma_wait3A_237 = arith.constant 0 : i32
    %dma_wait3A_238 = tpu.memref_slice %arg9[%dma_wait3A_229, %dma_wait3A_236, %dma_wait3A_237] : memref<2x16x513xi32, #tpu.memory_space<vmem>> -> memref<1x16x512xi32, #tpu.memory_space<vmem>>
    %dma_wait3A_239 = tpu.memref_squeeze %dma_wait3A_238 : memref<1x16x512xi32, #tpu.memory_space<vmem>> -> memref<16x512xi32, #tpu.memory_space<vmem>>
    %dma_wait3A_240 = arith.constant 1024 : i32
    %dma_wait3A_241 = tpu.memref_slice %arg2[%mul3A_182, %dma_wait3A_240] : memref<512x4096xi32, #tpu.memory_space<hbm>> -> memref<16x512xi32, #tpu.memory_space<hbm>>
    tpu.wait_dma2 semaphore(%arg16 : memref<!tpu.dma_semaphore, #tpu.memory_space<semaphore_mem>>) src(%dma_wait3A_241 : memref<16x512xi32, #tpu.memory_space<hbm>>) dst(%dma_wait3A_239 : memref<16x512xi32, #tpu.memory_space<vmem>>)
    %dma_wait3A_242 = arith.constant 0 : i32
    %dma_wait3A_243 = arith.constant 0 : i32
    %dma_wait3A_244 = arith.constant 0 : i32
    %dma_wait3A_245 = tpu.memref_slice %arg10[%dma_wait3A_242, %dma_wait3A_243, %dma_wait3A_244] : memref<2x16x513xf32, #tpu.memory_space<vmem>> -> memref<1x16x512xf32, #tpu.memory_space<vmem>>
    %dma_wait3A_246 = tpu.memref_squeeze %dma_wait3A_245 : memref<1x16x512xf32, #tpu.memory_space<vmem>> -> memref<16x512xf32, #tpu.memory_space<vmem>>
    %dma_wait3A_247 = arith.constant 1024 : i32
    %dma_wait3A_248 = tpu.memref_slice %arg3[%mul3A_182, %dma_wait3A_247] : memref<512x4096xf32, #tpu.memory_space<hbm>> -> memref<16x512xf32, #tpu.memory_space<hbm>>
    %dma_wait3A_249 = arith.constant 0 : i32
    %dma_wait3A_250 = arith.constant 0 : i32
    %dma_wait3A_251 = tpu.memref_slice %arg10[%dma_wait3A_242, %dma_wait3A_249, %dma_wait3A_250] : memref<2x16x513xf32, #tpu.memory_space<vmem>> -> memref<1x16x512xf32, #tpu.memory_space<vmem>>
    %dma_wait3A_252 = tpu.memref_squeeze %dma_wait3A_251 : memref<1x16x512xf32, #tpu.memory_space<vmem>> -> memref<16x512xf32, #tpu.memory_space<vmem>>
    %dma_wait3A_253 = arith.constant 1024 : i32
    %dma_wait3A_254 = tpu.memref_slice %arg3[%mul3A_182, %dma_wait3A_253] : memref<512x4096xf32, #tpu.memory_space<hbm>> -> memref<16x512xf32, #tpu.memory_space<hbm>>
    tpu.wait_dma2 semaphore(%arg16 : memref<!tpu.dma_semaphore, #tpu.memory_space<semaphore_mem>>) src(%dma_wait3A_254 : memref<16x512xf32, #tpu.memory_space<hbm>>) dst(%dma_wait3A_252 : memref<16x512xf32, #tpu.memory_space<vmem>>)
    %dma_wait3A_255 = arith.constant 0 : i32
    %dma_wait3A_256 = arith.constant 0 : i32
    %dma_wait3A_257 = arith.constant 0 : i32
    %dma_wait3A_258 = tpu.memref_slice %arg11[%dma_wait3A_255, %dma_wait3A_256, %dma_wait3A_257] : memref<2x16x513xf32, #tpu.memory_space<vmem>> -> memref<1x16x512xf32, #tpu.memory_space<vmem>>
    %dma_wait3A_259 = tpu.memref_squeeze %dma_wait3A_258 : memref<1x16x512xf32, #tpu.memory_space<vmem>> -> memref<16x512xf32, #tpu.memory_space<vmem>>
    %dma_wait3A_260 = arith.constant 1024 : i32
    %dma_wait3A_261 = tpu.memref_slice %arg4[%mul3A_182, %dma_wait3A_260] : memref<512x4096xf32, #tpu.memory_space<hbm>> -> memref<16x512xf32, #tpu.memory_space<hbm>>
    %dma_wait3A_262 = arith.constant 0 : i32
    %dma_wait3A_263 = arith.constant 0 : i32
    %dma_wait3A_264 = tpu.memref_slice %arg11[%dma_wait3A_255, %dma_wait3A_262, %dma_wait3A_263] : memref<2x16x513xf32, #tpu.memory_space<vmem>> -> memref<1x16x512xf32, #tpu.memory_space<vmem>>
    %dma_wait3A_265 = tpu.memref_squeeze %dma_wait3A_264 : memref<1x16x512xf32, #tpu.memory_space<vmem>> -> memref<16x512xf32, #tpu.memory_space<vmem>>
    %dma_wait3A_266 = arith.constant 1024 : i32
    %dma_wait3A_267 = tpu.memref_slice %arg4[%mul3A_182, %dma_wait3A_266] : memref<512x4096xf32, #tpu.memory_space<hbm>> -> memref<16x512xf32, #tpu.memory_space<hbm>>
    tpu.wait_dma2 semaphore(%arg16 : memref<!tpu.dma_semaphore, #tpu.memory_space<semaphore_mem>>) src(%dma_wait3A_267 : memref<16x512xf32, #tpu.memory_space<hbm>>) dst(%dma_wait3A_265 : memref<16x512xf32, #tpu.memory_space<vmem>>)
    %mul3A_268 = arith.constant 16 : i32
    %mul3A_269 = arith.muli %add3A, %mul3A_268 : i32
    %dma_start3A_270 = arith.constant 1 : i32
    %dma_start3A_271 = arith.constant 0 : i32
    %dma_start3A_272 = arith.constant 0 : i32
    %dma_start3A_273 = tpu.memref_slice %arg9[%dma_start3A_270, %dma_start3A_271, %dma_start3A_272] : memref<2x16x513xi32, #tpu.memory_space<vmem>> -> memref<1x16x512xi32, #tpu.memory_space<vmem>>
    %dma_start3A_274 = tpu.memref_squeeze %dma_start3A_273 : memref<1x16x512xi32, #tpu.memory_space<vmem>> -> memref<16x512xi32, #tpu.memory_space<vmem>>
    %dma_start3A_275 = arith.constant 1536 : i32
    %dma_start3A_276 = tpu.memref_slice %arg2[%mul3A_269, %dma_start3A_275] : memref<512x4096xi32, #tpu.memory_space<hbm>> -> memref<16x512xi32, #tpu.memory_space<hbm>>
    %dma_start3A_277 = arith.constant 0 : i32
    %dma_start3A_278 = arith.constant 0 : i32
    %dma_start3A_279 = tpu.memref_slice %arg9[%dma_start3A_270, %dma_start3A_277, %dma_start3A_278] : memref<2x16x513xi32, #tpu.memory_space<vmem>> -> memref<1x16x512xi32, #tpu.memory_space<vmem>>
    %dma_start3A_280 = tpu.memref_squeeze %dma_start3A_279 : memref<1x16x512xi32, #tpu.memory_space<vmem>> -> memref<16x512xi32, #tpu.memory_space<vmem>>
    %dma_start3A_281 = arith.constant 1536 : i32
    %dma_start3A_282 = tpu.memref_slice %arg2[%mul3A_269, %dma_start3A_281] : memref<512x4096xi32, #tpu.memory_space<hbm>> -> memref<16x512xi32, #tpu.memory_space<hbm>>
    tpu.enqueue_dma source(%dma_start3A_282 : memref<16x512xi32, #tpu.memory_space<hbm>>) target(%dma_start3A_280 : memref<16x512xi32, #tpu.memory_space<vmem>>) target_semaphore(%arg16 : memref<!tpu.dma_semaphore, #tpu.memory_space<semaphore_mem>>)
    %dma_start3A_283 = arith.constant 1 : i32
    %dma_start3A_284 = arith.constant 0 : i32
    %dma_start3A_285 = arith.constant 0 : i32
    %dma_start3A_286 = tpu.memref_slice %arg10[%dma_start3A_283, %dma_start3A_284, %dma_start3A_285] : memref<2x16x513xf32, #tpu.memory_space<vmem>> -> memref<1x16x512xf32, #tpu.memory_space<vmem>>
    %dma_start3A_287 = tpu.memref_squeeze %dma_start3A_286 : memref<1x16x512xf32, #tpu.memory_space<vmem>> -> memref<16x512xf32, #tpu.memory_space<vmem>>
    %dma_start3A_288 = arith.constant 1536 : i32
    %dma_start3A_289 = tpu.memref_slice %arg3[%mul3A_269, %dma_start3A_288] : memref<512x4096xf32, #tpu.memory_space<hbm>> -> memref<16x512xf32, #tpu.memory_space<hbm>>
    %dma_start3A_290 = arith.constant 0 : i32
    %dma_start3A_291 = arith.constant 0 : i32
    %dma_start3A_292 = tpu.memref_slice %arg10[%dma_start3A_283, %dma_start3A_290, %dma_start3A_291] : memref<2x16x513xf32, #tpu.memory_space<vmem>> -> memref<1x16x512xf32, #tpu.memory_space<vmem>>
    %dma_start3A_293 = tpu.memref_squeeze %dma_start3A_292 : memref<1x16x512xf32, #tpu.memory_space<vmem>> -> memref<16x512xf32, #tpu.memory_space<vmem>>
    %dma_start3A_294 = arith.constant 1536 : i32
    %dma_start3A_295 = tpu.memref_slice %arg3[%mul3A_269, %dma_start3A_294] : memref<512x4096xf32, #tpu.memory_space<hbm>> -> memref<16x512xf32, #tpu.memory_space<hbm>>
    tpu.enqueue_dma source(%dma_start3A_295 : memref<16x512xf32, #tpu.memory_space<hbm>>) target(%dma_start3A_293 : memref<16x512xf32, #tpu.memory_space<vmem>>) target_semaphore(%arg16 : memref<!tpu.dma_semaphore, #tpu.memory_space<semaphore_mem>>)
    %dma_start3A_296 = arith.constant 1 : i32
    %dma_start3A_297 = arith.constant 0 : i32
    %dma_start3A_298 = arith.constant 0 : i32
    %dma_start3A_299 = tpu.memref_slice %arg11[%dma_start3A_296, %dma_start3A_297, %dma_start3A_298] : memref<2x16x513xf32, #tpu.memory_space<vmem>> -> memref<1x16x512xf32, #tpu.memory_space<vmem>>
    %dma_start3A_300 = tpu.memref_squeeze %dma_start3A_299 : memref<1x16x512xf32, #tpu.memory_space<vmem>> -> memref<16x512xf32, #tpu.memory_space<vmem>>
    %dma_start3A_301 = arith.constant 1536 : i32
    %dma_start3A_302 = tpu.memref_slice %arg4[%mul3A_269, %dma_start3A_301] : memref<512x4096xf32, #tpu.memory_space<hbm>> -> memref<16x512xf32, #tpu.memory_space<hbm>>
    %dma_start3A_303 = arith.constant 0 : i32
    %dma_start3A_304 = arith.constant 0 : i32
    %dma_start3A_305 = tpu.memref_slice %arg11[%dma_start3A_296, %dma_start3A_303, %dma_start3A_304] : memref<2x16x513xf32, #tpu.memory_space<vmem>> -> memref<1x16x512xf32, #tpu.memory_space<vmem>>
    %dma_start3A_306 = tpu.memref_squeeze %dma_start3A_305 : memref<1x16x512xf32, #tpu.memory_space<vmem>> -> memref<16x512xf32, #tpu.memory_space<vmem>>
    %dma_start3A_307 = arith.constant 1536 : i32
    %dma_start3A_308 = tpu.memref_slice %arg4[%mul3A_269, %dma_start3A_307] : memref<512x4096xf32, #tpu.memory_space<hbm>> -> memref<16x512xf32, #tpu.memory_space<hbm>>
    tpu.enqueue_dma source(%dma_start3A_308 : memref<16x512xf32, #tpu.memory_space<hbm>>) target(%dma_start3A_306 : memref<16x512xf32, #tpu.memory_space<vmem>>) target_semaphore(%arg16 : memref<!tpu.dma_semaphore, #tpu.memory_space<semaphore_mem>>)
    %broadcast_in_dim3A_309 = arith.constant 0 : i32
    %broadcast_in_dim3A_310 = vector.broadcast %broadcast_in_dim3A_309 : i32 to vector<16xi32>
    %scan3A_311 = arith.constant 0 : i32
    %scan3A_312 = arith.constant 128 : i32
    %scan3A_313 = arith.addi %scan3A_311, %scan3A_312 : i32
    %scan3A_314 = arith.constant 1 : i32
    scf.for %scan3A_718 = %scan3A_311 to %scan3A_313 step %scan3A_314  : i32 {
      %mul3A_719 = arith.constant 4 : i32
      %mul3A_720 = arith.muli %scan3A_718, %mul3A_719 : i32
      %add3A_721 = arith.constant 0 : i32
      %add3A_722 = arith.addi %mul3A_720, %add3A_721 : i32
      %broadcast_in_dim3A_723 = vector.broadcast %add3A_722 : i32 to vector<16xi32>
      %gather3A = tpu.vector_load_idx %arg9[%broadcast_in_dim3A_310, %iota3A, %broadcast_in_dim3A_723] : memref<2x16x513xi32, #tpu.memory_space<vmem>>[vector<16xi32>, vector<16xi32>, vector<16xi32>], vector<16xi32>,
      %gather3A_724 = tpu.vector_load_idx %arg10[%broadcast_in_dim3A_310, %iota3A, %broadcast_in_dim3A_723] : memref<2x16x513xf32, #tpu.memory_space<vmem>>[vector<16xi32>, vector<16xi32>, vector<16xi32>], vector<16xf32>,
      %gather3A_725 = tpu.vector_load_idx %arg11[%broadcast_in_dim3A_310, %iota3A, %broadcast_in_dim3A_723] : memref<2x16x513xf32, #tpu.memory_space<vmem>>[vector<16xi32>, vector<16xi32>, vector<16xi32>], vector<16xf32>,
      %add3A_726 = arith.addi %mul3A_3, %gather3A : vector<16xi32>
      %gather3A_727 = tpu.vector_load_idx %arg12[%add3A_726] : memref<2048xi32, #tpu.memory_space<vmem>>[vector<16xi32>], vector<16xi32>,
      %add3A_728 = arith.constant 1 : i32
      %add3A_729 = vector.broadcast %add3A_728 : i32 to vector<16xi32>
      %add3A_730 = arith.addi %gather3A_727, %add3A_729 : vector<16xi32>
      tpu.vector_store_idx %arg12[%add3A_726], %add3A_730 : memref<2048xi32, #tpu.memory_space<vmem>>[vector<16xi32>], vector<16xi32>,
      %gather3A_731 = tpu.vector_load_idx %arg13[%gather3A] : memref<128xf32, #tpu.memory_space<vmem>>[vector<16xi32>], vector<16xf32>,
      %convert_element_type3A = arith.sitofp %gather3A_727 : vector<16xi32> to vector<16xf32>
      %add3A_732 = arith.constant 5.000000e-01 : f32
      %add3A_733 = vector.broadcast %add3A_732 : f32 to vector<16xf32>
      %add3A_734 = arith.addf %convert_element_type3A, %add3A_733 : vector<16xf32>
      %mul3A_735 = arith.mulf %add3A_734, %gather3A_731 : vector<16xf32>
      %convert_element_type3A_736 = arith.fptosi %mul3A_735 : vector<16xf32> to vector<16xi32>
      %gt3A = arith.constant 0.000000e+00 : f32
      %gt3A_737 = vector.broadcast %gt3A : f32 to vector<16xf32>
      %gt3A_738 = arith.cmpf ogt, %gather3A_731, %gt3A_737 : vector<16xf32>
      %lt3A = arith.constant 15 : i32
      %lt3A_739 = vector.broadcast %lt3A : i32 to vector<16xi32>
      %lt3A_740 = arith.cmpi slt, %convert_element_type3A_736, %lt3A_739 : vector<16xi32>
      %and3A = arith.andi %gt3A_738, %lt3A_740 : vector<16xi1>
      %mul3A_741 = arith.constant 15 : i32
      %mul3A_742 = vector.broadcast %mul3A_741 : i32 to vector<16xi32>
      %mul3A_743 = arith.muli %gather3A, %mul3A_742 : vector<16xi32>
      %add3A_744 = arith.addi %mul3A_6, %mul3A_743 : vector<16xi32>
      %add3A_745 = arith.addi %add3A_744, %convert_element_type3A_736 : vector<16xi32>
      tpu.vector_store_idx %arg14[%add3A_745], %gather3A_724 masked %and3A {add = true} : memref<24064xf32, #tpu.memory_space<vmem>>[vector<16xi32>], vector<16xf32>, vector<16xi1>
      tpu.vector_store_idx %arg15[%add3A_745], %gather3A_725 masked %and3A {add = true} : memref<24064xf32, #tpu.memory_space<vmem>>[vector<16xi32>], vector<16xf32>, vector<16xi1>
      %mul3A_746 = arith.constant 4 : i32
      %mul3A_747 = arith.muli %scan3A_718, %mul3A_746 : i32
      %add3A_748 = arith.constant 1 : i32
      %add3A_749 = arith.addi %mul3A_747, %add3A_748 : i32
      %broadcast_in_dim3A_750 = vector.broadcast %add3A_749 : i32 to vector<16xi32>
      %gather3A_751 = tpu.vector_load_idx %arg9[%broadcast_in_dim3A_310, %iota3A, %broadcast_in_dim3A_750] : memref<2x16x513xi32, #tpu.memory_space<vmem>>[vector<16xi32>, vector<16xi32>, vector<16xi32>], vector<16xi32>,
      %gather3A_752 = tpu.vector_load_idx %arg10[%broadcast_in_dim3A_310, %iota3A, %broadcast_in_dim3A_750] : memref<2x16x513xf32, #tpu.memory_space<vmem>>[vector<16xi32>, vector<16xi32>, vector<16xi32>], vector<16xf32>,
      %gather3A_753 = tpu.vector_load_idx %arg11[%broadcast_in_dim3A_310, %iota3A, %broadcast_in_dim3A_750] : memref<2x16x513xf32, #tpu.memory_space<vmem>>[vector<16xi32>, vector<16xi32>, vector<16xi32>], vector<16xf32>,
      %add3A_754 = arith.addi %mul3A_3, %gather3A_751 : vector<16xi32>
      %gather3A_755 = tpu.vector_load_idx %arg12[%add3A_754] : memref<2048xi32, #tpu.memory_space<vmem>>[vector<16xi32>], vector<16xi32>,
      %add3A_756 = arith.constant 1 : i32
      %add3A_757 = vector.broadcast %add3A_756 : i32 to vector<16xi32>
      %add3A_758 = arith.addi %gather3A_755, %add3A_757 : vector<16xi32>
      tpu.vector_store_idx %arg12[%add3A_754], %add3A_758 : memref<2048xi32, #tpu.memory_space<vmem>>[vector<16xi32>], vector<16xi32>,
      %gather3A_759 = tpu.vector_load_idx %arg13[%gather3A_751] : memref<128xf32, #tpu.memory_space<vmem>>[vector<16xi32>], vector<16xf32>,
      %convert_element_type3A_760 = arith.sitofp %gather3A_755 : vector<16xi32> to vector<16xf32>
      %add3A_761 = arith.constant 5.000000e-01 : f32
      %add3A_762 = vector.broadcast %add3A_761 : f32 to vector<16xf32>
      %add3A_763 = arith.addf %convert_element_type3A_760, %add3A_762 : vector<16xf32>
      %mul3A_764 = arith.mulf %add3A_763, %gather3A_759 : vector<16xf32>
      %convert_element_type3A_765 = arith.fptosi %mul3A_764 : vector<16xf32> to vector<16xi32>
      %gt3A_766 = arith.constant 0.000000e+00 : f32
      %gt3A_767 = vector.broadcast %gt3A_766 : f32 to vector<16xf32>
      %gt3A_768 = arith.cmpf ogt, %gather3A_759, %gt3A_767 : vector<16xf32>
      %lt3A_769 = arith.constant 15 : i32
      %lt3A_770 = vector.broadcast %lt3A_769 : i32 to vector<16xi32>
      %lt3A_771 = arith.cmpi slt, %convert_element_type3A_765, %lt3A_770 : vector<16xi32>
      %and3A_772 = arith.andi %gt3A_768, %lt3A_771 : vector<16xi1>
      %mul3A_773 = arith.constant 15 : i32
      %mul3A_774 = vector.broadcast %mul3A_773 : i32 to vector<16xi32>
      %mul3A_775 = arith.muli %gather3A_751, %mul3A_774 : vector<16xi32>
      %add3A_776 = arith.addi %mul3A_6, %mul3A_775 : vector<16xi32>
      %add3A_777 = arith.addi %add3A_776, %convert_element_type3A_765 : vector<16xi32>
      tpu.vector_store_idx %arg14[%add3A_777], %gather3A_752 masked %and3A_772 {add = true} : memref<24064xf32, #tpu.memory_space<vmem>>[vector<16xi32>], vector<16xf32>, vector<16xi1>
      tpu.vector_store_idx %arg15[%add3A_777], %gather3A_753 masked %and3A_772 {add = true} : memref<24064xf32, #tpu.memory_space<vmem>>[vector<16xi32>], vector<16xf32>, vector<16xi1>
      %mul3A_778 = arith.constant 4 : i32
      %mul3A_779 = arith.muli %scan3A_718, %mul3A_778 : i32
      %add3A_780 = arith.constant 2 : i32
      %add3A_781 = arith.addi %mul3A_779, %add3A_780 : i32
      %broadcast_in_dim3A_782 = vector.broadcast %add3A_781 : i32 to vector<16xi32>
      %gather3A_783 = tpu.vector_load_idx %arg9[%broadcast_in_dim3A_310, %iota3A, %broadcast_in_dim3A_782] : memref<2x16x513xi32, #tpu.memory_space<vmem>>[vector<16xi32>, vector<16xi32>, vector<16xi32>], vector<16xi32>,
      %gather3A_784 = tpu.vector_load_idx %arg10[%broadcast_in_dim3A_310, %iota3A, %broadcast_in_dim3A_782] : memref<2x16x513xf32, #tpu.memory_space<vmem>>[vector<16xi32>, vector<16xi32>, vector<16xi32>], vector<16xf32>,
      %gather3A_785 = tpu.vector_load_idx %arg11[%broadcast_in_dim3A_310, %iota3A, %broadcast_in_dim3A_782] : memref<2x16x513xf32, #tpu.memory_space<vmem>>[vector<16xi32>, vector<16xi32>, vector<16xi32>], vector<16xf32>,
      %add3A_786 = arith.addi %mul3A_3, %gather3A_783 : vector<16xi32>
      %gather3A_787 = tpu.vector_load_idx %arg12[%add3A_786] : memref<2048xi32, #tpu.memory_space<vmem>>[vector<16xi32>], vector<16xi32>,
      %add3A_788 = arith.constant 1 : i32
      %add3A_789 = vector.broadcast %add3A_788 : i32 to vector<16xi32>
      %add3A_790 = arith.addi %gather3A_787, %add3A_789 : vector<16xi32>
      tpu.vector_store_idx %arg12[%add3A_786], %add3A_790 : memref<2048xi32, #tpu.memory_space<vmem>>[vector<16xi32>], vector<16xi32>,
      %gather3A_791 = tpu.vector_load_idx %arg13[%gather3A_783] : memref<128xf32, #tpu.memory_space<vmem>>[vector<16xi32>], vector<16xf32>,
      %convert_element_type3A_792 = arith.sitofp %gather3A_787 : vector<16xi32> to vector<16xf32>
      %add3A_793 = arith.constant 5.000000e-01 : f32
      %add3A_794 = vector.broadcast %add3A_793 : f32 to vector<16xf32>
      %add3A_795 = arith.addf %convert_element_type3A_792, %add3A_794 : vector<16xf32>
      %mul3A_796 = arith.mulf %add3A_795, %gather3A_791 : vector<16xf32>
      %convert_element_type3A_797 = arith.fptosi %mul3A_796 : vector<16xf32> to vector<16xi32>
      %gt3A_798 = arith.constant 0.000000e+00 : f32
      %gt3A_799 = vector.broadcast %gt3A_798 : f32 to vector<16xf32>
      %gt3A_800 = arith.cmpf ogt, %gather3A_791, %gt3A_799 : vector<16xf32>
      %lt3A_801 = arith.constant 15 : i32
      %lt3A_802 = vector.broadcast %lt3A_801 : i32 to vector<16xi32>
      %lt3A_803 = arith.cmpi slt, %convert_element_type3A_797, %lt3A_802 : vector<16xi32>
      %and3A_804 = arith.andi %gt3A_800, %lt3A_803 : vector<16xi1>
      %mul3A_805 = arith.constant 15 : i32
      %mul3A_806 = vector.broadcast %mul3A_805 : i32 to vector<16xi32>
      %mul3A_807 = arith.muli %gather3A_783, %mul3A_806 : vector<16xi32>
      %add3A_808 = arith.addi %mul3A_6, %mul3A_807 : vector<16xi32>
      %add3A_809 = arith.addi %add3A_808, %convert_element_type3A_797 : vector<16xi32>
      tpu.vector_store_idx %arg14[%add3A_809], %gather3A_784 masked %and3A_804 {add = true} : memref<24064xf32, #tpu.memory_space<vmem>>[vector<16xi32>], vector<16xf32>, vector<16xi1>
      tpu.vector_store_idx %arg15[%add3A_809], %gather3A_785 masked %and3A_804 {add = true} : memref<24064xf32, #tpu.memory_space<vmem>>[vector<16xi32>], vector<16xf32>, vector<16xi1>
      %mul3A_810 = arith.constant 4 : i32
      %mul3A_811 = arith.muli %scan3A_718, %mul3A_810 : i32
      %add3A_812 = arith.constant 3 : i32
      %add3A_813 = arith.addi %mul3A_811, %add3A_812 : i32
      %broadcast_in_dim3A_814 = vector.broadcast %add3A_813 : i32 to vector<16xi32>
      %gather3A_815 = tpu.vector_load_idx %arg9[%broadcast_in_dim3A_310, %iota3A, %broadcast_in_dim3A_814] : memref<2x16x513xi32, #tpu.memory_space<vmem>>[vector<16xi32>, vector<16xi32>, vector<16xi32>], vector<16xi32>,
      %gather3A_816 = tpu.vector_load_idx %arg10[%broadcast_in_dim3A_310, %iota3A, %broadcast_in_dim3A_814] : memref<2x16x513xf32, #tpu.memory_space<vmem>>[vector<16xi32>, vector<16xi32>, vector<16xi32>], vector<16xf32>,
      %gather3A_817 = tpu.vector_load_idx %arg11[%broadcast_in_dim3A_310, %iota3A, %broadcast_in_dim3A_814] : memref<2x16x513xf32, #tpu.memory_space<vmem>>[vector<16xi32>, vector<16xi32>, vector<16xi32>], vector<16xf32>,
      %add3A_818 = arith.addi %mul3A_3, %gather3A_815 : vector<16xi32>
      %gather3A_819 = tpu.vector_load_idx %arg12[%add3A_818] : memref<2048xi32, #tpu.memory_space<vmem>>[vector<16xi32>], vector<16xi32>,
      %add3A_820 = arith.constant 1 : i32
      %add3A_821 = vector.broadcast %add3A_820 : i32 to vector<16xi32>
      %add3A_822 = arith.addi %gather3A_819, %add3A_821 : vector<16xi32>
      tpu.vector_store_idx %arg12[%add3A_818], %add3A_822 : memref<2048xi32, #tpu.memory_space<vmem>>[vector<16xi32>], vector<16xi32>,
      %gather3A_823 = tpu.vector_load_idx %arg13[%gather3A_815] : memref<128xf32, #tpu.memory_space<vmem>>[vector<16xi32>], vector<16xf32>,
      %convert_element_type3A_824 = arith.sitofp %gather3A_819 : vector<16xi32> to vector<16xf32>
      %add3A_825 = arith.constant 5.000000e-01 : f32
      %add3A_826 = vector.broadcast %add3A_825 : f32 to vector<16xf32>
      %add3A_827 = arith.addf %convert_element_type3A_824, %add3A_826 : vector<16xf32>
      %mul3A_828 = arith.mulf %add3A_827, %gather3A_823 : vector<16xf32>
      %convert_element_type3A_829 = arith.fptosi %mul3A_828 : vector<16xf32> to vector<16xi32>
      %gt3A_830 = arith.constant 0.000000e+00 : f32
      %gt3A_831 = vector.broadcast %gt3A_830 : f32 to vector<16xf32>
      %gt3A_832 = arith.cmpf ogt, %gather3A_823, %gt3A_831 : vector<16xf32>
      %lt3A_833 = arith.constant 15 : i32
      %lt3A_834 = vector.broadcast %lt3A_833 : i32 to vector<16xi32>
      %lt3A_835 = arith.cmpi slt, %convert_element_type3A_829, %lt3A_834 : vector<16xi32>
      %and3A_836 = arith.andi %gt3A_832, %lt3A_835 : vector<16xi1>
      %mul3A_837 = arith.constant 15 : i32
      %mul3A_838 = vector.broadcast %mul3A_837 : i32 to vector<16xi32>
      %mul3A_839 = arith.muli %gather3A_815, %mul3A_838 : vector<16xi32>
      %add3A_840 = arith.addi %mul3A_6, %mul3A_839 : vector<16xi32>
      %add3A_841 = arith.addi %add3A_840, %convert_element_type3A_829 : vector<16xi32>
      tpu.vector_store_idx %arg14[%add3A_841], %gather3A_816 masked %and3A_836 {add = true} : memref<24064xf32, #tpu.memory_space<vmem>>[vector<16xi32>], vector<16xf32>, vector<16xi1>
      tpu.vector_store_idx %arg15[%add3A_841], %gather3A_817 masked %and3A_836 {add = true} : memref<24064xf32, #tpu.memory_space<vmem>>[vector<16xi32>], vector<16xf32>, vector<16xi1>
    }
    %scan3A_315 = arith.constant 128 : i32
    %dma_wait3A_316 = arith.constant 1 : i32
    %dma_wait3A_317 = arith.constant 0 : i32
    %dma_wait3A_318 = arith.constant 0 : i32
    %dma_wait3A_319 = tpu.memref_slice %arg9[%dma_wait3A_316, %dma_wait3A_317, %dma_wait3A_318] : memref<2x16x513xi32, #tpu.memory_space<vmem>> -> memref<1x16x512xi32, #tpu.memory_space<vmem>>
    %dma_wait3A_320 = tpu.memref_squeeze %dma_wait3A_319 : memref<1x16x512xi32, #tpu.memory_space<vmem>> -> memref<16x512xi32, #tpu.memory_space<vmem>>
    %dma_wait3A_321 = arith.constant 1536 : i32
    %dma_wait3A_322 = tpu.memref_slice %arg2[%mul3A_269, %dma_wait3A_321] : memref<512x4096xi32, #tpu.memory_space<hbm>> -> memref<16x512xi32, #tpu.memory_space<hbm>>
    %dma_wait3A_323 = arith.constant 0 : i32
    %dma_wait3A_324 = arith.constant 0 : i32
    %dma_wait3A_325 = tpu.memref_slice %arg9[%dma_wait3A_316, %dma_wait3A_323, %dma_wait3A_324] : memref<2x16x513xi32, #tpu.memory_space<vmem>> -> memref<1x16x512xi32, #tpu.memory_space<vmem>>
    %dma_wait3A_326 = tpu.memref_squeeze %dma_wait3A_325 : memref<1x16x512xi32, #tpu.memory_space<vmem>> -> memref<16x512xi32, #tpu.memory_space<vmem>>
    %dma_wait3A_327 = arith.constant 1536 : i32
    %dma_wait3A_328 = tpu.memref_slice %arg2[%mul3A_269, %dma_wait3A_327] : memref<512x4096xi32, #tpu.memory_space<hbm>> -> memref<16x512xi32, #tpu.memory_space<hbm>>
    tpu.wait_dma2 semaphore(%arg16 : memref<!tpu.dma_semaphore, #tpu.memory_space<semaphore_mem>>) src(%dma_wait3A_328 : memref<16x512xi32, #tpu.memory_space<hbm>>) dst(%dma_wait3A_326 : memref<16x512xi32, #tpu.memory_space<vmem>>)
    %dma_wait3A_329 = arith.constant 1 : i32
    %dma_wait3A_330 = arith.constant 0 : i32
    %dma_wait3A_331 = arith.constant 0 : i32
    %dma_wait3A_332 = tpu.memref_slice %arg10[%dma_wait3A_329, %dma_wait3A_330, %dma_wait3A_331] : memref<2x16x513xf32, #tpu.memory_space<vmem>> -> memref<1x16x512xf32, #tpu.memory_space<vmem>>
    %dma_wait3A_333 = tpu.memref_squeeze %dma_wait3A_332 : memref<1x16x512xf32, #tpu.memory_space<vmem>> -> memref<16x512xf32, #tpu.memory_space<vmem>>
    %dma_wait3A_334 = arith.constant 1536 : i32
    %dma_wait3A_335 = tpu.memref_slice %arg3[%mul3A_269, %dma_wait3A_334] : memref<512x4096xf32, #tpu.memory_space<hbm>> -> memref<16x512xf32, #tpu.memory_space<hbm>>
    %dma_wait3A_336 = arith.constant 0 : i32
    %dma_wait3A_337 = arith.constant 0 : i32
    %dma_wait3A_338 = tpu.memref_slice %arg10[%dma_wait3A_329, %dma_wait3A_336, %dma_wait3A_337] : memref<2x16x513xf32, #tpu.memory_space<vmem>> -> memref<1x16x512xf32, #tpu.memory_space<vmem>>
    %dma_wait3A_339 = tpu.memref_squeeze %dma_wait3A_338 : memref<1x16x512xf32, #tpu.memory_space<vmem>> -> memref<16x512xf32, #tpu.memory_space<vmem>>
    %dma_wait3A_340 = arith.constant 1536 : i32
    %dma_wait3A_341 = tpu.memref_slice %arg3[%mul3A_269, %dma_wait3A_340] : memref<512x4096xf32, #tpu.memory_space<hbm>> -> memref<16x512xf32, #tpu.memory_space<hbm>>
    tpu.wait_dma2 semaphore(%arg16 : memref<!tpu.dma_semaphore, #tpu.memory_space<semaphore_mem>>) src(%dma_wait3A_341 : memref<16x512xf32, #tpu.memory_space<hbm>>) dst(%dma_wait3A_339 : memref<16x512xf32, #tpu.memory_space<vmem>>)
    %dma_wait3A_342 = arith.constant 1 : i32
    %dma_wait3A_343 = arith.constant 0 : i32
    %dma_wait3A_344 = arith.constant 0 : i32
    %dma_wait3A_345 = tpu.memref_slice %arg11[%dma_wait3A_342, %dma_wait3A_343, %dma_wait3A_344] : memref<2x16x513xf32, #tpu.memory_space<vmem>> -> memref<1x16x512xf32, #tpu.memory_space<vmem>>
    %dma_wait3A_346 = tpu.memref_squeeze %dma_wait3A_345 : memref<1x16x512xf32, #tpu.memory_space<vmem>> -> memref<16x512xf32, #tpu.memory_space<vmem>>
    %dma_wait3A_347 = arith.constant 1536 : i32
    %dma_wait3A_348 = tpu.memref_slice %arg4[%mul3A_269, %dma_wait3A_347] : memref<512x4096xf32, #tpu.memory_space<hbm>> -> memref<16x512xf32, #tpu.memory_space<hbm>>
    %dma_wait3A_349 = arith.constant 0 : i32
    %dma_wait3A_350 = arith.constant 0 : i32
    %dma_wait3A_351 = tpu.memref_slice %arg11[%dma_wait3A_342, %dma_wait3A_349, %dma_wait3A_350] : memref<2x16x513xf32, #tpu.memory_space<vmem>> -> memref<1x16x512xf32, #tpu.memory_space<vmem>>
    %dma_wait3A_352 = tpu.memref_squeeze %dma_wait3A_351 : memref<1x16x512xf32, #tpu.memory_space<vmem>> -> memref<16x512xf32, #tpu.memory_space<vmem>>
    %dma_wait3A_353 = arith.constant 1536 : i32
    %dma_wait3A_354 = tpu.memref_slice %arg4[%mul3A_269, %dma_wait3A_353] : memref<512x4096xf32, #tpu.memory_space<hbm>> -> memref<16x512xf32, #tpu.memory_space<hbm>>
    tpu.wait_dma2 semaphore(%arg16 : memref<!tpu.dma_semaphore, #tpu.memory_space<semaphore_mem>>) src(%dma_wait3A_354 : memref<16x512xf32, #tpu.memory_space<hbm>>) dst(%dma_wait3A_352 : memref<16x512xf32, #tpu.memory_space<vmem>>)
    %mul3A_355 = arith.constant 16 : i32
    %mul3A_356 = arith.muli %add3A, %mul3A_355 : i32
    %dma_start3A_357 = arith.constant 0 : i32
    %dma_start3A_358 = arith.constant 0 : i32
    %dma_start3A_359 = arith.constant 0 : i32
    %dma_start3A_360 = tpu.memref_slice %arg9[%dma_start3A_357, %dma_start3A_358, %dma_start3A_359] : memref<2x16x513xi32, #tpu.memory_space<vmem>> -> memref<1x16x512xi32, #tpu.memory_space<vmem>>
    %dma_start3A_361 = tpu.memref_squeeze %dma_start3A_360 : memref<1x16x512xi32, #tpu.memory_space<vmem>> -> memref<16x512xi32, #tpu.memory_space<vmem>>
    %dma_start3A_362 = arith.constant 2048 : i32
    %dma_start3A_363 = tpu.memref_slice %arg2[%mul3A_356, %dma_start3A_362] : memref<512x4096xi32, #tpu.memory_space<hbm>> -> memref<16x512xi32, #tpu.memory_space<hbm>>
    %dma_start3A_364 = arith.constant 0 : i32
    %dma_start3A_365 = arith.constant 0 : i32
    %dma_start3A_366 = tpu.memref_slice %arg9[%dma_start3A_357, %dma_start3A_364, %dma_start3A_365] : memref<2x16x513xi32, #tpu.memory_space<vmem>> -> memref<1x16x512xi32, #tpu.memory_space<vmem>>
    %dma_start3A_367 = tpu.memref_squeeze %dma_start3A_366 : memref<1x16x512xi32, #tpu.memory_space<vmem>> -> memref<16x512xi32, #tpu.memory_space<vmem>>
    %dma_start3A_368 = arith.constant 2048 : i32
    %dma_start3A_369 = tpu.memref_slice %arg2[%mul3A_356, %dma_start3A_368] : memref<512x4096xi32, #tpu.memory_space<hbm>> -> memref<16x512xi32, #tpu.memory_space<hbm>>
    tpu.enqueue_dma source(%dma_start3A_369 : memref<16x512xi32, #tpu.memory_space<hbm>>) target(%dma_start3A_367 : memref<16x512xi32, #tpu.memory_space<vmem>>) target_semaphore(%arg16 : memref<!tpu.dma_semaphore, #tpu.memory_space<semaphore_mem>>)
    %dma_start3A_370 = arith.constant 0 : i32
    %dma_start3A_371 = arith.constant 0 : i32
    %dma_start3A_372 = arith.constant 0 : i32
    %dma_start3A_373 = tpu.memref_slice %arg10[%dma_start3A_370, %dma_start3A_371, %dma_start3A_372] : memref<2x16x513xf32, #tpu.memory_space<vmem>> -> memref<1x16x512xf32, #tpu.memory_space<vmem>>
    %dma_start3A_374 = tpu.memref_squeeze %dma_start3A_373 : memref<1x16x512xf32, #tpu.memory_space<vmem>> -> memref<16x512xf32, #tpu.memory_space<vmem>>
    %dma_start3A_375 = arith.constant 2048 : i32
    %dma_start3A_376 = tpu.memref_slice %arg3[%mul3A_356, %dma_start3A_375] : memref<512x4096xf32, #tpu.memory_space<hbm>> -> memref<16x512xf32, #tpu.memory_space<hbm>>
    %dma_start3A_377 = arith.constant 0 : i32
    %dma_start3A_378 = arith.constant 0 : i32
    %dma_start3A_379 = tpu.memref_slice %arg10[%dma_start3A_370, %dma_start3A_377, %dma_start3A_378] : memref<2x16x513xf32, #tpu.memory_space<vmem>> -> memref<1x16x512xf32, #tpu.memory_space<vmem>>
    %dma_start3A_380 = tpu.memref_squeeze %dma_start3A_379 : memref<1x16x512xf32, #tpu.memory_space<vmem>> -> memref<16x512xf32, #tpu.memory_space<vmem>>
    %dma_start3A_381 = arith.constant 2048 : i32
    %dma_start3A_382 = tpu.memref_slice %arg3[%mul3A_356, %dma_start3A_381] : memref<512x4096xf32, #tpu.memory_space<hbm>> -> memref<16x512xf32, #tpu.memory_space<hbm>>
    tpu.enqueue_dma source(%dma_start3A_382 : memref<16x512xf32, #tpu.memory_space<hbm>>) target(%dma_start3A_380 : memref<16x512xf32, #tpu.memory_space<vmem>>) target_semaphore(%arg16 : memref<!tpu.dma_semaphore, #tpu.memory_space<semaphore_mem>>)
    %dma_start3A_383 = arith.constant 0 : i32
    %dma_start3A_384 = arith.constant 0 : i32
    %dma_start3A_385 = arith.constant 0 : i32
    %dma_start3A_386 = tpu.memref_slice %arg11[%dma_start3A_383, %dma_start3A_384, %dma_start3A_385] : memref<2x16x513xf32, #tpu.memory_space<vmem>> -> memref<1x16x512xf32, #tpu.memory_space<vmem>>
    %dma_start3A_387 = tpu.memref_squeeze %dma_start3A_386 : memref<1x16x512xf32, #tpu.memory_space<vmem>> -> memref<16x512xf32, #tpu.memory_space<vmem>>
    %dma_start3A_388 = arith.constant 2048 : i32
    %dma_start3A_389 = tpu.memref_slice %arg4[%mul3A_356, %dma_start3A_388] : memref<512x4096xf32, #tpu.memory_space<hbm>> -> memref<16x512xf32, #tpu.memory_space<hbm>>
    %dma_start3A_390 = arith.constant 0 : i32
    %dma_start3A_391 = arith.constant 0 : i32
    %dma_start3A_392 = tpu.memref_slice %arg11[%dma_start3A_383, %dma_start3A_390, %dma_start3A_391] : memref<2x16x513xf32, #tpu.memory_space<vmem>> -> memref<1x16x512xf32, #tpu.memory_space<vmem>>
    %dma_start3A_393 = tpu.memref_squeeze %dma_start3A_392 : memref<1x16x512xf32, #tpu.memory_space<vmem>> -> memref<16x512xf32, #tpu.memory_space<vmem>>
    %dma_start3A_394 = arith.constant 2048 : i32
    %dma_start3A_395 = tpu.memref_slice %arg4[%mul3A_356, %dma_start3A_394] : memref<512x4096xf32, #tpu.memory_space<hbm>> -> memref<16x512xf32, #tpu.memory_space<hbm>>
    tpu.enqueue_dma source(%dma_start3A_395 : memref<16x512xf32, #tpu.memory_space<hbm>>) target(%dma_start3A_393 : memref<16x512xf32, #tpu.memory_space<vmem>>) target_semaphore(%arg16 : memref<!tpu.dma_semaphore, #tpu.memory_space<semaphore_mem>>)
    %broadcast_in_dim3A_396 = arith.constant 1 : i32
    %broadcast_in_dim3A_397 = vector.broadcast %broadcast_in_dim3A_396 : i32 to vector<16xi32>
    %scan3A_398 = arith.constant 0 : i32
    %scan3A_399 = arith.constant 128 : i32
    %scan3A_400 = arith.addi %scan3A_398, %scan3A_399 : i32
    %scan3A_401 = arith.constant 1 : i32
    scf.for %scan3A_718 = %scan3A_398 to %scan3A_400 step %scan3A_401  : i32 {
      %mul3A_719 = arith.constant 4 : i32
      %mul3A_720 = arith.muli %scan3A_718, %mul3A_719 : i32
      %add3A_721 = arith.constant 0 : i32
      %add3A_722 = arith.addi %mul3A_720, %add3A_721 : i32
      %broadcast_in_dim3A_723 = vector.broadcast %add3A_722 : i32 to vector<16xi32>
      %gather3A = tpu.vector_load_idx %arg9[%broadcast_in_dim3A_397, %iota3A, %broadcast_in_dim3A_723] : memref<2x16x513xi32, #tpu.memory_space<vmem>>[vector<16xi32>, vector<16xi32>, vector<16xi32>], vector<16xi32>,
      %gather3A_724 = tpu.vector_load_idx %arg10[%broadcast_in_dim3A_397, %iota3A, %broadcast_in_dim3A_723] : memref<2x16x513xf32, #tpu.memory_space<vmem>>[vector<16xi32>, vector<16xi32>, vector<16xi32>], vector<16xf32>,
      %gather3A_725 = tpu.vector_load_idx %arg11[%broadcast_in_dim3A_397, %iota3A, %broadcast_in_dim3A_723] : memref<2x16x513xf32, #tpu.memory_space<vmem>>[vector<16xi32>, vector<16xi32>, vector<16xi32>], vector<16xf32>,
      %add3A_726 = arith.addi %mul3A_3, %gather3A : vector<16xi32>
      %gather3A_727 = tpu.vector_load_idx %arg12[%add3A_726] : memref<2048xi32, #tpu.memory_space<vmem>>[vector<16xi32>], vector<16xi32>,
      %add3A_728 = arith.constant 1 : i32
      %add3A_729 = vector.broadcast %add3A_728 : i32 to vector<16xi32>
      %add3A_730 = arith.addi %gather3A_727, %add3A_729 : vector<16xi32>
      tpu.vector_store_idx %arg12[%add3A_726], %add3A_730 : memref<2048xi32, #tpu.memory_space<vmem>>[vector<16xi32>], vector<16xi32>,
      %gather3A_731 = tpu.vector_load_idx %arg13[%gather3A] : memref<128xf32, #tpu.memory_space<vmem>>[vector<16xi32>], vector<16xf32>,
      %convert_element_type3A = arith.sitofp %gather3A_727 : vector<16xi32> to vector<16xf32>
      %add3A_732 = arith.constant 5.000000e-01 : f32
      %add3A_733 = vector.broadcast %add3A_732 : f32 to vector<16xf32>
      %add3A_734 = arith.addf %convert_element_type3A, %add3A_733 : vector<16xf32>
      %mul3A_735 = arith.mulf %add3A_734, %gather3A_731 : vector<16xf32>
      %convert_element_type3A_736 = arith.fptosi %mul3A_735 : vector<16xf32> to vector<16xi32>
      %gt3A = arith.constant 0.000000e+00 : f32
      %gt3A_737 = vector.broadcast %gt3A : f32 to vector<16xf32>
      %gt3A_738 = arith.cmpf ogt, %gather3A_731, %gt3A_737 : vector<16xf32>
      %lt3A = arith.constant 15 : i32
      %lt3A_739 = vector.broadcast %lt3A : i32 to vector<16xi32>
      %lt3A_740 = arith.cmpi slt, %convert_element_type3A_736, %lt3A_739 : vector<16xi32>
      %and3A = arith.andi %gt3A_738, %lt3A_740 : vector<16xi1>
      %mul3A_741 = arith.constant 15 : i32
      %mul3A_742 = vector.broadcast %mul3A_741 : i32 to vector<16xi32>
      %mul3A_743 = arith.muli %gather3A, %mul3A_742 : vector<16xi32>
      %add3A_744 = arith.addi %mul3A_6, %mul3A_743 : vector<16xi32>
      %add3A_745 = arith.addi %add3A_744, %convert_element_type3A_736 : vector<16xi32>
      tpu.vector_store_idx %arg14[%add3A_745], %gather3A_724 masked %and3A {add = true} : memref<24064xf32, #tpu.memory_space<vmem>>[vector<16xi32>], vector<16xf32>, vector<16xi1>
      tpu.vector_store_idx %arg15[%add3A_745], %gather3A_725 masked %and3A {add = true} : memref<24064xf32, #tpu.memory_space<vmem>>[vector<16xi32>], vector<16xf32>, vector<16xi1>
      %mul3A_746 = arith.constant 4 : i32
      %mul3A_747 = arith.muli %scan3A_718, %mul3A_746 : i32
      %add3A_748 = arith.constant 1 : i32
      %add3A_749 = arith.addi %mul3A_747, %add3A_748 : i32
      %broadcast_in_dim3A_750 = vector.broadcast %add3A_749 : i32 to vector<16xi32>
      %gather3A_751 = tpu.vector_load_idx %arg9[%broadcast_in_dim3A_397, %iota3A, %broadcast_in_dim3A_750] : memref<2x16x513xi32, #tpu.memory_space<vmem>>[vector<16xi32>, vector<16xi32>, vector<16xi32>], vector<16xi32>,
      %gather3A_752 = tpu.vector_load_idx %arg10[%broadcast_in_dim3A_397, %iota3A, %broadcast_in_dim3A_750] : memref<2x16x513xf32, #tpu.memory_space<vmem>>[vector<16xi32>, vector<16xi32>, vector<16xi32>], vector<16xf32>,
      %gather3A_753 = tpu.vector_load_idx %arg11[%broadcast_in_dim3A_397, %iota3A, %broadcast_in_dim3A_750] : memref<2x16x513xf32, #tpu.memory_space<vmem>>[vector<16xi32>, vector<16xi32>, vector<16xi32>], vector<16xf32>,
      %add3A_754 = arith.addi %mul3A_3, %gather3A_751 : vector<16xi32>
      %gather3A_755 = tpu.vector_load_idx %arg12[%add3A_754] : memref<2048xi32, #tpu.memory_space<vmem>>[vector<16xi32>], vector<16xi32>,
      %add3A_756 = arith.constant 1 : i32
      %add3A_757 = vector.broadcast %add3A_756 : i32 to vector<16xi32>
      %add3A_758 = arith.addi %gather3A_755, %add3A_757 : vector<16xi32>
      tpu.vector_store_idx %arg12[%add3A_754], %add3A_758 : memref<2048xi32, #tpu.memory_space<vmem>>[vector<16xi32>], vector<16xi32>,
      %gather3A_759 = tpu.vector_load_idx %arg13[%gather3A_751] : memref<128xf32, #tpu.memory_space<vmem>>[vector<16xi32>], vector<16xf32>,
      %convert_element_type3A_760 = arith.sitofp %gather3A_755 : vector<16xi32> to vector<16xf32>
      %add3A_761 = arith.constant 5.000000e-01 : f32
      %add3A_762 = vector.broadcast %add3A_761 : f32 to vector<16xf32>
      %add3A_763 = arith.addf %convert_element_type3A_760, %add3A_762 : vector<16xf32>
      %mul3A_764 = arith.mulf %add3A_763, %gather3A_759 : vector<16xf32>
      %convert_element_type3A_765 = arith.fptosi %mul3A_764 : vector<16xf32> to vector<16xi32>
      %gt3A_766 = arith.constant 0.000000e+00 : f32
      %gt3A_767 = vector.broadcast %gt3A_766 : f32 to vector<16xf32>
      %gt3A_768 = arith.cmpf ogt, %gather3A_759, %gt3A_767 : vector<16xf32>
      %lt3A_769 = arith.constant 15 : i32
      %lt3A_770 = vector.broadcast %lt3A_769 : i32 to vector<16xi32>
      %lt3A_771 = arith.cmpi slt, %convert_element_type3A_765, %lt3A_770 : vector<16xi32>
      %and3A_772 = arith.andi %gt3A_768, %lt3A_771 : vector<16xi1>
      %mul3A_773 = arith.constant 15 : i32
      %mul3A_774 = vector.broadcast %mul3A_773 : i32 to vector<16xi32>
      %mul3A_775 = arith.muli %gather3A_751, %mul3A_774 : vector<16xi32>
      %add3A_776 = arith.addi %mul3A_6, %mul3A_775 : vector<16xi32>
      %add3A_777 = arith.addi %add3A_776, %convert_element_type3A_765 : vector<16xi32>
      tpu.vector_store_idx %arg14[%add3A_777], %gather3A_752 masked %and3A_772 {add = true} : memref<24064xf32, #tpu.memory_space<vmem>>[vector<16xi32>], vector<16xf32>, vector<16xi1>
      tpu.vector_store_idx %arg15[%add3A_777], %gather3A_753 masked %and3A_772 {add = true} : memref<24064xf32, #tpu.memory_space<vmem>>[vector<16xi32>], vector<16xf32>, vector<16xi1>
      %mul3A_778 = arith.constant 4 : i32
      %mul3A_779 = arith.muli %scan3A_718, %mul3A_778 : i32
      %add3A_780 = arith.constant 2 : i32
      %add3A_781 = arith.addi %mul3A_779, %add3A_780 : i32
      %broadcast_in_dim3A_782 = vector.broadcast %add3A_781 : i32 to vector<16xi32>
      %gather3A_783 = tpu.vector_load_idx %arg9[%broadcast_in_dim3A_397, %iota3A, %broadcast_in_dim3A_782] : memref<2x16x513xi32, #tpu.memory_space<vmem>>[vector<16xi32>, vector<16xi32>, vector<16xi32>], vector<16xi32>,
      %gather3A_784 = tpu.vector_load_idx %arg10[%broadcast_in_dim3A_397, %iota3A, %broadcast_in_dim3A_782] : memref<2x16x513xf32, #tpu.memory_space<vmem>>[vector<16xi32>, vector<16xi32>, vector<16xi32>], vector<16xf32>,
      %gather3A_785 = tpu.vector_load_idx %arg11[%broadcast_in_dim3A_397, %iota3A, %broadcast_in_dim3A_782] : memref<2x16x513xf32, #tpu.memory_space<vmem>>[vector<16xi32>, vector<16xi32>, vector<16xi32>], vector<16xf32>,
      %add3A_786 = arith.addi %mul3A_3, %gather3A_783 : vector<16xi32>
      %gather3A_787 = tpu.vector_load_idx %arg12[%add3A_786] : memref<2048xi32, #tpu.memory_space<vmem>>[vector<16xi32>], vector<16xi32>,
      %add3A_788 = arith.constant 1 : i32
      %add3A_789 = vector.broadcast %add3A_788 : i32 to vector<16xi32>
      %add3A_790 = arith.addi %gather3A_787, %add3A_789 : vector<16xi32>
      tpu.vector_store_idx %arg12[%add3A_786], %add3A_790 : memref<2048xi32, #tpu.memory_space<vmem>>[vector<16xi32>], vector<16xi32>,
      %gather3A_791 = tpu.vector_load_idx %arg13[%gather3A_783] : memref<128xf32, #tpu.memory_space<vmem>>[vector<16xi32>], vector<16xf32>,
      %convert_element_type3A_792 = arith.sitofp %gather3A_787 : vector<16xi32> to vector<16xf32>
      %add3A_793 = arith.constant 5.000000e-01 : f32
      %add3A_794 = vector.broadcast %add3A_793 : f32 to vector<16xf32>
      %add3A_795 = arith.addf %convert_element_type3A_792, %add3A_794 : vector<16xf32>
      %mul3A_796 = arith.mulf %add3A_795, %gather3A_791 : vector<16xf32>
      %convert_element_type3A_797 = arith.fptosi %mul3A_796 : vector<16xf32> to vector<16xi32>
      %gt3A_798 = arith.constant 0.000000e+00 : f32
      %gt3A_799 = vector.broadcast %gt3A_798 : f32 to vector<16xf32>
      %gt3A_800 = arith.cmpf ogt, %gather3A_791, %gt3A_799 : vector<16xf32>
      %lt3A_801 = arith.constant 15 : i32
      %lt3A_802 = vector.broadcast %lt3A_801 : i32 to vector<16xi32>
      %lt3A_803 = arith.cmpi slt, %convert_element_type3A_797, %lt3A_802 : vector<16xi32>
      %and3A_804 = arith.andi %gt3A_800, %lt3A_803 : vector<16xi1>
      %mul3A_805 = arith.constant 15 : i32
      %mul3A_806 = vector.broadcast %mul3A_805 : i32 to vector<16xi32>
      %mul3A_807 = arith.muli %gather3A_783, %mul3A_806 : vector<16xi32>
      %add3A_808 = arith.addi %mul3A_6, %mul3A_807 : vector<16xi32>
      %add3A_809 = arith.addi %add3A_808, %convert_element_type3A_797 : vector<16xi32>
      tpu.vector_store_idx %arg14[%add3A_809], %gather3A_784 masked %and3A_804 {add = true} : memref<24064xf32, #tpu.memory_space<vmem>>[vector<16xi32>], vector<16xf32>, vector<16xi1>
      tpu.vector_store_idx %arg15[%add3A_809], %gather3A_785 masked %and3A_804 {add = true} : memref<24064xf32, #tpu.memory_space<vmem>>[vector<16xi32>], vector<16xf32>, vector<16xi1>
      %mul3A_810 = arith.constant 4 : i32
      %mul3A_811 = arith.muli %scan3A_718, %mul3A_810 : i32
      %add3A_812 = arith.constant 3 : i32
      %add3A_813 = arith.addi %mul3A_811, %add3A_812 : i32
      %broadcast_in_dim3A_814 = vector.broadcast %add3A_813 : i32 to vector<16xi32>
      %gather3A_815 = tpu.vector_load_idx %arg9[%broadcast_in_dim3A_397, %iota3A, %broadcast_in_dim3A_814] : memref<2x16x513xi32, #tpu.memory_space<vmem>>[vector<16xi32>, vector<16xi32>, vector<16xi32>], vector<16xi32>,
      %gather3A_816 = tpu.vector_load_idx %arg10[%broadcast_in_dim3A_397, %iota3A, %broadcast_in_dim3A_814] : memref<2x16x513xf32, #tpu.memory_space<vmem>>[vector<16xi32>, vector<16xi32>, vector<16xi32>], vector<16xf32>,
      %gather3A_817 = tpu.vector_load_idx %arg11[%broadcast_in_dim3A_397, %iota3A, %broadcast_in_dim3A_814] : memref<2x16x513xf32, #tpu.memory_space<vmem>>[vector<16xi32>, vector<16xi32>, vector<16xi32>], vector<16xf32>,
      %add3A_818 = arith.addi %mul3A_3, %gather3A_815 : vector<16xi32>
      %gather3A_819 = tpu.vector_load_idx %arg12[%add3A_818] : memref<2048xi32, #tpu.memory_space<vmem>>[vector<16xi32>], vector<16xi32>,
      %add3A_820 = arith.constant 1 : i32
      %add3A_821 = vector.broadcast %add3A_820 : i32 to vector<16xi32>
      %add3A_822 = arith.addi %gather3A_819, %add3A_821 : vector<16xi32>
      tpu.vector_store_idx %arg12[%add3A_818], %add3A_822 : memref<2048xi32, #tpu.memory_space<vmem>>[vector<16xi32>], vector<16xi32>,
      %gather3A_823 = tpu.vector_load_idx %arg13[%gather3A_815] : memref<128xf32, #tpu.memory_space<vmem>>[vector<16xi32>], vector<16xf32>,
      %convert_element_type3A_824 = arith.sitofp %gather3A_819 : vector<16xi32> to vector<16xf32>
      %add3A_825 = arith.constant 5.000000e-01 : f32
      %add3A_826 = vector.broadcast %add3A_825 : f32 to vector<16xf32>
      %add3A_827 = arith.addf %convert_element_type3A_824, %add3A_826 : vector<16xf32>
      %mul3A_828 = arith.mulf %add3A_827, %gather3A_823 : vector<16xf32>
      %convert_element_type3A_829 = arith.fptosi %mul3A_828 : vector<16xf32> to vector<16xi32>
      %gt3A_830 = arith.constant 0.000000e+00 : f32
      %gt3A_831 = vector.broadcast %gt3A_830 : f32 to vector<16xf32>
      %gt3A_832 = arith.cmpf ogt, %gather3A_823, %gt3A_831 : vector<16xf32>
      %lt3A_833 = arith.constant 15 : i32
      %lt3A_834 = vector.broadcast %lt3A_833 : i32 to vector<16xi32>
      %lt3A_835 = arith.cmpi slt, %convert_element_type3A_829, %lt3A_834 : vector<16xi32>
      %and3A_836 = arith.andi %gt3A_832, %lt3A_835 : vector<16xi1>
      %mul3A_837 = arith.constant 15 : i32
      %mul3A_838 = vector.broadcast %mul3A_837 : i32 to vector<16xi32>
      %mul3A_839 = arith.muli %gather3A_815, %mul3A_838 : vector<16xi32>
      %add3A_840 = arith.addi %mul3A_6, %mul3A_839 : vector<16xi32>
      %add3A_841 = arith.addi %add3A_840, %convert_element_type3A_829 : vector<16xi32>
      tpu.vector_store_idx %arg14[%add3A_841], %gather3A_816 masked %and3A_836 {add = true} : memref<24064xf32, #tpu.memory_space<vmem>>[vector<16xi32>], vector<16xf32>, vector<16xi1>
      tpu.vector_store_idx %arg15[%add3A_841], %gather3A_817 masked %and3A_836 {add = true} : memref<24064xf32, #tpu.memory_space<vmem>>[vector<16xi32>], vector<16xf32>, vector<16xi1>
    }
    %scan3A_402 = arith.constant 128 : i32
    %dma_wait3A_403 = arith.constant 0 : i32
    %dma_wait3A_404 = arith.constant 0 : i32
    %dma_wait3A_405 = arith.constant 0 : i32
    %dma_wait3A_406 = tpu.memref_slice %arg9[%dma_wait3A_403, %dma_wait3A_404, %dma_wait3A_405] : memref<2x16x513xi32, #tpu.memory_space<vmem>> -> memref<1x16x512xi32, #tpu.memory_space<vmem>>
    %dma_wait3A_407 = tpu.memref_squeeze %dma_wait3A_406 : memref<1x16x512xi32, #tpu.memory_space<vmem>> -> memref<16x512xi32, #tpu.memory_space<vmem>>
    %dma_wait3A_408 = arith.constant 2048 : i32
    %dma_wait3A_409 = tpu.memref_slice %arg2[%mul3A_356, %dma_wait3A_408] : memref<512x4096xi32, #tpu.memory_space<hbm>> -> memref<16x512xi32, #tpu.memory_space<hbm>>
    %dma_wait3A_410 = arith.constant 0 : i32
    %dma_wait3A_411 = arith.constant 0 : i32
    %dma_wait3A_412 = tpu.memref_slice %arg9[%dma_wait3A_403, %dma_wait3A_410, %dma_wait3A_411] : memref<2x16x513xi32, #tpu.memory_space<vmem>> -> memref<1x16x512xi32, #tpu.memory_space<vmem>>
    %dma_wait3A_413 = tpu.memref_squeeze %dma_wait3A_412 : memref<1x16x512xi32, #tpu.memory_space<vmem>> -> memref<16x512xi32, #tpu.memory_space<vmem>>
    %dma_wait3A_414 = arith.constant 2048 : i32
    %dma_wait3A_415 = tpu.memref_slice %arg2[%mul3A_356, %dma_wait3A_414] : memref<512x4096xi32, #tpu.memory_space<hbm>> -> memref<16x512xi32, #tpu.memory_space<hbm>>
    tpu.wait_dma2 semaphore(%arg16 : memref<!tpu.dma_semaphore, #tpu.memory_space<semaphore_mem>>) src(%dma_wait3A_415 : memref<16x512xi32, #tpu.memory_space<hbm>>) dst(%dma_wait3A_413 : memref<16x512xi32, #tpu.memory_space<vmem>>)
    %dma_wait3A_416 = arith.constant 0 : i32
    %dma_wait3A_417 = arith.constant 0 : i32
    %dma_wait3A_418 = arith.constant 0 : i32
    %dma_wait3A_419 = tpu.memref_slice %arg10[%dma_wait3A_416, %dma_wait3A_417, %dma_wait3A_418] : memref<2x16x513xf32, #tpu.memory_space<vmem>> -> memref<1x16x512xf32, #tpu.memory_space<vmem>>
    %dma_wait3A_420 = tpu.memref_squeeze %dma_wait3A_419 : memref<1x16x512xf32, #tpu.memory_space<vmem>> -> memref<16x512xf32, #tpu.memory_space<vmem>>
    %dma_wait3A_421 = arith.constant 2048 : i32
    %dma_wait3A_422 = tpu.memref_slice %arg3[%mul3A_356, %dma_wait3A_421] : memref<512x4096xf32, #tpu.memory_space<hbm>> -> memref<16x512xf32, #tpu.memory_space<hbm>>
    %dma_wait3A_423 = arith.constant 0 : i32
    %dma_wait3A_424 = arith.constant 0 : i32
    %dma_wait3A_425 = tpu.memref_slice %arg10[%dma_wait3A_416, %dma_wait3A_423, %dma_wait3A_424] : memref<2x16x513xf32, #tpu.memory_space<vmem>> -> memref<1x16x512xf32, #tpu.memory_space<vmem>>
    %dma_wait3A_426 = tpu.memref_squeeze %dma_wait3A_425 : memref<1x16x512xf32, #tpu.memory_space<vmem>> -> memref<16x512xf32, #tpu.memory_space<vmem>>
    %dma_wait3A_427 = arith.constant 2048 : i32
    %dma_wait3A_428 = tpu.memref_slice %arg3[%mul3A_356, %dma_wait3A_427] : memref<512x4096xf32, #tpu.memory_space<hbm>> -> memref<16x512xf32, #tpu.memory_space<hbm>>
    tpu.wait_dma2 semaphore(%arg16 : memref<!tpu.dma_semaphore, #tpu.memory_space<semaphore_mem>>) src(%dma_wait3A_428 : memref<16x512xf32, #tpu.memory_space<hbm>>) dst(%dma_wait3A_426 : memref<16x512xf32, #tpu.memory_space<vmem>>)
    %dma_wait3A_429 = arith.constant 0 : i32
    %dma_wait3A_430 = arith.constant 0 : i32
    %dma_wait3A_431 = arith.constant 0 : i32
    %dma_wait3A_432 = tpu.memref_slice %arg11[%dma_wait3A_429, %dma_wait3A_430, %dma_wait3A_431] : memref<2x16x513xf32, #tpu.memory_space<vmem>> -> memref<1x16x512xf32, #tpu.memory_space<vmem>>
    %dma_wait3A_433 = tpu.memref_squeeze %dma_wait3A_432 : memref<1x16x512xf32, #tpu.memory_space<vmem>> -> memref<16x512xf32, #tpu.memory_space<vmem>>
    %dma_wait3A_434 = arith.constant 2048 : i32
    %dma_wait3A_435 = tpu.memref_slice %arg4[%mul3A_356, %dma_wait3A_434] : memref<512x4096xf32, #tpu.memory_space<hbm>> -> memref<16x512xf32, #tpu.memory_space<hbm>>
    %dma_wait3A_436 = arith.constant 0 : i32
    %dma_wait3A_437 = arith.constant 0 : i32
    %dma_wait3A_438 = tpu.memref_slice %arg11[%dma_wait3A_429, %dma_wait3A_436, %dma_wait3A_437] : memref<2x16x513xf32, #tpu.memory_space<vmem>> -> memref<1x16x512xf32, #tpu.memory_space<vmem>>
    %dma_wait3A_439 = tpu.memref_squeeze %dma_wait3A_438 : memref<1x16x512xf32, #tpu.memory_space<vmem>> -> memref<16x512xf32, #tpu.memory_space<vmem>>
    %dma_wait3A_440 = arith.constant 2048 : i32
    %dma_wait3A_441 = tpu.memref_slice %arg4[%mul3A_356, %dma_wait3A_440] : memref<512x4096xf32, #tpu.memory_space<hbm>> -> memref<16x512xf32, #tpu.memory_space<hbm>>
    tpu.wait_dma2 semaphore(%arg16 : memref<!tpu.dma_semaphore, #tpu.memory_space<semaphore_mem>>) src(%dma_wait3A_441 : memref<16x512xf32, #tpu.memory_space<hbm>>) dst(%dma_wait3A_439 : memref<16x512xf32, #tpu.memory_space<vmem>>)
    %mul3A_442 = arith.constant 16 : i32
    %mul3A_443 = arith.muli %add3A, %mul3A_442 : i32
    %dma_start3A_444 = arith.constant 1 : i32
    %dma_start3A_445 = arith.constant 0 : i32
    %dma_start3A_446 = arith.constant 0 : i32
    %dma_start3A_447 = tpu.memref_slice %arg9[%dma_start3A_444, %dma_start3A_445, %dma_start3A_446] : memref<2x16x513xi32, #tpu.memory_space<vmem>> -> memref<1x16x512xi32, #tpu.memory_space<vmem>>
    %dma_start3A_448 = tpu.memref_squeeze %dma_start3A_447 : memref<1x16x512xi32, #tpu.memory_space<vmem>> -> memref<16x512xi32, #tpu.memory_space<vmem>>
    %dma_start3A_449 = arith.constant 2560 : i32
    %dma_start3A_450 = tpu.memref_slice %arg2[%mul3A_443, %dma_start3A_449] : memref<512x4096xi32, #tpu.memory_space<hbm>> -> memref<16x512xi32, #tpu.memory_space<hbm>>
    %dma_start3A_451 = arith.constant 0 : i32
    %dma_start3A_452 = arith.constant 0 : i32
    %dma_start3A_453 = tpu.memref_slice %arg9[%dma_start3A_444, %dma_start3A_451, %dma_start3A_452] : memref<2x16x513xi32, #tpu.memory_space<vmem>> -> memref<1x16x512xi32, #tpu.memory_space<vmem>>
    %dma_start3A_454 = tpu.memref_squeeze %dma_start3A_453 : memref<1x16x512xi32, #tpu.memory_space<vmem>> -> memref<16x512xi32, #tpu.memory_space<vmem>>
    %dma_start3A_455 = arith.constant 2560 : i32
    %dma_start3A_456 = tpu.memref_slice %arg2[%mul3A_443, %dma_start3A_455] : memref<512x4096xi32, #tpu.memory_space<hbm>> -> memref<16x512xi32, #tpu.memory_space<hbm>>
    tpu.enqueue_dma source(%dma_start3A_456 : memref<16x512xi32, #tpu.memory_space<hbm>>) target(%dma_start3A_454 : memref<16x512xi32, #tpu.memory_space<vmem>>) target_semaphore(%arg16 : memref<!tpu.dma_semaphore, #tpu.memory_space<semaphore_mem>>)
    %dma_start3A_457 = arith.constant 1 : i32
    %dma_start3A_458 = arith.constant 0 : i32
    %dma_start3A_459 = arith.constant 0 : i32
    %dma_start3A_460 = tpu.memref_slice %arg10[%dma_start3A_457, %dma_start3A_458, %dma_start3A_459] : memref<2x16x513xf32, #tpu.memory_space<vmem>> -> memref<1x16x512xf32, #tpu.memory_space<vmem>>
    %dma_start3A_461 = tpu.memref_squeeze %dma_start3A_460 : memref<1x16x512xf32, #tpu.memory_space<vmem>> -> memref<16x512xf32, #tpu.memory_space<vmem>>
    %dma_start3A_462 = arith.constant 2560 : i32
    %dma_start3A_463 = tpu.memref_slice %arg3[%mul3A_443, %dma_start3A_462] : memref<512x4096xf32, #tpu.memory_space<hbm>> -> memref<16x512xf32, #tpu.memory_space<hbm>>
    %dma_start3A_464 = arith.constant 0 : i32
    %dma_start3A_465 = arith.constant 0 : i32
    %dma_start3A_466 = tpu.memref_slice %arg10[%dma_start3A_457, %dma_start3A_464, %dma_start3A_465] : memref<2x16x513xf32, #tpu.memory_space<vmem>> -> memref<1x16x512xf32, #tpu.memory_space<vmem>>
    %dma_start3A_467 = tpu.memref_squeeze %dma_start3A_466 : memref<1x16x512xf32, #tpu.memory_space<vmem>> -> memref<16x512xf32, #tpu.memory_space<vmem>>
    %dma_start3A_468 = arith.constant 2560 : i32
    %dma_start3A_469 = tpu.memref_slice %arg3[%mul3A_443, %dma_start3A_468] : memref<512x4096xf32, #tpu.memory_space<hbm>> -> memref<16x512xf32, #tpu.memory_space<hbm>>
    tpu.enqueue_dma source(%dma_start3A_469 : memref<16x512xf32, #tpu.memory_space<hbm>>) target(%dma_start3A_467 : memref<16x512xf32, #tpu.memory_space<vmem>>) target_semaphore(%arg16 : memref<!tpu.dma_semaphore, #tpu.memory_space<semaphore_mem>>)
    %dma_start3A_470 = arith.constant 1 : i32
    %dma_start3A_471 = arith.constant 0 : i32
    %dma_start3A_472 = arith.constant 0 : i32
    %dma_start3A_473 = tpu.memref_slice %arg11[%dma_start3A_470, %dma_start3A_471, %dma_start3A_472] : memref<2x16x513xf32, #tpu.memory_space<vmem>> -> memref<1x16x512xf32, #tpu.memory_space<vmem>>
    %dma_start3A_474 = tpu.memref_squeeze %dma_start3A_473 : memref<1x16x512xf32, #tpu.memory_space<vmem>> -> memref<16x512xf32, #tpu.memory_space<vmem>>
    %dma_start3A_475 = arith.constant 2560 : i32
    %dma_start3A_476 = tpu.memref_slice %arg4[%mul3A_443, %dma_start3A_475] : memref<512x4096xf32, #tpu.memory_space<hbm>> -> memref<16x512xf32, #tpu.memory_space<hbm>>
    %dma_start3A_477 = arith.constant 0 : i32
    %dma_start3A_478 = arith.constant 0 : i32
    %dma_start3A_479 = tpu.memref_slice %arg11[%dma_start3A_470, %dma_start3A_477, %dma_start3A_478] : memref<2x16x513xf32, #tpu.memory_space<vmem>> -> memref<1x16x512xf32, #tpu.memory_space<vmem>>
    %dma_start3A_480 = tpu.memref_squeeze %dma_start3A_479 : memref<1x16x512xf32, #tpu.memory_space<vmem>> -> memref<16x512xf32, #tpu.memory_space<vmem>>
    %dma_start3A_481 = arith.constant 2560 : i32
    %dma_start3A_482 = tpu.memref_slice %arg4[%mul3A_443, %dma_start3A_481] : memref<512x4096xf32, #tpu.memory_space<hbm>> -> memref<16x512xf32, #tpu.memory_space<hbm>>
    tpu.enqueue_dma source(%dma_start3A_482 : memref<16x512xf32, #tpu.memory_space<hbm>>) target(%dma_start3A_480 : memref<16x512xf32, #tpu.memory_space<vmem>>) target_semaphore(%arg16 : memref<!tpu.dma_semaphore, #tpu.memory_space<semaphore_mem>>)
    %broadcast_in_dim3A_483 = arith.constant 0 : i32
    %broadcast_in_dim3A_484 = vector.broadcast %broadcast_in_dim3A_483 : i32 to vector<16xi32>
    %scan3A_485 = arith.constant 0 : i32
    %scan3A_486 = arith.constant 128 : i32
    %scan3A_487 = arith.addi %scan3A_485, %scan3A_486 : i32
    %scan3A_488 = arith.constant 1 : i32
    scf.for %scan3A_718 = %scan3A_485 to %scan3A_487 step %scan3A_488  : i32 {
      %mul3A_719 = arith.constant 4 : i32
      %mul3A_720 = arith.muli %scan3A_718, %mul3A_719 : i32
      %add3A_721 = arith.constant 0 : i32
      %add3A_722 = arith.addi %mul3A_720, %add3A_721 : i32
      %broadcast_in_dim3A_723 = vector.broadcast %add3A_722 : i32 to vector<16xi32>
      %gather3A = tpu.vector_load_idx %arg9[%broadcast_in_dim3A_484, %iota3A, %broadcast_in_dim3A_723] : memref<2x16x513xi32, #tpu.memory_space<vmem>>[vector<16xi32>, vector<16xi32>, vector<16xi32>], vector<16xi32>,
      %gather3A_724 = tpu.vector_load_idx %arg10[%broadcast_in_dim3A_484, %iota3A, %broadcast_in_dim3A_723] : memref<2x16x513xf32, #tpu.memory_space<vmem>>[vector<16xi32>, vector<16xi32>, vector<16xi32>], vector<16xf32>,
      %gather3A_725 = tpu.vector_load_idx %arg11[%broadcast_in_dim3A_484, %iota3A, %broadcast_in_dim3A_723] : memref<2x16x513xf32, #tpu.memory_space<vmem>>[vector<16xi32>, vector<16xi32>, vector<16xi32>], vector<16xf32>,
      %add3A_726 = arith.addi %mul3A_3, %gather3A : vector<16xi32>
      %gather3A_727 = tpu.vector_load_idx %arg12[%add3A_726] : memref<2048xi32, #tpu.memory_space<vmem>>[vector<16xi32>], vector<16xi32>,
      %add3A_728 = arith.constant 1 : i32
      %add3A_729 = vector.broadcast %add3A_728 : i32 to vector<16xi32>
      %add3A_730 = arith.addi %gather3A_727, %add3A_729 : vector<16xi32>
      tpu.vector_store_idx %arg12[%add3A_726], %add3A_730 : memref<2048xi32, #tpu.memory_space<vmem>>[vector<16xi32>], vector<16xi32>,
      %gather3A_731 = tpu.vector_load_idx %arg13[%gather3A] : memref<128xf32, #tpu.memory_space<vmem>>[vector<16xi32>], vector<16xf32>,
      %convert_element_type3A = arith.sitofp %gather3A_727 : vector<16xi32> to vector<16xf32>
      %add3A_732 = arith.constant 5.000000e-01 : f32
      %add3A_733 = vector.broadcast %add3A_732 : f32 to vector<16xf32>
      %add3A_734 = arith.addf %convert_element_type3A, %add3A_733 : vector<16xf32>
      %mul3A_735 = arith.mulf %add3A_734, %gather3A_731 : vector<16xf32>
      %convert_element_type3A_736 = arith.fptosi %mul3A_735 : vector<16xf32> to vector<16xi32>
      %gt3A = arith.constant 0.000000e+00 : f32
      %gt3A_737 = vector.broadcast %gt3A : f32 to vector<16xf32>
      %gt3A_738 = arith.cmpf ogt, %gather3A_731, %gt3A_737 : vector<16xf32>
      %lt3A = arith.constant 15 : i32
      %lt3A_739 = vector.broadcast %lt3A : i32 to vector<16xi32>
      %lt3A_740 = arith.cmpi slt, %convert_element_type3A_736, %lt3A_739 : vector<16xi32>
      %and3A = arith.andi %gt3A_738, %lt3A_740 : vector<16xi1>
      %mul3A_741 = arith.constant 15 : i32
      %mul3A_742 = vector.broadcast %mul3A_741 : i32 to vector<16xi32>
      %mul3A_743 = arith.muli %gather3A, %mul3A_742 : vector<16xi32>
      %add3A_744 = arith.addi %mul3A_6, %mul3A_743 : vector<16xi32>
      %add3A_745 = arith.addi %add3A_744, %convert_element_type3A_736 : vector<16xi32>
      tpu.vector_store_idx %arg14[%add3A_745], %gather3A_724 masked %and3A {add = true} : memref<24064xf32, #tpu.memory_space<vmem>>[vector<16xi32>], vector<16xf32>, vector<16xi1>
      tpu.vector_store_idx %arg15[%add3A_745], %gather3A_725 masked %and3A {add = true} : memref<24064xf32, #tpu.memory_space<vmem>>[vector<16xi32>], vector<16xf32>, vector<16xi1>
      %mul3A_746 = arith.constant 4 : i32
      %mul3A_747 = arith.muli %scan3A_718, %mul3A_746 : i32
      %add3A_748 = arith.constant 1 : i32
      %add3A_749 = arith.addi %mul3A_747, %add3A_748 : i32
      %broadcast_in_dim3A_750 = vector.broadcast %add3A_749 : i32 to vector<16xi32>
      %gather3A_751 = tpu.vector_load_idx %arg9[%broadcast_in_dim3A_484, %iota3A, %broadcast_in_dim3A_750] : memref<2x16x513xi32, #tpu.memory_space<vmem>>[vector<16xi32>, vector<16xi32>, vector<16xi32>], vector<16xi32>,
      %gather3A_752 = tpu.vector_load_idx %arg10[%broadcast_in_dim3A_484, %iota3A, %broadcast_in_dim3A_750] : memref<2x16x513xf32, #tpu.memory_space<vmem>>[vector<16xi32>, vector<16xi32>, vector<16xi32>], vector<16xf32>,
      %gather3A_753 = tpu.vector_load_idx %arg11[%broadcast_in_dim3A_484, %iota3A, %broadcast_in_dim3A_750] : memref<2x16x513xf32, #tpu.memory_space<vmem>>[vector<16xi32>, vector<16xi32>, vector<16xi32>], vector<16xf32>,
      %add3A_754 = arith.addi %mul3A_3, %gather3A_751 : vector<16xi32>
      %gather3A_755 = tpu.vector_load_idx %arg12[%add3A_754] : memref<2048xi32, #tpu.memory_space<vmem>>[vector<16xi32>], vector<16xi32>,
      %add3A_756 = arith.constant 1 : i32
      %add3A_757 = vector.broadcast %add3A_756 : i32 to vector<16xi32>
      %add3A_758 = arith.addi %gather3A_755, %add3A_757 : vector<16xi32>
      tpu.vector_store_idx %arg12[%add3A_754], %add3A_758 : memref<2048xi32, #tpu.memory_space<vmem>>[vector<16xi32>], vector<16xi32>,
      %gather3A_759 = tpu.vector_load_idx %arg13[%gather3A_751] : memref<128xf32, #tpu.memory_space<vmem>>[vector<16xi32>], vector<16xf32>,
      %convert_element_type3A_760 = arith.sitofp %gather3A_755 : vector<16xi32> to vector<16xf32>
      %add3A_761 = arith.constant 5.000000e-01 : f32
      %add3A_762 = vector.broadcast %add3A_761 : f32 to vector<16xf32>
      %add3A_763 = arith.addf %convert_element_type3A_760, %add3A_762 : vector<16xf32>
      %mul3A_764 = arith.mulf %add3A_763, %gather3A_759 : vector<16xf32>
      %convert_element_type3A_765 = arith.fptosi %mul3A_764 : vector<16xf32> to vector<16xi32>
      %gt3A_766 = arith.constant 0.000000e+00 : f32
      %gt3A_767 = vector.broadcast %gt3A_766 : f32 to vector<16xf32>
      %gt3A_768 = arith.cmpf ogt, %gather3A_759, %gt3A_767 : vector<16xf32>
      %lt3A_769 = arith.constant 15 : i32
      %lt3A_770 = vector.broadcast %lt3A_769 : i32 to vector<16xi32>
      %lt3A_771 = arith.cmpi slt, %convert_element_type3A_765, %lt3A_770 : vector<16xi32>
      %and3A_772 = arith.andi %gt3A_768, %lt3A_771 : vector<16xi1>
      %mul3A_773 = arith.constant 15 : i32
      %mul3A_774 = vector.broadcast %mul3A_773 : i32 to vector<16xi32>
      %mul3A_775 = arith.muli %gather3A_751, %mul3A_774 : vector<16xi32>
      %add3A_776 = arith.addi %mul3A_6, %mul3A_775 : vector<16xi32>
      %add3A_777 = arith.addi %add3A_776, %convert_element_type3A_765 : vector<16xi32>
      tpu.vector_store_idx %arg14[%add3A_777], %gather3A_752 masked %and3A_772 {add = true} : memref<24064xf32, #tpu.memory_space<vmem>>[vector<16xi32>], vector<16xf32>, vector<16xi1>
      tpu.vector_store_idx %arg15[%add3A_777], %gather3A_753 masked %and3A_772 {add = true} : memref<24064xf32, #tpu.memory_space<vmem>>[vector<16xi32>], vector<16xf32>, vector<16xi1>
      %mul3A_778 = arith.constant 4 : i32
      %mul3A_779 = arith.muli %scan3A_718, %mul3A_778 : i32
      %add3A_780 = arith.constant 2 : i32
      %add3A_781 = arith.addi %mul3A_779, %add3A_780 : i32
      %broadcast_in_dim3A_782 = vector.broadcast %add3A_781 : i32 to vector<16xi32>
      %gather3A_783 = tpu.vector_load_idx %arg9[%broadcast_in_dim3A_484, %iota3A, %broadcast_in_dim3A_782] : memref<2x16x513xi32, #tpu.memory_space<vmem>>[vector<16xi32>, vector<16xi32>, vector<16xi32>], vector<16xi32>,
      %gather3A_784 = tpu.vector_load_idx %arg10[%broadcast_in_dim3A_484, %iota3A, %broadcast_in_dim3A_782] : memref<2x16x513xf32, #tpu.memory_space<vmem>>[vector<16xi32>, vector<16xi32>, vector<16xi32>], vector<16xf32>,
      %gather3A_785 = tpu.vector_load_idx %arg11[%broadcast_in_dim3A_484, %iota3A, %broadcast_in_dim3A_782] : memref<2x16x513xf32, #tpu.memory_space<vmem>>[vector<16xi32>, vector<16xi32>, vector<16xi32>], vector<16xf32>,
      %add3A_786 = arith.addi %mul3A_3, %gather3A_783 : vector<16xi32>
      %gather3A_787 = tpu.vector_load_idx %arg12[%add3A_786] : memref<2048xi32, #tpu.memory_space<vmem>>[vector<16xi32>], vector<16xi32>,
      %add3A_788 = arith.constant 1 : i32
      %add3A_789 = vector.broadcast %add3A_788 : i32 to vector<16xi32>
      %add3A_790 = arith.addi %gather3A_787, %add3A_789 : vector<16xi32>
      tpu.vector_store_idx %arg12[%add3A_786], %add3A_790 : memref<2048xi32, #tpu.memory_space<vmem>>[vector<16xi32>], vector<16xi32>,
      %gather3A_791 = tpu.vector_load_idx %arg13[%gather3A_783] : memref<128xf32, #tpu.memory_space<vmem>>[vector<16xi32>], vector<16xf32>,
      %convert_element_type3A_792 = arith.sitofp %gather3A_787 : vector<16xi32> to vector<16xf32>
      %add3A_793 = arith.constant 5.000000e-01 : f32
      %add3A_794 = vector.broadcast %add3A_793 : f32 to vector<16xf32>
      %add3A_795 = arith.addf %convert_element_type3A_792, %add3A_794 : vector<16xf32>
      %mul3A_796 = arith.mulf %add3A_795, %gather3A_791 : vector<16xf32>
      %convert_element_type3A_797 = arith.fptosi %mul3A_796 : vector<16xf32> to vector<16xi32>
      %gt3A_798 = arith.constant 0.000000e+00 : f32
      %gt3A_799 = vector.broadcast %gt3A_798 : f32 to vector<16xf32>
      %gt3A_800 = arith.cmpf ogt, %gather3A_791, %gt3A_799 : vector<16xf32>
      %lt3A_801 = arith.constant 15 : i32
      %lt3A_802 = vector.broadcast %lt3A_801 : i32 to vector<16xi32>
      %lt3A_803 = arith.cmpi slt, %convert_element_type3A_797, %lt3A_802 : vector<16xi32>
      %and3A_804 = arith.andi %gt3A_800, %lt3A_803 : vector<16xi1>
      %mul3A_805 = arith.constant 15 : i32
      %mul3A_806 = vector.broadcast %mul3A_805 : i32 to vector<16xi32>
      %mul3A_807 = arith.muli %gather3A_783, %mul3A_806 : vector<16xi32>
      %add3A_808 = arith.addi %mul3A_6, %mul3A_807 : vector<16xi32>
      %add3A_809 = arith.addi %add3A_808, %convert_element_type3A_797 : vector<16xi32>
      tpu.vector_store_idx %arg14[%add3A_809], %gather3A_784 masked %and3A_804 {add = true} : memref<24064xf32, #tpu.memory_space<vmem>>[vector<16xi32>], vector<16xf32>, vector<16xi1>
      tpu.vector_store_idx %arg15[%add3A_809], %gather3A_785 masked %and3A_804 {add = true} : memref<24064xf32, #tpu.memory_space<vmem>>[vector<16xi32>], vector<16xf32>, vector<16xi1>
      %mul3A_810 = arith.constant 4 : i32
      %mul3A_811 = arith.muli %scan3A_718, %mul3A_810 : i32
      %add3A_812 = arith.constant 3 : i32
      %add3A_813 = arith.addi %mul3A_811, %add3A_812 : i32
      %broadcast_in_dim3A_814 = vector.broadcast %add3A_813 : i32 to vector<16xi32>
      %gather3A_815 = tpu.vector_load_idx %arg9[%broadcast_in_dim3A_484, %iota3A, %broadcast_in_dim3A_814] : memref<2x16x513xi32, #tpu.memory_space<vmem>>[vector<16xi32>, vector<16xi32>, vector<16xi32>], vector<16xi32>,
      %gather3A_816 = tpu.vector_load_idx %arg10[%broadcast_in_dim3A_484, %iota3A, %broadcast_in_dim3A_814] : memref<2x16x513xf32, #tpu.memory_space<vmem>>[vector<16xi32>, vector<16xi32>, vector<16xi32>], vector<16xf32>,
      %gather3A_817 = tpu.vector_load_idx %arg11[%broadcast_in_dim3A_484, %iota3A, %broadcast_in_dim3A_814] : memref<2x16x513xf32, #tpu.memory_space<vmem>>[vector<16xi32>, vector<16xi32>, vector<16xi32>], vector<16xf32>,
      %add3A_818 = arith.addi %mul3A_3, %gather3A_815 : vector<16xi32>
      %gather3A_819 = tpu.vector_load_idx %arg12[%add3A_818] : memref<2048xi32, #tpu.memory_space<vmem>>[vector<16xi32>], vector<16xi32>,
      %add3A_820 = arith.constant 1 : i32
      %add3A_821 = vector.broadcast %add3A_820 : i32 to vector<16xi32>
      %add3A_822 = arith.addi %gather3A_819, %add3A_821 : vector<16xi32>
      tpu.vector_store_idx %arg12[%add3A_818], %add3A_822 : memref<2048xi32, #tpu.memory_space<vmem>>[vector<16xi32>], vector<16xi32>,
      %gather3A_823 = tpu.vector_load_idx %arg13[%gather3A_815] : memref<128xf32, #tpu.memory_space<vmem>>[vector<16xi32>], vector<16xf32>,
      %convert_element_type3A_824 = arith.sitofp %gather3A_819 : vector<16xi32> to vector<16xf32>
      %add3A_825 = arith.constant 5.000000e-01 : f32
      %add3A_826 = vector.broadcast %add3A_825 : f32 to vector<16xf32>
      %add3A_827 = arith.addf %convert_element_type3A_824, %add3A_826 : vector<16xf32>
      %mul3A_828 = arith.mulf %add3A_827, %gather3A_823 : vector<16xf32>
      %convert_element_type3A_829 = arith.fptosi %mul3A_828 : vector<16xf32> to vector<16xi32>
      %gt3A_830 = arith.constant 0.000000e+00 : f32
      %gt3A_831 = vector.broadcast %gt3A_830 : f32 to vector<16xf32>
      %gt3A_832 = arith.cmpf ogt, %gather3A_823, %gt3A_831 : vector<16xf32>
      %lt3A_833 = arith.constant 15 : i32
      %lt3A_834 = vector.broadcast %lt3A_833 : i32 to vector<16xi32>
      %lt3A_835 = arith.cmpi slt, %convert_element_type3A_829, %lt3A_834 : vector<16xi32>
      %and3A_836 = arith.andi %gt3A_832, %lt3A_835 : vector<16xi1>
      %mul3A_837 = arith.constant 15 : i32
      %mul3A_838 = vector.broadcast %mul3A_837 : i32 to vector<16xi32>
      %mul3A_839 = arith.muli %gather3A_815, %mul3A_838 : vector<16xi32>
      %add3A_840 = arith.addi %mul3A_6, %mul3A_839 : vector<16xi32>
      %add3A_841 = arith.addi %add3A_840, %convert_element_type3A_829 : vector<16xi32>
      tpu.vector_store_idx %arg14[%add3A_841], %gather3A_816 masked %and3A_836 {add = true} : memref<24064xf32, #tpu.memory_space<vmem>>[vector<16xi32>], vector<16xf32>, vector<16xi1>
      tpu.vector_store_idx %arg15[%add3A_841], %gather3A_817 masked %and3A_836 {add = true} : memref<24064xf32, #tpu.memory_space<vmem>>[vector<16xi32>], vector<16xf32>, vector<16xi1>
    }
    %scan3A_489 = arith.constant 128 : i32
    %dma_wait3A_490 = arith.constant 1 : i32
    %dma_wait3A_491 = arith.constant 0 : i32
    %dma_wait3A_492 = arith.constant 0 : i32
    %dma_wait3A_493 = tpu.memref_slice %arg9[%dma_wait3A_490, %dma_wait3A_491, %dma_wait3A_492] : memref<2x16x513xi32, #tpu.memory_space<vmem>> -> memref<1x16x512xi32, #tpu.memory_space<vmem>>
    %dma_wait3A_494 = tpu.memref_squeeze %dma_wait3A_493 : memref<1x16x512xi32, #tpu.memory_space<vmem>> -> memref<16x512xi32, #tpu.memory_space<vmem>>
    %dma_wait3A_495 = arith.constant 2560 : i32
    %dma_wait3A_496 = tpu.memref_slice %arg2[%mul3A_443, %dma_wait3A_495] : memref<512x4096xi32, #tpu.memory_space<hbm>> -> memref<16x512xi32, #tpu.memory_space<hbm>>
    %dma_wait3A_497 = arith.constant 0 : i32
    %dma_wait3A_498 = arith.constant 0 : i32
    %dma_wait3A_499 = tpu.memref_slice %arg9[%dma_wait3A_490, %dma_wait3A_497, %dma_wait3A_498] : memref<2x16x513xi32, #tpu.memory_space<vmem>> -> memref<1x16x512xi32, #tpu.memory_space<vmem>>
    %dma_wait3A_500 = tpu.memref_squeeze %dma_wait3A_499 : memref<1x16x512xi32, #tpu.memory_space<vmem>> -> memref<16x512xi32, #tpu.memory_space<vmem>>
    %dma_wait3A_501 = arith.constant 2560 : i32
    %dma_wait3A_502 = tpu.memref_slice %arg2[%mul3A_443, %dma_wait3A_501] : memref<512x4096xi32, #tpu.memory_space<hbm>> -> memref<16x512xi32, #tpu.memory_space<hbm>>
    tpu.wait_dma2 semaphore(%arg16 : memref<!tpu.dma_semaphore, #tpu.memory_space<semaphore_mem>>) src(%dma_wait3A_502 : memref<16x512xi32, #tpu.memory_space<hbm>>) dst(%dma_wait3A_500 : memref<16x512xi32, #tpu.memory_space<vmem>>)
    %dma_wait3A_503 = arith.constant 1 : i32
    %dma_wait3A_504 = arith.constant 0 : i32
    %dma_wait3A_505 = arith.constant 0 : i32
    %dma_wait3A_506 = tpu.memref_slice %arg10[%dma_wait3A_503, %dma_wait3A_504, %dma_wait3A_505] : memref<2x16x513xf32, #tpu.memory_space<vmem>> -> memref<1x16x512xf32, #tpu.memory_space<vmem>>
    %dma_wait3A_507 = tpu.memref_squeeze %dma_wait3A_506 : memref<1x16x512xf32, #tpu.memory_space<vmem>> -> memref<16x512xf32, #tpu.memory_space<vmem>>
    %dma_wait3A_508 = arith.constant 2560 : i32
    %dma_wait3A_509 = tpu.memref_slice %arg3[%mul3A_443, %dma_wait3A_508] : memref<512x4096xf32, #tpu.memory_space<hbm>> -> memref<16x512xf32, #tpu.memory_space<hbm>>
    %dma_wait3A_510 = arith.constant 0 : i32
    %dma_wait3A_511 = arith.constant 0 : i32
    %dma_wait3A_512 = tpu.memref_slice %arg10[%dma_wait3A_503, %dma_wait3A_510, %dma_wait3A_511] : memref<2x16x513xf32, #tpu.memory_space<vmem>> -> memref<1x16x512xf32, #tpu.memory_space<vmem>>
    %dma_wait3A_513 = tpu.memref_squeeze %dma_wait3A_512 : memref<1x16x512xf32, #tpu.memory_space<vmem>> -> memref<16x512xf32, #tpu.memory_space<vmem>>
    %dma_wait3A_514 = arith.constant 2560 : i32
    %dma_wait3A_515 = tpu.memref_slice %arg3[%mul3A_443, %dma_wait3A_514] : memref<512x4096xf32, #tpu.memory_space<hbm>> -> memref<16x512xf32, #tpu.memory_space<hbm>>
    tpu.wait_dma2 semaphore(%arg16 : memref<!tpu.dma_semaphore, #tpu.memory_space<semaphore_mem>>) src(%dma_wait3A_515 : memref<16x512xf32, #tpu.memory_space<hbm>>) dst(%dma_wait3A_513 : memref<16x512xf32, #tpu.memory_space<vmem>>)
    %dma_wait3A_516 = arith.constant 1 : i32
    %dma_wait3A_517 = arith.constant 0 : i32
    %dma_wait3A_518 = arith.constant 0 : i32
    %dma_wait3A_519 = tpu.memref_slice %arg11[%dma_wait3A_516, %dma_wait3A_517, %dma_wait3A_518] : memref<2x16x513xf32, #tpu.memory_space<vmem>> -> memref<1x16x512xf32, #tpu.memory_space<vmem>>
    %dma_wait3A_520 = tpu.memref_squeeze %dma_wait3A_519 : memref<1x16x512xf32, #tpu.memory_space<vmem>> -> memref<16x512xf32, #tpu.memory_space<vmem>>
    %dma_wait3A_521 = arith.constant 2560 : i32
    %dma_wait3A_522 = tpu.memref_slice %arg4[%mul3A_443, %dma_wait3A_521] : memref<512x4096xf32, #tpu.memory_space<hbm>> -> memref<16x512xf32, #tpu.memory_space<hbm>>
    %dma_wait3A_523 = arith.constant 0 : i32
    %dma_wait3A_524 = arith.constant 0 : i32
    %dma_wait3A_525 = tpu.memref_slice %arg11[%dma_wait3A_516, %dma_wait3A_523, %dma_wait3A_524] : memref<2x16x513xf32, #tpu.memory_space<vmem>> -> memref<1x16x512xf32, #tpu.memory_space<vmem>>
    %dma_wait3A_526 = tpu.memref_squeeze %dma_wait3A_525 : memref<1x16x512xf32, #tpu.memory_space<vmem>> -> memref<16x512xf32, #tpu.memory_space<vmem>>
    %dma_wait3A_527 = arith.constant 2560 : i32
    %dma_wait3A_528 = tpu.memref_slice %arg4[%mul3A_443, %dma_wait3A_527] : memref<512x4096xf32, #tpu.memory_space<hbm>> -> memref<16x512xf32, #tpu.memory_space<hbm>>
    tpu.wait_dma2 semaphore(%arg16 : memref<!tpu.dma_semaphore, #tpu.memory_space<semaphore_mem>>) src(%dma_wait3A_528 : memref<16x512xf32, #tpu.memory_space<hbm>>) dst(%dma_wait3A_526 : memref<16x512xf32, #tpu.memory_space<vmem>>)
    %mul3A_529 = arith.constant 16 : i32
    %mul3A_530 = arith.muli %add3A, %mul3A_529 : i32
    %dma_start3A_531 = arith.constant 0 : i32
    %dma_start3A_532 = arith.constant 0 : i32
    %dma_start3A_533 = arith.constant 0 : i32
    %dma_start3A_534 = tpu.memref_slice %arg9[%dma_start3A_531, %dma_start3A_532, %dma_start3A_533] : memref<2x16x513xi32, #tpu.memory_space<vmem>> -> memref<1x16x512xi32, #tpu.memory_space<vmem>>
    %dma_start3A_535 = tpu.memref_squeeze %dma_start3A_534 : memref<1x16x512xi32, #tpu.memory_space<vmem>> -> memref<16x512xi32, #tpu.memory_space<vmem>>
    %dma_start3A_536 = arith.constant 3072 : i32
    %dma_start3A_537 = tpu.memref_slice %arg2[%mul3A_530, %dma_start3A_536] : memref<512x4096xi32, #tpu.memory_space<hbm>> -> memref<16x512xi32, #tpu.memory_space<hbm>>
    %dma_start3A_538 = arith.constant 0 : i32
    %dma_start3A_539 = arith.constant 0 : i32
    %dma_start3A_540 = tpu.memref_slice %arg9[%dma_start3A_531, %dma_start3A_538, %dma_start3A_539] : memref<2x16x513xi32, #tpu.memory_space<vmem>> -> memref<1x16x512xi32, #tpu.memory_space<vmem>>
    %dma_start3A_541 = tpu.memref_squeeze %dma_start3A_540 : memref<1x16x512xi32, #tpu.memory_space<vmem>> -> memref<16x512xi32, #tpu.memory_space<vmem>>
    %dma_start3A_542 = arith.constant 3072 : i32
    %dma_start3A_543 = tpu.memref_slice %arg2[%mul3A_530, %dma_start3A_542] : memref<512x4096xi32, #tpu.memory_space<hbm>> -> memref<16x512xi32, #tpu.memory_space<hbm>>
    tpu.enqueue_dma source(%dma_start3A_543 : memref<16x512xi32, #tpu.memory_space<hbm>>) target(%dma_start3A_541 : memref<16x512xi32, #tpu.memory_space<vmem>>) target_semaphore(%arg16 : memref<!tpu.dma_semaphore, #tpu.memory_space<semaphore_mem>>)
    %dma_start3A_544 = arith.constant 0 : i32
    %dma_start3A_545 = arith.constant 0 : i32
    %dma_start3A_546 = arith.constant 0 : i32
    %dma_start3A_547 = tpu.memref_slice %arg10[%dma_start3A_544, %dma_start3A_545, %dma_start3A_546] : memref<2x16x513xf32, #tpu.memory_space<vmem>> -> memref<1x16x512xf32, #tpu.memory_space<vmem>>
    %dma_start3A_548 = tpu.memref_squeeze %dma_start3A_547 : memref<1x16x512xf32, #tpu.memory_space<vmem>> -> memref<16x512xf32, #tpu.memory_space<vmem>>
    %dma_start3A_549 = arith.constant 3072 : i32
    %dma_start3A_550 = tpu.memref_slice %arg3[%mul3A_530, %dma_start3A_549] : memref<512x4096xf32, #tpu.memory_space<hbm>> -> memref<16x512xf32, #tpu.memory_space<hbm>>
    %dma_start3A_551 = arith.constant 0 : i32
    %dma_start3A_552 = arith.constant 0 : i32
    %dma_start3A_553 = tpu.memref_slice %arg10[%dma_start3A_544, %dma_start3A_551, %dma_start3A_552] : memref<2x16x513xf32, #tpu.memory_space<vmem>> -> memref<1x16x512xf32, #tpu.memory_space<vmem>>
    %dma_start3A_554 = tpu.memref_squeeze %dma_start3A_553 : memref<1x16x512xf32, #tpu.memory_space<vmem>> -> memref<16x512xf32, #tpu.memory_space<vmem>>
    %dma_start3A_555 = arith.constant 3072 : i32
    %dma_start3A_556 = tpu.memref_slice %arg3[%mul3A_530, %dma_start3A_555] : memref<512x4096xf32, #tpu.memory_space<hbm>> -> memref<16x512xf32, #tpu.memory_space<hbm>>
    tpu.enqueue_dma source(%dma_start3A_556 : memref<16x512xf32, #tpu.memory_space<hbm>>) target(%dma_start3A_554 : memref<16x512xf32, #tpu.memory_space<vmem>>) target_semaphore(%arg16 : memref<!tpu.dma_semaphore, #tpu.memory_space<semaphore_mem>>)
    %dma_start3A_557 = arith.constant 0 : i32
    %dma_start3A_558 = arith.constant 0 : i32
    %dma_start3A_559 = arith.constant 0 : i32
    %dma_start3A_560 = tpu.memref_slice %arg11[%dma_start3A_557, %dma_start3A_558, %dma_start3A_559] : memref<2x16x513xf32, #tpu.memory_space<vmem>> -> memref<1x16x512xf32, #tpu.memory_space<vmem>>
    %dma_start3A_561 = tpu.memref_squeeze %dma_start3A_560 : memref<1x16x512xf32, #tpu.memory_space<vmem>> -> memref<16x512xf32, #tpu.memory_space<vmem>>
    %dma_start3A_562 = arith.constant 3072 : i32
    %dma_start3A_563 = tpu.memref_slice %arg4[%mul3A_530, %dma_start3A_562] : memref<512x4096xf32, #tpu.memory_space<hbm>> -> memref<16x512xf32, #tpu.memory_space<hbm>>
    %dma_start3A_564 = arith.constant 0 : i32
    %dma_start3A_565 = arith.constant 0 : i32
    %dma_start3A_566 = tpu.memref_slice %arg11[%dma_start3A_557, %dma_start3A_564, %dma_start3A_565] : memref<2x16x513xf32, #tpu.memory_space<vmem>> -> memref<1x16x512xf32, #tpu.memory_space<vmem>>
    %dma_start3A_567 = tpu.memref_squeeze %dma_start3A_566 : memref<1x16x512xf32, #tpu.memory_space<vmem>> -> memref<16x512xf32, #tpu.memory_space<vmem>>
    %dma_start3A_568 = arith.constant 3072 : i32
    %dma_start3A_569 = tpu.memref_slice %arg4[%mul3A_530, %dma_start3A_568] : memref<512x4096xf32, #tpu.memory_space<hbm>> -> memref<16x512xf32, #tpu.memory_space<hbm>>
    tpu.enqueue_dma source(%dma_start3A_569 : memref<16x512xf32, #tpu.memory_space<hbm>>) target(%dma_start3A_567 : memref<16x512xf32, #tpu.memory_space<vmem>>) target_semaphore(%arg16 : memref<!tpu.dma_semaphore, #tpu.memory_space<semaphore_mem>>)
    %broadcast_in_dim3A_570 = arith.constant 1 : i32
    %broadcast_in_dim3A_571 = vector.broadcast %broadcast_in_dim3A_570 : i32 to vector<16xi32>
    %scan3A_572 = arith.constant 0 : i32
    %scan3A_573 = arith.constant 128 : i32
    %scan3A_574 = arith.addi %scan3A_572, %scan3A_573 : i32
    %scan3A_575 = arith.constant 1 : i32
    scf.for %scan3A_718 = %scan3A_572 to %scan3A_574 step %scan3A_575  : i32 {
      %mul3A_719 = arith.constant 4 : i32
      %mul3A_720 = arith.muli %scan3A_718, %mul3A_719 : i32
      %add3A_721 = arith.constant 0 : i32
      %add3A_722 = arith.addi %mul3A_720, %add3A_721 : i32
      %broadcast_in_dim3A_723 = vector.broadcast %add3A_722 : i32 to vector<16xi32>
      %gather3A = tpu.vector_load_idx %arg9[%broadcast_in_dim3A_571, %iota3A, %broadcast_in_dim3A_723] : memref<2x16x513xi32, #tpu.memory_space<vmem>>[vector<16xi32>, vector<16xi32>, vector<16xi32>], vector<16xi32>,
      %gather3A_724 = tpu.vector_load_idx %arg10[%broadcast_in_dim3A_571, %iota3A, %broadcast_in_dim3A_723] : memref<2x16x513xf32, #tpu.memory_space<vmem>>[vector<16xi32>, vector<16xi32>, vector<16xi32>], vector<16xf32>,
      %gather3A_725 = tpu.vector_load_idx %arg11[%broadcast_in_dim3A_571, %iota3A, %broadcast_in_dim3A_723] : memref<2x16x513xf32, #tpu.memory_space<vmem>>[vector<16xi32>, vector<16xi32>, vector<16xi32>], vector<16xf32>,
      %add3A_726 = arith.addi %mul3A_3, %gather3A : vector<16xi32>
      %gather3A_727 = tpu.vector_load_idx %arg12[%add3A_726] : memref<2048xi32, #tpu.memory_space<vmem>>[vector<16xi32>], vector<16xi32>,
      %add3A_728 = arith.constant 1 : i32
      %add3A_729 = vector.broadcast %add3A_728 : i32 to vector<16xi32>
      %add3A_730 = arith.addi %gather3A_727, %add3A_729 : vector<16xi32>
      tpu.vector_store_idx %arg12[%add3A_726], %add3A_730 : memref<2048xi32, #tpu.memory_space<vmem>>[vector<16xi32>], vector<16xi32>,
      %gather3A_731 = tpu.vector_load_idx %arg13[%gather3A] : memref<128xf32, #tpu.memory_space<vmem>>[vector<16xi32>], vector<16xf32>,
      %convert_element_type3A = arith.sitofp %gather3A_727 : vector<16xi32> to vector<16xf32>
      %add3A_732 = arith.constant 5.000000e-01 : f32
      %add3A_733 = vector.broadcast %add3A_732 : f32 to vector<16xf32>
      %add3A_734 = arith.addf %convert_element_type3A, %add3A_733 : vector<16xf32>
      %mul3A_735 = arith.mulf %add3A_734, %gather3A_731 : vector<16xf32>
      %convert_element_type3A_736 = arith.fptosi %mul3A_735 : vector<16xf32> to vector<16xi32>
      %gt3A = arith.constant 0.000000e+00 : f32
      %gt3A_737 = vector.broadcast %gt3A : f32 to vector<16xf32>
      %gt3A_738 = arith.cmpf ogt, %gather3A_731, %gt3A_737 : vector<16xf32>
      %lt3A = arith.constant 15 : i32
      %lt3A_739 = vector.broadcast %lt3A : i32 to vector<16xi32>
      %lt3A_740 = arith.cmpi slt, %convert_element_type3A_736, %lt3A_739 : vector<16xi32>
      %and3A = arith.andi %gt3A_738, %lt3A_740 : vector<16xi1>
      %mul3A_741 = arith.constant 15 : i32
      %mul3A_742 = vector.broadcast %mul3A_741 : i32 to vector<16xi32>
      %mul3A_743 = arith.muli %gather3A, %mul3A_742 : vector<16xi32>
      %add3A_744 = arith.addi %mul3A_6, %mul3A_743 : vector<16xi32>
      %add3A_745 = arith.addi %add3A_744, %convert_element_type3A_736 : vector<16xi32>
      tpu.vector_store_idx %arg14[%add3A_745], %gather3A_724 masked %and3A {add = true} : memref<24064xf32, #tpu.memory_space<vmem>>[vector<16xi32>], vector<16xf32>, vector<16xi1>
      tpu.vector_store_idx %arg15[%add3A_745], %gather3A_725 masked %and3A {add = true} : memref<24064xf32, #tpu.memory_space<vmem>>[vector<16xi32>], vector<16xf32>, vector<16xi1>
      %mul3A_746 = arith.constant 4 : i32
      %mul3A_747 = arith.muli %scan3A_718, %mul3A_746 : i32
      %add3A_748 = arith.constant 1 : i32
      %add3A_749 = arith.addi %mul3A_747, %add3A_748 : i32
      %broadcast_in_dim3A_750 = vector.broadcast %add3A_749 : i32 to vector<16xi32>
      %gather3A_751 = tpu.vector_load_idx %arg9[%broadcast_in_dim3A_571, %iota3A, %broadcast_in_dim3A_750] : memref<2x16x513xi32, #tpu.memory_space<vmem>>[vector<16xi32>, vector<16xi32>, vector<16xi32>], vector<16xi32>,
      %gather3A_752 = tpu.vector_load_idx %arg10[%broadcast_in_dim3A_571, %iota3A, %broadcast_in_dim3A_750] : memref<2x16x513xf32, #tpu.memory_space<vmem>>[vector<16xi32>, vector<16xi32>, vector<16xi32>], vector<16xf32>,
      %gather3A_753 = tpu.vector_load_idx %arg11[%broadcast_in_dim3A_571, %iota3A, %broadcast_in_dim3A_750] : memref<2x16x513xf32, #tpu.memory_space<vmem>>[vector<16xi32>, vector<16xi32>, vector<16xi32>], vector<16xf32>,
      %add3A_754 = arith.addi %mul3A_3, %gather3A_751 : vector<16xi32>
      %gather3A_755 = tpu.vector_load_idx %arg12[%add3A_754] : memref<2048xi32, #tpu.memory_space<vmem>>[vector<16xi32>], vector<16xi32>,
      %add3A_756 = arith.constant 1 : i32
      %add3A_757 = vector.broadcast %add3A_756 : i32 to vector<16xi32>
      %add3A_758 = arith.addi %gather3A_755, %add3A_757 : vector<16xi32>
      tpu.vector_store_idx %arg12[%add3A_754], %add3A_758 : memref<2048xi32, #tpu.memory_space<vmem>>[vector<16xi32>], vector<16xi32>,
      %gather3A_759 = tpu.vector_load_idx %arg13[%gather3A_751] : memref<128xf32, #tpu.memory_space<vmem>>[vector<16xi32>], vector<16xf32>,
      %convert_element_type3A_760 = arith.sitofp %gather3A_755 : vector<16xi32> to vector<16xf32>
      %add3A_761 = arith.constant 5.000000e-01 : f32
      %add3A_762 = vector.broadcast %add3A_761 : f32 to vector<16xf32>
      %add3A_763 = arith.addf %convert_element_type3A_760, %add3A_762 : vector<16xf32>
      %mul3A_764 = arith.mulf %add3A_763, %gather3A_759 : vector<16xf32>
      %convert_element_type3A_765 = arith.fptosi %mul3A_764 : vector<16xf32> to vector<16xi32>
      %gt3A_766 = arith.constant 0.000000e+00 : f32
      %gt3A_767 = vector.broadcast %gt3A_766 : f32 to vector<16xf32>
      %gt3A_768 = arith.cmpf ogt, %gather3A_759, %gt3A_767 : vector<16xf32>
      %lt3A_769 = arith.constant 15 : i32
      %lt3A_770 = vector.broadcast %lt3A_769 : i32 to vector<16xi32>
      %lt3A_771 = arith.cmpi slt, %convert_element_type3A_765, %lt3A_770 : vector<16xi32>
      %and3A_772 = arith.andi %gt3A_768, %lt3A_771 : vector<16xi1>
      %mul3A_773 = arith.constant 15 : i32
      %mul3A_774 = vector.broadcast %mul3A_773 : i32 to vector<16xi32>
      %mul3A_775 = arith.muli %gather3A_751, %mul3A_774 : vector<16xi32>
      %add3A_776 = arith.addi %mul3A_6, %mul3A_775 : vector<16xi32>
      %add3A_777 = arith.addi %add3A_776, %convert_element_type3A_765 : vector<16xi32>
      tpu.vector_store_idx %arg14[%add3A_777], %gather3A_752 masked %and3A_772 {add = true} : memref<24064xf32, #tpu.memory_space<vmem>>[vector<16xi32>], vector<16xf32>, vector<16xi1>
      tpu.vector_store_idx %arg15[%add3A_777], %gather3A_753 masked %and3A_772 {add = true} : memref<24064xf32, #tpu.memory_space<vmem>>[vector<16xi32>], vector<16xf32>, vector<16xi1>
      %mul3A_778 = arith.constant 4 : i32
      %mul3A_779 = arith.muli %scan3A_718, %mul3A_778 : i32
      %add3A_780 = arith.constant 2 : i32
      %add3A_781 = arith.addi %mul3A_779, %add3A_780 : i32
      %broadcast_in_dim3A_782 = vector.broadcast %add3A_781 : i32 to vector<16xi32>
      %gather3A_783 = tpu.vector_load_idx %arg9[%broadcast_in_dim3A_571, %iota3A, %broadcast_in_dim3A_782] : memref<2x16x513xi32, #tpu.memory_space<vmem>>[vector<16xi32>, vector<16xi32>, vector<16xi32>], vector<16xi32>,
      %gather3A_784 = tpu.vector_load_idx %arg10[%broadcast_in_dim3A_571, %iota3A, %broadcast_in_dim3A_782] : memref<2x16x513xf32, #tpu.memory_space<vmem>>[vector<16xi32>, vector<16xi32>, vector<16xi32>], vector<16xf32>,
      %gather3A_785 = tpu.vector_load_idx %arg11[%broadcast_in_dim3A_571, %iota3A, %broadcast_in_dim3A_782] : memref<2x16x513xf32, #tpu.memory_space<vmem>>[vector<16xi32>, vector<16xi32>, vector<16xi32>], vector<16xf32>,
      %add3A_786 = arith.addi %mul3A_3, %gather3A_783 : vector<16xi32>
      %gather3A_787 = tpu.vector_load_idx %arg12[%add3A_786] : memref<2048xi32, #tpu.memory_space<vmem>>[vector<16xi32>], vector<16xi32>,
      %add3A_788 = arith.constant 1 : i32
      %add3A_789 = vector.broadcast %add3A_788 : i32 to vector<16xi32>
      %add3A_790 = arith.addi %gather3A_787, %add3A_789 : vector<16xi32>
      tpu.vector_store_idx %arg12[%add3A_786], %add3A_790 : memref<2048xi32, #tpu.memory_space<vmem>>[vector<16xi32>], vector<16xi32>,
      %gather3A_791 = tpu.vector_load_idx %arg13[%gather3A_783] : memref<128xf32, #tpu.memory_space<vmem>>[vector<16xi32>], vector<16xf32>,
      %convert_element_type3A_792 = arith.sitofp %gather3A_787 : vector<16xi32> to vector<16xf32>
      %add3A_793 = arith.constant 5.000000e-01 : f32
      %add3A_794 = vector.broadcast %add3A_793 : f32 to vector<16xf32>
      %add3A_795 = arith.addf %convert_element_type3A_792, %add3A_794 : vector<16xf32>
      %mul3A_796 = arith.mulf %add3A_795, %gather3A_791 : vector<16xf32>
      %convert_element_type3A_797 = arith.fptosi %mul3A_796 : vector<16xf32> to vector<16xi32>
      %gt3A_798 = arith.constant 0.000000e+00 : f32
      %gt3A_799 = vector.broadcast %gt3A_798 : f32 to vector<16xf32>
      %gt3A_800 = arith.cmpf ogt, %gather3A_791, %gt3A_799 : vector<16xf32>
      %lt3A_801 = arith.constant 15 : i32
      %lt3A_802 = vector.broadcast %lt3A_801 : i32 to vector<16xi32>
      %lt3A_803 = arith.cmpi slt, %convert_element_type3A_797, %lt3A_802 : vector<16xi32>
      %and3A_804 = arith.andi %gt3A_800, %lt3A_803 : vector<16xi1>
      %mul3A_805 = arith.constant 15 : i32
      %mul3A_806 = vector.broadcast %mul3A_805 : i32 to vector<16xi32>
      %mul3A_807 = arith.muli %gather3A_783, %mul3A_806 : vector<16xi32>
      %add3A_808 = arith.addi %mul3A_6, %mul3A_807 : vector<16xi32>
      %add3A_809 = arith.addi %add3A_808, %convert_element_type3A_797 : vector<16xi32>
      tpu.vector_store_idx %arg14[%add3A_809], %gather3A_784 masked %and3A_804 {add = true} : memref<24064xf32, #tpu.memory_space<vmem>>[vector<16xi32>], vector<16xf32>, vector<16xi1>
      tpu.vector_store_idx %arg15[%add3A_809], %gather3A_785 masked %and3A_804 {add = true} : memref<24064xf32, #tpu.memory_space<vmem>>[vector<16xi32>], vector<16xf32>, vector<16xi1>
      %mul3A_810 = arith.constant 4 : i32
      %mul3A_811 = arith.muli %scan3A_718, %mul3A_810 : i32
      %add3A_812 = arith.constant 3 : i32
      %add3A_813 = arith.addi %mul3A_811, %add3A_812 : i32
      %broadcast_in_dim3A_814 = vector.broadcast %add3A_813 : i32 to vector<16xi32>
      %gather3A_815 = tpu.vector_load_idx %arg9[%broadcast_in_dim3A_571, %iota3A, %broadcast_in_dim3A_814] : memref<2x16x513xi32, #tpu.memory_space<vmem>>[vector<16xi32>, vector<16xi32>, vector<16xi32>], vector<16xi32>,
      %gather3A_816 = tpu.vector_load_idx %arg10[%broadcast_in_dim3A_571, %iota3A, %broadcast_in_dim3A_814] : memref<2x16x513xf32, #tpu.memory_space<vmem>>[vector<16xi32>, vector<16xi32>, vector<16xi32>], vector<16xf32>,
      %gather3A_817 = tpu.vector_load_idx %arg11[%broadcast_in_dim3A_571, %iota3A, %broadcast_in_dim3A_814] : memref<2x16x513xf32, #tpu.memory_space<vmem>>[vector<16xi32>, vector<16xi32>, vector<16xi32>], vector<16xf32>,
      %add3A_818 = arith.addi %mul3A_3, %gather3A_815 : vector<16xi32>
      %gather3A_819 = tpu.vector_load_idx %arg12[%add3A_818] : memref<2048xi32, #tpu.memory_space<vmem>>[vector<16xi32>], vector<16xi32>,
      %add3A_820 = arith.constant 1 : i32
      %add3A_821 = vector.broadcast %add3A_820 : i32 to vector<16xi32>
      %add3A_822 = arith.addi %gather3A_819, %add3A_821 : vector<16xi32>
      tpu.vector_store_idx %arg12[%add3A_818], %add3A_822 : memref<2048xi32, #tpu.memory_space<vmem>>[vector<16xi32>], vector<16xi32>,
      %gather3A_823 = tpu.vector_load_idx %arg13[%gather3A_815] : memref<128xf32, #tpu.memory_space<vmem>>[vector<16xi32>], vector<16xf32>,
      %convert_element_type3A_824 = arith.sitofp %gather3A_819 : vector<16xi32> to vector<16xf32>
      %add3A_825 = arith.constant 5.000000e-01 : f32
      %add3A_826 = vector.broadcast %add3A_825 : f32 to vector<16xf32>
      %add3A_827 = arith.addf %convert_element_type3A_824, %add3A_826 : vector<16xf32>
      %mul3A_828 = arith.mulf %add3A_827, %gather3A_823 : vector<16xf32>
      %convert_element_type3A_829 = arith.fptosi %mul3A_828 : vector<16xf32> to vector<16xi32>
      %gt3A_830 = arith.constant 0.000000e+00 : f32
      %gt3A_831 = vector.broadcast %gt3A_830 : f32 to vector<16xf32>
      %gt3A_832 = arith.cmpf ogt, %gather3A_823, %gt3A_831 : vector<16xf32>
      %lt3A_833 = arith.constant 15 : i32
      %lt3A_834 = vector.broadcast %lt3A_833 : i32 to vector<16xi32>
      %lt3A_835 = arith.cmpi slt, %convert_element_type3A_829, %lt3A_834 : vector<16xi32>
      %and3A_836 = arith.andi %gt3A_832, %lt3A_835 : vector<16xi1>
      %mul3A_837 = arith.constant 15 : i32
      %mul3A_838 = vector.broadcast %mul3A_837 : i32 to vector<16xi32>
      %mul3A_839 = arith.muli %gather3A_815, %mul3A_838 : vector<16xi32>
      %add3A_840 = arith.addi %mul3A_6, %mul3A_839 : vector<16xi32>
      %add3A_841 = arith.addi %add3A_840, %convert_element_type3A_829 : vector<16xi32>
      tpu.vector_store_idx %arg14[%add3A_841], %gather3A_816 masked %and3A_836 {add = true} : memref<24064xf32, #tpu.memory_space<vmem>>[vector<16xi32>], vector<16xf32>, vector<16xi1>
      tpu.vector_store_idx %arg15[%add3A_841], %gather3A_817 masked %and3A_836 {add = true} : memref<24064xf32, #tpu.memory_space<vmem>>[vector<16xi32>], vector<16xf32>, vector<16xi1>
    }
    %scan3A_576 = arith.constant 128 : i32
    %dma_wait3A_577 = arith.constant 0 : i32
    %dma_wait3A_578 = arith.constant 0 : i32
    %dma_wait3A_579 = arith.constant 0 : i32
    %dma_wait3A_580 = tpu.memref_slice %arg9[%dma_wait3A_577, %dma_wait3A_578, %dma_wait3A_579] : memref<2x16x513xi32, #tpu.memory_space<vmem>> -> memref<1x16x512xi32, #tpu.memory_space<vmem>>
    %dma_wait3A_581 = tpu.memref_squeeze %dma_wait3A_580 : memref<1x16x512xi32, #tpu.memory_space<vmem>> -> memref<16x512xi32, #tpu.memory_space<vmem>>
    %dma_wait3A_582 = arith.constant 3072 : i32
    %dma_wait3A_583 = tpu.memref_slice %arg2[%mul3A_530, %dma_wait3A_582] : memref<512x4096xi32, #tpu.memory_space<hbm>> -> memref<16x512xi32, #tpu.memory_space<hbm>>
    %dma_wait3A_584 = arith.constant 0 : i32
    %dma_wait3A_585 = arith.constant 0 : i32
    %dma_wait3A_586 = tpu.memref_slice %arg9[%dma_wait3A_577, %dma_wait3A_584, %dma_wait3A_585] : memref<2x16x513xi32, #tpu.memory_space<vmem>> -> memref<1x16x512xi32, #tpu.memory_space<vmem>>
    %dma_wait3A_587 = tpu.memref_squeeze %dma_wait3A_586 : memref<1x16x512xi32, #tpu.memory_space<vmem>> -> memref<16x512xi32, #tpu.memory_space<vmem>>
    %dma_wait3A_588 = arith.constant 3072 : i32
    %dma_wait3A_589 = tpu.memref_slice %arg2[%mul3A_530, %dma_wait3A_588] : memref<512x4096xi32, #tpu.memory_space<hbm>> -> memref<16x512xi32, #tpu.memory_space<hbm>>
    tpu.wait_dma2 semaphore(%arg16 : memref<!tpu.dma_semaphore, #tpu.memory_space<semaphore_mem>>) src(%dma_wait3A_589 : memref<16x512xi32, #tpu.memory_space<hbm>>) dst(%dma_wait3A_587 : memref<16x512xi32, #tpu.memory_space<vmem>>)
    %dma_wait3A_590 = arith.constant 0 : i32
    %dma_wait3A_591 = arith.constant 0 : i32
    %dma_wait3A_592 = arith.constant 0 : i32
    %dma_wait3A_593 = tpu.memref_slice %arg10[%dma_wait3A_590, %dma_wait3A_591, %dma_wait3A_592] : memref<2x16x513xf32, #tpu.memory_space<vmem>> -> memref<1x16x512xf32, #tpu.memory_space<vmem>>
    %dma_wait3A_594 = tpu.memref_squeeze %dma_wait3A_593 : memref<1x16x512xf32, #tpu.memory_space<vmem>> -> memref<16x512xf32, #tpu.memory_space<vmem>>
    %dma_wait3A_595 = arith.constant 3072 : i32
    %dma_wait3A_596 = tpu.memref_slice %arg3[%mul3A_530, %dma_wait3A_595] : memref<512x4096xf32, #tpu.memory_space<hbm>> -> memref<16x512xf32, #tpu.memory_space<hbm>>
    %dma_wait3A_597 = arith.constant 0 : i32
    %dma_wait3A_598 = arith.constant 0 : i32
    %dma_wait3A_599 = tpu.memref_slice %arg10[%dma_wait3A_590, %dma_wait3A_597, %dma_wait3A_598] : memref<2x16x513xf32, #tpu.memory_space<vmem>> -> memref<1x16x512xf32, #tpu.memory_space<vmem>>
    %dma_wait3A_600 = tpu.memref_squeeze %dma_wait3A_599 : memref<1x16x512xf32, #tpu.memory_space<vmem>> -> memref<16x512xf32, #tpu.memory_space<vmem>>
    %dma_wait3A_601 = arith.constant 3072 : i32
    %dma_wait3A_602 = tpu.memref_slice %arg3[%mul3A_530, %dma_wait3A_601] : memref<512x4096xf32, #tpu.memory_space<hbm>> -> memref<16x512xf32, #tpu.memory_space<hbm>>
    tpu.wait_dma2 semaphore(%arg16 : memref<!tpu.dma_semaphore, #tpu.memory_space<semaphore_mem>>) src(%dma_wait3A_602 : memref<16x512xf32, #tpu.memory_space<hbm>>) dst(%dma_wait3A_600 : memref<16x512xf32, #tpu.memory_space<vmem>>)
    %dma_wait3A_603 = arith.constant 0 : i32
    %dma_wait3A_604 = arith.constant 0 : i32
    %dma_wait3A_605 = arith.constant 0 : i32
    %dma_wait3A_606 = tpu.memref_slice %arg11[%dma_wait3A_603, %dma_wait3A_604, %dma_wait3A_605] : memref<2x16x513xf32, #tpu.memory_space<vmem>> -> memref<1x16x512xf32, #tpu.memory_space<vmem>>
    %dma_wait3A_607 = tpu.memref_squeeze %dma_wait3A_606 : memref<1x16x512xf32, #tpu.memory_space<vmem>> -> memref<16x512xf32, #tpu.memory_space<vmem>>
    %dma_wait3A_608 = arith.constant 3072 : i32
    %dma_wait3A_609 = tpu.memref_slice %arg4[%mul3A_530, %dma_wait3A_608] : memref<512x4096xf32, #tpu.memory_space<hbm>> -> memref<16x512xf32, #tpu.memory_space<hbm>>
    %dma_wait3A_610 = arith.constant 0 : i32
    %dma_wait3A_611 = arith.constant 0 : i32
    %dma_wait3A_612 = tpu.memref_slice %arg11[%dma_wait3A_603, %dma_wait3A_610, %dma_wait3A_611] : memref<2x16x513xf32, #tpu.memory_space<vmem>> -> memref<1x16x512xf32, #tpu.memory_space<vmem>>
    %dma_wait3A_613 = tpu.memref_squeeze %dma_wait3A_612 : memref<1x16x512xf32, #tpu.memory_space<vmem>> -> memref<16x512xf32, #tpu.memory_space<vmem>>
    %dma_wait3A_614 = arith.constant 3072 : i32
    %dma_wait3A_615 = tpu.memref_slice %arg4[%mul3A_530, %dma_wait3A_614] : memref<512x4096xf32, #tpu.memory_space<hbm>> -> memref<16x512xf32, #tpu.memory_space<hbm>>
    tpu.wait_dma2 semaphore(%arg16 : memref<!tpu.dma_semaphore, #tpu.memory_space<semaphore_mem>>) src(%dma_wait3A_615 : memref<16x512xf32, #tpu.memory_space<hbm>>) dst(%dma_wait3A_613 : memref<16x512xf32, #tpu.memory_space<vmem>>)
    %mul3A_616 = arith.constant 16 : i32
    %mul3A_617 = arith.muli %add3A, %mul3A_616 : i32
    %dma_start3A_618 = arith.constant 1 : i32
    %dma_start3A_619 = arith.constant 0 : i32
    %dma_start3A_620 = arith.constant 0 : i32
    %dma_start3A_621 = tpu.memref_slice %arg9[%dma_start3A_618, %dma_start3A_619, %dma_start3A_620] : memref<2x16x513xi32, #tpu.memory_space<vmem>> -> memref<1x16x512xi32, #tpu.memory_space<vmem>>
    %dma_start3A_622 = tpu.memref_squeeze %dma_start3A_621 : memref<1x16x512xi32, #tpu.memory_space<vmem>> -> memref<16x512xi32, #tpu.memory_space<vmem>>
    %dma_start3A_623 = arith.constant 3584 : i32
    %dma_start3A_624 = tpu.memref_slice %arg2[%mul3A_617, %dma_start3A_623] : memref<512x4096xi32, #tpu.memory_space<hbm>> -> memref<16x512xi32, #tpu.memory_space<hbm>>
    %dma_start3A_625 = arith.constant 0 : i32
    %dma_start3A_626 = arith.constant 0 : i32
    %dma_start3A_627 = tpu.memref_slice %arg9[%dma_start3A_618, %dma_start3A_625, %dma_start3A_626] : memref<2x16x513xi32, #tpu.memory_space<vmem>> -> memref<1x16x512xi32, #tpu.memory_space<vmem>>
    %dma_start3A_628 = tpu.memref_squeeze %dma_start3A_627 : memref<1x16x512xi32, #tpu.memory_space<vmem>> -> memref<16x512xi32, #tpu.memory_space<vmem>>
    %dma_start3A_629 = arith.constant 3584 : i32
    %dma_start3A_630 = tpu.memref_slice %arg2[%mul3A_617, %dma_start3A_629] : memref<512x4096xi32, #tpu.memory_space<hbm>> -> memref<16x512xi32, #tpu.memory_space<hbm>>
    tpu.enqueue_dma source(%dma_start3A_630 : memref<16x512xi32, #tpu.memory_space<hbm>>) target(%dma_start3A_628 : memref<16x512xi32, #tpu.memory_space<vmem>>) target_semaphore(%arg16 : memref<!tpu.dma_semaphore, #tpu.memory_space<semaphore_mem>>)
    %dma_start3A_631 = arith.constant 1 : i32
    %dma_start3A_632 = arith.constant 0 : i32
    %dma_start3A_633 = arith.constant 0 : i32
    %dma_start3A_634 = tpu.memref_slice %arg10[%dma_start3A_631, %dma_start3A_632, %dma_start3A_633] : memref<2x16x513xf32, #tpu.memory_space<vmem>> -> memref<1x16x512xf32, #tpu.memory_space<vmem>>
    %dma_start3A_635 = tpu.memref_squeeze %dma_start3A_634 : memref<1x16x512xf32, #tpu.memory_space<vmem>> -> memref<16x512xf32, #tpu.memory_space<vmem>>
    %dma_start3A_636 = arith.constant 3584 : i32
    %dma_start3A_637 = tpu.memref_slice %arg3[%mul3A_617, %dma_start3A_636] : memref<512x4096xf32, #tpu.memory_space<hbm>> -> memref<16x512xf32, #tpu.memory_space<hbm>>
    %dma_start3A_638 = arith.constant 0 : i32
    %dma_start3A_639 = arith.constant 0 : i32
    %dma_start3A_640 = tpu.memref_slice %arg10[%dma_start3A_631, %dma_start3A_638, %dma_start3A_639] : memref<2x16x513xf32, #tpu.memory_space<vmem>> -> memref<1x16x512xf32, #tpu.memory_space<vmem>>
    %dma_start3A_641 = tpu.memref_squeeze %dma_start3A_640 : memref<1x16x512xf32, #tpu.memory_space<vmem>> -> memref<16x512xf32, #tpu.memory_space<vmem>>
    %dma_start3A_642 = arith.constant 3584 : i32
    %dma_start3A_643 = tpu.memref_slice %arg3[%mul3A_617, %dma_start3A_642] : memref<512x4096xf32, #tpu.memory_space<hbm>> -> memref<16x512xf32, #tpu.memory_space<hbm>>
    tpu.enqueue_dma source(%dma_start3A_643 : memref<16x512xf32, #tpu.memory_space<hbm>>) target(%dma_start3A_641 : memref<16x512xf32, #tpu.memory_space<vmem>>) target_semaphore(%arg16 : memref<!tpu.dma_semaphore, #tpu.memory_space<semaphore_mem>>)
    %dma_start3A_644 = arith.constant 1 : i32
    %dma_start3A_645 = arith.constant 0 : i32
    %dma_start3A_646 = arith.constant 0 : i32
    %dma_start3A_647 = tpu.memref_slice %arg11[%dma_start3A_644, %dma_start3A_645, %dma_start3A_646] : memref<2x16x513xf32, #tpu.memory_space<vmem>> -> memref<1x16x512xf32, #tpu.memory_space<vmem>>
    %dma_start3A_648 = tpu.memref_squeeze %dma_start3A_647 : memref<1x16x512xf32, #tpu.memory_space<vmem>> -> memref<16x512xf32, #tpu.memory_space<vmem>>
    %dma_start3A_649 = arith.constant 3584 : i32
    %dma_start3A_650 = tpu.memref_slice %arg4[%mul3A_617, %dma_start3A_649] : memref<512x4096xf32, #tpu.memory_space<hbm>> -> memref<16x512xf32, #tpu.memory_space<hbm>>
    %dma_start3A_651 = arith.constant 0 : i32
    %dma_start3A_652 = arith.constant 0 : i32
    %dma_start3A_653 = tpu.memref_slice %arg11[%dma_start3A_644, %dma_start3A_651, %dma_start3A_652] : memref<2x16x513xf32, #tpu.memory_space<vmem>> -> memref<1x16x512xf32, #tpu.memory_space<vmem>>
    %dma_start3A_654 = tpu.memref_squeeze %dma_start3A_653 : memref<1x16x512xf32, #tpu.memory_space<vmem>> -> memref<16x512xf32, #tpu.memory_space<vmem>>
    %dma_start3A_655 = arith.constant 3584 : i32
    %dma_start3A_656 = tpu.memref_slice %arg4[%mul3A_617, %dma_start3A_655] : memref<512x4096xf32, #tpu.memory_space<hbm>> -> memref<16x512xf32, #tpu.memory_space<hbm>>
    tpu.enqueue_dma source(%dma_start3A_656 : memref<16x512xf32, #tpu.memory_space<hbm>>) target(%dma_start3A_654 : memref<16x512xf32, #tpu.memory_space<vmem>>) target_semaphore(%arg16 : memref<!tpu.dma_semaphore, #tpu.memory_space<semaphore_mem>>)
    %broadcast_in_dim3A_657 = arith.constant 0 : i32
    %broadcast_in_dim3A_658 = vector.broadcast %broadcast_in_dim3A_657 : i32 to vector<16xi32>
    %scan3A_659 = arith.constant 0 : i32
    %scan3A_660 = arith.constant 128 : i32
    %scan3A_661 = arith.addi %scan3A_659, %scan3A_660 : i32
    %scan3A_662 = arith.constant 1 : i32
    scf.for %scan3A_718 = %scan3A_659 to %scan3A_661 step %scan3A_662  : i32 {
      %mul3A_719 = arith.constant 4 : i32
      %mul3A_720 = arith.muli %scan3A_718, %mul3A_719 : i32
      %add3A_721 = arith.constant 0 : i32
      %add3A_722 = arith.addi %mul3A_720, %add3A_721 : i32
      %broadcast_in_dim3A_723 = vector.broadcast %add3A_722 : i32 to vector<16xi32>
      %gather3A = tpu.vector_load_idx %arg9[%broadcast_in_dim3A_658, %iota3A, %broadcast_in_dim3A_723] : memref<2x16x513xi32, #tpu.memory_space<vmem>>[vector<16xi32>, vector<16xi32>, vector<16xi32>], vector<16xi32>,
      %gather3A_724 = tpu.vector_load_idx %arg10[%broadcast_in_dim3A_658, %iota3A, %broadcast_in_dim3A_723] : memref<2x16x513xf32, #tpu.memory_space<vmem>>[vector<16xi32>, vector<16xi32>, vector<16xi32>], vector<16xf32>,
      %gather3A_725 = tpu.vector_load_idx %arg11[%broadcast_in_dim3A_658, %iota3A, %broadcast_in_dim3A_723] : memref<2x16x513xf32, #tpu.memory_space<vmem>>[vector<16xi32>, vector<16xi32>, vector<16xi32>], vector<16xf32>,
      %add3A_726 = arith.addi %mul3A_3, %gather3A : vector<16xi32>
      %gather3A_727 = tpu.vector_load_idx %arg12[%add3A_726] : memref<2048xi32, #tpu.memory_space<vmem>>[vector<16xi32>], vector<16xi32>,
      %add3A_728 = arith.constant 1 : i32
      %add3A_729 = vector.broadcast %add3A_728 : i32 to vector<16xi32>
      %add3A_730 = arith.addi %gather3A_727, %add3A_729 : vector<16xi32>
      tpu.vector_store_idx %arg12[%add3A_726], %add3A_730 : memref<2048xi32, #tpu.memory_space<vmem>>[vector<16xi32>], vector<16xi32>,
      %gather3A_731 = tpu.vector_load_idx %arg13[%gather3A] : memref<128xf32, #tpu.memory_space<vmem>>[vector<16xi32>], vector<16xf32>,
      %convert_element_type3A = arith.sitofp %gather3A_727 : vector<16xi32> to vector<16xf32>
      %add3A_732 = arith.constant 5.000000e-01 : f32
      %add3A_733 = vector.broadcast %add3A_732 : f32 to vector<16xf32>
      %add3A_734 = arith.addf %convert_element_type3A, %add3A_733 : vector<16xf32>
      %mul3A_735 = arith.mulf %add3A_734, %gather3A_731 : vector<16xf32>
      %convert_element_type3A_736 = arith.fptosi %mul3A_735 : vector<16xf32> to vector<16xi32>
      %gt3A = arith.constant 0.000000e+00 : f32
      %gt3A_737 = vector.broadcast %gt3A : f32 to vector<16xf32>
      %gt3A_738 = arith.cmpf ogt, %gather3A_731, %gt3A_737 : vector<16xf32>
      %lt3A = arith.constant 15 : i32
      %lt3A_739 = vector.broadcast %lt3A : i32 to vector<16xi32>
      %lt3A_740 = arith.cmpi slt, %convert_element_type3A_736, %lt3A_739 : vector<16xi32>
      %and3A = arith.andi %gt3A_738, %lt3A_740 : vector<16xi1>
      %mul3A_741 = arith.constant 15 : i32
      %mul3A_742 = vector.broadcast %mul3A_741 : i32 to vector<16xi32>
      %mul3A_743 = arith.muli %gather3A, %mul3A_742 : vector<16xi32>
      %add3A_744 = arith.addi %mul3A_6, %mul3A_743 : vector<16xi32>
      %add3A_745 = arith.addi %add3A_744, %convert_element_type3A_736 : vector<16xi32>
      tpu.vector_store_idx %arg14[%add3A_745], %gather3A_724 masked %and3A {add = true} : memref<24064xf32, #tpu.memory_space<vmem>>[vector<16xi32>], vector<16xf32>, vector<16xi1>
      tpu.vector_store_idx %arg15[%add3A_745], %gather3A_725 masked %and3A {add = true} : memref<24064xf32, #tpu.memory_space<vmem>>[vector<16xi32>], vector<16xf32>, vector<16xi1>
      %mul3A_746 = arith.constant 4 : i32
      %mul3A_747 = arith.muli %scan3A_718, %mul3A_746 : i32
      %add3A_748 = arith.constant 1 : i32
      %add3A_749 = arith.addi %mul3A_747, %add3A_748 : i32
      %broadcast_in_dim3A_750 = vector.broadcast %add3A_749 : i32 to vector<16xi32>
      %gather3A_751 = tpu.vector_load_idx %arg9[%broadcast_in_dim3A_658, %iota3A, %broadcast_in_dim3A_750] : memref<2x16x513xi32, #tpu.memory_space<vmem>>[vector<16xi32>, vector<16xi32>, vector<16xi32>], vector<16xi32>,
      %gather3A_752 = tpu.vector_load_idx %arg10[%broadcast_in_dim3A_658, %iota3A, %broadcast_in_dim3A_750] : memref<2x16x513xf32, #tpu.memory_space<vmem>>[vector<16xi32>, vector<16xi32>, vector<16xi32>], vector<16xf32>,
      %gather3A_753 = tpu.vector_load_idx %arg11[%broadcast_in_dim3A_658, %iota3A, %broadcast_in_dim3A_750] : memref<2x16x513xf32, #tpu.memory_space<vmem>>[vector<16xi32>, vector<16xi32>, vector<16xi32>], vector<16xf32>,
      %add3A_754 = arith.addi %mul3A_3, %gather3A_751 : vector<16xi32>
      %gather3A_755 = tpu.vector_load_idx %arg12[%add3A_754] : memref<2048xi32, #tpu.memory_space<vmem>>[vector<16xi32>], vector<16xi32>,
      %add3A_756 = arith.constant 1 : i32
      %add3A_757 = vector.broadcast %add3A_756 : i32 to vector<16xi32>
      %add3A_758 = arith.addi %gather3A_755, %add3A_757 : vector<16xi32>
      tpu.vector_store_idx %arg12[%add3A_754], %add3A_758 : memref<2048xi32, #tpu.memory_space<vmem>>[vector<16xi32>], vector<16xi32>,
      %gather3A_759 = tpu.vector_load_idx %arg13[%gather3A_751] : memref<128xf32, #tpu.memory_space<vmem>>[vector<16xi32>], vector<16xf32>,
      %convert_element_type3A_760 = arith.sitofp %gather3A_755 : vector<16xi32> to vector<16xf32>
      %add3A_761 = arith.constant 5.000000e-01 : f32
      %add3A_762 = vector.broadcast %add3A_761 : f32 to vector<16xf32>
      %add3A_763 = arith.addf %convert_element_type3A_760, %add3A_762 : vector<16xf32>
      %mul3A_764 = arith.mulf %add3A_763, %gather3A_759 : vector<16xf32>
      %convert_element_type3A_765 = arith.fptosi %mul3A_764 : vector<16xf32> to vector<16xi32>
      %gt3A_766 = arith.constant 0.000000e+00 : f32
      %gt3A_767 = vector.broadcast %gt3A_766 : f32 to vector<16xf32>
      %gt3A_768 = arith.cmpf ogt, %gather3A_759, %gt3A_767 : vector<16xf32>
      %lt3A_769 = arith.constant 15 : i32
      %lt3A_770 = vector.broadcast %lt3A_769 : i32 to vector<16xi32>
      %lt3A_771 = arith.cmpi slt, %convert_element_type3A_765, %lt3A_770 : vector<16xi32>
      %and3A_772 = arith.andi %gt3A_768, %lt3A_771 : vector<16xi1>
      %mul3A_773 = arith.constant 15 : i32
      %mul3A_774 = vector.broadcast %mul3A_773 : i32 to vector<16xi32>
      %mul3A_775 = arith.muli %gather3A_751, %mul3A_774 : vector<16xi32>
      %add3A_776 = arith.addi %mul3A_6, %mul3A_775 : vector<16xi32>
      %add3A_777 = arith.addi %add3A_776, %convert_element_type3A_765 : vector<16xi32>
      tpu.vector_store_idx %arg14[%add3A_777], %gather3A_752 masked %and3A_772 {add = true} : memref<24064xf32, #tpu.memory_space<vmem>>[vector<16xi32>], vector<16xf32>, vector<16xi1>
      tpu.vector_store_idx %arg15[%add3A_777], %gather3A_753 masked %and3A_772 {add = true} : memref<24064xf32, #tpu.memory_space<vmem>>[vector<16xi32>], vector<16xf32>, vector<16xi1>
      %mul3A_778 = arith.constant 4 : i32
      %mul3A_779 = arith.muli %scan3A_718, %mul3A_778 : i32
      %add3A_780 = arith.constant 2 : i32
      %add3A_781 = arith.addi %mul3A_779, %add3A_780 : i32
      %broadcast_in_dim3A_782 = vector.broadcast %add3A_781 : i32 to vector<16xi32>
      %gather3A_783 = tpu.vector_load_idx %arg9[%broadcast_in_dim3A_658, %iota3A, %broadcast_in_dim3A_782] : memref<2x16x513xi32, #tpu.memory_space<vmem>>[vector<16xi32>, vector<16xi32>, vector<16xi32>], vector<16xi32>,
      %gather3A_784 = tpu.vector_load_idx %arg10[%broadcast_in_dim3A_658, %iota3A, %broadcast_in_dim3A_782] : memref<2x16x513xf32, #tpu.memory_space<vmem>>[vector<16xi32>, vector<16xi32>, vector<16xi32>], vector<16xf32>,
      %gather3A_785 = tpu.vector_load_idx %arg11[%broadcast_in_dim3A_658, %iota3A, %broadcast_in_dim3A_782] : memref<2x16x513xf32, #tpu.memory_space<vmem>>[vector<16xi32>, vector<16xi32>, vector<16xi32>], vector<16xf32>,
      %add3A_786 = arith.addi %mul3A_3, %gather3A_783 : vector<16xi32>
      %gather3A_787 = tpu.vector_load_idx %arg12[%add3A_786] : memref<2048xi32, #tpu.memory_space<vmem>>[vector<16xi32>], vector<16xi32>,
      %add3A_788 = arith.constant 1 : i32
      %add3A_789 = vector.broadcast %add3A_788 : i32 to vector<16xi32>
      %add3A_790 = arith.addi %gather3A_787, %add3A_789 : vector<16xi32>
      tpu.vector_store_idx %arg12[%add3A_786], %add3A_790 : memref<2048xi32, #tpu.memory_space<vmem>>[vector<16xi32>], vector<16xi32>,
      %gather3A_791 = tpu.vector_load_idx %arg13[%gather3A_783] : memref<128xf32, #tpu.memory_space<vmem>>[vector<16xi32>], vector<16xf32>,
      %convert_element_type3A_792 = arith.sitofp %gather3A_787 : vector<16xi32> to vector<16xf32>
      %add3A_793 = arith.constant 5.000000e-01 : f32
      %add3A_794 = vector.broadcast %add3A_793 : f32 to vector<16xf32>
      %add3A_795 = arith.addf %convert_element_type3A_792, %add3A_794 : vector<16xf32>
      %mul3A_796 = arith.mulf %add3A_795, %gather3A_791 : vector<16xf32>
      %convert_element_type3A_797 = arith.fptosi %mul3A_796 : vector<16xf32> to vector<16xi32>
      %gt3A_798 = arith.constant 0.000000e+00 : f32
      %gt3A_799 = vector.broadcast %gt3A_798 : f32 to vector<16xf32>
      %gt3A_800 = arith.cmpf ogt, %gather3A_791, %gt3A_799 : vector<16xf32>
      %lt3A_801 = arith.constant 15 : i32
      %lt3A_802 = vector.broadcast %lt3A_801 : i32 to vector<16xi32>
      %lt3A_803 = arith.cmpi slt, %convert_element_type3A_797, %lt3A_802 : vector<16xi32>
      %and3A_804 = arith.andi %gt3A_800, %lt3A_803 : vector<16xi1>
      %mul3A_805 = arith.constant 15 : i32
      %mul3A_806 = vector.broadcast %mul3A_805 : i32 to vector<16xi32>
      %mul3A_807 = arith.muli %gather3A_783, %mul3A_806 : vector<16xi32>
      %add3A_808 = arith.addi %mul3A_6, %mul3A_807 : vector<16xi32>
      %add3A_809 = arith.addi %add3A_808, %convert_element_type3A_797 : vector<16xi32>
      tpu.vector_store_idx %arg14[%add3A_809], %gather3A_784 masked %and3A_804 {add = true} : memref<24064xf32, #tpu.memory_space<vmem>>[vector<16xi32>], vector<16xf32>, vector<16xi1>
      tpu.vector_store_idx %arg15[%add3A_809], %gather3A_785 masked %and3A_804 {add = true} : memref<24064xf32, #tpu.memory_space<vmem>>[vector<16xi32>], vector<16xf32>, vector<16xi1>
      %mul3A_810 = arith.constant 4 : i32
      %mul3A_811 = arith.muli %scan3A_718, %mul3A_810 : i32
      %add3A_812 = arith.constant 3 : i32
      %add3A_813 = arith.addi %mul3A_811, %add3A_812 : i32
      %broadcast_in_dim3A_814 = vector.broadcast %add3A_813 : i32 to vector<16xi32>
      %gather3A_815 = tpu.vector_load_idx %arg9[%broadcast_in_dim3A_658, %iota3A, %broadcast_in_dim3A_814] : memref<2x16x513xi32, #tpu.memory_space<vmem>>[vector<16xi32>, vector<16xi32>, vector<16xi32>], vector<16xi32>,
      %gather3A_816 = tpu.vector_load_idx %arg10[%broadcast_in_dim3A_658, %iota3A, %broadcast_in_dim3A_814] : memref<2x16x513xf32, #tpu.memory_space<vmem>>[vector<16xi32>, vector<16xi32>, vector<16xi32>], vector<16xf32>,
      %gather3A_817 = tpu.vector_load_idx %arg11[%broadcast_in_dim3A_658, %iota3A, %broadcast_in_dim3A_814] : memref<2x16x513xf32, #tpu.memory_space<vmem>>[vector<16xi32>, vector<16xi32>, vector<16xi32>], vector<16xf32>,
      %add3A_818 = arith.addi %mul3A_3, %gather3A_815 : vector<16xi32>
      %gather3A_819 = tpu.vector_load_idx %arg12[%add3A_818] : memref<2048xi32, #tpu.memory_space<vmem>>[vector<16xi32>], vector<16xi32>,
      %add3A_820 = arith.constant 1 : i32
      %add3A_821 = vector.broadcast %add3A_820 : i32 to vector<16xi32>
      %add3A_822 = arith.addi %gather3A_819, %add3A_821 : vector<16xi32>
      tpu.vector_store_idx %arg12[%add3A_818], %add3A_822 : memref<2048xi32, #tpu.memory_space<vmem>>[vector<16xi32>], vector<16xi32>,
      %gather3A_823 = tpu.vector_load_idx %arg13[%gather3A_815] : memref<128xf32, #tpu.memory_space<vmem>>[vector<16xi32>], vector<16xf32>,
      %convert_element_type3A_824 = arith.sitofp %gather3A_819 : vector<16xi32> to vector<16xf32>
      %add3A_825 = arith.constant 5.000000e-01 : f32
      %add3A_826 = vector.broadcast %add3A_825 : f32 to vector<16xf32>
      %add3A_827 = arith.addf %convert_element_type3A_824, %add3A_826 : vector<16xf32>
      %mul3A_828 = arith.mulf %add3A_827, %gather3A_823 : vector<16xf32>
      %convert_element_type3A_829 = arith.fptosi %mul3A_828 : vector<16xf32> to vector<16xi32>
      %gt3A_830 = arith.constant 0.000000e+00 : f32
      %gt3A_831 = vector.broadcast %gt3A_830 : f32 to vector<16xf32>
      %gt3A_832 = arith.cmpf ogt, %gather3A_823, %gt3A_831 : vector<16xf32>
      %lt3A_833 = arith.constant 15 : i32
      %lt3A_834 = vector.broadcast %lt3A_833 : i32 to vector<16xi32>
      %lt3A_835 = arith.cmpi slt, %convert_element_type3A_829, %lt3A_834 : vector<16xi32>
      %and3A_836 = arith.andi %gt3A_832, %lt3A_835 : vector<16xi1>
      %mul3A_837 = arith.constant 15 : i32
      %mul3A_838 = vector.broadcast %mul3A_837 : i32 to vector<16xi32>
      %mul3A_839 = arith.muli %gather3A_815, %mul3A_838 : vector<16xi32>
      %add3A_840 = arith.addi %mul3A_6, %mul3A_839 : vector<16xi32>
      %add3A_841 = arith.addi %add3A_840, %convert_element_type3A_829 : vector<16xi32>
      tpu.vector_store_idx %arg14[%add3A_841], %gather3A_816 masked %and3A_836 {add = true} : memref<24064xf32, #tpu.memory_space<vmem>>[vector<16xi32>], vector<16xf32>, vector<16xi1>
      tpu.vector_store_idx %arg15[%add3A_841], %gather3A_817 masked %and3A_836 {add = true} : memref<24064xf32, #tpu.memory_space<vmem>>[vector<16xi32>], vector<16xf32>, vector<16xi1>
    }
    %scan3A_663 = arith.constant 128 : i32
    %dma_wait3A_664 = arith.constant 1 : i32
    %dma_wait3A_665 = arith.constant 0 : i32
    %dma_wait3A_666 = arith.constant 0 : i32
    %dma_wait3A_667 = tpu.memref_slice %arg9[%dma_wait3A_664, %dma_wait3A_665, %dma_wait3A_666] : memref<2x16x513xi32, #tpu.memory_space<vmem>> -> memref<1x16x512xi32, #tpu.memory_space<vmem>>
    %dma_wait3A_668 = tpu.memref_squeeze %dma_wait3A_667 : memref<1x16x512xi32, #tpu.memory_space<vmem>> -> memref<16x512xi32, #tpu.memory_space<vmem>>
    %dma_wait3A_669 = arith.constant 3584 : i32
    %dma_wait3A_670 = tpu.memref_slice %arg2[%mul3A_617, %dma_wait3A_669] : memref<512x4096xi32, #tpu.memory_space<hbm>> -> memref<16x512xi32, #tpu.memory_space<hbm>>
    %dma_wait3A_671 = arith.constant 0 : i32
    %dma_wait3A_672 = arith.constant 0 : i32
    %dma_wait3A_673 = tpu.memref_slice %arg9[%dma_wait3A_664, %dma_wait3A_671, %dma_wait3A_672] : memref<2x16x513xi32, #tpu.memory_space<vmem>> -> memref<1x16x512xi32, #tpu.memory_space<vmem>>
    %dma_wait3A_674 = tpu.memref_squeeze %dma_wait3A_673 : memref<1x16x512xi32, #tpu.memory_space<vmem>> -> memref<16x512xi32, #tpu.memory_space<vmem>>
    %dma_wait3A_675 = arith.constant 3584 : i32
    %dma_wait3A_676 = tpu.memref_slice %arg2[%mul3A_617, %dma_wait3A_675] : memref<512x4096xi32, #tpu.memory_space<hbm>> -> memref<16x512xi32, #tpu.memory_space<hbm>>
    tpu.wait_dma2 semaphore(%arg16 : memref<!tpu.dma_semaphore, #tpu.memory_space<semaphore_mem>>) src(%dma_wait3A_676 : memref<16x512xi32, #tpu.memory_space<hbm>>) dst(%dma_wait3A_674 : memref<16x512xi32, #tpu.memory_space<vmem>>)
    %dma_wait3A_677 = arith.constant 1 : i32
    %dma_wait3A_678 = arith.constant 0 : i32
    %dma_wait3A_679 = arith.constant 0 : i32
    %dma_wait3A_680 = tpu.memref_slice %arg10[%dma_wait3A_677, %dma_wait3A_678, %dma_wait3A_679] : memref<2x16x513xf32, #tpu.memory_space<vmem>> -> memref<1x16x512xf32, #tpu.memory_space<vmem>>
    %dma_wait3A_681 = tpu.memref_squeeze %dma_wait3A_680 : memref<1x16x512xf32, #tpu.memory_space<vmem>> -> memref<16x512xf32, #tpu.memory_space<vmem>>
    %dma_wait3A_682 = arith.constant 3584 : i32
    %dma_wait3A_683 = tpu.memref_slice %arg3[%mul3A_617, %dma_wait3A_682] : memref<512x4096xf32, #tpu.memory_space<hbm>> -> memref<16x512xf32, #tpu.memory_space<hbm>>
    %dma_wait3A_684 = arith.constant 0 : i32
    %dma_wait3A_685 = arith.constant 0 : i32
    %dma_wait3A_686 = tpu.memref_slice %arg10[%dma_wait3A_677, %dma_wait3A_684, %dma_wait3A_685] : memref<2x16x513xf32, #tpu.memory_space<vmem>> -> memref<1x16x512xf32, #tpu.memory_space<vmem>>
    %dma_wait3A_687 = tpu.memref_squeeze %dma_wait3A_686 : memref<1x16x512xf32, #tpu.memory_space<vmem>> -> memref<16x512xf32, #tpu.memory_space<vmem>>
    %dma_wait3A_688 = arith.constant 3584 : i32
    %dma_wait3A_689 = tpu.memref_slice %arg3[%mul3A_617, %dma_wait3A_688] : memref<512x4096xf32, #tpu.memory_space<hbm>> -> memref<16x512xf32, #tpu.memory_space<hbm>>
    tpu.wait_dma2 semaphore(%arg16 : memref<!tpu.dma_semaphore, #tpu.memory_space<semaphore_mem>>) src(%dma_wait3A_689 : memref<16x512xf32, #tpu.memory_space<hbm>>) dst(%dma_wait3A_687 : memref<16x512xf32, #tpu.memory_space<vmem>>)
    %dma_wait3A_690 = arith.constant 1 : i32
    %dma_wait3A_691 = arith.constant 0 : i32
    %dma_wait3A_692 = arith.constant 0 : i32
    %dma_wait3A_693 = tpu.memref_slice %arg11[%dma_wait3A_690, %dma_wait3A_691, %dma_wait3A_692] : memref<2x16x513xf32, #tpu.memory_space<vmem>> -> memref<1x16x512xf32, #tpu.memory_space<vmem>>
    %dma_wait3A_694 = tpu.memref_squeeze %dma_wait3A_693 : memref<1x16x512xf32, #tpu.memory_space<vmem>> -> memref<16x512xf32, #tpu.memory_space<vmem>>
    %dma_wait3A_695 = arith.constant 3584 : i32
    %dma_wait3A_696 = tpu.memref_slice %arg4[%mul3A_617, %dma_wait3A_695] : memref<512x4096xf32, #tpu.memory_space<hbm>> -> memref<16x512xf32, #tpu.memory_space<hbm>>
    %dma_wait3A_697 = arith.constant 0 : i32
    %dma_wait3A_698 = arith.constant 0 : i32
    %dma_wait3A_699 = tpu.memref_slice %arg11[%dma_wait3A_690, %dma_wait3A_697, %dma_wait3A_698] : memref<2x16x513xf32, #tpu.memory_space<vmem>> -> memref<1x16x512xf32, #tpu.memory_space<vmem>>
    %dma_wait3A_700 = tpu.memref_squeeze %dma_wait3A_699 : memref<1x16x512xf32, #tpu.memory_space<vmem>> -> memref<16x512xf32, #tpu.memory_space<vmem>>
    %dma_wait3A_701 = arith.constant 3584 : i32
    %dma_wait3A_702 = tpu.memref_slice %arg4[%mul3A_617, %dma_wait3A_701] : memref<512x4096xf32, #tpu.memory_space<hbm>> -> memref<16x512xf32, #tpu.memory_space<hbm>>
    tpu.wait_dma2 semaphore(%arg16 : memref<!tpu.dma_semaphore, #tpu.memory_space<semaphore_mem>>) src(%dma_wait3A_702 : memref<16x512xf32, #tpu.memory_space<hbm>>) dst(%dma_wait3A_700 : memref<16x512xf32, #tpu.memory_space<vmem>>)
    %broadcast_in_dim3A_703 = arith.constant 1 : i32
    %broadcast_in_dim3A_704 = vector.broadcast %broadcast_in_dim3A_703 : i32 to vector<16xi32>
    %scan3A_705 = arith.constant 0 : i32
    %scan3A_706 = arith.constant 128 : i32
    %scan3A_707 = arith.addi %scan3A_705, %scan3A_706 : i32
    %scan3A_708 = arith.constant 1 : i32
    scf.for %scan3A_718 = %scan3A_705 to %scan3A_707 step %scan3A_708  : i32 {
      %mul3A_719 = arith.constant 4 : i32
      %mul3A_720 = arith.muli %scan3A_718, %mul3A_719 : i32
      %add3A_721 = arith.constant 0 : i32
      %add3A_722 = arith.addi %mul3A_720, %add3A_721 : i32
      %broadcast_in_dim3A_723 = vector.broadcast %add3A_722 : i32 to vector<16xi32>
      %gather3A = tpu.vector_load_idx %arg9[%broadcast_in_dim3A_704, %iota3A, %broadcast_in_dim3A_723] : memref<2x16x513xi32, #tpu.memory_space<vmem>>[vector<16xi32>, vector<16xi32>, vector<16xi32>], vector<16xi32>,
      %gather3A_724 = tpu.vector_load_idx %arg10[%broadcast_in_dim3A_704, %iota3A, %broadcast_in_dim3A_723] : memref<2x16x513xf32, #tpu.memory_space<vmem>>[vector<16xi32>, vector<16xi32>, vector<16xi32>], vector<16xf32>,
      %gather3A_725 = tpu.vector_load_idx %arg11[%broadcast_in_dim3A_704, %iota3A, %broadcast_in_dim3A_723] : memref<2x16x513xf32, #tpu.memory_space<vmem>>[vector<16xi32>, vector<16xi32>, vector<16xi32>], vector<16xf32>,
      %add3A_726 = arith.addi %mul3A_3, %gather3A : vector<16xi32>
      %gather3A_727 = tpu.vector_load_idx %arg12[%add3A_726] : memref<2048xi32, #tpu.memory_space<vmem>>[vector<16xi32>], vector<16xi32>,
      %add3A_728 = arith.constant 1 : i32
      %add3A_729 = vector.broadcast %add3A_728 : i32 to vector<16xi32>
      %add3A_730 = arith.addi %gather3A_727, %add3A_729 : vector<16xi32>
      tpu.vector_store_idx %arg12[%add3A_726], %add3A_730 : memref<2048xi32, #tpu.memory_space<vmem>>[vector<16xi32>], vector<16xi32>,
      %gather3A_731 = tpu.vector_load_idx %arg13[%gather3A] : memref<128xf32, #tpu.memory_space<vmem>>[vector<16xi32>], vector<16xf32>,
      %convert_element_type3A = arith.sitofp %gather3A_727 : vector<16xi32> to vector<16xf32>
      %add3A_732 = arith.constant 5.000000e-01 : f32
      %add3A_733 = vector.broadcast %add3A_732 : f32 to vector<16xf32>
      %add3A_734 = arith.addf %convert_element_type3A, %add3A_733 : vector<16xf32>
      %mul3A_735 = arith.mulf %add3A_734, %gather3A_731 : vector<16xf32>
      %convert_element_type3A_736 = arith.fptosi %mul3A_735 : vector<16xf32> to vector<16xi32>
      %gt3A = arith.constant 0.000000e+00 : f32
      %gt3A_737 = vector.broadcast %gt3A : f32 to vector<16xf32>
      %gt3A_738 = arith.cmpf ogt, %gather3A_731, %gt3A_737 : vector<16xf32>
      %lt3A = arith.constant 15 : i32
      %lt3A_739 = vector.broadcast %lt3A : i32 to vector<16xi32>
      %lt3A_740 = arith.cmpi slt, %convert_element_type3A_736, %lt3A_739 : vector<16xi32>
      %and3A = arith.andi %gt3A_738, %lt3A_740 : vector<16xi1>
      %mul3A_741 = arith.constant 15 : i32
      %mul3A_742 = vector.broadcast %mul3A_741 : i32 to vector<16xi32>
      %mul3A_743 = arith.muli %gather3A, %mul3A_742 : vector<16xi32>
      %add3A_744 = arith.addi %mul3A_6, %mul3A_743 : vector<16xi32>
      %add3A_745 = arith.addi %add3A_744, %convert_element_type3A_736 : vector<16xi32>
      tpu.vector_store_idx %arg14[%add3A_745], %gather3A_724 masked %and3A {add = true} : memref<24064xf32, #tpu.memory_space<vmem>>[vector<16xi32>], vector<16xf32>, vector<16xi1>
      tpu.vector_store_idx %arg15[%add3A_745], %gather3A_725 masked %and3A {add = true} : memref<24064xf32, #tpu.memory_space<vmem>>[vector<16xi32>], vector<16xf32>, vector<16xi1>
      %mul3A_746 = arith.constant 4 : i32
      %mul3A_747 = arith.muli %scan3A_718, %mul3A_746 : i32
      %add3A_748 = arith.constant 1 : i32
      %add3A_749 = arith.addi %mul3A_747, %add3A_748 : i32
      %broadcast_in_dim3A_750 = vector.broadcast %add3A_749 : i32 to vector<16xi32>
      %gather3A_751 = tpu.vector_load_idx %arg9[%broadcast_in_dim3A_704, %iota3A, %broadcast_in_dim3A_750] : memref<2x16x513xi32, #tpu.memory_space<vmem>>[vector<16xi32>, vector<16xi32>, vector<16xi32>], vector<16xi32>,
      %gather3A_752 = tpu.vector_load_idx %arg10[%broadcast_in_dim3A_704, %iota3A, %broadcast_in_dim3A_750] : memref<2x16x513xf32, #tpu.memory_space<vmem>>[vector<16xi32>, vector<16xi32>, vector<16xi32>], vector<16xf32>,
      %gather3A_753 = tpu.vector_load_idx %arg11[%broadcast_in_dim3A_704, %iota3A, %broadcast_in_dim3A_750] : memref<2x16x513xf32, #tpu.memory_space<vmem>>[vector<16xi32>, vector<16xi32>, vector<16xi32>], vector<16xf32>,
      %add3A_754 = arith.addi %mul3A_3, %gather3A_751 : vector<16xi32>
      %gather3A_755 = tpu.vector_load_idx %arg12[%add3A_754] : memref<2048xi32, #tpu.memory_space<vmem>>[vector<16xi32>], vector<16xi32>,
      %add3A_756 = arith.constant 1 : i32
      %add3A_757 = vector.broadcast %add3A_756 : i32 to vector<16xi32>
      %add3A_758 = arith.addi %gather3A_755, %add3A_757 : vector<16xi32>
      tpu.vector_store_idx %arg12[%add3A_754], %add3A_758 : memref<2048xi32, #tpu.memory_space<vmem>>[vector<16xi32>], vector<16xi32>,
      %gather3A_759 = tpu.vector_load_idx %arg13[%gather3A_751] : memref<128xf32, #tpu.memory_space<vmem>>[vector<16xi32>], vector<16xf32>,
      %convert_element_type3A_760 = arith.sitofp %gather3A_755 : vector<16xi32> to vector<16xf32>
      %add3A_761 = arith.constant 5.000000e-01 : f32
      %add3A_762 = vector.broadcast %add3A_761 : f32 to vector<16xf32>
      %add3A_763 = arith.addf %convert_element_type3A_760, %add3A_762 : vector<16xf32>
      %mul3A_764 = arith.mulf %add3A_763, %gather3A_759 : vector<16xf32>
      %convert_element_type3A_765 = arith.fptosi %mul3A_764 : vector<16xf32> to vector<16xi32>
      %gt3A_766 = arith.constant 0.000000e+00 : f32
      %gt3A_767 = vector.broadcast %gt3A_766 : f32 to vector<16xf32>
      %gt3A_768 = arith.cmpf ogt, %gather3A_759, %gt3A_767 : vector<16xf32>
      %lt3A_769 = arith.constant 15 : i32
      %lt3A_770 = vector.broadcast %lt3A_769 : i32 to vector<16xi32>
      %lt3A_771 = arith.cmpi slt, %convert_element_type3A_765, %lt3A_770 : vector<16xi32>
      %and3A_772 = arith.andi %gt3A_768, %lt3A_771 : vector<16xi1>
      %mul3A_773 = arith.constant 15 : i32
      %mul3A_774 = vector.broadcast %mul3A_773 : i32 to vector<16xi32>
      %mul3A_775 = arith.muli %gather3A_751, %mul3A_774 : vector<16xi32>
      %add3A_776 = arith.addi %mul3A_6, %mul3A_775 : vector<16xi32>
      %add3A_777 = arith.addi %add3A_776, %convert_element_type3A_765 : vector<16xi32>
      tpu.vector_store_idx %arg14[%add3A_777], %gather3A_752 masked %and3A_772 {add = true} : memref<24064xf32, #tpu.memory_space<vmem>>[vector<16xi32>], vector<16xf32>, vector<16xi1>
      tpu.vector_store_idx %arg15[%add3A_777], %gather3A_753 masked %and3A_772 {add = true} : memref<24064xf32, #tpu.memory_space<vmem>>[vector<16xi32>], vector<16xf32>, vector<16xi1>
      %mul3A_778 = arith.constant 4 : i32
      %mul3A_779 = arith.muli %scan3A_718, %mul3A_778 : i32
      %add3A_780 = arith.constant 2 : i32
      %add3A_781 = arith.addi %mul3A_779, %add3A_780 : i32
      %broadcast_in_dim3A_782 = vector.broadcast %add3A_781 : i32 to vector<16xi32>
      %gather3A_783 = tpu.vector_load_idx %arg9[%broadcast_in_dim3A_704, %iota3A, %broadcast_in_dim3A_782] : memref<2x16x513xi32, #tpu.memory_space<vmem>>[vector<16xi32>, vector<16xi32>, vector<16xi32>], vector<16xi32>,
      %gather3A_784 = tpu.vector_load_idx %arg10[%broadcast_in_dim3A_704, %iota3A, %broadcast_in_dim3A_782] : memref<2x16x513xf32, #tpu.memory_space<vmem>>[vector<16xi32>, vector<16xi32>, vector<16xi32>], vector<16xf32>,
      %gather3A_785 = tpu.vector_load_idx %arg11[%broadcast_in_dim3A_704, %iota3A, %broadcast_in_dim3A_782] : memref<2x16x513xf32, #tpu.memory_space<vmem>>[vector<16xi32>, vector<16xi32>, vector<16xi32>], vector<16xf32>,
      %add3A_786 = arith.addi %mul3A_3, %gather3A_783 : vector<16xi32>
      %gather3A_787 = tpu.vector_load_idx %arg12[%add3A_786] : memref<2048xi32, #tpu.memory_space<vmem>>[vector<16xi32>], vector<16xi32>,
      %add3A_788 = arith.constant 1 : i32
      %add3A_789 = vector.broadcast %add3A_788 : i32 to vector<16xi32>
      %add3A_790 = arith.addi %gather3A_787, %add3A_789 : vector<16xi32>
      tpu.vector_store_idx %arg12[%add3A_786], %add3A_790 : memref<2048xi32, #tpu.memory_space<vmem>>[vector<16xi32>], vector<16xi32>,
      %gather3A_791 = tpu.vector_load_idx %arg13[%gather3A_783] : memref<128xf32, #tpu.memory_space<vmem>>[vector<16xi32>], vector<16xf32>,
      %convert_element_type3A_792 = arith.sitofp %gather3A_787 : vector<16xi32> to vector<16xf32>
      %add3A_793 = arith.constant 5.000000e-01 : f32
      %add3A_794 = vector.broadcast %add3A_793 : f32 to vector<16xf32>
      %add3A_795 = arith.addf %convert_element_type3A_792, %add3A_794 : vector<16xf32>
      %mul3A_796 = arith.mulf %add3A_795, %gather3A_791 : vector<16xf32>
      %convert_element_type3A_797 = arith.fptosi %mul3A_796 : vector<16xf32> to vector<16xi32>
      %gt3A_798 = arith.constant 0.000000e+00 : f32
      %gt3A_799 = vector.broadcast %gt3A_798 : f32 to vector<16xf32>
      %gt3A_800 = arith.cmpf ogt, %gather3A_791, %gt3A_799 : vector<16xf32>
      %lt3A_801 = arith.constant 15 : i32
      %lt3A_802 = vector.broadcast %lt3A_801 : i32 to vector<16xi32>
      %lt3A_803 = arith.cmpi slt, %convert_element_type3A_797, %lt3A_802 : vector<16xi32>
      %and3A_804 = arith.andi %gt3A_800, %lt3A_803 : vector<16xi1>
      %mul3A_805 = arith.constant 15 : i32
      %mul3A_806 = vector.broadcast %mul3A_805 : i32 to vector<16xi32>
      %mul3A_807 = arith.muli %gather3A_783, %mul3A_806 : vector<16xi32>
      %add3A_808 = arith.addi %mul3A_6, %mul3A_807 : vector<16xi32>
      %add3A_809 = arith.addi %add3A_808, %convert_element_type3A_797 : vector<16xi32>
      tpu.vector_store_idx %arg14[%add3A_809], %gather3A_784 masked %and3A_804 {add = true} : memref<24064xf32, #tpu.memory_space<vmem>>[vector<16xi32>], vector<16xf32>, vector<16xi1>
      tpu.vector_store_idx %arg15[%add3A_809], %gather3A_785 masked %and3A_804 {add = true} : memref<24064xf32, #tpu.memory_space<vmem>>[vector<16xi32>], vector<16xf32>, vector<16xi1>
      %mul3A_810 = arith.constant 4 : i32
      %mul3A_811 = arith.muli %scan3A_718, %mul3A_810 : i32
      %add3A_812 = arith.constant 3 : i32
      %add3A_813 = arith.addi %mul3A_811, %add3A_812 : i32
      %broadcast_in_dim3A_814 = vector.broadcast %add3A_813 : i32 to vector<16xi32>
      %gather3A_815 = tpu.vector_load_idx %arg9[%broadcast_in_dim3A_704, %iota3A, %broadcast_in_dim3A_814] : memref<2x16x513xi32, #tpu.memory_space<vmem>>[vector<16xi32>, vector<16xi32>, vector<16xi32>], vector<16xi32>,
      %gather3A_816 = tpu.vector_load_idx %arg10[%broadcast_in_dim3A_704, %iota3A, %broadcast_in_dim3A_814] : memref<2x16x513xf32, #tpu.memory_space<vmem>>[vector<16xi32>, vector<16xi32>, vector<16xi32>], vector<16xf32>,
      %gather3A_817 = tpu.vector_load_idx %arg11[%broadcast_in_dim3A_704, %iota3A, %broadcast_in_dim3A_814] : memref<2x16x513xf32, #tpu.memory_space<vmem>>[vector<16xi32>, vector<16xi32>, vector<16xi32>], vector<16xf32>,
      %add3A_818 = arith.addi %mul3A_3, %gather3A_815 : vector<16xi32>
      %gather3A_819 = tpu.vector_load_idx %arg12[%add3A_818] : memref<2048xi32, #tpu.memory_space<vmem>>[vector<16xi32>], vector<16xi32>,
      %add3A_820 = arith.constant 1 : i32
      %add3A_821 = vector.broadcast %add3A_820 : i32 to vector<16xi32>
      %add3A_822 = arith.addi %gather3A_819, %add3A_821 : vector<16xi32>
      tpu.vector_store_idx %arg12[%add3A_818], %add3A_822 : memref<2048xi32, #tpu.memory_space<vmem>>[vector<16xi32>], vector<16xi32>,
      %gather3A_823 = tpu.vector_load_idx %arg13[%gather3A_815] : memref<128xf32, #tpu.memory_space<vmem>>[vector<16xi32>], vector<16xf32>,
      %convert_element_type3A_824 = arith.sitofp %gather3A_819 : vector<16xi32> to vector<16xf32>
      %add3A_825 = arith.constant 5.000000e-01 : f32
      %add3A_826 = vector.broadcast %add3A_825 : f32 to vector<16xf32>
      %add3A_827 = arith.addf %convert_element_type3A_824, %add3A_826 : vector<16xf32>
      %mul3A_828 = arith.mulf %add3A_827, %gather3A_823 : vector<16xf32>
      %convert_element_type3A_829 = arith.fptosi %mul3A_828 : vector<16xf32> to vector<16xi32>
      %gt3A_830 = arith.constant 0.000000e+00 : f32
      %gt3A_831 = vector.broadcast %gt3A_830 : f32 to vector<16xf32>
      %gt3A_832 = arith.cmpf ogt, %gather3A_823, %gt3A_831 : vector<16xf32>
      %lt3A_833 = arith.constant 15 : i32
      %lt3A_834 = vector.broadcast %lt3A_833 : i32 to vector<16xi32>
      %lt3A_835 = arith.cmpi slt, %convert_element_type3A_829, %lt3A_834 : vector<16xi32>
      %and3A_836 = arith.andi %gt3A_832, %lt3A_835 : vector<16xi1>
      %mul3A_837 = arith.constant 15 : i32
      %mul3A_838 = vector.broadcast %mul3A_837 : i32 to vector<16xi32>
      %mul3A_839 = arith.muli %gather3A_815, %mul3A_838 : vector<16xi32>
      %add3A_840 = arith.addi %mul3A_6, %mul3A_839 : vector<16xi32>
      %add3A_841 = arith.addi %add3A_840, %convert_element_type3A_829 : vector<16xi32>
      tpu.vector_store_idx %arg14[%add3A_841], %gather3A_816 masked %and3A_836 {add = true} : memref<24064xf32, #tpu.memory_space<vmem>>[vector<16xi32>], vector<16xf32>, vector<16xi1>
      tpu.vector_store_idx %arg15[%add3A_841], %gather3A_817 masked %and3A_836 {add = true} : memref<24064xf32, #tpu.memory_space<vmem>>[vector<16xi32>], vector<16xf32>, vector<16xi1>
    }
    %scan3A_709 = arith.constant 128 : i32
    %barrier3A = arith.constant 0 : index
    tpu.barrier barrier_id(%barrier3A)
    %delay3A = arith.constant 300 : i32
    tpu.delay %delay3A
    %mul3A_710 = arith.constant 16 : i32
    %mul3A_711 = arith.muli %add3A, %mul3A_710 : i32
    %mul3A_712 = arith.constant 1504 : i32
    %mul3A_713 = arith.muli %mul3A_711, %mul3A_712 : i32
    "tpu.region"() ({
      %run_scoped3A = tpu.sem_alloc : memref<!tpu.dma_semaphore, #tpu.memory_space<semaphore_mem>>
      %dma_start3A_718 = tpu.memref_slice %arg7[%mul3A_713] : memref<770048xf32, #tpu.memory_space<hbm>> -> memref<24064xf32, #tpu.memory_space<hbm>>
      %dma_start3A_719 = tpu.memref_slice %arg7[%mul3A_713] : memref<770048xf32, #tpu.memory_space<hbm>> -> memref<24064xf32, #tpu.memory_space<hbm>>
      tpu.enqueue_dma source(%arg14 : memref<24064xf32, #tpu.memory_space<vmem>>) target(%dma_start3A_719 : memref<24064xf32, #tpu.memory_space<hbm>>) target_semaphore(%run_scoped3A : memref<!tpu.dma_semaphore, #tpu.memory_space<semaphore_mem>>)
      %dma_wait3A_720 = tpu.memref_slice %arg7[%mul3A_713] : memref<770048xf32, #tpu.memory_space<hbm>> -> memref<24064xf32, #tpu.memory_space<hbm>>
      %dma_wait3A_721 = tpu.memref_slice %arg7[%mul3A_713] : memref<770048xf32, #tpu.memory_space<hbm>> -> memref<24064xf32, #tpu.memory_space<hbm>>
      tpu.wait_dma2 semaphore(%run_scoped3A : memref<!tpu.dma_semaphore, #tpu.memory_space<semaphore_mem>>) src(%arg14 : memref<24064xf32, #tpu.memory_space<vmem>>) dst(%dma_wait3A_721 : memref<24064xf32, #tpu.memory_space<hbm>>)
      tpu.yield
    }) : () -> ()
    %mul3A_714 = arith.constant 16 : i32
    %mul3A_715 = arith.muli %add3A, %mul3A_714 : i32
    %mul3A_716 = arith.constant 1504 : i32
    %mul3A_717 = arith.muli %mul3A_715, %mul3A_716 : i32
    "tpu.region"() ({
      %run_scoped3A = tpu.sem_alloc : memref<!tpu.dma_semaphore, #tpu.memory_space<semaphore_mem>>
      %dma_start3A_718 = tpu.memref_slice %arg8[%mul3A_717] : memref<770048xf32, #tpu.memory_space<hbm>> -> memref<24064xf32, #tpu.memory_space<hbm>>
      %dma_start3A_719 = tpu.memref_slice %arg8[%mul3A_717] : memref<770048xf32, #tpu.memory_space<hbm>> -> memref<24064xf32, #tpu.memory_space<hbm>>
      tpu.enqueue_dma source(%arg15 : memref<24064xf32, #tpu.memory_space<vmem>>) target(%dma_start3A_719 : memref<24064xf32, #tpu.memory_space<hbm>>) target_semaphore(%run_scoped3A : memref<!tpu.dma_semaphore, #tpu.memory_space<semaphore_mem>>)
      %dma_wait3A_720 = tpu.memref_slice %arg8[%mul3A_717] : memref<770048xf32, #tpu.memory_space<hbm>> -> memref<24064xf32, #tpu.memory_space<hbm>>
      %dma_wait3A_721 = tpu.memref_slice %arg8[%mul3A_717] : memref<770048xf32, #tpu.memory_space<hbm>> -> memref<24064xf32, #tpu.memory_space<hbm>>
      tpu.wait_dma2 semaphore(%run_scoped3A : memref<!tpu.dma_semaphore, #tpu.memory_space<semaphore_mem>>) src(%arg15 : memref<24064xf32, #tpu.memory_space<vmem>>) dst(%dma_wait3A_721 : memref<24064xf32, #tpu.memory_space<hbm>>)
      tpu.yield
    }) : () -> ()
    return
  }
}

module attributes {stable_mosaic.version = 14 : i64} {
  func.func @_prefix_kernel(%arg0: memref<512x128xi32, #tpu.memory_space<vmem>>, %arg1: memref<512x128xi32, #tpu.memory_space<vmem>>, %arg2: memref<1x128xi32, #tpu.memory_space<vmem>>, %arg3: memref<1x128xf32, #tpu.memory_space<vmem>>) attributes {dimension_semantics = [], scalar_prefetch = 0 : i64, scratch_operands = 0 : i64, tpu.core_type = #tpu.core_type<tc>} {
    %get3A = arith.constant 0 : index
    %get3A_0 = arith.constant 0 : index
    %get3A_1 = vector.load %arg0[%get3A, %get3A_0] : memref<512x128xi32, #tpu.memory_space<vmem>>, vector<512x128xi32>
    %convert_element_type3A = arith.sitofp %get3A_1 : vector<512x128xi32> to vector<512x128xf32>
    %iota3A = tpu.iota {dimensions = array<i32: 0>} : vector<512x512xi32>
    %iota3A_2 = tpu.iota {dimensions = array<i32: 1>} : vector<512x512xi32>
    %lt3A = arith.cmpi slt, %iota3A_2, %iota3A : vector<512x512xi32>
    %convert_element_type3A_3 = arith.extui %lt3A : vector<512x512xi1> to vector<512x512xi32>
    %convert_element_type3A_4 = arith.sitofp %convert_element_type3A_3 : vector<512x512xi32> to vector<512x512xf32>
    %dot_general3A = arith.constant dense<0.000000e+00> : vector<512x128xf32>
    %dot_general3A_5 = tpu.matmul %convert_element_type3A_4, %convert_element_type3A, %dot_general3A {dimension_numbers = #tpu.dot_dimension_numbers<[1], [0], [0], [1], [0, 0, 1, 1], [], []>, precision = #tpu.contract_precision<fp32>, transpose_lhs_hint = false} : vector<512x512xf32>, vector<512x128xf32>, vector<512x128xf32> -> vector<512x128xf32>
    %convert_element_type3A_6 = arith.fptosi %dot_general3A_5 : vector<512x128xf32> to vector<512x128xi32>
    %swap3A = arith.constant 0 : index
    %swap3A_7 = arith.constant 0 : index
    %swap3A_8 = vector.load %arg1[%swap3A, %swap3A_7] : memref<512x128xi32, #tpu.memory_space<vmem>>, vector<512x128xi32>
    tpu.vector_store %arg1[%swap3A, %swap3A_7], %convert_element_type3A_6 {strides = array<i32>} : memref<512x128xi32, #tpu.memory_space<vmem>>, vector<512x128xi32>,
    %slice3A = vector.extract_strided_slice %dot_general3A_5 {offsets = [511, 0], sizes = [1, 128], strides = [1, 1]} : vector<512x128xf32> to vector<1x128xf32>
    %slice3A_9 = vector.extract_strided_slice %convert_element_type3A {offsets = [511, 0], sizes = [1, 128], strides = [1, 1]} : vector<512x128xf32> to vector<1x128xf32>
    %add3A = arith.addf %slice3A, %slice3A_9 : vector<1x128xf32>
    %div3A = arith.constant 1.500000e+01 : f32
    %div3A_10 = vector.broadcast %div3A : f32 to vector<1x128xf32>
    %div3A_11 = arith.divf %add3A, %div3A_10 : vector<1x128xf32>
    %floor3A = math.floor %div3A_11 : vector<1x128xf32>
    %iota3A_12 = tpu.iota {dimensions = array<i32: 1>} : vector<1x128xi32>
    %lt3A_13 = arith.constant 100 : i32
    %lt3A_14 = vector.broadcast %lt3A_13 : i32 to vector<1x128xi32>
    %lt3A_15 = arith.cmpi slt, %iota3A_12, %lt3A_14 : vector<1x128xi32>
    %gt3A = arith.constant 0.000000e+00 : f32
    %gt3A_16 = vector.broadcast %gt3A : f32 to vector<1x128xf32>
    %gt3A_17 = arith.cmpf ogt, %floor3A, %gt3A_16 : vector<1x128xf32>
    %and3A = arith.andi %lt3A_15, %gt3A_17 : vector<1x128xi1>
    %jit3A = arith.constant 0.000000e+00 : f32
    %broadcast_in_dim3A = vector.broadcast %jit3A : f32 to vector<1x128xf32>
    %select_n3A = arith.select %and3A, %floor3A, %broadcast_in_dim3A : vector<1x128xi1>, vector<1x128xf32>
    %convert_element_type3A_18 = arith.fptosi %select_n3A : vector<1x128xf32> to vector<1x128xi32>
    %swap3A_19 = arith.constant 0 : index
    %swap3A_20 = arith.constant 0 : index
    %swap3A_21 = vector.load %arg2[%swap3A_19, %swap3A_20] : memref<1x128xi32, #tpu.memory_space<vmem>>, vector<1x128xi32>
    tpu.vector_store %arg2[%swap3A_19, %swap3A_20], %convert_element_type3A_18 {strides = array<i32>} : memref<1x128xi32, #tpu.memory_space<vmem>>, vector<1x128xi32>,
    %max3A = arith.constant 1.000000e+00 : f32
    %max3A_22 = vector.broadcast %max3A : f32 to vector<1x128xf32>
    %max3A_23 = arith.maximumf %floor3A, %max3A_22 : vector<1x128xf32>
    %div3A_24 = arith.constant 1.000000e+00 : f32
    %div3A_25 = vector.broadcast %div3A_24 : f32 to vector<1x128xf32>
    %div3A_26 = arith.divf %div3A_25, %max3A_23 : vector<1x128xf32>
    %jit3A_27 = arith.constant 0.000000e+00 : f32
    %broadcast_in_dim3A_28 = vector.broadcast %jit3A_27 : f32 to vector<1x128xf32>
    %select_n3A_29 = arith.select %and3A, %div3A_26, %broadcast_in_dim3A_28 : vector<1x128xi1>, vector<1x128xf32>
    %swap3A_30 = arith.constant 0 : index
    %swap3A_31 = arith.constant 0 : index
    %swap3A_32 = vector.load %arg3[%swap3A_30, %swap3A_31] : memref<1x128xf32, #tpu.memory_space<vmem>>, vector<1x128xf32>
    tpu.vector_store %arg3[%swap3A_30, %swap3A_31], %select_n3A_29 {strides = array<i32>} : memref<1x128xf32, #tpu.memory_space<vmem>>, vector<1x128xf32>,
    return
  }
}

module attributes {stable_mosaic.version = 14 : i64} {
  func.func @_combine_kernel(%arg0: memref<512x1504xf32, #tpu.memory_space<vmem>>, %arg1: memref<512x1504xf32, #tpu.memory_space<vmem>>, %arg2: memref<1x1504xf32, #tpu.memory_space<vmem>>, %arg3: memref<1x1xf32, #tpu.memory_space<vmem>>) attributes {dimension_semantics = [], scalar_prefetch = 0 : i64, scratch_operands = 0 : i64, tpu.core_type = #tpu.core_type<tc>} {
    %get3A = arith.constant 0 : index
    %get3A_0 = arith.constant 0 : index
    %get3A_1 = vector.load %arg0[%get3A, %get3A_0] : memref<512x1504xf32, #tpu.memory_space<vmem>>, vector<512x1504xf32>
    %reduce_sum3A = arith.constant dense<0.000000e+00> : vector<1504xf32>
    %reduce_sum3A_2 = vector.multi_reduction <add>, %get3A_1, %reduce_sum3A [0] : vector<512x1504xf32> to vector<1504xf32>
    %broadcast_in_dim3A = vector.shape_cast %reduce_sum3A_2 : vector<1504xf32> to vector<1x1504xf32>
    %get3A_3 = arith.constant 0 : index
    %get3A_4 = arith.constant 0 : index
    %get3A_5 = vector.load %arg1[%get3A_3, %get3A_4] : memref<512x1504xf32, #tpu.memory_space<vmem>>, vector<512x1504xf32>
    %reduce_sum3A_6 = arith.constant dense<0.000000e+00> : vector<1504xf32>
    %reduce_sum3A_7 = vector.multi_reduction <add>, %get3A_5, %reduce_sum3A_6 [0] : vector<512x1504xf32> to vector<1504xf32>
    %broadcast_in_dim3A_8 = vector.shape_cast %reduce_sum3A_7 : vector<1504xf32> to vector<1x1504xf32>
    %get3A_9 = arith.constant 0 : index
    %get3A_10 = arith.constant 0 : index
    %get3A_11 = vector.load %arg2[%get3A_9, %get3A_10] : memref<1x1504xf32, #tpu.memory_space<vmem>>, vector<1x1504xf32>
    %div3A = arith.divf %broadcast_in_dim3A, %get3A_11 : vector<1x1504xf32>
    %div3A_12 = arith.divf %broadcast_in_dim3A_8, %get3A_11 : vector<1x1504xf32>
    %sub3A = arith.subf %div3A, %div3A_12 : vector<1x1504xf32>
    %abs3A = math.absf %sub3A : vector<1x1504xf32>
    %iota3A = tpu.iota {dimensions = array<i32: 0>} : vector<1504x100xi32>
    %iota3A_13 = tpu.iota {dimensions = array<i32: 1>} : vector<1504x100xi32>
    %div3A_14 = arith.constant 15 : i32
    %div3A_15 = vector.broadcast %div3A_14 : i32 to vector<1504x100xi32>
    %div3A_16 = arith.divsi %iota3A, %div3A_15 : vector<1504x100xi32>
    %eq3A = arith.cmpi eq, %div3A_16, %iota3A_13 : vector<1504x100xi32>
    %convert_element_type3A = arith.extui %eq3A : vector<1504x100xi1> to vector<1504x100xi32>
    %convert_element_type3A_17 = arith.sitofp %convert_element_type3A : vector<1504x100xi32> to vector<1504x100xf32>
    %dot_general3A = arith.constant dense<0.000000e+00> : vector<1x100xf32>
    %dot_general3A_18 = tpu.matmul %abs3A, %convert_element_type3A_17, %dot_general3A {dimension_numbers = #tpu.dot_dimension_numbers<[1], [0], [0], [1], [0, 0, 1, 1], [], []>, precision = #tpu.contract_precision<fp32>, transpose_lhs_hint = false} : vector<1x1504xf32>, vector<1504x100xf32>, vector<1x100xf32> -> vector<1x100xf32>
    %div3A_19 = arith.constant 1.500000e+01 : f32
    %div3A_20 = vector.broadcast %div3A_19 : f32 to vector<1x100xf32>
    %div3A_21 = arith.divf %dot_general3A_18, %div3A_20 : vector<1x100xf32>
    %mul3A = arith.mulf %div3A_21, %div3A_21 : vector<1x100xf32>
    %reduce_sum3A_22 = vector.shape_cast %mul3A : vector<1x100xf32> to vector<1x1x100xf32>
    %reduce_sum3A_23 = arith.constant dense<0.000000e+00> : vector<1xf32>
    %reduce_sum3A_24 = vector.multi_reduction <add>, %reduce_sum3A_22, %reduce_sum3A_23 [1, 2] : vector<1x1x100xf32> to vector<1xf32>
    %reduce_sum3A_25 = vector.shape_cast %reduce_sum3A_24 : vector<1xf32> to vector<1x1x1xf32>
    %reduce_sum3A_26 = vector.extract %reduce_sum3A_25[0, 0, 0] : f32 from vector<1x1x1xf32>
    %reduce_sum3A_27 = vector.shape_cast %div3A_21 : vector<1x100xf32> to vector<1x1x100xf32>
    %reduce_sum3A_28 = arith.constant dense<0.000000e+00> : vector<1xf32>
    %reduce_sum3A_29 = vector.multi_reduction <add>, %reduce_sum3A_27, %reduce_sum3A_28 [1, 2] : vector<1x1x100xf32> to vector<1xf32>
    %reduce_sum3A_30 = vector.shape_cast %reduce_sum3A_29 : vector<1xf32> to vector<1x1x1xf32>
    %reduce_sum3A_31 = vector.extract %reduce_sum3A_30[0, 0, 0] : f32 from vector<1x1x1xf32>
    %div3A_32 = arith.divf %reduce_sum3A_26, %reduce_sum3A_31 : f32
    %reshape3A = vector.broadcast %div3A_32 : f32 to vector<1x1xf32>
    %swap3A = arith.constant 0 : index
    %swap3A_33 = arith.constant 0 : index
    %swap3A_34 = vector.load %arg3[%swap3A, %swap3A_33] : memref<1x1xf32, #tpu.memory_space<vmem>>, vector<1x1xf32>
    tpu.vector_store %arg3[%swap3A, %swap3A_33], %reshape3A {strides = array<i32>} : memref<1x1xf32, #tpu.memory_space<vmem>>, vector<1x1xf32>,
    return
  }
}

</mosaic_0001>

<sc_bundles>
// kernel: kernel.6.cloned.1.call-start
scs
__scs_entry_jumppad:
0x0: {  	(pc) =	sbr.rel $0x88, $3  }
0x1: {  	(tag) =	ssettag $0x0;
	lr =	simm.s32 $0x1  }
0x2: {  	[smem:$0x3F9E] =	sst lr;
	_ =	strace $0xD0000000  }
0x3: {  	_ = 	snop  }
0x4: {  	_ = 	snop  }
0x5: {  	_ = 	snop  }
0x6: {  	_ = 	snop  }
0x7: {  	_ = 	snop  }
__scs_overlays_trampoline_lowered:
0x8: {  	[smem:$0x3FAD] =	sst s0  }
0x9: {  	[smem:$0x3FAE] =	sst s1  }
0xa: {  	[smem:$0x3FAF] =	sst s2  }
0xb: {  	[smem:$0x3FB0] =	sst s3  }
0xc: {  	[smem:$0x3FB1] =	sst s4  }
0xd: {  	[smem:$0x3FB2] =	sst s5  }
0xe: {  	[smem:$0x3FB3] =	sst s6  }
0xf: {  	[smem:$0x3FB4] =	sst s7  }
0x10: {  	[smem:$0x3FB5] =	sst s8  }
0x11: {  	[smem:$0x3FB6] =	sst s9;
	s0 =	simm.s32 @!p0 $0x0  }
0x12: {  	s1 =	sld [smem:$0x3F9C];
	s0 =	simm.s32 @p0 $0x1  }
0x13: {  	[smem:$0x3FB7] =	sst s0;
	s0 =	simm.s32 @!p1 $0x0  }
0x14: {  	s2 =	sld [smem:$0x3F9B];
	s0 =	simm.s32 @p1 $0x1  }
0x15: {  	[smem:$0x3FB8] =	sst s0;
	s0 =	simm.s32 @!p2 $0x0  }
0x16: {  	s3 =	sld [smem:$0x3FDB];
	s0 =	simm.s32 @p2 $0x1  }
0x17: {  	s4 =	simm.s32 $0x1BF5;
	[smem:$0x3FBA] =	sst s0  }
0x18: {  	s0 =	sld [smem:$0x3F9D];
	_ =	swait.ge [sflag:s4], $0x0  }
0x19: {  	s7 =	sld [smem:$0x3F9E]  }
0x1a: {  	s8 =	sadd.s32 $0xFFFFE003, lr  }
0x1b: {  	s9 =	sadd.s32 $0xFFFFFEF7, lr;
	s5 =	simm.s32 $0xFFFFFFFF;
	p2 =	slt.u32 s8, $0xFFFFF086  }
0x1c: {  	p1 =	slt.u32 s9, $0xF7A;
	s5 =	simm.s32 @!p2 $0x0  }
0x1d: {  	s5 =	simm.s32 @p1 $0x1;
	p0 =	seq.s32 s7, s2  }
0x1e: {  	s7 =	smul.u32 @!p0 $0xF7A, s2;
	p2 =	seq.s32 @!p0 s5, $0x0  }
0x1f: {  	s9 =	smul.u32 $0xF7A, s1;
	s8 =	simm.s32 @!p0 $0x1BF5;
	p2 =	por !p2, p0  }
0x20: {  	[sflag:s8] =	ssyncset.s32 @!p0 $0xFFFFF086;
	s6 =	sadd.s32 @!p0 s3, s7;
	s7 =	simm.s32 @!p0 $0x108  }
0x21: {  	s3 =	sadd.s32 s3, s9;
	s6 =	sadd.s32 @!p0 $0x88, s6;
	s7 =	simm.s32 @p2 $0x1082  }
0x22: {  	[simem:s7], [sflag:s8] =	dma.local @!p0 [hbm:s6], $0xF7A  }
0x23: {  	s9 =	sor.u32 $0xD0000000, s2;
	s6 =	simm.s32 $0x108;
	_ =	swait.ge @!p0 [sflag:s8], $0x0  }
0x24: {  	s3 =	sadd.s32 $0x88, s3;
	s6 =	simm.s32 @!p1 $0x1082;
	[sflag:s4] =	ssyncset.s32 $0xFFFFF086  }
0x25: {  	[simem:s6], [sflag:s4] =	dma.local [hbm:s3], $0xF7A  }
0x26: {  	[smem:$0x3F9E] =	sst s1;
	(tag) =	ssettag s2;
	_ =	strace s9  }
0x27: {  	s1 =	sld [smem:$0x3FAE]  }
0x28: {  	s2 =	sld [smem:$0x3FAF]  }
0x29: {  	s4 =	sld [smem:$0x3FB1]  }
0x2a: {  	p0 =	seq.s32 s5, $0x0;
	s5 =	sld [smem:$0x3FB2]  }
0x2b: {  	s6 =	sld [smem:$0x3FB3]  }
0x2c: {  	s7 =	sld [smem:$0x3FB4]  }
0x2d: {  	s3 =	simm.s32 $0x108;
	s8 =	sld [smem:$0x3FB5]  }
0x2e: {  	s3 =	simm.s32 @!p0 $0x1082;
	s9 =	sld [smem:$0x3FB6]  }
0x2f: {  	lr =	sadd.s32 s0, s3;
	s0 =	sld [smem:$0x3FAD]  }
0x30: {  	s3 =	sld [smem:$0x3FB0]  }
0x31: {  	[smem:$0x3FB9] =	sst s10  }
0x32: {  	s10 =	sld [smem:$0x3FB7];
	_ =	sdelay $0x3  }
0x33: {  	p0 =	seq.s32 s10, $0x1;
	s10 =	sld [smem:$0x3FB9];
	_ =	sdelay $0x3  }
0x34: {  	[smem:$0x3FB9] =	sst s10  }
0x35: {  	s10 =	sld [smem:$0x3FB8];
	_ =	sdelay $0x3  }
0x36: {  	p1 =	seq.s32 s10, $0x1;
	s10 =	sld [smem:$0x3FB9];
	_ =	sdelay $0x3  }
0x37: {  	[smem:$0x3FB9] =	sst s10  }
0x38: {  	s10 =	sld [smem:$0x3FBA]  }
0x39: {  	_ = 	snop;
	(pc) =	sbr.ind lr, $3  }
0x3a: {  	_ = 	snop  }
0x3b: {  	_ = 	snop  }
0x3c: {  	p2 =	seq.s32 s10, $0x1;
	s10 =	sld [smem:$0x3FB9]  }
0x3d: {  	_ =	shalt  }
0x3e: {  	_ =	shalt  }
0x3f: {  	_ =	shalt  }
0x40: {  	_ =	shalt  }
0x41: {  	_ =	shalt  }
0x42: {  	_ =	shalt  }
0x43: {  	_ =	shalt  }
0x44: {  	_ =	shalt  }
0x45: {  	_ =	shalt  }
0x46: {  	_ =	shalt  }
0x47: {  	_ =	shalt  }
0x48: {  	_ =	shalt  }
0x49: {  	_ =	shalt  }
0x4a: {  	_ =	shalt  }
0x4b: {  	_ =	shalt  }
0x4c: {  	_ =	shalt  }
0x4d: {  	_ =	shalt  }
0x4e: {  	_ =	shalt  }
0x4f: {  	_ =	shalt  }
0x50: {  	_ =	shalt  }
0x51: {  	_ =	shalt  }
0x52: {  	_ =	shalt  }
0x53: {  	_ =	shalt  }
0x54: {  	_ =	shalt  }
0x55: {  	_ =	shalt  }
0x56: {  	_ =	shalt  }
0x57: {  	_ =	shalt  }
0x58: {  	_ =	shalt  }
0x59: {  	_ =	shalt  }
0x5a: {  	_ =	shalt  }
0x5b: {  	_ =	shalt  }
0x5c: {  	_ =	shalt  }
0x5d: {  	_ =	shalt  }
0x5e: {  	_ =	shalt  }
0x5f: {  	_ =	shalt  }
0x60: {  	_ =	shalt  }
0x61: {  	_ =	shalt  }
0x62: {  	_ =	shalt  }
0x63: {  	_ =	shalt  }
0x64: {  	_ =	shalt  }
0x65: {  	_ =	shalt  }
0x66: {  	_ =	shalt  }
0x67: {  	_ =	shalt  }
0x68: {  	_ =	shalt  }
0x69: {  	_ =	shalt  }
0x6a: {  	_ =	shalt  }
0x6b: {  	_ =	shalt  }
0x6c: {  	_ =	shalt  }
0x6d: {  	_ =	shalt  }
0x6e: {  	_ =	shalt  }
0x6f: {  	_ =	shalt  }
0x70: {  	_ =	shalt  }
0x71: {  	_ =	shalt  }
0x72: {  	_ =	shalt  }
0x73: {  	_ =	shalt  }
0x74: {  	_ =	shalt  }
0x75: {  	_ =	shalt  }
0x76: {  	_ =	shalt  }
0x77: {  	_ =	shalt  }
0x78: {  	_ =	shalt  }
0x79: {  	_ =	shalt  }
0x7a: {  	_ =	shalt  }
0x7b: {  	_ =	shalt  }
0x7c: {  	_ =	shalt  }
0x7d: {  	_ =	shalt  }
0x7e: {  	_ =	shalt  }
0x7f: {  	_ =	shalt  }
0x80: {  	_ =	shalt  }
0x81: {  	_ =	shalt  }
0x82: {  	_ =	shalt  }
0x83: {  	_ =	shalt  }
0x84: {  	_ =	shalt  }
0x85: {  	_ =	shalt  }
0x86: {  	_ =	shalt  }
0x87: {  	_ =	shalt  }
.Lfunc_end0:
.L_simem_size_0:
called_computation_lowered:
.L_overlay_start_0:
0x88: {  	s2 =	sld [smem:$0x3FD9]  }
0x89: {  	s3 =	sld [smem:$0x3FFE];
	_ =	sdelay $0x1  }
0x8a: {  	s1 =	srdreg.scid  }
0x8b: {  	s0 =	sand.u32 $0x1, s1  }
0x8c: {  	s16 =	sshll.u32 s0, $0xA;
	s2 =	sadd.s32 s3, s2  }
0x8d: {  	s2 =	sadd.s32 s2, s16  }
0x8e: {  	[smem:$0x3FC5] =	sst s2  }
0x8f: {  	_ = 	snop  }
0x90: {  	(tm) =	ssettm $0x1  }
0x91: {  	s17 =	sld [smem:$0x3FFB];
	_ =	sdelay $0x3  }
0x92: {  	_ =	strace s17  }
0x93: {  	s2 =	sld [smem:$0x3FFC];
	_ =	sdelay $0x3  }
0x94: {  	_ =	strace s2  }
0x95: {  	s2 =	sld [smem:$0x3FFD];
	_ =	sdelay $0x3  }
0x96: {  	_ =	strace s2  }
0x97: {  	_ =	strace $0x8FFFFFFF  }
0x98: {  	s18 =	sld [smem:$0x3FDB];
	_ =	sdelay $0x1  }
0x99: {  	s19 =	simm.s32 $_scs_section_size  }
0x9a: {  	s4 =	simm.s32 $_size__tile_overlayer_lowered;
	s5 =	simm.s32 $_tile_overlayer_lowered  }
0x9b: {  	s22 =	simm.s32 $0x1BFF;
	s21 =	sshll.u32 s5, $0x1;
	s2 =	sadd.s32 s19, s18  }
0x9c: {  	s6 =	simm.s32 $0x0;
	s20 =	sshll.u32 s4, $0x1;
	s4 =	sadd.s32 s21, s2  }
0x9d: {  	[timem:s6], [sflag:s22] =	dma.local [hbm:s4], s20  }
0x9e: {  	_ =	swait.ge [sflag:s22], s20  }
0x9f: {  	s3 =	ssub.s32 $0x0, s20;
	[sflag:s22] =	ssyncset.done $0x0  }
0xa0: {  	[sflag:s22] =	ssyncadd.s32 s3;
	_ =	sdelay $0x1  }
0xa1: {  	s23 =	simm.s32 $0x1B8B  }
0xa2: {  	_ =	swait.ge [sflag:s23], $0x1  }
0xa3: {  	[sflag:s23] =	ssyncset.done $0x0  }
0xa4: {  	s25 =	simm.s32 $0x1B8E;
	s24 =	sld [smem:$0x3FFE];
	[sflag:s23] =	ssyncadd.s32 $0xFFFFFFFF  }
0xa5: {  	s26 =	simm.s32 $execute0_lowered;
	[smem:$0x3FD2] =	sst s25  }
0xa6: {  	s4 =	sshll.u32 s26, $0x1;
	_ =	strace $0x80000046;
	[dreg:$0x1] =	wrdreg $0xFFFFFFFF  }
0xa7: {  	s28 =	simm.s32 $_size_execute0_lowered;
	s2 =	sadd.s32 s2, s4;
	[dreg:$0x0] =	wrdreg $0x0  }
0xa8: {  	s4 =	sshll.u32 s28, $0x1;
	[dreg:$0x2] =	wrdreg s2  }
0xa9: {  	[dreg:$0x3] =	wrdreg s4  }
0xaa: {  	[dreg:$0x4] =	wrdreg $0xC0  }
0xab: {  	_ =	task [dreg:s6], $0x5FFFF  }
0xac: {  	[dreg:$0x1] =	wrdreg $0xFFFFFFFF  }
0xad: {  	[dreg:$0x0] =	wrdreg $0x60  }
0xae: {  	[dreg:$0x2] =	wrdreg s24  }
0xaf: {  	[dreg:$0x3] =	wrdreg $0x9  }
0xb0: {  	_ =	task.clear_ibuf [dreg:s6], $0x4FFFF;
	_ =	strace $0x90000046  }
0xb1: {  	s29 =	simm.s32 $0x9;
	_ =	strace $0x80000048  }
0xb2: {  	_ =	swait.ge [sflag:s29], $0x1  }
0xb3: {  	[sflag:s29] =	ssyncadd.s32 $0xFFFFFFFF  }
0xb4: {  	_ =	strace $0x90000048  }
0xb5: {  	_ =	sfence  }
0xb6: {  	s30 =	sld [smem:$0x0];
	_ =	sdelay $0x2  }
0xb7: {  	s31 =	sshll.u32 s1, $0xD;
	s1 =	sshrl.u32 s1, $0x2  }
0xb8: {  	s3 =	sand.u32 $0x4000, s31;
	s1 =	sadd.s32 s1, s30  }
0xb9: {  	s0 =	sor.u32 s3, s0;
	s1 =	sshll.u32 s1, $0x11  }
0xba: {  	s0 =	sor.u32 s1, s0  }
0xbb: {  	s0 =	sadd.s32 $0x8F2B, s0  }
0xbc: {  	[sflag:s0] =	ssyncadd.remote.s32 $0x1  }
0xbd: {  	_ =	sfence.sel $0xFFFF  }
0xbe: {  	[dreg:$0x0] =	wrdreg $0xFFFFFFFF;
	(pc) =	sbr.abs _section_cstart, $3  }
0xbf: {  	[dreg:$0x1] =	wrdreg $0xFFFFFFFF  }
0xc0: {  	_ =	task.clear_ibuf [dreg:s6], $0x2FFFF;
	_ =	strace $0x9FFFFFFF  }
0xc1: {  	(tm) =	ssettm $0x7FFFFFFF  }
tec
execute0_lowered:
.L_overlay_start_1:
0x0: {  	(tag) =	ssettag $0x1  }
0x1: {  	s1 =	srdreg.scid;
	s3 =	stileid.u32  }
0x2: {  	s2 =	simm.s32 $0x0;
	s1 =	sand.u32 $0x1, s1;
	s3 =	sshll.u32 s3, $0x1  }
0x3: {  	[smem:$0x7FF] =	sst s2;
	s3 =	sor.u32 s1, s3  }
0x4: {  	s0 =	rddreg [dreg:$0x0];
	_ =	strace $0x80000047;
	s4 =	sshll.u32 s3, $0xD  }
0x5: {  	s1 =	ssub.s32 $0x2, s1;
	s3 =	sshll.u32 s3, $0x8;
	s11 =	sadd.s32 s4, s0  }
0x6: {  	s5 =	sshrl.u32 s1, $0x1;
	s0 =	sadd.s32 s3, s0;
	s26 =	sadd.s32 $0x2600, s11  }
0x7: {  	s1 =	ssub.s32 s1, s5;
	s0 =	sadd.s32 $0x42600, s0;
	[dreg:$0x2] =	wrdreg s26  }
0x8: {  	s3 =	smax.u32 s1, $0x1;
	[dreg:$0x3] =	wrdreg s0  }
0x9: {  	s12 =	sadd.s32 $0x2800, s11;
	[dreg:$0x4] =	wrdreg s3  }
0xa: {  	s13 =	sadd.s32 $0x2A00, s11;
	[dreg:$0x5] =	wrdreg s12  }
0xb: {  	s28 =	simm.s32 $0x2CB0;
	s14 =	sadd.s32 $0x2C00, s11;
	[dreg:$0x6] =	wrdreg s13  }
0xc: {  	s29 =	simm.s32 $0x2EB8;
	s15 =	sadd.s32 $0x2E00, s11;
	[dreg:$0x7] =	wrdreg s14  }
0xd: {  	s30 =	simm.s32 $0x30C0;
	s16 =	sadd.s32 $0x3000, s11;
	[dreg:$0x8] =	wrdreg s15  }
0xe: {  	s31 =	simm.s32 $0x32C8;
	s17 =	sadd.s32 $0x3200, s11;
	[dreg:$0x9] =	wrdreg s16  }
0xf: {  	s4 =	sadd.s32 $0x2640, s11;
	s18 =	sadd.s32 $0x3400, s11;
	[dreg:$0xa] =	wrdreg s17  }
0x10: {  	s5 =	sadd.s32 $0x2680, s11;
	s19 =	sadd.s32 $0x3600, s11;
	[dreg:$0xb] =	wrdreg s18  }
0x11: {  	s6 =	sadd.s32 $0x26C0, s11;
	s20 =	sadd.s32 $0x3800, s11;
	[dreg:$0xc] =	wrdreg s19  }
0x12: {  	s7 =	sadd.s32 $0x2700, s11;
	s21 =	sadd.s32 $0x3A00, s11;
	[dreg:$0xd] =	wrdreg s20  }
0x13: {  	s8 =	sadd.s32 $0x2740, s11;
	s22 =	sadd.s32 $0x3C00, s11;
	[dreg:$0xe] =	wrdreg s21  }
0x14: {  	s9 =	sadd.s32 $0x2780, s11;
	s23 =	sadd.s32 $0x3E00, s11;
	[dreg:$0xf] =	wrdreg s22  }
0x15: {  	s10 =	sadd.s32 $0x27C0, s11;
	s24 =	sadd.s32 $0x4000, s11;
	[dreg:$0x10] =	wrdreg s23  }
0x16: {  	s25 =	sadd.s32 $0x4200, s11;
	s1 =	simm.s32 $0x36D8;
	[dreg:$0x11] =	wrdreg s24  }
0x17: {  	[dreg:$0x12] =	wrdreg s25;
	s26 =	sadd.s32 $0x4400, s11;
	s19 =	simm.s32 $0x1E78  }
0x18: {  	s20 =	simm.s32 $0x1;
	s21 =	simm.s32 $0x2080;
	s22 =	simm.s32 $0x2288  }
0x19: {  	v2 =	vlaneseq.u32;
	s23 =	simm.s32 $0x2490;
	s24 =	simm.s32 $0x2698;
	s25 =	simm.s32 $0x28A0  }
0x1a: {  	v0 =	vmul.u32 $0x208, v2;
	s0 =	simm.s32 $0x34D0;
	s3 =	simm.s32 $0x38E0;
	s11 =	simm.s32 $0x3AE8  }
0x1b: {  	v1 =	vimm.s32 $0x0;
	s12 =	simm.s32 $0x3CF0;
	s13 =	simm.s32 $0x3EF8;
	s14 =	simm.s32 $0x4100  }
0x1c: {  	v3 =	vimm.s32 $0x1;
	v2 =	vmul.u32 $0x80, v2;
	v4 =	vadd.s32 $0x2080, v0;
	s15 =	simm.s32 $0x0;
	[dreg:$0x13] =	wrdreg s26;
	s26 =	simm.s32 $0x2AA8  }
.LBB2_1:
0x1d: {  	s16 =	rddreg [dreg:$0x2]  }
0x1e: {  	[tilespmem:s2], [sflag:$0x1] =	stream.linear.gather [hbm4b:s16+s2], $0x200, $0x38;
	[tilespmem:$0x4900] =	vst v63  }
0x1f: {  	s18 =	rddreg [dreg:$0x5];
	s17 =	simm.s32 $0x208  }
0x20: {  	[tilespmem:s17], [sflag:$0x1] =	stream.linear.gather [hbm4b:s18+s2], $0x200, $0x38;
	[tilespmem:$0x4900] =	vst v63  }
0x21: {  	s17 =	rddreg [dreg:$0x6];
	s18 =	simm.s32 $0x410  }
0x22: {  	[tilespmem:s18], [sflag:$0x1] =	stream.linear.gather [hbm4b:s17+s2], $0x200, $0x38;
	[tilespmem:$0x4900] =	vst v63  }
0x23: {  	s17 =	rddreg [dreg:$0x7];
	s18 =	simm.s32 $0x618  }
0x24: {  	[tilespmem:s18], [sflag:$0x1] =	stream.linear.gather [hbm4b:s17+s2], $0x200, $0x38;
	[tilespmem:$0x4900] =	vst v63  }
0x25: {  	s17 =	rddreg [dreg:$0x8];
	s18 =	simm.s32 $0x820  }
0x26: {  	[tilespmem:s18], [sflag:$0x1] =	stream.linear.gather [hbm4b:s17+s2], $0x200, $0x38;
	[tilespmem:$0x4900] =	vst v63  }
0x27: {  	s17 =	rddreg [dreg:$0x9];
	s18 =	simm.s32 $0xA28  }
0x28: {  	[tilespmem:s18], [sflag:$0x1] =	stream.linear.gather [hbm4b:s17+s2], $0x200, $0x38;
	[tilespmem:$0x4900] =	vst v63  }
0x29: {  	s17 =	rddreg [dreg:$0xa];
	s18 =	simm.s32 $0xC30  }
0x2a: {  	[tilespmem:s18], [sflag:$0x1] =	stream.linear.gather [hbm4b:s17+s2], $0x200, $0x38;
	[tilespmem:$0x4900] =	vst v63  }
0x2b: {  	s17 =	rddreg [dreg:$0xb];
	s18 =	simm.s32 $0xE38  }
0x2c: {  	[tilespmem:s18], [sflag:$0x1] =	stream.linear.gather [hbm4b:s17+s2], $0x200, $0x38;
	[tilespmem:$0x4900] =	vst v63  }
0x2d: {  	s17 =	rddreg [dreg:$0xc];
	s18 =	simm.s32 $0x1040  }
0x2e: {  	[tilespmem:s18], [sflag:$0x1] =	stream.linear.gather [hbm4b:s17+s2], $0x200, $0x38;
	[tilespmem:$0x4900] =	vst v63  }
0x2f: {  	s17 =	rddreg [dreg:$0xd];
	s18 =	simm.s32 $0x1248  }
0x30: {  	[tilespmem:s18], [sflag:$0x1] =	stream.linear.gather [hbm4b:s17+s2], $0x200, $0x38;
	[tilespmem:$0x4900] =	vst v63  }
0x31: {  	s17 =	rddreg [dreg:$0xe];
	s18 =	simm.s32 $0x1450  }
0x32: {  	[tilespmem:s18], [sflag:$0x1] =	stream.linear.gather [hbm4b:s17+s2], $0x200, $0x38;
	[tilespmem:$0x4900] =	vst v63  }
0x33: {  	s17 =	rddreg [dreg:$0xf];
	s18 =	simm.s32 $0x1658  }
0x34: {  	[tilespmem:s18], [sflag:$0x1] =	stream.linear.gather [hbm4b:s17+s2], $0x200, $0x38;
	[tilespmem:$0x4900] =	vst v63  }
0x35: {  	s17 =	rddreg [dreg:$0x10];
	s18 =	simm.s32 $0x1860  }
0x36: {  	[tilespmem:s18], [sflag:$0x1] =	stream.linear.gather [hbm4b:s17+s2], $0x200, $0x38;
	[tilespmem:$0x4900] =	vst v63  }
0x37: {  	s17 =	rddreg [dreg:$0x11];
	s18 =	simm.s32 $0x1A68  }
0x38: {  	[tilespmem:s18], [sflag:$0x1] =	stream.linear.gather [hbm4b:s17+s2], $0x200, $0x38;
	[tilespmem:$0x4900] =	vst v63  }
0x39: {  	s17 =	rddreg [dreg:$0x12];
	s18 =	simm.s32 $0x1C70  }
0x3a: {  	[tilespmem:s18], [sflag:$0x1] =	stream.linear.gather [hbm4b:s17+s2], $0x200, $0x38;
	[tilespmem:$0x4900] =	vst v63  }
0x3b: {  	s16 =	simm.s32 $0x40;
	s18 =	rddreg [dreg:$0x13];
	s17 =	simm.s32 $0x0  }
0x3c: {  	[tilespmem:s19], [sflag:$0x1] =	stream.linear.gather [hbm4b:s18+s2], $0x200, $0x38;
	[tilespmem:$0x4900] =	vst v63  }
.LBB2_2:
0x3d: {  	p0 =	sne.s32 s16, $0x1FC0;
	[tilespmem:s17+$0x4100] =	vst v1;
	s17 =	smov.u32 s16;
	s16 =	sadd.s32 $0x40, s16  }
.Ltmp0:
0x3e: {  	(pc) =	sbr.rel @p0 .LBB2_2-.Ltmp0, $2  }
0x3f: {  	_ =	sdelay $0x2  }
0x40: {  	s17 =	sshra.s32 s17, $0x2  }
0x41: {  	[tilespmem:s17+$0x4100] =	vst v1  }
0x42: {  	_ =	swait.ge [sflag:s20], $0x2000  }
0x43: {  	[sflag:s20] =	ssyncset.done $0x0  }
0x44: {  	s16 =	simm.s32 $0x0;
	[sflag:s20] =	ssyncadd.s32 $0xFFFFE000  }
0x45: {  	[tilespmem:s21], [sflag:$0x1] =	stream.linear.gather [hbm4b:s4+s16], $0x200, $0x38;
	[tilespmem:$0x4900] =	vst v63  }
0x46: {  	s18 =	sadd.s32 $0x200, s4  }
0x47: {  	[tilespmem:s22], [sflag:$0x1] =	stream.linear.gather [hbm4b:s18+s16], $0x200, $0x38;
	[tilespmem:$0x4900] =	vst v63  }
0x48: {  	s18 =	sadd.s32 $0x400, s4  }
0x49: {  	[tilespmem:s23], [sflag:$0x1] =	stream.linear.gather [hbm4b:s18+s16], $0x200, $0x38;
	[tilespmem:$0x4900] =	vst v63  }
0x4a: {  	s18 =	sadd.s32 $0x600, s4  }
0x4b: {  	[tilespmem:s24], [sflag:$0x1] =	stream.linear.gather [hbm4b:s18+s16], $0x200, $0x38;
	[tilespmem:$0x4900] =	vst v63  }
0x4c: {  	s18 =	sadd.s32 $0x800, s4  }
0x4d: {  	[tilespmem:s25], [sflag:$0x1] =	stream.linear.gather [hbm4b:s18+s16], $0x200, $0x38;
	[tilespmem:$0x4900] =	vst v63  }
0x4e: {  	s18 =	sadd.s32 $0xA00, s4  }
0x4f: {  	[tilespmem:s26], [sflag:$0x1] =	stream.linear.gather [hbm4b:s18+s16], $0x200, $0x38;
	[tilespmem:$0x4900] =	vst v63  }
0x50: {  	s18 =	sadd.s32 $0xC00, s4  }
0x51: {  	[tilespmem:s28], [sflag:$0x1] =	stream.linear.gather [hbm4b:s18+s16], $0x200, $0x38;
	[tilespmem:$0x4900] =	vst v63  }
0x52: {  	s18 =	sadd.s32 $0xE00, s4  }
0x53: {  	[tilespmem:s29], [sflag:$0x1] =	stream.linear.gather [hbm4b:s18+s16], $0x200, $0x38;
	[tilespmem:$0x4900] =	vst v63  }
0x54: {  	s18 =	sadd.s32 $0x1000, s4  }
0x55: {  	[tilespmem:s30], [sflag:$0x1] =	stream.linear.gather [hbm4b:s18+s16], $0x200, $0x38;
	[tilespmem:$0x4900] =	vst v63  }
0x56: {  	s18 =	sadd.s32 $0x1200, s4  }
0x57: {  	[tilespmem:s31], [sflag:$0x1] =	stream.linear.gather [hbm4b:s18+s16], $0x200, $0x38;
	[tilespmem:$0x4900] =	vst v63  }
0x58: {  	s18 =	sadd.s32 $0x1400, s4  }
0x59: {  	[tilespmem:s0], [sflag:$0x1] =	stream.linear.gather [hbm4b:s18+s16], $0x200, $0x38;
	[tilespmem:$0x4900] =	vst v63  }
0x5a: {  	s18 =	sadd.s32 $0x1600, s4  }
0x5b: {  	[tilespmem:s1], [sflag:$0x1] =	stream.linear.gather [hbm4b:s18+s16], $0x200, $0x38;
	[tilespmem:$0x4900] =	vst v63  }
0x5c: {  	s18 =	sadd.s32 $0x1800, s4  }
0x5d: {  	[tilespmem:s3], [sflag:$0x1] =	stream.linear.gather [hbm4b:s18+s16], $0x200, $0x38;
	[tilespmem:$0x4900] =	vst v63  }
0x5e: {  	s18 =	sadd.s32 $0x1A00, s4  }
0x5f: {  	[tilespmem:s11], [sflag:$0x1] =	stream.linear.gather [hbm4b:s18+s16], $0x200, $0x38;
	[tilespmem:$0x4900] =	vst v63  }
0x60: {  	s18 =	sadd.s32 $0x1C00, s4  }
0x61: {  	[tilespmem:s12], [sflag:$0x1] =	stream.linear.gather [hbm4b:s18+s16], $0x200, $0x38;
	[tilespmem:$0x4900] =	vst v63  }
0x62: {  	s18 =	sadd.s32 $0x1E00, s4  }
0x63: {  	[tilespmem:s13], [sflag:$0x1] =	stream.linear.gather [hbm4b:s18+s16], $0x200, $0x38;
	[tilespmem:$0x4900] =	vst v63  }
.LBB2_4:
0x64: {  	v5 =	vmov s16  }
0x65: {  	v5 =	vand.u32 $0x1FC, v5  }
0x66: {  	v5 =	vadd.s32 v0, v5;
	_ =	sdelay $0x4  }
0x67: {  	v5 =	vld.idx.msk [tilespmem:v5+s2+$0x0], $0xffff;
	_ =	sdelay $0x2  }
0x68: {  	s17 =	sadd.s32 $0x1, s16  }
0x69: {  	v6 =	vmov s17  }
0x6a: {  	v6 =	vand.u32 $0x1FD, v6;
	v5 =	vadd.s32 v2, v5  }
0x6b: {  	v6 =	vadd.s32 v0, v6;
	_ =	sdelay $0x3  }
0x6c: {  	[tilespmem:v5+s14+$0x0] =	vst.idx.add.s32.msk $0xffff, v3  }
0x6d: {  	v5 =	vld.idx.msk [tilespmem:v6+s2+$0x0], $0xffff;
	_ =	sdelay $0x2  }
0x6e: {  	s18 =	sadd.s32 $0x2, s16  }
0x6f: {  	v6 =	vmov s18  }
0x70: {  	v6 =	vand.u32 $0x1FE, v6;
	v5 =	vadd.s32 v2, v5  }
0x71: {  	v6 =	vadd.s32 v0, v6;
	_ =	sdelay $0x3  }
0x72: {  	[tilespmem:v5+s14+$0x0] =	vst.idx.add.s32.msk $0xffff, v3  }
0x73: {  	v5 =	vld.idx.msk [tilespmem:v6+s2+$0x0], $0xffff;
	_ =	sdelay $0x2  }
0x74: {  	s18 =	sadd.s32 $0x3, s16  }
0x75: {  	v6 =	vmov s18  }
0x76: {  	v6 =	vand.u32 $0x1FF, v6;
	v5 =	vadd.s32 v2, v5  }
0x77: {  	v6 =	vadd.s32 v0, v6;
	_ =	sdelay $0x3  }
0x78: {  	[tilespmem:v5+s14+$0x0] =	vst.idx.add.s32.msk $0xffff, v3  }
0x79: {  	v5 =	vld.idx.msk [tilespmem:v6+s2+$0x0], $0xffff;
	_ =	sdelay $0x4  }
0x7a: {  	p0 =	sne.s32 s16, $0x1FC;
	v5 =	vadd.s32 v2, v5  }
.Ltmp1:
0x7b: {  	_ = 	snop;
	(pc) =	sbr.rel @p0 .LBB2_4-.Ltmp1, $2  }
0x7c: {  	_ =	sdelay $0x2  }
0x7d: {  	s16 =	sadd.s32 $0x4, s16;
	[tilespmem:v5+s14+$0x0] =	vst.idx.add.s32.msk $0xffff, v3  }
0x7e: {  	_ =	swait.ge [sflag:s20], $0x2000  }
0x7f: {  	[sflag:s20] =	ssyncset.done $0x0  }
0x80: {  	s16 =	simm.s32 $0x0;
	[sflag:s20] =	ssyncadd.s32 $0xFFFFE000  }
0x81: {  	[tilespmem:s16], [sflag:$0x1] =	stream.linear.gather [hbm4b:s5+s16], $0x200, $0x38;
	[tilespmem:$0x4900] =	vst v63  }
0x82: {  	s17 =	sadd.s32 $0x200, s5;
	s18 =	simm.s32 $0x208  }
0x83: {  	[tilespmem:s18], [sflag:$0x1] =	stream.linear.gather [hbm4b:s17+s16], $0x200, $0x38;
	[tilespmem:$0x4900] =	vst v63  }
0x84: {  	s17 =	sadd.s32 $0x400, s5;
	s18 =	simm.s32 $0x410  }
0x85: {  	[tilespmem:s18], [sflag:$0x1] =	stream.linear.gather [hbm4b:s17+s16], $0x200, $0x38;
	[tilespmem:$0x4900] =	vst v63  }
0x86: {  	s17 =	sadd.s32 $0x600, s5;
	s18 =	simm.s32 $0x618  }
0x87: {  	[tilespmem:s18], [sflag:$0x1] =	stream.linear.gather [hbm4b:s17+s16], $0x200, $0x38;
	[tilespmem:$0x4900] =	vst v63  }
0x88: {  	s17 =	sadd.s32 $0x800, s5;
	s18 =	simm.s32 $0x820  }
0x89: {  	[tilespmem:s18], [sflag:$0x1] =	stream.linear.gather [hbm4b:s17+s16], $0x200, $0x38;
	[tilespmem:$0x4900] =	vst v63  }
0x8a: {  	s17 =	sadd.s32 $0xA00, s5;
	s18 =	simm.s32 $0xA28  }
0x8b: {  	[tilespmem:s18], [sflag:$0x1] =	stream.linear.gather [hbm4b:s17+s16], $0x200, $0x38;
	[tilespmem:$0x4900] =	vst v63  }
0x8c: {  	s17 =	sadd.s32 $0xC00, s5;
	s18 =	simm.s32 $0xC30  }
0x8d: {  	[tilespmem:s18], [sflag:$0x1] =	stream.linear.gather [hbm4b:s17+s16], $0x200, $0x38;
	[tilespmem:$0x4900] =	vst v63  }
0x8e: {  	s17 =	sadd.s32 $0xE00, s5;
	s18 =	simm.s32 $0xE38  }
0x8f: {  	[tilespmem:s18], [sflag:$0x1] =	stream.linear.gather [hbm4b:s17+s16], $0x200, $0x38;
	[tilespmem:$0x4900] =	vst v63  }
0x90: {  	s17 =	sadd.s32 $0x1000, s5;
	s18 =	simm.s32 $0x1040  }
0x91: {  	[tilespmem:s18], [sflag:$0x1] =	stream.linear.gather [hbm4b:s17+s16], $0x200, $0x38;
	[tilespmem:$0x4900] =	vst v63  }
0x92: {  	s17 =	sadd.s32 $0x1200, s5;
	s18 =	simm.s32 $0x1248  }
0x93: {  	[tilespmem:s18], [sflag:$0x1] =	stream.linear.gather [hbm4b:s17+s16], $0x200, $0x38;
	[tilespmem:$0x4900] =	vst v63  }
0x94: {  	s17 =	sadd.s32 $0x1400, s5;
	s18 =	simm.s32 $0x1450  }
0x95: {  	[tilespmem:s18], [sflag:$0x1] =	stream.linear.gather [hbm4b:s17+s16], $0x200, $0x38;
	[tilespmem:$0x4900] =	vst v63  }
0x96: {  	s17 =	sadd.s32 $0x1600, s5;
	s18 =	simm.s32 $0x1658  }
0x97: {  	[tilespmem:s18], [sflag:$0x1] =	stream.linear.gather [hbm4b:s17+s16], $0x200, $0x38;
	[tilespmem:$0x4900] =	vst v63  }
0x98: {  	s17 =	sadd.s32 $0x1800, s5;
	s18 =	simm.s32 $0x1860  }
0x99: {  	[tilespmem:s18], [sflag:$0x1] =	stream.linear.gather [hbm4b:s17+s16], $0x200, $0x38;
	[tilespmem:$0x4900] =	vst v63  }
0x9a: {  	s17 =	sadd.s32 $0x1A00, s5;
	s18 =	simm.s32 $0x1A68  }
0x9b: {  	[tilespmem:s18], [sflag:$0x1] =	stream.linear.gather [hbm4b:s17+s16], $0x200, $0x38;
	[tilespmem:$0x4900] =	vst v63  }
0x9c: {  	s17 =	sadd.s32 $0x1C00, s5;
	s18 =	simm.s32 $0x1C70  }
0x9d: {  	[tilespmem:s18], [sflag:$0x1] =	stream.linear.gather [hbm4b:s17+s16], $0x200, $0x38;
	[tilespmem:$0x4900] =	vst v63  }
0x9e: {  	s18 =	sadd.s32 $0x1E00, s5  }
0x9f: {  	[tilespmem:s19], [sflag:$0x1] =	stream.linear.gather [hbm4b:s18+s16], $0x200, $0x38;
	[tilespmem:$0x4900] =	vst v63  }
.LBB2_6:
0xa0: {  	v5 =	vmov s16  }
0xa1: {  	v5 =	vand.u32 $0x1FC, v5  }
0xa2: {  	v5 =	vadd.s32 v4, v5;
	_ =	sdelay $0x4  }
0xa3: {  	v5 =	vld.idx.msk [tilespmem:v5+s2+$0x0], $0xffff;
	_ =	sdelay $0x2  }
0xa4: {  	s17 =	sadd.s32 $0x1, s16  }
0xa5: {  	v6 =	vmov s17  }
0xa6: {  	v6 =	vand.u32 $0x1FD, v6;
	v5 =	vadd.s32 v2, v5  }
0xa7: {  	v6 =	vadd.s32 v4, v6;
	_ =	sdelay $0x3  }
0xa8: {  	[tilespmem:v5+s14+$0x0] =	vst.idx.add.s32.msk $0xffff, v3  }
0xa9: {  	v5 =	vld.idx.msk [tilespmem:v6+s2+$0x0], $0xffff;
	_ =	sdelay $0x2  }
0xaa: {  	s18 =	sadd.s32 $0x2, s16  }
0xab: {  	v6 =	vmov s18  }
0xac: {  	v6 =	vand.u32 $0x1FE, v6;
	v5 =	vadd.s32 v2, v5  }
0xad: {  	v6 =	vadd.s32 v4, v6;
	_ =	sdelay $0x3  }
0xae: {  	[tilespmem:v5+s14+$0x0] =	vst.idx.add.s32.msk $0xffff, v3  }
0xaf: {  	v5 =	vld.idx.msk [tilespmem:v6+s2+$0x0], $0xffff;
	_ =	sdelay $0x2  }
0xb0: {  	s18 =	sadd.s32 $0x3, s16  }
0xb1: {  	v6 =	vmov s18  }
0xb2: {  	v6 =	vand.u32 $0x1FF, v6;
	v5 =	vadd.s32 v2, v5  }
0xb3: {  	v6 =	vadd.s32 v4, v6;
	_ =	sdelay $0x3  }
0xb4: {  	[tilespmem:v5+s14+$0x0] =	vst.idx.add.s32.msk $0xffff, v3  }
0xb5: {  	v5 =	vld.idx.msk [tilespmem:v6+s2+$0x0], $0xffff;
	_ =	sdelay $0x4  }
0xb6: {  	p0 =	sne.s32 s16, $0x1FC;
	v5 =	vadd.s32 v2, v5  }
.Ltmp2:
0xb7: {  	_ = 	snop;
	(pc) =	sbr.rel @p0 .LBB2_6-.Ltmp2, $2  }
0xb8: {  	_ =	sdelay $0x2  }
0xb9: {  	s16 =	sadd.s32 $0x4, s16;
	[tilespmem:v5+s14+$0x0] =	vst.idx.add.s32.msk $0xffff, v3  }
0xba: {  	_ =	swait.ge [sflag:s20], $0x2000  }
0xbb: {  	[sflag:s20] =	ssyncset.done $0x0  }
0xbc: {  	s16 =	simm.s32 $0x0;
	[sflag:s20] =	ssyncadd.s32 $0xFFFFE000  }
0xbd: {  	[tilespmem:s21], [sflag:$0x1] =	stream.linear.gather [hbm4b:s6+s16], $0x200, $0x38;
	[tilespmem:$0x4900] =	vst v63  }
0xbe: {  	s17 =	sadd.s32 $0x200, s6  }
0xbf: {  	[tilespmem:s22], [sflag:$0x1] =	stream.linear.gather [hbm4b:s17+s16], $0x200, $0x38;
	[tilespmem:$0x4900] =	vst v63  }
0xc0: {  	s18 =	sadd.s32 $0x400, s6  }
0xc1: {  	[tilespmem:s23], [sflag:$0x1] =	stream.linear.gather [hbm4b:s18+s16], $0x200, $0x38;
	[tilespmem:$0x4900] =	vst v63  }
0xc2: {  	s18 =	sadd.s32 $0x600, s6  }
0xc3: {  	[tilespmem:s24], [sflag:$0x1] =	stream.linear.gather [hbm4b:s18+s16], $0x200, $0x38;
	[tilespmem:$0x4900] =	vst v63  }
0xc4: {  	s18 =	sadd.s32 $0x800, s6  }
0xc5: {  	[tilespmem:s25], [sflag:$0x1] =	stream.linear.gather [hbm4b:s18+s16], $0x200, $0x38;
	[tilespmem:$0x4900] =	vst v63  }
0xc6: {  	s18 =	sadd.s32 $0xA00, s6  }
0xc7: {  	[tilespmem:s26], [sflag:$0x1] =	stream.linear.gather [hbm4b:s18+s16], $0x200, $0x38;
	[tilespmem:$0x4900] =	vst v63  }
0xc8: {  	s18 =	sadd.s32 $0xC00, s6  }
0xc9: {  	[tilespmem:s28], [sflag:$0x1] =	stream.linear.gather [hbm4b:s18+s16], $0x200, $0x38;
	[tilespmem:$0x4900] =	vst v63  }
0xca: {  	s18 =	sadd.s32 $0xE00, s6  }
0xcb: {  	[tilespmem:s29], [sflag:$0x1] =	stream.linear.gather [hbm4b:s18+s16], $0x200, $0x38;
	[tilespmem:$0x4900] =	vst v63  }
0xcc: {  	s18 =	sadd.s32 $0x1000, s6  }
0xcd: {  	[tilespmem:s30], [sflag:$0x1] =	stream.linear.gather [hbm4b:s18+s16], $0x200, $0x38;
	[tilespmem:$0x4900] =	vst v63  }
0xce: {  	s18 =	sadd.s32 $0x1200, s6  }
0xcf: {  	[tilespmem:s31], [sflag:$0x1] =	stream.linear.gather [hbm4b:s18+s16], $0x200, $0x38;
	[tilespmem:$0x4900] =	vst v63  }
0xd0: {  	s18 =	sadd.s32 $0x1400, s6  }
0xd1: {  	[tilespmem:s0], [sflag:$0x1] =	stream.linear.gather [hbm4b:s18+s16], $0x200, $0x38;
	[tilespmem:$0x4900] =	vst v63  }
0xd2: {  	s18 =	sadd.s32 $0x1600, s6  }
0xd3: {  	[tilespmem:s1], [sflag:$0x1] =	stream.linear.gather [hbm4b:s18+s16], $0x200, $0x38;
	[tilespmem:$0x4900] =	vst v63  }
0xd4: {  	s18 =	sadd.s32 $0x1800, s6  }
0xd5: {  	[tilespmem:s3], [sflag:$0x1] =	stream.linear.gather [hbm4b:s18+s16], $0x200, $0x38;
	[tilespmem:$0x4900] =	vst v63  }
0xd6: {  	s18 =	sadd.s32 $0x1A00, s6  }
0xd7: {  	[tilespmem:s11], [sflag:$0x1] =	stream.linear.gather [hbm4b:s18+s16], $0x200, $0x38;
	[tilespmem:$0x4900] =	vst v63  }
0xd8: {  	s18 =	sadd.s32 $0x1C00, s6  }
0xd9: {  	[tilespmem:s12], [sflag:$0x1] =	stream.linear.gather [hbm4b:s18+s16], $0x200, $0x38;
	[tilespmem:$0x4900] =	vst v63  }
0xda: {  	s18 =	sadd.s32 $0x1E00, s6  }
0xdb: {  	[tilespmem:s13], [sflag:$0x1] =	stream.linear.gather [hbm4b:s18+s16], $0x200, $0x38;
	[tilespmem:$0x4900] =	vst v63  }
.LBB2_8:
0xdc: {  	v5 =	vmov s16  }
0xdd: {  	v5 =	vand.u32 $0x1FC, v5  }
0xde: {  	v5 =	vadd.s32 v0, v5;
	_ =	sdelay $0x4  }
0xdf: {  	v5 =	vld.idx.msk [tilespmem:v5+s2+$0x0], $0xffff;
	_ =	sdelay $0x2  }
0xe0: {  	s17 =	sadd.s32 $0x1, s16  }
0xe1: {  	v6 =	vmov s17  }
0xe2: {  	v6 =	vand.u32 $0x1FD, v6;
	v5 =	vadd.s32 v2, v5  }
0xe3: {  	v6 =	vadd.s32 v0, v6;
	_ =	sdelay $0x3  }
0xe4: {  	[tilespmem:v5+s14+$0x0] =	vst.idx.add.s32.msk $0xffff, v3  }
0xe5: {  	v5 =	vld.idx.msk [tilespmem:v6+s2+$0x0], $0xffff;
	_ =	sdelay $0x2  }
0xe6: {  	s18 =	sadd.s32 $0x2, s16  }
0xe7: {  	v6 =	vmov s18  }
0xe8: {  	v6 =	vand.u32 $0x1FE, v6;
	v5 =	vadd.s32 v2, v5  }
0xe9: {  	v6 =	vadd.s32 v0, v6;
	_ =	sdelay $0x3  }
0xea: {  	[tilespmem:v5+s14+$0x0] =	vst.idx.add.s32.msk $0xffff, v3  }
0xeb: {  	v5 =	vld.idx.msk [tilespmem:v6+s2+$0x0], $0xffff;
	_ =	sdelay $0x2  }
0xec: {  	s18 =	sadd.s32 $0x3, s16  }
0xed: {  	v6 =	vmov s18  }
0xee: {  	v6 =	vand.u32 $0x1FF, v6;
	v5 =	vadd.s32 v2, v5  }
0xef: {  	v6 =	vadd.s32 v0, v6;
	_ =	sdelay $0x3  }
0xf0: {  	[tilespmem:v5+s14+$0x0] =	vst.idx.add.s32.msk $0xffff, v3  }
0xf1: {  	v5 =	vld.idx.msk [tilespmem:v6+s2+$0x0], $0xffff;
	_ =	sdelay $0x4  }
0xf2: {  	p0 =	sne.s32 s16, $0x1FC;
	v5 =	vadd.s32 v2, v5  }
.Ltmp3:
0xf3: {  	_ = 	snop;
	(pc) =	sbr.rel @p0 .LBB2_8-.Ltmp3, $2  }
0xf4: {  	_ =	sdelay $0x2  }
0xf5: {  	s16 =	sadd.s32 $0x4, s16;
	[tilespmem:v5+s14+$0x0] =	vst.idx.add.s32.msk $0xffff, v3  }
0xf6: {  	_ =	swait.ge [sflag:s20], $0x2000  }
0xf7: {  	[sflag:s20] =	ssyncset.done $0x0  }
0xf8: {  	s16 =	simm.s32 $0x0;
	[sflag:s20] =	ssyncadd.s32 $0xFFFFE000  }
0xf9: {  	[tilespmem:s16], [sflag:$0x1] =	stream.linear.gather [hbm4b:s7+s16], $0x200, $0x38;
	[tilespmem:$0x4900] =	vst v63  }
0xfa: {  	s17 =	sadd.s32 $0x200, s7;
	s18 =	simm.s32 $0x208  }
0xfb: {  	[tilespmem:s18], [sflag:$0x1] =	stream.linear.gather [hbm4b:s17+s16], $0x200, $0x38;
	[tilespmem:$0x4900] =	vst v63  }
0xfc: {  	s17 =	sadd.s32 $0x400, s7;
	s18 =	simm.s32 $0x410  }
0xfd: {  	[tilespmem:s18], [sflag:$0x1] =	stream.linear.gather [hbm4b:s17+s16], $0x200, $0x38;
	[tilespmem:$0x4900] =	vst v63  }
0xfe: {  	s17 =	sadd.s32 $0x600, s7;
	s18 =	simm.s32 $0x618  }
0xff: {  	[tilespmem:s18], [sflag:$0x1] =	stream.linear.gather [hbm4b:s17+s16], $0x200, $0x38;
	[tilespmem:$0x4900] =	vst v63  }
0x100: {  	s17 =	sadd.s32 $0x800, s7;
	s18 =	simm.s32 $0x820  }
0x101: {  	[tilespmem:s18], [sflag:$0x1] =	stream.linear.gather [hbm4b:s17+s16], $0x200, $0x38;
	[tilespmem:$0x4900] =	vst v63  }
0x102: {  	s17 =	sadd.s32 $0xA00, s7;
	s18 =	simm.s32 $0xA28  }
0x103: {  	[tilespmem:s18], [sflag:$0x1] =	stream.linear.gather [hbm4b:s17+s16], $0x200, $0x38;
	[tilespmem:$0x4900] =	vst v63  }
0x104: {  	s17 =	sadd.s32 $0xC00, s7;
	s18 =	simm.s32 $0xC30  }
0x105: {  	[tilespmem:s18], [sflag:$0x1] =	stream.linear.gather [hbm4b:s17+s16], $0x200, $0x38;
	[tilespmem:$0x4900] =	vst v63  }
0x106: {  	s17 =	sadd.s32 $0xE00, s7;
	s18 =	simm.s32 $0xE38  }
0x107: {  	[tilespmem:s18], [sflag:$0x1] =	stream.linear.gather [hbm4b:s17+s16], $0x200, $0x38;
	[tilespmem:$0x4900] =	vst v63  }
0x108: {  	s17 =	sadd.s32 $0x1000, s7;
	s18 =	simm.s32 $0x1040  }
0x109: {  	[tilespmem:s18], [sflag:$0x1] =	stream.linear.gather [hbm4b:s17+s16], $0x200, $0x38;
	[tilespmem:$0x4900] =	vst v63  }
0x10a: {  	s17 =	sadd.s32 $0x1200, s7;
	s18 =	simm.s32 $0x1248  }
0x10b: {  	[tilespmem:s18], [sflag:$0x1] =	stream.linear.gather [hbm4b:s17+s16], $0x200, $0x38;
	[tilespmem:$0x4900] =	vst v63  }
0x10c: {  	s17 =	sadd.s32 $0x1400, s7;
	s18 =	simm.s32 $0x1450  }
0x10d: {  	[tilespmem:s18], [sflag:$0x1] =	stream.linear.gather [hbm4b:s17+s16], $0x200, $0x38;
	[tilespmem:$0x4900] =	vst v63  }
0x10e: {  	s17 =	sadd.s32 $0x1600, s7;
	s18 =	simm.s32 $0x1658  }
0x10f: {  	[tilespmem:s18], [sflag:$0x1] =	stream.linear.gather [hbm4b:s17+s16], $0x200, $0x38;
	[tilespmem:$0x4900] =	vst v63  }
0x110: {  	s17 =	sadd.s32 $0x1800, s7;
	s18 =	simm.s32 $0x1860  }
0x111: {  	[tilespmem:s18], [sflag:$0x1] =	stream.linear.gather [hbm4b:s17+s16], $0x200, $0x38;
	[tilespmem:$0x4900] =	vst v63  }
0x112: {  	s17 =	sadd.s32 $0x1A00, s7;
	s18 =	simm.s32 $0x1A68  }
0x113: {  	[tilespmem:s18], [sflag:$0x1] =	stream.linear.gather [hbm4b:s17+s16], $0x200, $0x38;
	[tilespmem:$0x4900] =	vst v63  }
0x114: {  	s17 =	sadd.s32 $0x1C00, s7;
	s18 =	simm.s32 $0x1C70  }
0x115: {  	[tilespmem:s18], [sflag:$0x1] =	stream.linear.gather [hbm4b:s17+s16], $0x200, $0x38;
	[tilespmem:$0x4900] =	vst v63  }
0x116: {  	s18 =	sadd.s32 $0x1E00, s7  }
0x117: {  	[tilespmem:s19], [sflag:$0x1] =	stream.linear.gather [hbm4b:s18+s16], $0x200, $0x38;
	[tilespmem:$0x4900] =	vst v63  }
.LBB2_10:
0x118: {  	v5 =	vmov s16  }
0x119: {  	v5 =	vand.u32 $0x1FC, v5  }
0x11a: {  	v5 =	vadd.s32 v4, v5;
	_ =	sdelay $0x4  }
0x11b: {  	v5 =	vld.idx.msk [tilespmem:v5+s2+$0x0], $0xffff;
	_ =	sdelay $0x2  }
0x11c: {  	s17 =	sadd.s32 $0x1, s16  }
0x11d: {  	v6 =	vmov s17  }
0x11e: {  	v6 =	vand.u32 $0x1FD, v6;
	v5 =	vadd.s32 v2, v5  }
0x11f: {  	v6 =	vadd.s32 v4, v6;
	_ =	sdelay $0x3  }
0x120: {  	[tilespmem:v5+s14+$0x0] =	vst.idx.add.s32.msk $0xffff, v3  }
0x121: {  	v5 =	vld.idx.msk [tilespmem:v6+s2+$0x0], $0xffff;
	_ =	sdelay $0x2  }
0x122: {  	s18 =	sadd.s32 $0x2, s16  }
0x123: {  	v6 =	vmov s18  }
0x124: {  	v6 =	vand.u32 $0x1FE, v6;
	v5 =	vadd.s32 v2, v5  }
0x125: {  	v6 =	vadd.s32 v4, v6;
	_ =	sdelay $0x3  }
0x126: {  	[tilespmem:v5+s14+$0x0] =	vst.idx.add.s32.msk $0xffff, v3  }
0x127: {  	v5 =	vld.idx.msk [tilespmem:v6+s2+$0x0], $0xffff;
	_ =	sdelay $0x2  }
0x128: {  	s18 =	sadd.s32 $0x3, s16  }
0x129: {  	v6 =	vmov s18  }
0x12a: {  	v6 =	vand.u32 $0x1FF, v6;
	v5 =	vadd.s32 v2, v5  }
0x12b: {  	v6 =	vadd.s32 v4, v6;
	_ =	sdelay $0x3  }
0x12c: {  	[tilespmem:v5+s14+$0x0] =	vst.idx.add.s32.msk $0xffff, v3  }
0x12d: {  	v5 =	vld.idx.msk [tilespmem:v6+s2+$0x0], $0xffff;
	_ =	sdelay $0x4  }
0x12e: {  	p0 =	sne.s32 s16, $0x1FC;
	v5 =	vadd.s32 v2, v5  }
.Ltmp4:
0x12f: {  	_ = 	snop;
	(pc) =	sbr.rel @p0 .LBB2_10-.Ltmp4, $2  }
0x130: {  	_ =	sdelay $0x2  }
0x131: {  	s16 =	sadd.s32 $0x4, s16;
	[tilespmem:v5+s14+$0x0] =	vst.idx.add.s32.msk $0xffff, v3  }
0x132: {  	_ =	swait.ge [sflag:s20], $0x2000  }
0x133: {  	[sflag:s20] =	ssyncset.done $0x0  }
0x134: {  	s16 =	simm.s32 $0x0;
	[sflag:s20] =	ssyncadd.s32 $0xFFFFE000  }
0x135: {  	[tilespmem:s21], [sflag:$0x1] =	stream.linear.gather [hbm4b:s8+s16], $0x200, $0x38;
	[tilespmem:$0x4900] =	vst v63  }
0x136: {  	s17 =	sadd.s32 $0x200, s8  }
0x137: {  	[tilespmem:s22], [sflag:$0x1] =	stream.linear.gather [hbm4b:s17+s16], $0x200, $0x38;
	[tilespmem:$0x4900] =	vst v63  }
0x138: {  	s18 =	sadd.s32 $0x400, s8  }
0x139: {  	[tilespmem:s23], [sflag:$0x1] =	stream.linear.gather [hbm4b:s18+s16], $0x200, $0x38;
	[tilespmem:$0x4900] =	vst v63  }
0x13a: {  	s18 =	sadd.s32 $0x600, s8  }
0x13b: {  	[tilespmem:s24], [sflag:$0x1] =	stream.linear.gather [hbm4b:s18+s16], $0x200, $0x38;
	[tilespmem:$0x4900] =	vst v63  }
0x13c: {  	s18 =	sadd.s32 $0x800, s8  }
0x13d: {  	[tilespmem:s25], [sflag:$0x1] =	stream.linear.gather [hbm4b:s18+s16], $0x200, $0x38;
	[tilespmem:$0x4900] =	vst v63  }
0x13e: {  	s18 =	sadd.s32 $0xA00, s8  }
0x13f: {  	[tilespmem:s26], [sflag:$0x1] =	stream.linear.gather [hbm4b:s18+s16], $0x200, $0x38;
	[tilespmem:$0x4900] =	vst v63  }
0x140: {  	s18 =	sadd.s32 $0xC00, s8  }
0x141: {  	[tilespmem:s28], [sflag:$0x1] =	stream.linear.gather [hbm4b:s18+s16], $0x200, $0x38;
	[tilespmem:$0x4900] =	vst v63  }
0x142: {  	s18 =	sadd.s32 $0xE00, s8  }
0x143: {  	[tilespmem:s29], [sflag:$0x1] =	stream.linear.gather [hbm4b:s18+s16], $0x200, $0x38;
	[tilespmem:$0x4900] =	vst v63  }
0x144: {  	s18 =	sadd.s32 $0x1000, s8  }
0x145: {  	[tilespmem:s30], [sflag:$0x1] =	stream.linear.gather [hbm4b:s18+s16], $0x200, $0x38;
	[tilespmem:$0x4900] =	vst v63  }
0x146: {  	s18 =	sadd.s32 $0x1200, s8  }
0x147: {  	[tilespmem:s31], [sflag:$0x1] =	stream.linear.gather [hbm4b:s18+s16], $0x200, $0x38;
	[tilespmem:$0x4900] =	vst v63  }
0x148: {  	s18 =	sadd.s32 $0x1400, s8  }
0x149: {  	[tilespmem:s0], [sflag:$0x1] =	stream.linear.gather [hbm4b:s18+s16], $0x200, $0x38;
	[tilespmem:$0x4900] =	vst v63  }
0x14a: {  	s18 =	sadd.s32 $0x1600, s8  }
0x14b: {  	[tilespmem:s1], [sflag:$0x1] =	stream.linear.gather [hbm4b:s18+s16], $0x200, $0x38;
	[tilespmem:$0x4900] =	vst v63  }
0x14c: {  	s18 =	sadd.s32 $0x1800, s8  }
0x14d: {  	[tilespmem:s3], [sflag:$0x1] =	stream.linear.gather [hbm4b:s18+s16], $0x200, $0x38;
	[tilespmem:$0x4900] =	vst v63  }
0x14e: {  	s18 =	sadd.s32 $0x1A00, s8  }
0x14f: {  	[tilespmem:s11], [sflag:$0x1] =	stream.linear.gather [hbm4b:s18+s16], $0x200, $0x38;
	[tilespmem:$0x4900] =	vst v63  }
0x150: {  	s18 =	sadd.s32 $0x1C00, s8  }
0x151: {  	[tilespmem:s12], [sflag:$0x1] =	stream.linear.gather [hbm4b:s18+s16], $0x200, $0x38;
	[tilespmem:$0x4900] =	vst v63  }
0x152: {  	s18 =	sadd.s32 $0x1E00, s8  }
0x153: {  	[tilespmem:s13], [sflag:$0x1] =	stream.linear.gather [hbm4b:s18+s16], $0x200, $0x38;
	[tilespmem:$0x4900] =	vst v63  }
.LBB2_12:
0x154: {  	v5 =	vmov s16  }
0x155: {  	v5 =	vand.u32 $0x1FC, v5  }
0x156: {  	v5 =	vadd.s32 v0, v5;
	_ =	sdelay $0x4  }
0x157: {  	v5 =	vld.idx.msk [tilespmem:v5+s2+$0x0], $0xffff;
	_ =	sdelay $0x2  }
0x158: {  	s17 =	sadd.s32 $0x1, s16  }
0x159: {  	v6 =	vmov s17  }
0x15a: {  	v6 =	vand.u32 $0x1FD, v6;
	v5 =	vadd.s32 v2, v5  }
0x15b: {  	v6 =	vadd.s32 v0, v6;
	_ =	sdelay $0x3  }
0x15c: {  	[tilespmem:v5+s14+$0x0] =	vst.idx.add.s32.msk $0xffff, v3  }
0x15d: {  	v5 =	vld.idx.msk [tilespmem:v6+s2+$0x0], $0xffff;
	_ =	sdelay $0x2  }
0x15e: {  	s18 =	sadd.s32 $0x2, s16  }
0x15f: {  	v6 =	vmov s18  }
0x160: {  	v6 =	vand.u32 $0x1FE, v6;
	v5 =	vadd.s32 v2, v5  }
0x161: {  	v6 =	vadd.s32 v0, v6;
	_ =	sdelay $0x3  }
0x162: {  	[tilespmem:v5+s14+$0x0] =	vst.idx.add.s32.msk $0xffff, v3  }
0x163: {  	v5 =	vld.idx.msk [tilespmem:v6+s2+$0x0], $0xffff;
	_ =	sdelay $0x2  }
0x164: {  	s18 =	sadd.s32 $0x3, s16  }
0x165: {  	v6 =	vmov s18  }
0x166: {  	v6 =	vand.u32 $0x1FF, v6;
	v5 =	vadd.s32 v2, v5  }
0x167: {  	v6 =	vadd.s32 v0, v6;
	_ =	sdelay $0x3  }
0x168: {  	[tilespmem:v5+s14+$0x0] =	vst.idx.add.s32.msk $0xffff, v3  }
0x169: {  	v5 =	vld.idx.msk [tilespmem:v6+s2+$0x0], $0xffff;
	_ =	sdelay $0x4  }
0x16a: {  	p0 =	sne.s32 s16, $0x1FC;
	v5 =	vadd.s32 v2, v5  }
.Ltmp5:
0x16b: {  	_ = 	snop;
	(pc) =	sbr.rel @p0 .LBB2_12-.Ltmp5, $2  }
0x16c: {  	_ =	sdelay $0x2  }
0x16d: {  	s16 =	sadd.s32 $0x4, s16;
	[tilespmem:v5+s14+$0x0] =	vst.idx.add.s32.msk $0xffff, v3  }
0x16e: {  	_ =	swait.ge [sflag:s20], $0x2000  }
0x16f: {  	[sflag:s20] =	ssyncset.done $0x0  }
0x170: {  	s16 =	simm.s32 $0x0;
	[sflag:s20] =	ssyncadd.s32 $0xFFFFE000  }
0x171: {  	[tilespmem:s16], [sflag:$0x1] =	stream.linear.gather [hbm4b:s9+s16], $0x200, $0x38;
	[tilespmem:$0x4900] =	vst v63  }
0x172: {  	s17 =	sadd.s32 $0x200, s9;
	s18 =	simm.s32 $0x208  }
0x173: {  	[tilespmem:s18], [sflag:$0x1] =	stream.linear.gather [hbm4b:s17+s16], $0x200, $0x38;
	[tilespmem:$0x4900] =	vst v63  }
0x174: {  	s17 =	sadd.s32 $0x400, s9;
	s18 =	simm.s32 $0x410  }
0x175: {  	[tilespmem:s18], [sflag:$0x1] =	stream.linear.gather [hbm4b:s17+s16], $0x200, $0x38;
	[tilespmem:$0x4900] =	vst v63  }
0x176: {  	s17 =	sadd.s32 $0x600, s9;
	s18 =	simm.s32 $0x618  }
0x177: {  	[tilespmem:s18], [sflag:$0x1] =	stream.linear.gather [hbm4b:s17+s16], $0x200, $0x38;
	[tilespmem:$0x4900] =	vst v63  }
0x178: {  	s17 =	sadd.s32 $0x800, s9;
	s18 =	simm.s32 $0x820  }
0x179: {  	[tilespmem:s18], [sflag:$0x1] =	stream.linear.gather [hbm4b:s17+s16], $0x200, $0x38;
	[tilespmem:$0x4900] =	vst v63  }
0x17a: {  	s17 =	sadd.s32 $0xA00, s9;
	s18 =	simm.s32 $0xA28  }
0x17b: {  	[tilespmem:s18], [sflag:$0x1] =	stream.linear.gather [hbm4b:s17+s16], $0x200, $0x38;
	[tilespmem:$0x4900] =	vst v63  }
0x17c: {  	s17 =	sadd.s32 $0xC00, s9;
	s18 =	simm.s32 $0xC30  }
0x17d: {  	[tilespmem:s18], [sflag:$0x1] =	stream.linear.gather [hbm4b:s17+s16], $0x200, $0x38;
	[tilespmem:$0x4900] =	vst v63  }
0x17e: {  	s17 =	sadd.s32 $0xE00, s9;
	s18 =	simm.s32 $0xE38  }
0x17f: {  	[tilespmem:s18], [sflag:$0x1] =	stream.linear.gather [hbm4b:s17+s16], $0x200, $0x38;
	[tilespmem:$0x4900] =	vst v63  }
0x180: {  	s17 =	sadd.s32 $0x1000, s9;
	s18 =	simm.s32 $0x1040  }
0x181: {  	[tilespmem:s18], [sflag:$0x1] =	stream.linear.gather [hbm4b:s17+s16], $0x200, $0x38;
	[tilespmem:$0x4900] =	vst v63  }
0x182: {  	s17 =	sadd.s32 $0x1200, s9;
	s18 =	simm.s32 $0x1248  }
0x183: {  	[tilespmem:s18], [sflag:$0x1] =	stream.linear.gather [hbm4b:s17+s16], $0x200, $0x38;
	[tilespmem:$0x4900] =	vst v63  }
0x184: {  	s17 =	sadd.s32 $0x1400, s9;
	s18 =	simm.s32 $0x1450  }
0x185: {  	[tilespmem:s18], [sflag:$0x1] =	stream.linear.gather [hbm4b:s17+s16], $0x200, $0x38;
	[tilespmem:$0x4900] =	vst v63  }
0x186: {  	s17 =	sadd.s32 $0x1600, s9;
	s18 =	simm.s32 $0x1658  }
0x187: {  	[tilespmem:s18], [sflag:$0x1] =	stream.linear.gather [hbm4b:s17+s16], $0x200, $0x38;
	[tilespmem:$0x4900] =	vst v63  }
0x188: {  	s17 =	sadd.s32 $0x1800, s9;
	s18 =	simm.s32 $0x1860  }
0x189: {  	[tilespmem:s18], [sflag:$0x1] =	stream.linear.gather [hbm4b:s17+s16], $0x200, $0x38;
	[tilespmem:$0x4900] =	vst v63  }
0x18a: {  	s17 =	sadd.s32 $0x1A00, s9;
	s18 =	simm.s32 $0x1A68  }
0x18b: {  	[tilespmem:s18], [sflag:$0x1] =	stream.linear.gather [hbm4b:s17+s16], $0x200, $0x38;
	[tilespmem:$0x4900] =	vst v63  }
0x18c: {  	s17 =	sadd.s32 $0x1C00, s9;
	s18 =	simm.s32 $0x1C70  }
0x18d: {  	[tilespmem:s18], [sflag:$0x1] =	stream.linear.gather [hbm4b:s17+s16], $0x200, $0x38;
	[tilespmem:$0x4900] =	vst v63  }
0x18e: {  	s18 =	sadd.s32 $0x1E00, s9  }
0x18f: {  	[tilespmem:s19], [sflag:$0x1] =	stream.linear.gather [hbm4b:s18+s16], $0x200, $0x38;
	[tilespmem:$0x4900] =	vst v63  }
.LBB2_14:
0x190: {  	v5 =	vmov s16  }
0x191: {  	v5 =	vand.u32 $0x1FC, v5  }
0x192: {  	v5 =	vadd.s32 v4, v5;
	_ =	sdelay $0x4  }
0x193: {  	v5 =	vld.idx.msk [tilespmem:v5+s2+$0x0], $0xffff;
	_ =	sdelay $0x2  }
0x194: {  	s17 =	sadd.s32 $0x1, s16  }
0x195: {  	v6 =	vmov s17  }
0x196: {  	v6 =	vand.u32 $0x1FD, v6;
	v5 =	vadd.s32 v2, v5  }
0x197: {  	v6 =	vadd.s32 v4, v6;
	_ =	sdelay $0x3  }
0x198: {  	[tilespmem:v5+s14+$0x0] =	vst.idx.add.s32.msk $0xffff, v3  }
0x199: {  	v5 =	vld.idx.msk [tilespmem:v6+s2+$0x0], $0xffff;
	_ =	sdelay $0x2  }
0x19a: {  	s18 =	sadd.s32 $0x2, s16  }
0x19b: {  	v6 =	vmov s18  }
0x19c: {  	v6 =	vand.u32 $0x1FE, v6;
	v5 =	vadd.s32 v2, v5  }
0x19d: {  	v6 =	vadd.s32 v4, v6;
	_ =	sdelay $0x3  }
0x19e: {  	[tilespmem:v5+s14+$0x0] =	vst.idx.add.s32.msk $0xffff, v3  }
0x19f: {  	v5 =	vld.idx.msk [tilespmem:v6+s2+$0x0], $0xffff;
	_ =	sdelay $0x2  }
0x1a0: {  	s18 =	sadd.s32 $0x3, s16  }
0x1a1: {  	v6 =	vmov s18  }
0x1a2: {  	v6 =	vand.u32 $0x1FF, v6;
	v5 =	vadd.s32 v2, v5  }
0x1a3: {  	v6 =	vadd.s32 v4, v6;
	_ =	sdelay $0x3  }
0x1a4: {  	[tilespmem:v5+s14+$0x0] =	vst.idx.add.s32.msk $0xffff, v3  }
0x1a5: {  	v5 =	vld.idx.msk [tilespmem:v6+s2+$0x0], $0xffff;
	_ =	sdelay $0x4  }
0x1a6: {  	p0 =	sne.s32 s16, $0x1FC;
	v5 =	vadd.s32 v2, v5  }
.Ltmp6:
0x1a7: {  	_ = 	snop;
	(pc) =	sbr.rel @p0 .LBB2_14-.Ltmp6, $2  }
0x1a8: {  	_ =	sdelay $0x2  }
0x1a9: {  	s16 =	sadd.s32 $0x4, s16;
	[tilespmem:v5+s14+$0x0] =	vst.idx.add.s32.msk $0xffff, v3  }
0x1aa: {  	_ =	swait.ge [sflag:s20], $0x2000  }
0x1ab: {  	[sflag:s20] =	ssyncset.done $0x0  }
0x1ac: {  	s16 =	simm.s32 $0x0;
	[sflag:s20] =	ssyncadd.s32 $0xFFFFE000  }
0x1ad: {  	[tilespmem:s21], [sflag:$0x1] =	stream.linear.gather [hbm4b:s10+s16], $0x200, $0x38;
	[tilespmem:$0x4900] =	vst v63  }
0x1ae: {  	s17 =	sadd.s32 $0x200, s10  }
0x1af: {  	[tilespmem:s22], [sflag:$0x1] =	stream.linear.gather [hbm4b:s17+s16], $0x200, $0x38;
	[tilespmem:$0x4900] =	vst v63  }
0x1b0: {  	s18 =	sadd.s32 $0x400, s10  }
0x1b1: {  	[tilespmem:s23], [sflag:$0x1] =	stream.linear.gather [hbm4b:s18+s16], $0x200, $0x38;
	[tilespmem:$0x4900] =	vst v63  }
0x1b2: {  	s18 =	sadd.s32 $0x600, s10  }
0x1b3: {  	[tilespmem:s24], [sflag:$0x1] =	stream.linear.gather [hbm4b:s18+s16], $0x200, $0x38;
	[tilespmem:$0x4900] =	vst v63  }
0x1b4: {  	s18 =	sadd.s32 $0x800, s10  }
0x1b5: {  	[tilespmem:s25], [sflag:$0x1] =	stream.linear.gather [hbm4b:s18+s16], $0x200, $0x38;
	[tilespmem:$0x4900] =	vst v63  }
0x1b6: {  	s18 =	sadd.s32 $0xA00, s10  }
0x1b7: {  	[tilespmem:s26], [sflag:$0x1] =	stream.linear.gather [hbm4b:s18+s16], $0x200, $0x38;
	[tilespmem:$0x4900] =	vst v63  }
0x1b8: {  	s18 =	sadd.s32 $0xC00, s10  }
0x1b9: {  	[tilespmem:s28], [sflag:$0x1] =	stream.linear.gather [hbm4b:s18+s16], $0x200, $0x38;
	[tilespmem:$0x4900] =	vst v63  }
0x1ba: {  	s18 =	sadd.s32 $0xE00, s10  }
0x1bb: {  	[tilespmem:s29], [sflag:$0x1] =	stream.linear.gather [hbm4b:s18+s16], $0x200, $0x38;
	[tilespmem:$0x4900] =	vst v63  }
0x1bc: {  	s18 =	sadd.s32 $0x1000, s10  }
0x1bd: {  	[tilespmem:s30], [sflag:$0x1] =	stream.linear.gather [hbm4b:s18+s16], $0x200, $0x38;
	[tilespmem:$0x4900] =	vst v63  }
0x1be: {  	s18 =	sadd.s32 $0x1200, s10  }
0x1bf: {  	[tilespmem:s31], [sflag:$0x1] =	stream.linear.gather [hbm4b:s18+s16], $0x200, $0x38;
	[tilespmem:$0x4900] =	vst v63  }
0x1c0: {  	s18 =	sadd.s32 $0x1400, s10  }
0x1c1: {  	[tilespmem:s0], [sflag:$0x1] =	stream.linear.gather [hbm4b:s18+s16], $0x200, $0x38;
	[tilespmem:$0x4900] =	vst v63  }
0x1c2: {  	s18 =	sadd.s32 $0x1600, s10  }
0x1c3: {  	[tilespmem:s1], [sflag:$0x1] =	stream.linear.gather [hbm4b:s18+s16], $0x200, $0x38;
	[tilespmem:$0x4900] =	vst v63  }
0x1c4: {  	s18 =	sadd.s32 $0x1800, s10  }
0x1c5: {  	[tilespmem:s3], [sflag:$0x1] =	stream.linear.gather [hbm4b:s18+s16], $0x200, $0x38;
	[tilespmem:$0x4900] =	vst v63  }
0x1c6: {  	s18 =	sadd.s32 $0x1A00, s10  }
0x1c7: {  	[tilespmem:s11], [sflag:$0x1] =	stream.linear.gather [hbm4b:s18+s16], $0x200, $0x38;
	[tilespmem:$0x4900] =	vst v63  }
0x1c8: {  	s18 =	sadd.s32 $0x1C00, s10  }
0x1c9: {  	[tilespmem:s12], [sflag:$0x1] =	stream.linear.gather [hbm4b:s18+s16], $0x200, $0x38;
	[tilespmem:$0x4900] =	vst v63  }
0x1ca: {  	s18 =	sadd.s32 $0x1E00, s10  }
0x1cb: {  	[tilespmem:s13], [sflag:$0x1] =	stream.linear.gather [hbm4b:s18+s16], $0x200, $0x38;
	[tilespmem:$0x4900] =	vst v63  }
.LBB2_16:
0x1cc: {  	v5 =	vmov s16  }
0x1cd: {  	v5 =	vand.u32 $0x1FC, v5  }
0x1ce: {  	v5 =	vadd.s32 v0, v5;
	_ =	sdelay $0x4  }
0x1cf: {  	v5 =	vld.idx.msk [tilespmem:v5+s2+$0x0], $0xffff;
	_ =	sdelay $0x2  }
0x1d0: {  	s17 =	sadd.s32 $0x1, s16  }
0x1d1: {  	v6 =	vmov s17  }
0x1d2: {  	v6 =	vand.u32 $0x1FD, v6;
	v5 =	vadd.s32 v2, v5  }
0x1d3: {  	v6 =	vadd.s32 v0, v6;
	_ =	sdelay $0x3  }
0x1d4: {  	[tilespmem:v5+s14+$0x0] =	vst.idx.add.s32.msk $0xffff, v3  }
0x1d5: {  	v5 =	vld.idx.msk [tilespmem:v6+s2+$0x0], $0xffff;
	_ =	sdelay $0x2  }
0x1d6: {  	s18 =	sadd.s32 $0x2, s16  }
0x1d7: {  	v6 =	vmov s18  }
0x1d8: {  	v6 =	vand.u32 $0x1FE, v6;
	v5 =	vadd.s32 v2, v5  }
0x1d9: {  	v6 =	vadd.s32 v0, v6;
	_ =	sdelay $0x3  }
0x1da: {  	[tilespmem:v5+s14+$0x0] =	vst.idx.add.s32.msk $0xffff, v3  }
0x1db: {  	v5 =	vld.idx.msk [tilespmem:v6+s2+$0x0], $0xffff;
	_ =	sdelay $0x2  }
0x1dc: {  	s18 =	sadd.s32 $0x3, s16  }
0x1dd: {  	v6 =	vmov s18  }
0x1de: {  	v6 =	vand.u32 $0x1FF, v6;
	v5 =	vadd.s32 v2, v5  }
0x1df: {  	v6 =	vadd.s32 v0, v6;
	_ =	sdelay $0x3  }
0x1e0: {  	[tilespmem:v5+s14+$0x0] =	vst.idx.add.s32.msk $0xffff, v3  }
0x1e1: {  	v5 =	vld.idx.msk [tilespmem:v6+s2+$0x0], $0xffff;
	_ =	sdelay $0x4  }
0x1e2: {  	p0 =	sne.s32 s16, $0x1FC;
	v5 =	vadd.s32 v2, v5  }
.Ltmp7:
0x1e3: {  	_ = 	snop;
	(pc) =	sbr.rel @p0 .LBB2_16-.Ltmp7, $2  }
0x1e4: {  	_ =	sdelay $0x2  }
0x1e5: {  	s16 =	sadd.s32 $0x4, s16;
	[tilespmem:v5+s14+$0x0] =	vst.idx.add.s32.msk $0xffff, v3  }
0x1e6: {  	_ =	swait.ge [sflag:s20], $0x2000  }
0x1e7: {  	[sflag:s20] =	ssyncset.done $0x0  }
0x1e8: {  	s16 =	simm.s32 $0x0;
	[sflag:s20] =	ssyncadd.s32 $0xFFFFE000  }
.LBB2_18:
0x1e9: {  	v5 =	vmov s16  }
0x1ea: {  	v5 =	vand.u32 $0x1FC, v5  }
0x1eb: {  	v5 =	vadd.s32 v4, v5;
	_ =	sdelay $0x4  }
0x1ec: {  	v5 =	vld.idx.msk [tilespmem:v5+s2+$0x0], $0xffff;
	_ =	sdelay $0x2  }
0x1ed: {  	s17 =	sadd.s32 $0x1, s16  }
0x1ee: {  	v6 =	vmov s17  }
0x1ef: {  	v6 =	vand.u32 $0x1FD, v6;
	v5 =	vadd.s32 v2, v5  }
0x1f0: {  	v6 =	vadd.s32 v4, v6;
	_ =	sdelay $0x3  }
0x1f1: {  	[tilespmem:v5+s14+$0x0] =	vst.idx.add.s32.msk $0xffff, v3  }
0x1f2: {  	v5 =	vld.idx.msk [tilespmem:v6+s2+$0x0], $0xffff;
	_ =	sdelay $0x2  }
0x1f3: {  	s18 =	sadd.s32 $0x2, s16  }
0x1f4: {  	v6 =	vmov s18  }
0x1f5: {  	v6 =	vand.u32 $0x1FE, v6;
	v5 =	vadd.s32 v2, v5  }
0x1f6: {  	v6 =	vadd.s32 v4, v6;
	_ =	sdelay $0x3  }
0x1f7: {  	[tilespmem:v5+s14+$0x0] =	vst.idx.add.s32.msk $0xffff, v3  }
0x1f8: {  	v5 =	vld.idx.msk [tilespmem:v6+s2+$0x0], $0xffff;
	_ =	sdelay $0x2  }
0x1f9: {  	s18 =	sadd.s32 $0x3, s16  }
0x1fa: {  	v6 =	vmov s18  }
0x1fb: {  	v6 =	vand.u32 $0x1FF, v6;
	v5 =	vadd.s32 v2, v5  }
0x1fc: {  	v6 =	vadd.s32 v4, v6;
	_ =	sdelay $0x3  }
0x1fd: {  	[tilespmem:v5+s14+$0x0] =	vst.idx.add.s32.msk $0xffff, v3  }
0x1fe: {  	v5 =	vld.idx.msk [tilespmem:v6+s2+$0x0], $0xffff;
	_ =	sdelay $0x4  }
0x1ff: {  	p0 =	sne.s32 s16, $0x1FC;
	v5 =	vadd.s32 v2, v5  }
.Ltmp8:
0x200: {  	_ = 	snop;
	(pc) =	sbr.rel @p0 .LBB2_18-.Ltmp8, $2  }
0x201: {  	_ =	sdelay $0x2  }
0x202: {  	s16 =	sadd.s32 $0x4, s16;
	[tilespmem:v5+s14+$0x0] =	vst.idx.add.s32.msk $0xffff, v3  }
0x203: {  	[bflag:$0x0] =	sbarrier.arrive $0xFFFF  }
0x204: {  	_ =	sdelay $0x7ff  }
0x205: {  	_ =	sdelay $0x20d  }
0x206: {  	s17 =	simm.s32 $0x2;
	s16 =	rddreg [dreg:$0x3]  }
0x207: {  	[hbm4b:s16+s2] =	stream.linear.scatter [tilespmem:s14], [sflag:$0x2], $0x800, $0x38;
	[tilespmem:$0x4900] =	vst v63  }
0x208: {  	_ =	swait.ge [sflag:s17], $0x800  }
0x209: {  	s15 =	sadd.s32 $0x1, s15;
	s18 =	rddreg [dreg:$0x4]  }
0x20a: {  	p0 =	sne.s32 s15, s18  }
.Ltmp9:
0x20b: {  	_ = 	snop;
	(pc) =	sbr.rel @p0 .LBB2_1-.Ltmp9, $3  }
0x20c: {  	_ =	sdelay $0x1  }
0x20d: {  	[sflag:s17] =	ssyncset.done $0x0  }
0x20e: {  	[sflag:s17] =	ssyncadd.s32 $0xFFFFF800  }
0x20f: {  	_ =	sfence.sel $0x180000  }
0x210: {  	[bflag:$0x0] =	sbarrier.arrive $0xFFFF  }
0x211: {  	_ =	strace $0x90000047  }
0x212: {  	s0 =	stileid.u32;
	[bflag:$0x2] =	sbarrier.arrive $0xFFFF  }
0x213: {  	p0 =	sne.s32 s0, $0x0;
	s0 =	rddreg [dreg:$0x1]  }
0x214: {  	s0 =	sadd.s32 @!p0 $0x100000, s0  }
0x215: {  	[sflag:s0] =	ssyncadd.tile.s32 @!p0 $0x1;
	_ =	shalt  }
.Lfunc_end2:
_tile_overlayer_lowered:
.L_overlay_start_2:
0x216: {  	(tag) =	ssettag $0x2  }
0x217: {  	s0 =	rddreg [dreg:$0x0];
	s2 =	stileid.u32  }
0x218: {  	s1 =	rddreg [dreg:$0x1];
	p0 =	sne.s32 s2, $0x0  }
0x219: {  	s3 =	rddreg [dreg:$0x2];
	[bflag:$0x3] =	sbarrier.arrive $0xFFFF;
	s2 =	simm.s32 @!p0 $0x1C02  }
0x21a: {  	[timem:s3], [sflag:s2] =	dma.local @!p0 [hbm:s0], s1  }
0x21b: {  	s0 =	simm.s32 @!p0 $0x2  }
0x21c: {  	_ =	swait.ge @!p0 [sflag:s0], s1  }
0x21d: {  	s1 =	ssub.s32 @!p0 $0x0, s1;
	[sflag:s0] =	ssyncset.done @!p0 $0x0  }
0x21e: {  	[sflag:s0] =	ssyncadd.s32 @!p0 s1  }
0x21f: {  	[bflag:$0x3] =	sbarrier.arrive $0xFFFF  }
0x220: {  	_ =	shalt  }

// kernel: kernel.9.cloned.1.call-start
scs
__scs_entry_jumppad:
0x0: {  	(pc) =	sbr.rel $0x88, $3  }
0x1: {  	(tag) =	ssettag $0x0;
	lr =	simm.s32 $0x1  }
0x2: {  	[smem:$0x3F9E] =	sst lr;
	_ =	strace $0xD0000000  }
0x3: {  	_ = 	snop  }
0x4: {  	_ = 	snop  }
0x5: {  	_ = 	snop  }
0x6: {  	_ = 	snop  }
0x7: {  	_ = 	snop  }
__scs_overlays_trampoline_lowered:
0x8: {  	[smem:$0x3FAD] =	sst s0  }
0x9: {  	[smem:$0x3FAE] =	sst s1  }
0xa: {  	[smem:$0x3FAF] =	sst s2  }
0xb: {  	[smem:$0x3FB0] =	sst s3  }
0xc: {  	[smem:$0x3FB1] =	sst s4  }
0xd: {  	[smem:$0x3FB2] =	sst s5  }
0xe: {  	[smem:$0x3FB3] =	sst s6  }
0xf: {  	[smem:$0x3FB4] =	sst s7  }
0x10: {  	[smem:$0x3FB5] =	sst s8  }
0x11: {  	[smem:$0x3FB6] =	sst s9;
	s0 =	simm.s32 @!p0 $0x0  }
0x12: {  	s1 =	sld [smem:$0x3F9C];
	s0 =	simm.s32 @p0 $0x1  }
0x13: {  	[smem:$0x3FB7] =	sst s0;
	s0 =	simm.s32 @!p1 $0x0  }
0x14: {  	s2 =	sld [smem:$0x3F9B];
	s0 =	simm.s32 @p1 $0x1  }
0x15: {  	[smem:$0x3FB8] =	sst s0;
	s0 =	simm.s32 @!p2 $0x0  }
0x16: {  	s3 =	sld [smem:$0x3FDB];
	s0 =	simm.s32 @p2 $0x1  }
0x17: {  	s4 =	simm.s32 $0x1BF5;
	[smem:$0x3FBA] =	sst s0  }
0x18: {  	s0 =	sld [smem:$0x3F9D];
	_ =	swait.ge [sflag:s4], $0x0  }
0x19: {  	s7 =	sld [smem:$0x3F9E]  }
0x1a: {  	s8 =	sadd.s32 $0xFFFFE003, lr  }
0x1b: {  	s9 =	sadd.s32 $0xFFFFFEF7, lr;
	s5 =	simm.s32 $0xFFFFFFFF;
	p2 =	slt.u32 s8, $0xFFFFF086  }
0x1c: {  	p1 =	slt.u32 s9, $0xF7A;
	s5 =	simm.s32 @!p2 $0x0  }
0x1d: {  	s5 =	simm.s32 @p1 $0x1;
	p0 =	seq.s32 s7, s2  }
0x1e: {  	s7 =	smul.u32 @!p0 $0xF7A, s2;
	p2 =	seq.s32 @!p0 s5, $0x0  }
0x1f: {  	s9 =	smul.u32 $0xF7A, s1;
	s8 =	simm.s32 @!p0 $0x1BF5;
	p2 =	por !p2, p0  }
0x20: {  	[sflag:s8] =	ssyncset.s32 @!p0 $0xFFFFF086;
	s6 =	sadd.s32 @!p0 s3, s7;
	s7 =	simm.s32 @!p0 $0x108  }
0x21: {  	s3 =	sadd.s32 s3, s9;
	s6 =	sadd.s32 @!p0 $0x88, s6;
	s7 =	simm.s32 @p2 $0x1082  }
0x22: {  	[simem:s7], [sflag:s8] =	dma.local @!p0 [hbm:s6], $0xF7A  }
0x23: {  	s9 =	sor.u32 $0xD0000000, s2;
	s6 =	simm.s32 $0x108;
	_ =	swait.ge @!p0 [sflag:s8], $0x0  }
0x24: {  	s3 =	sadd.s32 $0x88, s3;
	s6 =	simm.s32 @!p1 $0x1082;
	[sflag:s4] =	ssyncset.s32 $0xFFFFF086  }
0x25: {  	[simem:s6], [sflag:s4] =	dma.local [hbm:s3], $0xF7A  }
0x26: {  	[smem:$0x3F9E] =	sst s1;
	(tag) =	ssettag s2;
	_ =	strace s9  }
0x27: {  	s1 =	sld [smem:$0x3FAE]  }
0x28: {  	s2 =	sld [smem:$0x3FAF]  }
0x29: {  	s4 =	sld [smem:$0x3FB1]  }
0x2a: {  	p0 =	seq.s32 s5, $0x0;
	s5 =	sld [smem:$0x3FB2]  }
0x2b: {  	s6 =	sld [smem:$0x3FB3]  }
0x2c: {  	s7 =	sld [smem:$0x3FB4]  }
0x2d: {  	s3 =	simm.s32 $0x108;
	s8 =	sld [smem:$0x3FB5]  }
0x2e: {  	s3 =	simm.s32 @!p0 $0x1082;
	s9 =	sld [smem:$0x3FB6]  }
0x2f: {  	lr =	sadd.s32 s0, s3;
	s0 =	sld [smem:$0x3FAD]  }
0x30: {  	s3 =	sld [smem:$0x3FB0]  }
0x31: {  	[smem:$0x3FB9] =	sst s10  }
0x32: {  	s10 =	sld [smem:$0x3FB7];
	_ =	sdelay $0x3  }
0x33: {  	p0 =	seq.s32 s10, $0x1;
	s10 =	sld [smem:$0x3FB9];
	_ =	sdelay $0x3  }
0x34: {  	[smem:$0x3FB9] =	sst s10  }
0x35: {  	s10 =	sld [smem:$0x3FB8];
	_ =	sdelay $0x3  }
0x36: {  	p1 =	seq.s32 s10, $0x1;
	s10 =	sld [smem:$0x3FB9];
	_ =	sdelay $0x3  }
0x37: {  	[smem:$0x3FB9] =	sst s10  }
0x38: {  	s10 =	sld [smem:$0x3FBA]  }
0x39: {  	_ = 	snop;
	(pc) =	sbr.ind lr, $3  }
0x3a: {  	_ = 	snop  }
0x3b: {  	_ = 	snop  }
0x3c: {  	p2 =	seq.s32 s10, $0x1;
	s10 =	sld [smem:$0x3FB9]  }
0x3d: {  	_ =	shalt  }
0x3e: {  	_ =	shalt  }
0x3f: {  	_ =	shalt  }
0x40: {  	_ =	shalt  }
0x41: {  	_ =	shalt  }
0x42: {  	_ =	shalt  }
0x43: {  	_ =	shalt  }
0x44: {  	_ =	shalt  }
0x45: {  	_ =	shalt  }
0x46: {  	_ =	shalt  }
0x47: {  	_ =	shalt  }
0x48: {  	_ =	shalt  }
0x49: {  	_ =	shalt  }
0x4a: {  	_ =	shalt  }
0x4b: {  	_ =	shalt  }
0x4c: {  	_ =	shalt  }
0x4d: {  	_ =	shalt  }
0x4e: {  	_ =	shalt  }
0x4f: {  	_ =	shalt  }
0x50: {  	_ =	shalt  }
0x51: {  	_ =	shalt  }
0x52: {  	_ =	shalt  }
0x53: {  	_ =	shalt  }
0x54: {  	_ =	shalt  }
0x55: {  	_ =	shalt  }
0x56: {  	_ =	shalt  }
0x57: {  	_ =	shalt  }
0x58: {  	_ =	shalt  }
0x59: {  	_ =	shalt  }
0x5a: {  	_ =	shalt  }
0x5b: {  	_ =	shalt  }
0x5c: {  	_ =	shalt  }
0x5d: {  	_ =	shalt  }
0x5e: {  	_ =	shalt  }
0x5f: {  	_ =	shalt  }
0x60: {  	_ =	shalt  }
0x61: {  	_ =	shalt  }
0x62: {  	_ =	shalt  }
0x63: {  	_ =	shalt  }
0x64: {  	_ =	shalt  }
0x65: {  	_ =	shalt  }
0x66: {  	_ =	shalt  }
0x67: {  	_ =	shalt  }
0x68: {  	_ =	shalt  }
0x69: {  	_ =	shalt  }
0x6a: {  	_ =	shalt  }
0x6b: {  	_ =	shalt  }
0x6c: {  	_ =	shalt  }
0x6d: {  	_ =	shalt  }
0x6e: {  	_ =	shalt  }
0x6f: {  	_ =	shalt  }
0x70: {  	_ =	shalt  }
0x71: {  	_ =	shalt  }
0x72: {  	_ =	shalt  }
0x73: {  	_ =	shalt  }
0x74: {  	_ =	shalt  }
0x75: {  	_ =	shalt  }
0x76: {  	_ =	shalt  }
0x77: {  	_ =	shalt  }
0x78: {  	_ =	shalt  }
0x79: {  	_ =	shalt  }
0x7a: {  	_ =	shalt  }
0x7b: {  	_ =	shalt  }
0x7c: {  	_ =	shalt  }
0x7d: {  	_ =	shalt  }
0x7e: {  	_ =	shalt  }
0x7f: {  	_ =	shalt  }
0x80: {  	_ =	shalt  }
0x81: {  	_ =	shalt  }
0x82: {  	_ =	shalt  }
0x83: {  	_ =	shalt  }
0x84: {  	_ =	shalt  }
0x85: {  	_ =	shalt  }
0x86: {  	_ =	shalt  }
0x87: {  	_ =	shalt  }
.Lfunc_end0:
.L_simem_size_0:
called_computation.1_lowered:
.L_overlay_start_0:
0x88: {  	s2 =	sld [smem:$0x3FD9]  }
0x89: {  	s3 =	sld [smem:$0x3FFE];
	_ =	sdelay $0x1  }
0x8a: {  	s1 =	srdreg.scid  }
0x8b: {  	s0 =	sand.u32 $0x1, s1  }
0x8c: {  	s17 =	sshll.u32 s0, $0xA;
	s2 =	sadd.s32 s3, s2  }
0x8d: {  	s2 =	sadd.s32 s2, s17  }
0x8e: {  	[smem:$0x3FC5] =	sst s2  }
0x8f: {  	_ = 	snop  }
0x90: {  	s2 =	sld [smem:$0x3FD0];
	(tm) =	ssettm $0x1  }
0x91: {  	s18 =	sld [smem:$0x3FFB];
	_ =	sdelay $0x3  }
0x92: {  	_ =	strace s18  }
0x93: {  	s3 =	sld [smem:$0x3FFC];
	_ =	sdelay $0x3  }
0x94: {  	_ =	strace s3  }
0x95: {  	s3 =	sld [smem:$0x3FFD];
	_ =	sdelay $0x3  }
0x96: {  	_ =	strace s3  }
0x97: {  	_ =	strace $0x8FFFFFFF  }
0x98: {  	s19 =	sld [smem:$0x3FDB];
	_ =	sdelay $0x1  }
0x99: {  	s4 =	simm.s32 $_scs_section_size  }
0x9a: {  	s5 =	simm.s32 $_size__tile_overlayer_lowered;
	s6 =	simm.s32 $_tile_overlayer_lowered  }
0x9b: {  	s22 =	simm.s32 $0x1BFF;
	s21 =	sshll.u32 s6, $0x1;
	s3 =	sadd.s32 s4, s19  }
0x9c: {  	s7 =	simm.s32 $0x0;
	s20 =	sshll.u32 s5, $0x1;
	s5 =	sadd.s32 s21, s3  }
0x9d: {  	[timem:s7], [sflag:s22] =	dma.local [hbm:s5], s20  }
0x9e: {  	_ =	swait.ge [sflag:s22], s20  }
0x9f: {  	s4 =	ssub.s32 $0x0, s20;
	[sflag:s22] =	ssyncset.done $0x0  }
0xa0: {  	[sflag:s22] =	ssyncadd.s32 s4;
	_ =	sdelay $0x1  }
0xa1: {  	s23 =	simm.s32 $0x1B8B  }
0xa2: {  	_ =	swait.ge [sflag:s23], $0x1  }
0xa3: {  	[sflag:s23] =	ssyncset.done $0x0  }
0xa4: {  	s25 =	simm.s32 $0x1B8E;
	s24 =	sld [smem:$0x3FFE];
	[sflag:s23] =	ssyncadd.s32 $0xFFFFFFFF  }
0xa5: {  	s26 =	simm.s32 $execute0_lowered;
	[smem:$0x3FD2] =	sst s25  }
0xa6: {  	s5 =	sshll.u32 s26, $0x1;
	_ =	strace $0x80000049;
	[dreg:$0x1] =	wrdreg $0xFFFFFFFF  }
0xa7: {  	s28 =	simm.s32 $_size_execute0_lowered;
	s3 =	sadd.s32 s3, s5;
	[dreg:$0x0] =	wrdreg $0x0  }
0xa8: {  	s5 =	sshll.u32 s28, $0x1;
	[dreg:$0x2] =	wrdreg s3  }
0xa9: {  	[dreg:$0x3] =	wrdreg s5  }
0xaa: {  	[dreg:$0x4] =	wrdreg $0xC0  }
0xab: {  	_ =	task [dreg:s7], $0x5FFFF  }
0xac: {  	[dreg:$0x1] =	wrdreg $0xFFFFFFFF  }
0xad: {  	[dreg:$0x0] =	wrdreg $0x60  }
0xae: {  	[dreg:$0x2] =	wrdreg s24  }
0xaf: {  	[dreg:$0x3] =	wrdreg s2  }
0xb0: {  	[dreg:$0x4] =	wrdreg $0x9  }
0xb1: {  	_ =	task.clear_ibuf [dreg:s7], $0x5FFFF;
	_ =	strace $0x90000049  }
0xb2: {  	s29 =	simm.s32 $0x9;
	_ =	strace $0x8000004B  }
0xb3: {  	_ =	swait.ge [sflag:s29], $0x1  }
0xb4: {  	[sflag:s29] =	ssyncadd.s32 $0xFFFFFFFF  }
0xb5: {  	_ =	strace $0x9000004B  }
0xb6: {  	_ =	sfence  }
0xb7: {  	s30 =	sld [smem:$0x0];
	_ =	sdelay $0x2  }
0xb8: {  	s31 =	sshll.u32 s1, $0xD;
	s1 =	sshrl.u32 s1, $0x2  }
0xb9: {  	s3 =	sand.u32 $0x4000, s31;
	s1 =	sadd.s32 s1, s30  }
0xba: {  	s0 =	sor.u32 s3, s0;
	s1 =	sshll.u32 s1, $0x11  }
0xbb: {  	s0 =	sor.u32 s1, s0  }
0xbc: {  	s0 =	sadd.s32 $0x8F2B, s0  }
0xbd: {  	[sflag:s0] =	ssyncadd.remote.s32 $0x1  }
0xbe: {  	_ =	sfence.sel $0xFFFF  }
0xbf: {  	[dreg:$0x0] =	wrdreg $0xFFFFFFFF;
	(pc) =	sbr.abs _section_cstart, $3  }
0xc0: {  	[dreg:$0x1] =	wrdreg $0xFFFFFFFF  }
0xc1: {  	_ =	task.clear_ibuf [dreg:s7], $0x2FFFF;
	_ =	strace $0x9FFFFFFF  }
0xc2: {  	(tm) =	ssettm $0x7FFFFFFF  }
0xc3: {  	_ =	shalt  }
tec
execute0_lowered:
.L_overlay_start_1:
0x0: {  	(tag) =	ssettag $0x1  }
0x1: {  	s0 =	rddreg [dreg:$0x0]  }
0x2: {  	s2 =	srdreg.scid;
	s3 =	stileid.u32  }
0x3: {  	s1 =	simm.s32 $0x0;
	s2 =	sand.u32 $0x1, s2;
	s3 =	sshll.u32 s3, $0x1  }
0x4: {  	[smem:$0x7FF] =	sst s1;
	s20 =	sadd.s32 $0x2600, s0;
	s21 =	sadd.s32 $0x84600, s0  }
0x5: {  	s22 =	sadd.s32 $0x44600, s0;
	s3 =	sor.u32 s2, s3;
	s2 =	ssub.s32 $0x2, s2  }
0x6: {  	s4 =	sshll.u32 s3, $0x8;
	s5 =	smul.u32 $0xBC0, s3;
	s23 =	sshll.u32 s3, $0xD  }
0x7: {  	s16 =	sshrl.u32 s2, $0x1;
	s24 =	sadd.s32 s4, s0;
	s17 =	sor.u32 $0x40, s23  }
0x8: {  	s29 =	ssub.s32 s2, s16;
	s7 =	sor.u32 $0x80, s23;
	s10 =	sor.u32 $0xC0, s23  }
0x9: {  	s13 =	sor.u32 $0x100, s23;
	s16 =	sor.u32 $0x140, s23;
	s2 =	sadd.s32 s20, s23  }
0xa: {  	s30 =	sadd.s32 s21, s23;
	s31 =	sadd.s32 s22, s23;
	s0 =	sadd.s32 s5, s0  }
0xb: {  	s18 =	sadd.s32 s20, s17;
	s19 =	sadd.s32 s21, s17;
	s4 =	sadd.s32 s22, s17  }
0xc: {  	s5 =	sadd.s32 s20, s7;
	s6 =	sadd.s32 s21, s7;
	s7 =	sadd.s32 s22, s7  }
0xd: {  	s8 =	sadd.s32 s20, s10;
	s9 =	sadd.s32 s21, s10;
	s10 =	sadd.s32 s22, s10  }
0xe: {  	s11 =	sadd.s32 s20, s13;
	s12 =	sadd.s32 s21, s13;
	[dreg:$0x3] =	wrdreg s18  }
0xf: {  	s13 =	sadd.s32 s22, s13;
	s3 =	smax.u32 s29, $0x1;
	[smem:$0x7E5] =	sst s19  }
0x10: {  	s14 =	sadd.s32 s20, s16;
	_ =	strace $0x8000004A;
	[dreg:$0xa] =	wrdreg s3  }
0x11: {  	s19 =	sor.u32 $0x180, s23;
	s23 =	sor.u32 $0x1C0, s23;
	[dreg:$0x4] =	wrdreg s2  }
0x12: {  	s25 =	sadd.s32 s20, s23;
	s26 =	sadd.s32 s21, s23;
	[dreg:$0x5] =	wrdreg s30  }
0x13: {  	s28 =	sadd.s32 s22, s23;
	s23 =	sadd.s32 $0x42600, s24;
	[dreg:$0x6] =	wrdreg s31  }
0x14: {  	s15 =	sadd.s32 s21, s16;
	s24 =	sadd.s32 $0xC4600, s0;
	[dreg:$0x7] =	wrdreg s23  }
0x15: {  	s16 =	sadd.s32 s22, s16;
	s0 =	sadd.s32 $0xDBE00, s0;
	[dreg:$0x8] =	wrdreg s24  }
0x16: {  	s17 =	sadd.s32 s20, s19;
	s20 =	sadd.s32 $0x200, s2;
	[dreg:$0x9] =	wrdreg s0  }
0x17: {  	s18 =	sadd.s32 s21, s19;
	s21 =	sadd.s32 $0x400, s2;
	[dreg:$0xb] =	wrdreg s20  }
0x18: {  	s19 =	sadd.s32 s22, s19;
	s22 =	sadd.s32 $0x600, s2;
	[dreg:$0xc] =	wrdreg s21  }
0x19: {  	s3 =	sadd.s32 $0xC00, s2;
	[dreg:$0xd] =	wrdreg s22  }
0x1a: {  	s23 =	sadd.s32 $0x800, s2;
	[dreg:$0x10] =	wrdreg s3  }
0x1b: {  	s24 =	sadd.s32 $0xA00, s2;
	[dreg:$0xe] =	wrdreg s23  }
0x1c: {  	s20 =	sadd.s32 $0xE00, s2;
	[dreg:$0xf] =	wrdreg s24  }
0x1d: {  	s21 =	sadd.s32 $0x1000, s2;
	[dreg:$0x11] =	wrdreg s20  }
0x1e: {  	s22 =	sadd.s32 $0x1200, s2;
	[dreg:$0x12] =	wrdreg s21  }
0x1f: {  	s3 =	sadd.s32 $0x1800, s2;
	[dreg:$0x13] =	wrdreg s22  }
0x20: {  	s23 =	sadd.s32 $0x1400, s2;
	[dreg:$0x16] =	wrdreg s3  }
0x21: {  	s24 =	sadd.s32 $0x1600, s2;
	[dreg:$0x14] =	wrdreg s23  }
0x22: {  	s20 =	sadd.s32 $0x1A00, s2;
	[dreg:$0x15] =	wrdreg s24  }
0x23: {  	s21 =	sadd.s32 $0x1C00, s2;
	[dreg:$0x17] =	wrdreg s20  }
0x24: {  	s22 =	sadd.s32 $0x1E00, s2;
	[dreg:$0x18] =	wrdreg s21  }
0x25: {  	s2 =	sadd.s32 $0x600, s30;
	[dreg:$0x19] =	wrdreg s22  }
0x26: {  	s3 =	sadd.s32 $0x800, s30;
	[dreg:$0x1c] =	wrdreg s2  }
0x27: {  	s23 =	sadd.s32 $0x200, s30;
	[dreg:$0x1d] =	wrdreg s3  }
0x28: {  	s24 =	sadd.s32 $0x400, s30;
	[dreg:$0x1a] =	wrdreg s23  }
0x29: {  	s20 =	sadd.s32 $0xA00, s30;
	[dreg:$0x1b] =	wrdreg s24  }
0x2a: {  	s21 =	sadd.s32 $0xC00, s30;
	[dreg:$0x1e] =	wrdreg s20  }
0x2b: {  	s22 =	sadd.s32 $0xE00, s30;
	[dreg:$0x1f] =	wrdreg s21  }
0x2c: {  	s2 =	sadd.s32 $0x1400, s30;
	[smem:$0x7E6] =	sst s22  }
0x2d: {  	s3 =	sadd.s32 $0x1600, s30;
	[smem:$0x7E9] =	sst s2  }
0x2e: {  	s23 =	sadd.s32 $0x1000, s30;
	[smem:$0x7EA] =	sst s3  }
0x2f: {  	s24 =	sadd.s32 $0x1200, s30;
	[smem:$0x7E7] =	sst s23  }
0x30: {  	s20 =	sadd.s32 $0x1800, s30;
	[smem:$0x7E8] =	sst s24  }
0x31: {  	s21 =	sadd.s32 $0x1A00, s30;
	[smem:$0x7EB] =	sst s20  }
0x32: {  	s22 =	sadd.s32 $0x1C00, s30;
	[smem:$0x7EC] =	sst s21  }
0x33: {  	s2 =	sadd.s32 $0x400, s31;
	[smem:$0x7ED] =	sst s22  }
0x34: {  	s3 =	sadd.s32 $0x600, s31;
	[smem:$0x7F0] =	sst s2  }
0x35: {  	s23 =	sadd.s32 $0x1E00, s30;
	[smem:$0x7F1] =	sst s3  }
0x36: {  	s24 =	sadd.s32 $0x200, s31;
	[smem:$0x7EE] =	sst s23  }
0x37: {  	s20 =	sadd.s32 $0x800, s31;
	[smem:$0x7EF] =	sst s24  }
0x38: {  	s21 =	sadd.s32 $0xA00, s31;
	[smem:$0x7F2] =	sst s20  }
0x39: {  	s22 =	sadd.s32 $0xC00, s31;
	[smem:$0x7F3] =	sst s21  }
0x3a: {  	s2 =	sadd.s32 $0x1200, s31;
	[smem:$0x7F4] =	sst s22  }
0x3b: {  	s3 =	sadd.s32 $0x1400, s31;
	[smem:$0x7F7] =	sst s2  }
0x3c: {  	s23 =	sadd.s32 $0xE00, s31;
	[smem:$0x7F8] =	sst s3  }
0x3d: {  	s24 =	sadd.s32 $0x1000, s31;
	[smem:$0x7F5] =	sst s23  }
0x3e: {  	s20 =	sadd.s32 $0x1600, s31;
	[smem:$0x7F6] =	sst s24  }
0x3f: {  	s29 =	simm.s32 $0x8200;
	s21 =	sadd.s32 $0x1800, s31;
	[smem:$0x7F9] =	sst s20  }
0x40: {  	s0 =	simm.s32 $0xCB80;
	s22 =	sadd.s32 $0x1A00, s31;
	[smem:$0x7FA] =	sst s21  }
0x41: {  	v3 =	vlaneseq.u32;
	s30 =	simm.s32 $0x2;
	s3 =	simm.s32 $0x0;
	[smem:$0x7FB] =	sst s22  }
0x42: {  	v0 =	vmul.u32 $0x208, v3;
	s23 =	sadd.s32 $0x1C00, s31;
	s24 =	sadd.s32 $0x1E00, s31;
	s20 =	simm.s32 $0x4100  }
0x43: {  	v1 =	vimm.f32 $0.0e+00;
	s31 =	simm.s32 $0xCB00;
	s21 =	simm.s32 $0x1;
	[smem:$0x7FC] =	sst s23  }
0x44: {  	v2 =	vmul.u32 $0x80, v3;
	v3 =	vmul.u32 $0x5E0, v3;
	v4 =	vadd.s32 $0x2080, v0;
	[smem:$0x7FD] =	sst s24;
	s23 =	simm.s32 $0xC300;
	s24 =	simm.s32 $0x12980  }
.LBB2_1:
0x45: {  	[smem:$0x7E4] =	sst s3  }
0x46: {  	s2 =	rddreg [dreg:$0x4]  }
0x47: {  	[tilespmem:s1], [sflag:$0x1] =	stream.linear.gather [hbm4b:s2+s1], $0x200, $0x38;
	[tilespmem:$0x18780] =	vst v63  }
0x48: {  	s3 =	rddreg [dreg:$0xb];
	s22 =	simm.s32 $0x208  }
0x49: {  	[tilespmem:s22], [sflag:$0x1] =	stream.linear.gather [hbm4b:s3+s1], $0x200, $0x38;
	[tilespmem:$0x18780] =	vst v63  }
0x4a: {  	s3 =	rddreg [dreg:$0xc];
	s22 =	simm.s32 $0x410  }
0x4b: {  	[tilespmem:s22], [sflag:$0x1] =	stream.linear.gather [hbm4b:s3+s1], $0x200, $0x38;
	[tilespmem:$0x18780] =	vst v63  }
0x4c: {  	s22 =	rddreg [dreg:$0xd];
	s3 =	simm.s32 $0x618  }
0x4d: {  	[tilespmem:s3], [sflag:$0x1] =	stream.linear.gather [hbm4b:s22+s1], $0x200, $0x38;
	[tilespmem:$0x18780] =	vst v63  }
0x4e: {  	s22 =	rddreg [dreg:$0xe];
	s3 =	simm.s32 $0x820  }
0x4f: {  	[tilespmem:s3], [sflag:$0x1] =	stream.linear.gather [hbm4b:s22+s1], $0x200, $0x38;
	[tilespmem:$0x18780] =	vst v63  }
0x50: {  	s22 =	rddreg [dreg:$0xf];
	s3 =	simm.s32 $0xA28  }
0x51: {  	[tilespmem:s3], [sflag:$0x1] =	stream.linear.gather [hbm4b:s22+s1], $0x200, $0x38;
	[tilespmem:$0x18780] =	vst v63  }
0x52: {  	s22 =	rddreg [dreg:$0x10];
	s3 =	simm.s32 $0xC30  }
0x53: {  	[tilespmem:s3], [sflag:$0x1] =	stream.linear.gather [hbm4b:s22+s1], $0x200, $0x38;
	[tilespmem:$0x18780] =	vst v63  }
0x54: {  	s22 =	rddreg [dreg:$0x11];
	s3 =	simm.s32 $0xE38  }
0x55: {  	[tilespmem:s3], [sflag:$0x1] =	stream.linear.gather [hbm4b:s22+s1], $0x200, $0x38;
	[tilespmem:$0x18780] =	vst v63  }
0x56: {  	s22 =	rddreg [dreg:$0x12];
	s3 =	simm.s32 $0x1040  }
0x57: {  	[tilespmem:s3], [sflag:$0x1] =	stream.linear.gather [hbm4b:s22+s1], $0x200, $0x38;
	[tilespmem:$0x18780] =	vst v63  }
0x58: {  	s22 =	rddreg [dreg:$0x13];
	s3 =	simm.s32 $0x1248  }
0x59: {  	[tilespmem:s3], [sflag:$0x1] =	stream.linear.gather [hbm4b:s22+s1], $0x200, $0x38;
	[tilespmem:$0x18780] =	vst v63  }
0x5a: {  	s22 =	rddreg [dreg:$0x14];
	s3 =	simm.s32 $0x1450  }
0x5b: {  	[tilespmem:s3], [sflag:$0x1] =	stream.linear.gather [hbm4b:s22+s1], $0x200, $0x38;
	[tilespmem:$0x18780] =	vst v63  }
0x5c: {  	s22 =	rddreg [dreg:$0x15];
	s3 =	simm.s32 $0x1658  }
0x5d: {  	[tilespmem:s3], [sflag:$0x1] =	stream.linear.gather [hbm4b:s22+s1], $0x200, $0x38;
	[tilespmem:$0x18780] =	vst v63  }
0x5e: {  	s22 =	rddreg [dreg:$0x16];
	s3 =	simm.s32 $0x1860  }
0x5f: {  	[tilespmem:s3], [sflag:$0x1] =	stream.linear.gather [hbm4b:s22+s1], $0x200, $0x38;
	[tilespmem:$0x18780] =	vst v63  }
0x60: {  	s22 =	rddreg [dreg:$0x17];
	s3 =	simm.s32 $0x1A68  }
0x61: {  	[tilespmem:s3], [sflag:$0x1] =	stream.linear.gather [hbm4b:s22+s1], $0x200, $0x38;
	[tilespmem:$0x18780] =	vst v63  }
0x62: {  	s22 =	rddreg [dreg:$0x18];
	s3 =	simm.s32 $0x1C70  }
0x63: {  	[tilespmem:s3], [sflag:$0x1] =	stream.linear.gather [hbm4b:s22+s1], $0x200, $0x38;
	[tilespmem:$0x18780] =	vst v63  }
0x64: {  	s22 =	rddreg [dreg:$0x19];
	s3 =	simm.s32 $0x1E78  }
0x65: {  	[tilespmem:s3], [sflag:$0x1] =	stream.linear.gather [hbm4b:s22+s1], $0x200, $0x38;
	[tilespmem:$0x18780] =	vst v63  }
0x66: {  	s3 =	rddreg [dreg:$0x5]  }
0x67: {  	[tilespmem:s20], [sflag:$0x1] =	stream.linear.gather [hbm4b:s3+s1], $0x200, $0x38;
	[tilespmem:$0x18780] =	vst v63  }
0x68: {  	s22 =	rddreg [dreg:$0x1a];
	s3 =	simm.s32 $0x4308  }
0x69: {  	[tilespmem:s3], [sflag:$0x1] =	stream.linear.gather [hbm4b:s22+s1], $0x200, $0x38;
	[tilespmem:$0x18780] =	vst v63  }
0x6a: {  	s22 =	rddreg [dreg:$0x1b];
	s3 =	simm.s32 $0x4510  }
0x6b: {  	[tilespmem:s3], [sflag:$0x1] =	stream.linear.gather [hbm4b:s22+s1], $0x200, $0x38;
	[tilespmem:$0x18780] =	vst v63  }
0x6c: {  	s22 =	rddreg [dreg:$0x1c];
	s3 =	simm.s32 $0x4718  }
0x6d: {  	[tilespmem:s3], [sflag:$0x1] =	stream.linear.gather [hbm4b:s22+s1], $0x200, $0x38;
	[tilespmem:$0x18780] =	vst v63  }
0x6e: {  	s22 =	rddreg [dreg:$0x1d];
	s3 =	simm.s32 $0x4920  }
0x6f: {  	[tilespmem:s3], [sflag:$0x1] =	stream.linear.gather [hbm4b:s22+s1], $0x200, $0x38;
	[tilespmem:$0x18780] =	vst v63  }
0x70: {  	s22 =	rddreg [dreg:$0x1e];
	s3 =	simm.s32 $0x4B28  }
0x71: {  	[tilespmem:s3], [sflag:$0x1] =	stream.linear.gather [hbm4b:s22+s1], $0x200, $0x38;
	[tilespmem:$0x18780] =	vst v63  }
0x72: {  	s22 =	rddreg [dreg:$0x1f];
	s3 =	simm.s32 $0x4D30  }
0x73: {  	[tilespmem:s3], [sflag:$0x1] =	stream.linear.gather [hbm4b:s22+s1], $0x200, $0x38;
	[tilespmem:$0x18780] =	vst v63  }
0x74: {  	s22 =	sld [smem:$0x7E6];
	_ =	sdelay $0x1  }
0x75: {  	s3 =	simm.s32 $0x4F38  }
0x76: {  	[tilespmem:s3], [sflag:$0x1] =	stream.linear.gather [hbm4b:s22+s1], $0x200, $0x38;
	[tilespmem:$0x18780] =	vst v63  }
0x77: {  	s22 =	sld [smem:$0x7E7];
	_ =	sdelay $0x1  }
0x78: {  	s3 =	simm.s32 $0x5140  }
0x79: {  	[tilespmem:s3], [sflag:$0x1] =	stream.linear.gather [hbm4b:s22+s1], $0x200, $0x38;
	[tilespmem:$0x18780] =	vst v63  }
0x7a: {  	s22 =	sld [smem:$0x7E8];
	_ =	sdelay $0x1  }
0x7b: {  	s3 =	simm.s32 $0x5348  }
0x7c: {  	[tilespmem:s3], [sflag:$0x1] =	stream.linear.gather [hbm4b:s22+s1], $0x200, $0x38;
	[tilespmem:$0x18780] =	vst v63  }
0x7d: {  	s22 =	sld [smem:$0x7E9];
	_ =	sdelay $0x1  }
0x7e: {  	s3 =	simm.s32 $0x5550  }
0x7f: {  	[tilespmem:s3], [sflag:$0x1] =	stream.linear.gather [hbm4b:s22+s1], $0x200, $0x38;
	[tilespmem:$0x18780] =	vst v63  }
0x80: {  	s22 =	sld [smem:$0x7EA];
	_ =	sdelay $0x1  }
0x81: {  	s3 =	simm.s32 $0x5758  }
0x82: {  	[tilespmem:s3], [sflag:$0x1] =	stream.linear.gather [hbm4b:s22+s1], $0x200, $0x38;
	[tilespmem:$0x18780] =	vst v63  }
0x83: {  	s22 =	sld [smem:$0x7EB];
	_ =	sdelay $0x1  }
0x84: {  	s3 =	simm.s32 $0x5960  }
0x85: {  	[tilespmem:s3], [sflag:$0x1] =	stream.linear.gather [hbm4b:s22+s1], $0x200, $0x38;
	[tilespmem:$0x18780] =	vst v63  }
0x86: {  	s22 =	sld [smem:$0x7EC];
	_ =	sdelay $0x1  }
0x87: {  	s3 =	simm.s32 $0x5B68  }
0x88: {  	[tilespmem:s3], [sflag:$0x1] =	stream.linear.gather [hbm4b:s22+s1], $0x200, $0x38;
	[tilespmem:$0x18780] =	vst v63  }
0x89: {  	s22 =	sld [smem:$0x7ED];
	_ =	sdelay $0x1  }
0x8a: {  	s3 =	simm.s32 $0x5D70  }
0x8b: {  	[tilespmem:s3], [sflag:$0x1] =	stream.linear.gather [hbm4b:s22+s1], $0x200, $0x38;
	[tilespmem:$0x18780] =	vst v63  }
0x8c: {  	s22 =	sld [smem:$0x7EE];
	_ =	sdelay $0x1  }
0x8d: {  	s3 =	simm.s32 $0x5F78  }
0x8e: {  	[tilespmem:s3], [sflag:$0x1] =	stream.linear.gather [hbm4b:s22+s1], $0x200, $0x38;
	[tilespmem:$0x18780] =	vst v63  }
0x8f: {  	s3 =	rddreg [dreg:$0x6]  }
0x90: {  	s22 =	sld [smem:$0x7EF]  }
0x91: {  	[tilespmem:s29], [sflag:$0x1] =	stream.linear.gather [hbm4b:s3+s1], $0x200, $0x38;
	[tilespmem:$0x18780] =	vst v63  }
0x92: {  	s3 =	simm.s32 $0x8408  }
0x93: {  	[tilespmem:s3], [sflag:$0x1] =	stream.linear.gather [hbm4b:s22+s1], $0x200, $0x38;
	[tilespmem:$0x18780] =	vst v63  }
0x94: {  	s22 =	sld [smem:$0x7F0];
	_ =	sdelay $0x1  }
0x95: {  	s3 =	simm.s32 $0x8610  }
0x96: {  	[tilespmem:s3], [sflag:$0x1] =	stream.linear.gather [hbm4b:s22+s1], $0x200, $0x38;
	[tilespmem:$0x18780] =	vst v63  }
0x97: {  	s22 =	sld [smem:$0x7F1];
	_ =	sdelay $0x1  }
0x98: {  	s3 =	simm.s32 $0x8818  }
0x99: {  	[tilespmem:s3], [sflag:$0x1] =	stream.linear.gather [hbm4b:s22+s1], $0x200, $0x38;
	[tilespmem:$0x18780] =	vst v63  }
0x9a: {  	s22 =	sld [smem:$0x7F2];
	_ =	sdelay $0x1  }
0x9b: {  	s3 =	simm.s32 $0x8A20  }
0x9c: {  	[tilespmem:s3], [sflag:$0x1] =	stream.linear.gather [hbm4b:s22+s1], $0x200, $0x38;
	[tilespmem:$0x18780] =	vst v63  }
0x9d: {  	s22 =	sld [smem:$0x7F3];
	_ =	sdelay $0x1  }
0x9e: {  	s3 =	simm.s32 $0x8C28  }
0x9f: {  	[tilespmem:s3], [sflag:$0x1] =	stream.linear.gather [hbm4b:s22+s1], $0x200, $0x38;
	[tilespmem:$0x18780] =	vst v63  }
0xa0: {  	s22 =	sld [smem:$0x7F4];
	_ =	sdelay $0x1  }
0xa1: {  	s3 =	simm.s32 $0x8E30  }
0xa2: {  	[tilespmem:s3], [sflag:$0x1] =	stream.linear.gather [hbm4b:s22+s1], $0x200, $0x38;
	[tilespmem:$0x18780] =	vst v63  }
0xa3: {  	s22 =	sld [smem:$0x7F5];
	_ =	sdelay $0x1  }
0xa4: {  	s3 =	simm.s32 $0x9038  }
0xa5: {  	[tilespmem:s3], [sflag:$0x1] =	stream.linear.gather [hbm4b:s22+s1], $0x200, $0x38;
	[tilespmem:$0x18780] =	vst v63  }
0xa6: {  	s22 =	sld [smem:$0x7F6];
	_ =	sdelay $0x1  }
0xa7: {  	s3 =	simm.s32 $0x9240  }
0xa8: {  	[tilespmem:s3], [sflag:$0x1] =	stream.linear.gather [hbm4b:s22+s1], $0x200, $0x38;
	[tilespmem:$0x18780] =	vst v63  }
0xa9: {  	s22 =	sld [smem:$0x7F7];
	_ =	sdelay $0x1  }
0xaa: {  	s3 =	simm.s32 $0x9448  }
0xab: {  	[tilespmem:s3], [sflag:$0x1] =	stream.linear.gather [hbm4b:s22+s1], $0x200, $0x38;
	[tilespmem:$0x18780] =	vst v63  }
0xac: {  	s22 =	sld [smem:$0x7F8];
	_ =	sdelay $0x1  }
0xad: {  	s3 =	simm.s32 $0x9650  }
0xae: {  	[tilespmem:s3], [sflag:$0x1] =	stream.linear.gather [hbm4b:s22+s1], $0x200, $0x38;
	[tilespmem:$0x18780] =	vst v63  }
0xaf: {  	s22 =	sld [smem:$0x7F9];
	_ =	sdelay $0x1  }
0xb0: {  	s3 =	simm.s32 $0x9858  }
0xb1: {  	[tilespmem:s3], [sflag:$0x1] =	stream.linear.gather [hbm4b:s22+s1], $0x200, $0x38;
	[tilespmem:$0x18780] =	vst v63  }
0xb2: {  	s22 =	sld [smem:$0x7FA];
	_ =	sdelay $0x1  }
0xb3: {  	s3 =	simm.s32 $0x9A60  }
0xb4: {  	[tilespmem:s3], [sflag:$0x1] =	stream.linear.gather [hbm4b:s22+s1], $0x200, $0x38;
	[tilespmem:$0x18780] =	vst v63  }
0xb5: {  	s22 =	sld [smem:$0x7FB];
	_ =	sdelay $0x1  }
0xb6: {  	s3 =	simm.s32 $0x9C68  }
0xb7: {  	[tilespmem:s3], [sflag:$0x1] =	stream.linear.gather [hbm4b:s22+s1], $0x200, $0x38;
	[tilespmem:$0x18780] =	vst v63  }
0xb8: {  	s22 =	sld [smem:$0x7FC];
	_ =	sdelay $0x1  }
0xb9: {  	s3 =	simm.s32 $0x9E70  }
0xba: {  	[tilespmem:s3], [sflag:$0x1] =	stream.linear.gather [hbm4b:s22+s1], $0x200, $0x38;
	[tilespmem:$0x18780] =	vst v63  }
0xbb: {  	s22 =	sld [smem:$0x7FD];
	_ =	sdelay $0x1  }
0xbc: {  	s3 =	simm.s32 $0xA078  }
0xbd: {  	[tilespmem:s3], [sflag:$0x1] =	stream.linear.gather [hbm4b:s22+s1], $0x200, $0x38;
	[tilespmem:$0x18780] =	vst v63  }
0xbe: {  	s3 =	rddreg [dreg:$0x7]  }
0xbf: {  	[tilespmem:s23], [sflag:$0x2] =	stream.linear.gather [hbm4b:s3+s1], $0x800, $0x38;
	[tilespmem:$0x18780] =	vst v63  }
0xc0: {  	_ =	swait.ge [sflag:s30], $0x800  }
0xc1: {  	[sflag:s30] =	ssyncset.done $0x0  }
0xc2: {  	[sflag:s30] =	ssyncadd.s32 $0xFFFFF800  }
0xc3: {  	s22 =	rddreg [dreg:$0x1]  }
0xc4: {  	[tilespmem:s31], [sflag:$0x2] =	stream.linear.gather [hbm4b:s22+s1], $0x80, $0x38;
	[tilespmem:$0x18780] =	vst v63  }
0xc5: {  	_ =	swait.ge [sflag:s30], $0x80  }
0xc6: {  	[sflag:s30] =	ssyncset.done $0x0  }
0xc7: {  	s22 =	simm.s32 $0x0;
	[sflag:s30] =	ssyncadd.s32 $0xFFFFFF80;
	s30 =	simm.s32 $0x40  }
.LBB2_2:
0xc8: {  	p0 =	sne.s32 s30, $0x177C0;
	[tilespmem:s22+$0xCB80] =	vst v1;
	s2 =	smov.u32 s30;
	s30 =	sadd.s32 $0x40, s30  }
.Ltmp0:
0xc9: {  	[tilespmem:s22+$0x12980] =	vst v1;
	(pc) =	sbr.rel @p0 .LBB2_2-.Ltmp0, $2  }
0xca: {  	_ =	sdelay $0x2  }
0xcb: {  	s22 =	sshra.s32 s2, $0x2  }
0xcc: {  	[tilespmem:s22+$0xCB80] =	vst v1  }
0xcd: {  	[tilespmem:s22+$0x12980] =	vst v1  }
0xce: {  	_ =	swait.ge [sflag:s21], $0x2000  }
0xcf: {  	[sflag:s21] =	ssyncset.done $0x0  }
0xd0: {  	[sflag:s21] =	ssyncadd.s32 $0xFFFFE000  }
0xd1: {  	_ =	swait.ge [sflag:s21], $0x2000  }
0xd2: {  	[sflag:s21] =	ssyncset.done $0x0  }
0xd3: {  	[sflag:s21] =	ssyncadd.s32 $0xFFFFE000  }
0xd4: {  	_ =	swait.ge [sflag:s21], $0x2000  }
0xd5: {  	s30 =	simm.s32 $0x0;
	[sflag:s21] =	ssyncset.done $0x0  }
0xd6: {  	s2 =	simm.s32 $0x2080;
	s22 =	rddreg [dreg:$0x3];
	[sflag:s21] =	ssyncadd.s32 $0xFFFFE000  }
0xd7: {  	[tilespmem:s2], [sflag:$0x1] =	stream.linear.gather [hbm4b:s22+s30], $0x200, $0x38;
	[tilespmem:$0x18780] =	vst v63  }
0xd8: {  	s3 =	simm.s32 $0x2288;
	s2 =	sadd.s32 $0x200, s22  }
0xd9: {  	[tilespmem:s3], [sflag:$0x1] =	stream.linear.gather [hbm4b:s2+s30], $0x200, $0x38;
	[tilespmem:$0x18780] =	vst v63  }
0xda: {  	s2 =	sadd.s32 $0x400, s22;
	s3 =	simm.s32 $0x2490  }
0xdb: {  	[tilespmem:s3], [sflag:$0x1] =	stream.linear.gather [hbm4b:s2+s30], $0x200, $0x38;
	[tilespmem:$0x18780] =	vst v63  }
0xdc: {  	s2 =	sadd.s32 $0x600, s22;
	s3 =	simm.s32 $0x2698  }
0xdd: {  	[tilespmem:s3], [sflag:$0x1] =	stream.linear.gather [hbm4b:s2+s30], $0x200, $0x38;
	[tilespmem:$0x18780] =	vst v63  }
0xde: {  	s2 =	sadd.s32 $0x800, s22;
	s3 =	simm.s32 $0x28A0  }
0xdf: {  	[tilespmem:s3], [sflag:$0x1] =	stream.linear.gather [hbm4b:s2+s30], $0x200, $0x38;
	[tilespmem:$0x18780] =	vst v63  }
0xe0: {  	s2 =	sadd.s32 $0xA00, s22;
	s3 =	simm.s32 $0x2AA8  }
0xe1: {  	[tilespmem:s3], [sflag:$0x1] =	stream.linear.gather [hbm4b:s2+s30], $0x200, $0x38;
	[tilespmem:$0x18780] =	vst v63  }
0xe2: {  	s2 =	sadd.s32 $0xC00, s22;
	s3 =	simm.s32 $0x2CB0  }
0xe3: {  	[tilespmem:s3], [sflag:$0x1] =	stream.linear.gather [hbm4b:s2+s30], $0x200, $0x38;
	[tilespmem:$0x18780] =	vst v63  }
0xe4: {  	s2 =	sadd.s32 $0xE00, s22;
	s3 =	simm.s32 $0x2EB8  }
0xe5: {  	[tilespmem:s3], [sflag:$0x1] =	stream.linear.gather [hbm4b:s2+s30], $0x200, $0x38;
	[tilespmem:$0x18780] =	vst v63  }
0xe6: {  	s2 =	sadd.s32 $0x1000, s22;
	s3 =	simm.s32 $0x30C0  }
0xe7: {  	[tilespmem:s3], [sflag:$0x1] =	stream.linear.gather [hbm4b:s2+s30], $0x200, $0x38;
	[tilespmem:$0x18780] =	vst v63  }
0xe8: {  	s2 =	sadd.s32 $0x1200, s22;
	s3 =	simm.s32 $0x32C8  }
0xe9: {  	[tilespmem:s3], [sflag:$0x1] =	stream.linear.gather [hbm4b:s2+s30], $0x200, $0x38;
	[tilespmem:$0x18780] =	vst v63  }
0xea: {  	s2 =	sadd.s32 $0x1400, s22;
	s3 =	simm.s32 $0x34D0  }
0xeb: {  	[tilespmem:s3], [sflag:$0x1] =	stream.linear.gather [hbm4b:s2+s30], $0x200, $0x38;
	[tilespmem:$0x18780] =	vst v63  }
0xec: {  	s2 =	sadd.s32 $0x1600, s22;
	s3 =	simm.s32 $0x36D8  }
0xed: {  	[tilespmem:s3], [sflag:$0x1] =	stream.linear.gather [hbm4b:s2+s30], $0x200, $0x38;
	[tilespmem:$0x18780] =	vst v63  }
0xee: {  	s2 =	sadd.s32 $0x1800, s22;
	s3 =	simm.s32 $0x38E0  }
0xef: {  	[tilespmem:s3], [sflag:$0x1] =	stream.linear.gather [hbm4b:s2+s30], $0x200, $0x38;
	[tilespmem:$0x18780] =	vst v63  }
0xf0: {  	s2 =	sadd.s32 $0x1A00, s22;
	s3 =	simm.s32 $0x3AE8  }
0xf1: {  	[tilespmem:s3], [sflag:$0x1] =	stream.linear.gather [hbm4b:s2+s30], $0x200, $0x38;
	[tilespmem:$0x18780] =	vst v63  }
0xf2: {  	s2 =	sadd.s32 $0x1C00, s22;
	s3 =	simm.s32 $0x3CF0  }
0xf3: {  	[tilespmem:s3], [sflag:$0x1] =	stream.linear.gather [hbm4b:s2+s30], $0x200, $0x38;
	[tilespmem:$0x18780] =	vst v63  }
0xf4: {  	s3 =	sadd.s32 $0x1E00, s22;
	s22 =	simm.s32 $0x3EF8  }
0xf5: {  	[tilespmem:s22], [sflag:$0x1] =	stream.linear.gather [hbm4b:s3+s30], $0x200, $0x38;
	[tilespmem:$0x18780] =	vst v63  }
0xf6: {  	s3 =	sld [smem:$0x7E5];
	_ =	sdelay $0x1  }
0xf7: {  	s22 =	simm.s32 $0x6180  }
0xf8: {  	[tilespmem:s22], [sflag:$0x1] =	stream.linear.gather [hbm4b:s3+s30], $0x200, $0x38;
	[tilespmem:$0x18780] =	vst v63  }
0xf9: {  	s2 =	sadd.s32 $0x200, s3;
	s22 =	simm.s32 $0x6388  }
0xfa: {  	[tilespmem:s22], [sflag:$0x1] =	stream.linear.gather [hbm4b:s2+s30], $0x200, $0x38;
	[tilespmem:$0x18780] =	vst v63  }
0xfb: {  	s2 =	sadd.s32 $0x400, s3;
	s22 =	simm.s32 $0x6590  }
0xfc: {  	[tilespmem:s22], [sflag:$0x1] =	stream.linear.gather [hbm4b:s2+s30], $0x200, $0x38;
	[tilespmem:$0x18780] =	vst v63  }
0xfd: {  	s2 =	sadd.s32 $0x600, s3;
	s22 =	simm.s32 $0x6798  }
0xfe: {  	[tilespmem:s22], [sflag:$0x1] =	stream.linear.gather [hbm4b:s2+s30], $0x200, $0x38;
	[tilespmem:$0x18780] =	vst v63  }
0xff: {  	s2 =	sadd.s32 $0x800, s3;
	s22 =	simm.s32 $0x69A0  }
0x100: {  	[tilespmem:s22], [sflag:$0x1] =	stream.linear.gather [hbm4b:s2+s30], $0x200, $0x38;
	[tilespmem:$0x18780] =	vst v63  }
0x101: {  	s2 =	sadd.s32 $0xA00, s3;
	s22 =	simm.s32 $0x6BA8  }
0x102: {  	[tilespmem:s22], [sflag:$0x1] =	stream.linear.gather [hbm4b:s2+s30], $0x200, $0x38;
	[tilespmem:$0x18780] =	vst v63  }
0x103: {  	s2 =	sadd.s32 $0xC00, s3;
	s22 =	simm.s32 $0x6DB0  }
0x104: {  	[tilespmem:s22], [sflag:$0x1] =	stream.linear.gather [hbm4b:s2+s30], $0x200, $0x38;
	[tilespmem:$0x18780] =	vst v63  }
0x105: {  	s2 =	sadd.s32 $0xE00, s3;
	s22 =	simm.s32 $0x6FB8  }
0x106: {  	[tilespmem:s22], [sflag:$0x1] =	stream.linear.gather [hbm4b:s2+s30], $0x200, $0x38;
	[tilespmem:$0x18780] =	vst v63  }
0x107: {  	s2 =	sadd.s32 $0x1000, s3;
	s22 =	simm.s32 $0x71C0  }
0x108: {  	[tilespmem:s22], [sflag:$0x1] =	stream.linear.gather [hbm4b:s2+s30], $0x200, $0x38;
	[tilespmem:$0x18780] =	vst v63  }
0x109: {  	s2 =	sadd.s32 $0x1200, s3;
	s22 =	simm.s32 $0x73C8  }
0x10a: {  	[tilespmem:s22], [sflag:$0x1] =	stream.linear.gather [hbm4b:s2+s30], $0x200, $0x38;
	[tilespmem:$0x18780] =	vst v63  }
0x10b: {  	s2 =	sadd.s32 $0x1400, s3;
	s22 =	simm.s32 $0x75D0  }
0x10c: {  	[tilespmem:s22], [sflag:$0x1] =	stream.linear.gather [hbm4b:s2+s30], $0x200, $0x38;
	[tilespmem:$0x18780] =	vst v63  }
0x10d: {  	s2 =	sadd.s32 $0x1600, s3;
	s22 =	simm.s32 $0x77D8  }
0x10e: {  	[tilespmem:s22], [sflag:$0x1] =	stream.linear.gather [hbm4b:s2+s30], $0x200, $0x38;
	[tilespmem:$0x18780] =	vst v63  }
0x10f: {  	s2 =	sadd.s32 $0x1800, s3;
	s22 =	simm.s32 $0x79E0  }
0x110: {  	[tilespmem:s22], [sflag:$0x1] =	stream.linear.gather [hbm4b:s2+s30], $0x200, $0x38;
	[tilespmem:$0x18780] =	vst v63  }
0x111: {  	s2 =	sadd.s32 $0x1A00, s3;
	s22 =	simm.s32 $0x7BE8  }
0x112: {  	[tilespmem:s22], [sflag:$0x1] =	stream.linear.gather [hbm4b:s2+s30], $0x200, $0x38;
	[tilespmem:$0x18780] =	vst v63  }
0x113: {  	s2 =	sadd.s32 $0x1C00, s3;
	s22 =	simm.s32 $0x7DF0  }
0x114: {  	[tilespmem:s22], [sflag:$0x1] =	stream.linear.gather [hbm4b:s2+s30], $0x200, $0x38;
	[tilespmem:$0x18780] =	vst v63  }
0x115: {  	s3 =	sadd.s32 $0x1E00, s3;
	s22 =	simm.s32 $0x7FF8  }
0x116: {  	[tilespmem:s22], [sflag:$0x1] =	stream.linear.gather [hbm4b:s3+s30], $0x200, $0x38;
	[tilespmem:$0x18780] =	vst v63  }
0x117: {  	s22 =	simm.s32 $0xA280  }
0x118: {  	[tilespmem:s22], [sflag:$0x1] =	stream.linear.gather [hbm4b:s4+s30], $0x200, $0x38;
	[tilespmem:$0x18780] =	vst v63  }
0x119: {  	s3 =	sadd.s32 $0x200, s4;
	s22 =	simm.s32 $0xA488  }
0x11a: {  	[tilespmem:s22], [sflag:$0x1] =	stream.linear.gather [hbm4b:s3+s30], $0x200, $0x38;
	[tilespmem:$0x18780] =	vst v63  }
0x11b: {  	s3 =	sadd.s32 $0x400, s4;
	s22 =	simm.s32 $0xA690  }
0x11c: {  	[tilespmem:s22], [sflag:$0x1] =	stream.linear.gather [hbm4b:s3+s30], $0x200, $0x38;
	[tilespmem:$0x18780] =	vst v63  }
0x11d: {  	s3 =	sadd.s32 $0x600, s4;
	s22 =	simm.s32 $0xA898  }
0x11e: {  	[tilespmem:s22], [sflag:$0x1] =	stream.linear.gather [hbm4b:s3+s30], $0x200, $0x38;
	[tilespmem:$0x18780] =	vst v63  }
0x11f: {  	s3 =	sadd.s32 $0x800, s4;
	s22 =	simm.s32 $0xAAA0  }
0x120: {  	[tilespmem:s22], [sflag:$0x1] =	stream.linear.gather [hbm4b:s3+s30], $0x200, $0x38;
	[tilespmem:$0x18780] =	vst v63  }
0x121: {  	s3 =	sadd.s32 $0xA00, s4;
	s22 =	simm.s32 $0xACA8  }
0x122: {  	[tilespmem:s22], [sflag:$0x1] =	stream.linear.gather [hbm4b:s3+s30], $0x200, $0x38;
	[tilespmem:$0x18780] =	vst v63  }
0x123: {  	s3 =	sadd.s32 $0xC00, s4;
	s22 =	simm.s32 $0xAEB0  }
0x124: {  	[tilespmem:s22], [sflag:$0x1] =	stream.linear.gather [hbm4b:s3+s30], $0x200, $0x38;
	[tilespmem:$0x18780] =	vst v63  }
0x125: {  	s3 =	sadd.s32 $0xE00, s4;
	s22 =	simm.s32 $0xB0B8  }
0x126: {  	[tilespmem:s22], [sflag:$0x1] =	stream.linear.gather [hbm4b:s3+s30], $0x200, $0x38;
	[tilespmem:$0x18780] =	vst v63  }
0x127: {  	s3 =	sadd.s32 $0x1000, s4;
	s22 =	simm.s32 $0xB2C0  }
0x128: {  	[tilespmem:s22], [sflag:$0x1] =	stream.linear.gather [hbm4b:s3+s30], $0x200, $0x38;
	[tilespmem:$0x18780] =	vst v63  }
0x129: {  	s3 =	sadd.s32 $0x1200, s4;
	s22 =	simm.s32 $0xB4C8  }
0x12a: {  	[tilespmem:s22], [sflag:$0x1] =	stream.linear.gather [hbm4b:s3+s30], $0x200, $0x38;
	[tilespmem:$0x18780] =	vst v63  }
0x12b: {  	s3 =	sadd.s32 $0x1400, s4;
	s22 =	simm.s32 $0xB6D0  }
0x12c: {  	[tilespmem:s22], [sflag:$0x1] =	stream.linear.gather [hbm4b:s3+s30], $0x200, $0x38;
	[tilespmem:$0x18780] =	vst v63  }
0x12d: {  	s3 =	sadd.s32 $0x1600, s4;
	s22 =	simm.s32 $0xB8D8  }
0x12e: {  	[tilespmem:s22], [sflag:$0x1] =	stream.linear.gather [hbm4b:s3+s30], $0x200, $0x38;
	[tilespmem:$0x18780] =	vst v63  }
0x12f: {  	s3 =	sadd.s32 $0x1800, s4;
	s22 =	simm.s32 $0xBAE0  }
0x130: {  	[tilespmem:s22], [sflag:$0x1] =	stream.linear.gather [hbm4b:s3+s30], $0x200, $0x38;
	[tilespmem:$0x18780] =	vst v63  }
0x131: {  	s3 =	sadd.s32 $0x1A00, s4;
	s22 =	simm.s32 $0xBCE8  }
0x132: {  	[tilespmem:s22], [sflag:$0x1] =	stream.linear.gather [hbm4b:s3+s30], $0x200, $0x38;
	[tilespmem:$0x18780] =	vst v63  }
0x133: {  	s3 =	sadd.s32 $0x1C00, s4;
	s22 =	simm.s32 $0xBEF0  }
0x134: {  	[tilespmem:s22], [sflag:$0x1] =	stream.linear.gather [hbm4b:s3+s30], $0x200, $0x38;
	[tilespmem:$0x18780] =	vst v63  }
0x135: {  	s3 =	sadd.s32 $0x1E00, s4;
	s22 =	simm.s32 $0xC0F8  }
0x136: {  	[tilespmem:s22], [sflag:$0x1] =	stream.linear.gather [hbm4b:s3+s30], $0x200, $0x38;
	[tilespmem:$0x18780] =	vst v63  }
.LBB2_4:
0x137: {  	v5 =	vmov s30  }
0x138: {  	v5 =	vand.u32 $0x1FC, v5  }
0x139: {  	v5 =	vadd.s32 v0, v5;
	_ =	sdelay $0x4  }
0x13a: {  	v6 =	vld.idx.msk [tilespmem:v5+s1+$0x0], $0xffff;
	_ =	sdelay $0x4  }
0x13b: {  	v7 =	vadd.s32 v2, v6;
	_ =	sdelay $0x4  }
0x13c: {  	v8 =	vld.idx.msk [tilespmem:v7+s23+$0x0], $0xffff;
	_ =	sdelay $0x4  }
0x13d: {  	v9 =	vld.idx.msk [tilespmem:v5+s20+$0x0], $0xffff;
	v10 =	vadd.s32 $0x1, v8  }
0x13e: {  	v5 =	vld.idx.msk [tilespmem:v5+s29+$0x0], $0xffff;
	[tilespmem:v7+s23+$0x0] =	vst.idx.msk $0xffff, v10  }
0x13f: {  	v7 =	vld.idx.msk [tilespmem:v6+s31+$0x0], $0xffff  }
0x140: {  	v8 =	vcvt.s32.f32 v8;
	_ =	sdelay $0x1  }
0x141: {  	v8 =	vadd.f32 $5.000000000e-01, v8;
	_ =	sdelay $0x1  }
0x142: {  	v8 =	vmul.f32 v7, v8;
	_ =	sdelay $0x1  }
0x143: {  	v8 =	vtrunc.f32 v8  }
0x144: {  	v8 =	vcvt.f32.s32 v8  }
0x145: {  	v6 =	vmul.u32 $0xF, v6  }
0x146: {  	vm0 =	vgt.f32 v7, $0.0e+00;
	vm1 =	vlt.s32 v8, $0xF  }
0x147: {  	s2 =	sadd.s32 $0x1, s30;
	v6 =	vadd.s32 v8, v6;
	vm0 =	vmand vm0, vm1  }
0x148: {  	v7 =	vmov s2;
	v6 =	vadd.s32 v3, v6  }
0x149: {  	v7 =	vand.u32 $0x1FD, v7  }
0x14a: {  	v7 =	vadd.s32 v0, v7;
	_ =	sdelay $0x2  }
0x14b: {  	[tilespmem:v6+s0+$0x0] =	vst.idx.add.f32.msk vm0, v9  }
0x14c: {  	[tilespmem:v6+s24+$0x0] =	vst.idx.add.f32.msk vm0, v5  }
0x14d: {  	v5 =	vld.idx.msk [tilespmem:v7+s1+$0x0], $0xffff;
	_ =	sdelay $0x4  }
0x14e: {  	v6 =	vadd.s32 v2, v5;
	_ =	sdelay $0x4  }
0x14f: {  	v58 =	vld.idx.msk [tilespmem:v6+s23+$0x0], $0xffff;
	_ =	sdelay $0x4  }
0x150: {  	v9 =	vld.idx.msk [tilespmem:v7+s20+$0x0], $0xffff;
	v59 =	vadd.s32 $0x1, v58  }
0x151: {  	v7 =	vld.idx.msk [tilespmem:v7+s29+$0x0], $0xffff;
	[tilespmem:v6+s23+$0x0] =	vst.idx.msk $0xffff, v59  }
0x152: {  	v6 =	vld.idx.msk [tilespmem:v5+s31+$0x0], $0xffff  }
0x153: {  	v8 =	vcvt.s32.f32 v58;
	_ =	sdelay $0x1  }
0x154: {  	v8 =	vadd.f32 $5.000000000e-01, v8;
	_ =	sdelay $0x1  }
0x155: {  	v8 =	vmul.f32 v6, v8;
	_ =	sdelay $0x1  }
0x156: {  	v8 =	vtrunc.f32 v8  }
0x157: {  	v8 =	vcvt.f32.s32 v8  }
0x158: {  	v5 =	vmul.u32 $0xF, v5  }
0x159: {  	vm10 =	vgt.f32 v6, $0.0e+00;
	vm11 =	vlt.s32 v8, $0xF  }
0x15a: {  	s3 =	sadd.s32 $0x2, s30;
	v5 =	vadd.s32 v8, v5;
	vm0 =	vmand vm10, vm11  }
0x15b: {  	v6 =	vmov s3;
	v5 =	vadd.s32 v3, v5  }
0x15c: {  	v6 =	vand.u32 $0x1FE, v6  }
0x15d: {  	v6 =	vadd.s32 v0, v6;
	_ =	sdelay $0x2  }
0x15e: {  	[tilespmem:v5+s0+$0x0] =	vst.idx.add.f32.msk vm0, v9  }
0x15f: {  	[tilespmem:v5+s24+$0x0] =	vst.idx.add.f32.msk vm0, v7  }
0x160: {  	v5 =	vld.idx.msk [tilespmem:v6+s1+$0x0], $0xffff;
	_ =	sdelay $0x4  }
0x161: {  	v7 =	vadd.s32 v2, v5;
	_ =	sdelay $0x4  }
0x162: {  	v60 =	vld.idx.msk [tilespmem:v7+s23+$0x0], $0xffff;
	_ =	sdelay $0x4  }
0x163: {  	v9 =	vld.idx.msk [tilespmem:v6+s20+$0x0], $0xffff;
	v61 =	vadd.s32 $0x1, v60  }
0x164: {  	v6 =	vld.idx.msk [tilespmem:v6+s29+$0x0], $0xffff;
	[tilespmem:v7+s23+$0x0] =	vst.idx.msk $0xffff, v61  }
0x165: {  	v7 =	vld.idx.msk [tilespmem:v5+s31+$0x0], $0xffff  }
0x166: {  	v8 =	vcvt.s32.f32 v60;
	_ =	sdelay $0x1  }
0x167: {  	v8 =	vadd.f32 $5.000000000e-01, v8;
	_ =	sdelay $0x1  }
0x168: {  	v8 =	vmul.f32 v7, v8;
	_ =	sdelay $0x1  }
0x169: {  	v8 =	vtrunc.f32 v8  }
0x16a: {  	v8 =	vcvt.f32.s32 v8  }
0x16b: {  	v5 =	vmul.u32 $0xF, v5  }
0x16c: {  	vm12 =	vgt.f32 v7, $0.0e+00;
	vm13 =	vlt.s32 v8, $0xF  }
0x16d: {  	s22 =	sadd.s32 $0x3, s30;
	v5 =	vadd.s32 v8, v5;
	vm0 =	vmand vm12, vm13  }
0x16e: {  	v7 =	vmov s22;
	v5 =	vadd.s32 v3, v5  }
0x16f: {  	v7 =	vand.u32 $0x1FF, v7  }
0x170: {  	v7 =	vadd.s32 v0, v7;
	_ =	sdelay $0x2  }
0x171: {  	[tilespmem:v5+s0+$0x0] =	vst.idx.add.f32.msk vm0, v9  }
0x172: {  	[tilespmem:v5+s24+$0x0] =	vst.idx.add.f32.msk vm0, v6  }
0x173: {  	v5 =	vld.idx.msk [tilespmem:v7+s1+$0x0], $0xffff;
	_ =	sdelay $0x4  }
0x174: {  	v6 =	vadd.s32 v2, v5;
	_ =	sdelay $0x4  }
0x175: {  	v62 =	vld.idx.msk [tilespmem:v6+s23+$0x0], $0xffff;
	_ =	sdelay $0x4  }
0x176: {  	v9 =	vld.idx.msk [tilespmem:v7+s20+$0x0], $0xffff;
	v63 =	vadd.s32 $0x1, v62  }
0x177: {  	v7 =	vld.idx.msk [tilespmem:v7+s29+$0x0], $0xffff;
	[tilespmem:v6+s23+$0x0] =	vst.idx.msk $0xffff, v63  }
0x178: {  	v6 =	vld.idx.msk [tilespmem:v5+s31+$0x0], $0xffff  }
0x179: {  	v8 =	vcvt.s32.f32 v62;
	_ =	sdelay $0x1  }
0x17a: {  	v8 =	vadd.f32 $5.000000000e-01, v8;
	_ =	sdelay $0x1  }
0x17b: {  	v8 =	vmul.f32 v6, v8;
	_ =	sdelay $0x1  }
0x17c: {  	v8 =	vtrunc.f32 v8  }
0x17d: {  	v8 =	vcvt.f32.s32 v8  }
0x17e: {  	v5 =	vmul.u32 $0xF, v5  }
0x17f: {  	vm14 =	vgt.f32 v6, $0.0e+00;
	vm15 =	vlt.s32 v8, $0xF  }
0x180: {  	v5 =	vadd.s32 v8, v5;
	vm0 =	vmand vm14, vm15  }
0x181: {  	v5 =	vadd.s32 v3, v5  }
0x182: {  	p0 =	sne.s32 s30, $0x1FC  }
.Ltmp1:
0x183: {  	_ = 	snop;
	(pc) =	sbr.rel @p0 .LBB2_4-.Ltmp1, $3  }
0x184: {  	_ =	sdelay $0x1  }
0x185: {  	[tilespmem:v5+s0+$0x0] =	vst.idx.add.f32.msk vm0, v9  }
0x186: {  	s30 =	sadd.s32 $0x4, s30;
	[tilespmem:v5+s24+$0x0] =	vst.idx.add.f32.msk vm0, v7  }
0x187: {  	_ =	swait.ge [sflag:s21], $0x2000  }
0x188: {  	[sflag:s21] =	ssyncset.done $0x0  }
0x189: {  	[sflag:s21] =	ssyncadd.s32 $0xFFFFE000  }
0x18a: {  	_ =	swait.ge [sflag:s21], $0x2000  }
0x18b: {  	[sflag:s21] =	ssyncset.done $0x0  }
0x18c: {  	[sflag:s21] =	ssyncadd.s32 $0xFFFFE000  }
0x18d: {  	_ =	swait.ge [sflag:s21], $0x2000  }
0x18e: {  	[sflag:s21] =	ssyncset.done $0x0  }
0x18f: {  	s30 =	simm.s32 $0x0;
	[sflag:s21] =	ssyncadd.s32 $0xFFFFE000  }
0x190: {  	[tilespmem:s30], [sflag:$0x1] =	stream.linear.gather [hbm4b:s5+s30], $0x200, $0x38;
	[tilespmem:$0x18780] =	vst v63  }
0x191: {  	s2 =	sadd.s32 $0x200, s5;
	s3 =	simm.s32 $0x208  }
0x192: {  	[tilespmem:s3], [sflag:$0x1] =	stream.linear.gather [hbm4b:s2+s30], $0x200, $0x38;
	[tilespmem:$0x18780] =	vst v63  }
0x193: {  	s22 =	simm.s32 $0x410;
	s3 =	sadd.s32 $0x400, s5  }
0x194: {  	[tilespmem:s22], [sflag:$0x1] =	stream.linear.gather [hbm4b:s3+s30], $0x200, $0x38;
	[tilespmem:$0x18780] =	vst v63  }
0x195: {  	s22 =	sadd.s32 $0x600, s5;
	s3 =	simm.s32 $0x618  }
0x196: {  	[tilespmem:s3], [sflag:$0x1] =	stream.linear.gather [hbm4b:s22+s30], $0x200, $0x38;
	[tilespmem:$0x18780] =	vst v63  }
0x197: {  	s22 =	sadd.s32 $0x800, s5;
	s3 =	simm.s32 $0x820  }
0x198: {  	[tilespmem:s3], [sflag:$0x1] =	stream.linear.gather [hbm4b:s22+s30], $0x200, $0x38;
	[tilespmem:$0x18780] =	vst v63  }
0x199: {  	s22 =	sadd.s32 $0xA00, s5;
	s3 =	simm.s32 $0xA28  }
0x19a: {  	[tilespmem:s3], [sflag:$0x1] =	stream.linear.gather [hbm4b:s22+s30], $0x200, $0x38;
	[tilespmem:$0x18780] =	vst v63  }
0x19b: {  	s22 =	sadd.s32 $0xC00, s5;
	s3 =	simm.s32 $0xC30  }
0x19c: {  	[tilespmem:s3], [sflag:$0x1] =	stream.linear.gather [hbm4b:s22+s30], $0x200, $0x38;
	[tilespmem:$0x18780] =	vst v63  }
0x19d: {  	s22 =	sadd.s32 $0xE00, s5;
	s3 =	simm.s32 $0xE38  }
0x19e: {  	[tilespmem:s3], [sflag:$0x1] =	stream.linear.gather [hbm4b:s22+s30], $0x200, $0x38;
	[tilespmem:$0x18780] =	vst v63  }
0x19f: {  	s22 =	sadd.s32 $0x1000, s5;
	s3 =	simm.s32 $0x1040  }
0x1a0: {  	[tilespmem:s3], [sflag:$0x1] =	stream.linear.gather [hbm4b:s22+s30], $0x200, $0x38;
	[tilespmem:$0x18780] =	vst v63  }
0x1a1: {  	s22 =	sadd.s32 $0x1200, s5;
	s3 =	simm.s32 $0x1248  }
0x1a2: {  	[tilespmem:s3], [sflag:$0x1] =	stream.linear.gather [hbm4b:s22+s30], $0x200, $0x38;
	[tilespmem:$0x18780] =	vst v63  }
0x1a3: {  	s22 =	sadd.s32 $0x1400, s5;
	s3 =	simm.s32 $0x1450  }
0x1a4: {  	[tilespmem:s3], [sflag:$0x1] =	stream.linear.gather [hbm4b:s22+s30], $0x200, $0x38;
	[tilespmem:$0x18780] =	vst v63  }
0x1a5: {  	s22 =	sadd.s32 $0x1600, s5;
	s3 =	simm.s32 $0x1658  }
0x1a6: {  	[tilespmem:s3], [sflag:$0x1] =	stream.linear.gather [hbm4b:s22+s30], $0x200, $0x38;
	[tilespmem:$0x18780] =	vst v63  }
0x1a7: {  	s22 =	sadd.s32 $0x1800, s5;
	s3 =	simm.s32 $0x1860  }
0x1a8: {  	[tilespmem:s3], [sflag:$0x1] =	stream.linear.gather [hbm4b:s22+s30], $0x200, $0x38;
	[tilespmem:$0x18780] =	vst v63  }
0x1a9: {  	s22 =	sadd.s32 $0x1A00, s5;
	s3 =	simm.s32 $0x1A68  }
0x1aa: {  	[tilespmem:s3], [sflag:$0x1] =	stream.linear.gather [hbm4b:s22+s30], $0x200, $0x38;
	[tilespmem:$0x18780] =	vst v63  }
0x1ab: {  	s22 =	sadd.s32 $0x1C00, s5;
	s3 =	simm.s32 $0x1C70  }
0x1ac: {  	[tilespmem:s3], [sflag:$0x1] =	stream.linear.gather [hbm4b:s22+s30], $0x200, $0x38;
	[tilespmem:$0x18780] =	vst v63  }
0x1ad: {  	s22 =	sadd.s32 $0x1E00, s5;
	s3 =	simm.s32 $0x1E78  }
0x1ae: {  	[tilespmem:s3], [sflag:$0x1] =	stream.linear.gather [hbm4b:s22+s30], $0x200, $0x38;
	[tilespmem:$0x18780] =	vst v63  }
0x1af: {  	_ = 	snop  }
0x1b0: {  	[tilespmem:s20], [sflag:$0x1] =	stream.linear.gather [hbm4b:s6+s30], $0x200, $0x38;
	[tilespmem:$0x18780] =	vst v63  }
0x1b1: {  	s22 =	sadd.s32 $0x200, s6;
	s3 =	simm.s32 $0x4308  }
0x1b2: {  	[tilespmem:s3], [sflag:$0x1] =	stream.linear.gather [hbm4b:s22+s30], $0x200, $0x38;
	[tilespmem:$0x18780] =	vst v63  }
0x1b3: {  	s22 =	sadd.s32 $0x400, s6;
	s3 =	simm.s32 $0x4510  }
0x1b4: {  	[tilespmem:s3], [sflag:$0x1] =	stream.linear.gather [hbm4b:s22+s30], $0x200, $0x38;
	[tilespmem:$0x18780] =	vst v63  }
0x1b5: {  	s22 =	sadd.s32 $0x600, s6;
	s3 =	simm.s32 $0x4718  }
0x1b6: {  	[tilespmem:s3], [sflag:$0x1] =	stream.linear.gather [hbm4b:s22+s30], $0x200, $0x38;
	[tilespmem:$0x18780] =	vst v63  }
0x1b7: {  	s22 =	sadd.s32 $0x800, s6;
	s3 =	simm.s32 $0x4920  }
0x1b8: {  	[tilespmem:s3], [sflag:$0x1] =	stream.linear.gather [hbm4b:s22+s30], $0x200, $0x38;
	[tilespmem:$0x18780] =	vst v63  }
0x1b9: {  	s22 =	sadd.s32 $0xA00, s6;
	s3 =	simm.s32 $0x4B28  }
0x1ba: {  	[tilespmem:s3], [sflag:$0x1] =	stream.linear.gather [hbm4b:s22+s30], $0x200, $0x38;
	[tilespmem:$0x18780] =	vst v63  }
0x1bb: {  	s22 =	sadd.s32 $0xC00, s6;
	s3 =	simm.s32 $0x4D30  }
0x1bc: {  	[tilespmem:s3], [sflag:$0x1] =	stream.linear.gather [hbm4b:s22+s30], $0x200, $0x38;
	[tilespmem:$0x18780] =	vst v63  }
0x1bd: {  	s22 =	sadd.s32 $0xE00, s6;
	s3 =	simm.s32 $0x4F38  }
0x1be: {  	[tilespmem:s3], [sflag:$0x1] =	stream.linear.gather [hbm4b:s22+s30], $0x200, $0x38;
	[tilespmem:$0x18780] =	vst v63  }
0x1bf: {  	s22 =	sadd.s32 $0x1000, s6;
	s3 =	simm.s32 $0x5140  }
0x1c0: {  	[tilespmem:s3], [sflag:$0x1] =	stream.linear.gather [hbm4b:s22+s30], $0x200, $0x38;
	[tilespmem:$0x18780] =	vst v63  }
0x1c1: {  	s22 =	sadd.s32 $0x1200, s6;
	s3 =	simm.s32 $0x5348  }
0x1c2: {  	[tilespmem:s3], [sflag:$0x1] =	stream.linear.gather [hbm4b:s22+s30], $0x200, $0x38;
	[tilespmem:$0x18780] =	vst v63  }
0x1c3: {  	s22 =	sadd.s32 $0x1400, s6;
	s3 =	simm.s32 $0x5550  }
0x1c4: {  	[tilespmem:s3], [sflag:$0x1] =	stream.linear.gather [hbm4b:s22+s30], $0x200, $0x38;
	[tilespmem:$0x18780] =	vst v63  }
0x1c5: {  	s22 =	sadd.s32 $0x1600, s6;
	s3 =	simm.s32 $0x5758  }
0x1c6: {  	[tilespmem:s3], [sflag:$0x1] =	stream.linear.gather [hbm4b:s22+s30], $0x200, $0x38;
	[tilespmem:$0x18780] =	vst v63  }
0x1c7: {  	s22 =	sadd.s32 $0x1800, s6;
	s3 =	simm.s32 $0x5960  }
0x1c8: {  	[tilespmem:s3], [sflag:$0x1] =	stream.linear.gather [hbm4b:s22+s30], $0x200, $0x38;
	[tilespmem:$0x18780] =	vst v63  }
0x1c9: {  	s22 =	sadd.s32 $0x1A00, s6;
	s3 =	simm.s32 $0x5B68  }
0x1ca: {  	[tilespmem:s3], [sflag:$0x1] =	stream.linear.gather [hbm4b:s22+s30], $0x200, $0x38;
	[tilespmem:$0x18780] =	vst v63  }
0x1cb: {  	s22 =	sadd.s32 $0x1C00, s6;
	s3 =	simm.s32 $0x5D70  }
0x1cc: {  	[tilespmem:s3], [sflag:$0x1] =	stream.linear.gather [hbm4b:s22+s30], $0x200, $0x38;
	[tilespmem:$0x18780] =	vst v63  }
0x1cd: {  	s22 =	sadd.s32 $0x1E00, s6;
	s3 =	simm.s32 $0x5F78  }
0x1ce: {  	[tilespmem:s3], [sflag:$0x1] =	stream.linear.gather [hbm4b:s22+s30], $0x200, $0x38;
	[tilespmem:$0x18780] =	vst v63  }
0x1cf: {  	_ = 	snop  }
0x1d0: {  	[tilespmem:s29], [sflag:$0x1] =	stream.linear.gather [hbm4b:s7+s30], $0x200, $0x38;
	[tilespmem:$0x18780] =	vst v63  }
0x1d1: {  	s22 =	sadd.s32 $0x200, s7;
	s3 =	simm.s32 $0x8408  }
0x1d2: {  	[tilespmem:s3], [sflag:$0x1] =	stream.linear.gather [hbm4b:s22+s30], $0x200, $0x38;
	[tilespmem:$0x18780] =	vst v63  }
0x1d3: {  	s22 =	sadd.s32 $0x400, s7;
	s3 =	simm.s32 $0x8610  }
0x1d4: {  	[tilespmem:s3], [sflag:$0x1] =	stream.linear.gather [hbm4b:s22+s30], $0x200, $0x38;
	[tilespmem:$0x18780] =	vst v63  }
0x1d5: {  	s22 =	sadd.s32 $0x600, s7;
	s3 =	simm.s32 $0x8818  }
0x1d6: {  	[tilespmem:s3], [sflag:$0x1] =	stream.linear.gather [hbm4b:s22+s30], $0x200, $0x38;
	[tilespmem:$0x18780] =	vst v63  }
0x1d7: {  	s22 =	sadd.s32 $0x800, s7;
	s3 =	simm.s32 $0x8A20  }
0x1d8: {  	[tilespmem:s3], [sflag:$0x1] =	stream.linear.gather [hbm4b:s22+s30], $0x200, $0x38;
	[tilespmem:$0x18780] =	vst v63  }
0x1d9: {  	s22 =	sadd.s32 $0xA00, s7;
	s3 =	simm.s32 $0x8C28  }
0x1da: {  	[tilespmem:s3], [sflag:$0x1] =	stream.linear.gather [hbm4b:s22+s30], $0x200, $0x38;
	[tilespmem:$0x18780] =	vst v63  }
0x1db: {  	s22 =	sadd.s32 $0xC00, s7;
	s3 =	simm.s32 $0x8E30  }
0x1dc: {  	[tilespmem:s3], [sflag:$0x1] =	stream.linear.gather [hbm4b:s22+s30], $0x200, $0x38;
	[tilespmem:$0x18780] =	vst v63  }
0x1dd: {  	s22 =	sadd.s32 $0xE00, s7;
	s3 =	simm.s32 $0x9038  }
0x1de: {  	[tilespmem:s3], [sflag:$0x1] =	stream.linear.gather [hbm4b:s22+s30], $0x200, $0x38;
	[tilespmem:$0x18780] =	vst v63  }
0x1df: {  	s22 =	sadd.s32 $0x1000, s7;
	s3 =	simm.s32 $0x9240  }
0x1e0: {  	[tilespmem:s3], [sflag:$0x1] =	stream.linear.gather [hbm4b:s22+s30], $0x200, $0x38;
	[tilespmem:$0x18780] =	vst v63  }
0x1e1: {  	s22 =	sadd.s32 $0x1200, s7;
	s3 =	simm.s32 $0x9448  }
0x1e2: {  	[tilespmem:s3], [sflag:$0x1] =	stream.linear.gather [hbm4b:s22+s30], $0x200, $0x38;
	[tilespmem:$0x18780] =	vst v63  }
0x1e3: {  	s22 =	sadd.s32 $0x1400, s7;
	s3 =	simm.s32 $0x9650  }
0x1e4: {  	[tilespmem:s3], [sflag:$0x1] =	stream.linear.gather [hbm4b:s22+s30], $0x200, $0x38;
	[tilespmem:$0x18780] =	vst v63  }
0x1e5: {  	s22 =	sadd.s32 $0x1600, s7;
	s3 =	simm.s32 $0x9858  }
0x1e6: {  	[tilespmem:s3], [sflag:$0x1] =	stream.linear.gather [hbm4b:s22+s30], $0x200, $0x38;
	[tilespmem:$0x18780] =	vst v63  }
0x1e7: {  	s22 =	sadd.s32 $0x1800, s7;
	s3 =	simm.s32 $0x9A60  }
0x1e8: {  	[tilespmem:s3], [sflag:$0x1] =	stream.linear.gather [hbm4b:s22+s30], $0x200, $0x38;
	[tilespmem:$0x18780] =	vst v63  }
0x1e9: {  	s22 =	sadd.s32 $0x1A00, s7;
	s3 =	simm.s32 $0x9C68  }
0x1ea: {  	[tilespmem:s3], [sflag:$0x1] =	stream.linear.gather [hbm4b:s22+s30], $0x200, $0x38;
	[tilespmem:$0x18780] =	vst v63  }
0x1eb: {  	s22 =	sadd.s32 $0x1C00, s7;
	s3 =	simm.s32 $0x9E70  }
0x1ec: {  	[tilespmem:s3], [sflag:$0x1] =	stream.linear.gather [hbm4b:s22+s30], $0x200, $0x38;
	[tilespmem:$0x18780] =	vst v63  }
0x1ed: {  	s22 =	sadd.s32 $0x1E00, s7;
	s3 =	simm.s32 $0xA078  }
0x1ee: {  	[tilespmem:s3], [sflag:$0x1] =	stream.linear.gather [hbm4b:s22+s30], $0x200, $0x38;
	[tilespmem:$0x18780] =	vst v63  }
.LBB2_6:
0x1ef: {  	v5 =	vmov s30  }
0x1f0: {  	v5 =	vand.u32 $0x1FC, v5  }
0x1f1: {  	v5 =	vadd.s32 v4, v5;
	_ =	sdelay $0x4  }
0x1f2: {  	v6 =	vld.idx.msk [tilespmem:v5+s1+$0x0], $0xffff;
	_ =	sdelay $0x4  }
0x1f3: {  	v7 =	vadd.s32 v2, v6;
	_ =	sdelay $0x4  }
0x1f4: {  	v8 =	vld.idx.msk [tilespmem:v7+s23+$0x0], $0xffff;
	_ =	sdelay $0x4  }
0x1f5: {  	v9 =	vld.idx.msk [tilespmem:v5+s20+$0x0], $0xffff;
	v10 =	vadd.s32 $0x1, v8  }
0x1f6: {  	v5 =	vld.idx.msk [tilespmem:v5+s29+$0x0], $0xffff;
	[tilespmem:v7+s23+$0x0] =	vst.idx.msk $0xffff, v10  }
0x1f7: {  	v7 =	vld.idx.msk [tilespmem:v6+s31+$0x0], $0xffff  }
0x1f8: {  	v8 =	vcvt.s32.f32 v8;
	_ =	sdelay $0x1  }
0x1f9: {  	v8 =	vadd.f32 $5.000000000e-01, v8;
	_ =	sdelay $0x1  }
0x1fa: {  	v8 =	vmul.f32 v7, v8;
	_ =	sdelay $0x1  }
0x1fb: {  	v8 =	vtrunc.f32 v8  }
0x1fc: {  	v8 =	vcvt.f32.s32 v8  }
0x1fd: {  	v6 =	vmul.u32 $0xF, v6  }
0x1fe: {  	vm0 =	vgt.f32 v7, $0.0e+00;
	vm1 =	vlt.s32 v8, $0xF  }
0x1ff: {  	s2 =	sadd.s32 $0x1, s30;
	v6 =	vadd.s32 v8, v6;
	vm0 =	vmand vm0, vm1  }
0x200: {  	v7 =	vmov s2;
	v6 =	vadd.s32 v3, v6  }
0x201: {  	v7 =	vand.u32 $0x1FD, v7  }
0x202: {  	v7 =	vadd.s32 v4, v7;
	_ =	sdelay $0x2  }
0x203: {  	[tilespmem:v6+s0+$0x0] =	vst.idx.add.f32.msk vm0, v9  }
0x204: {  	[tilespmem:v6+s24+$0x0] =	vst.idx.add.f32.msk vm0, v5  }
0x205: {  	v5 =	vld.idx.msk [tilespmem:v7+s1+$0x0], $0xffff;
	_ =	sdelay $0x4  }
0x206: {  	v6 =	vadd.s32 v2, v5;
	_ =	sdelay $0x4  }
0x207: {  	v58 =	vld.idx.msk [tilespmem:v6+s23+$0x0], $0xffff;
	_ =	sdelay $0x4  }
0x208: {  	v9 =	vld.idx.msk [tilespmem:v7+s20+$0x0], $0xffff;
	v59 =	vadd.s32 $0x1, v58  }
0x209: {  	v7 =	vld.idx.msk [tilespmem:v7+s29+$0x0], $0xffff;
	[tilespmem:v6+s23+$0x0] =	vst.idx.msk $0xffff, v59  }
0x20a: {  	v6 =	vld.idx.msk [tilespmem:v5+s31+$0x0], $0xffff  }
0x20b: {  	v8 =	vcvt.s32.f32 v58;
	_ =	sdelay $0x1  }
0x20c: {  	v8 =	vadd.f32 $5.000000000e-01, v8;
	_ =	sdelay $0x1  }
0x20d: {  	v8 =	vmul.f32 v6, v8;
	_ =	sdelay $0x1  }
0x20e: {  	v8 =	vtrunc.f32 v8  }
0x20f: {  	v8 =	vcvt.f32.s32 v8  }
0x210: {  	v5 =	vmul.u32 $0xF, v5  }
0x211: {  	vm10 =	vgt.f32 v6, $0.0e+00;
	vm11 =	vlt.s32 v8, $0xF  }
0x212: {  	s3 =	sadd.s32 $0x2, s30;
	v5 =	vadd.s32 v8, v5;
	vm0 =	vmand vm10, vm11  }
0x213: {  	v6 =	vmov s3;
	v5 =	vadd.s32 v3, v5  }
0x214: {  	v6 =	vand.u32 $0x1FE, v6  }
0x215: {  	v6 =	vadd.s32 v4, v6;
	_ =	sdelay $0x2  }
0x216: {  	[tilespmem:v5+s0+$0x0] =	vst.idx.add.f32.msk vm0, v9  }
0x217: {  	[tilespmem:v5+s24+$0x0] =	vst.idx.add.f32.msk vm0, v7  }
0x218: {  	v5 =	vld.idx.msk [tilespmem:v6+s1+$0x0], $0xffff;
	_ =	sdelay $0x4  }
0x219: {  	v7 =	vadd.s32 v2, v5;
	_ =	sdelay $0x4  }
0x21a: {  	v60 =	vld.idx.msk [tilespmem:v7+s23+$0x0], $0xffff;
	_ =	sdelay $0x4  }
0x21b: {  	v9 =	vld.idx.msk [tilespmem:v6+s20+$0x0], $0xffff;
	v61 =	vadd.s32 $0x1, v60  }
0x21c: {  	v6 =	vld.idx.msk [tilespmem:v6+s29+$0x0], $0xffff;
	[tilespmem:v7+s23+$0x0] =	vst.idx.msk $0xffff, v61  }
0x21d: {  	v7 =	vld.idx.msk [tilespmem:v5+s31+$0x0], $0xffff  }
0x21e: {  	v8 =	vcvt.s32.f32 v60;
	_ =	sdelay $0x1  }
0x21f: {  	v8 =	vadd.f32 $5.000000000e-01, v8;
	_ =	sdelay $0x1  }
0x220: {  	v8 =	vmul.f32 v7, v8;
	_ =	sdelay $0x1  }
0x221: {  	v8 =	vtrunc.f32 v8  }
0x222: {  	v8 =	vcvt.f32.s32 v8  }
0x223: {  	v5 =	vmul.u32 $0xF, v5  }
0x224: {  	vm12 =	vgt.f32 v7, $0.0e+00;
	vm13 =	vlt.s32 v8, $0xF  }
0x225: {  	s22 =	sadd.s32 $0x3, s30;
	v5 =	vadd.s32 v8, v5;
	vm0 =	vmand vm12, vm13  }
0x226: {  	v7 =	vmov s22;
	v5 =	vadd.s32 v3, v5  }
0x227: {  	v7 =	vand.u32 $0x1FF, v7  }
0x228: {  	v7 =	vadd.s32 v4, v7;
	_ =	sdelay $0x2  }
0x229: {  	[tilespmem:v5+s0+$0x0] =	vst.idx.add.f32.msk vm0, v9  }
0x22a: {  	[tilespmem:v5+s24+$0x0] =	vst.idx.add.f32.msk vm0, v6  }
0x22b: {  	v5 =	vld.idx.msk [tilespmem:v7+s1+$0x0], $0xffff;
	_ =	sdelay $0x4  }
0x22c: {  	v6 =	vadd.s32 v2, v5;
	_ =	sdelay $0x4  }
0x22d: {  	v62 =	vld.idx.msk [tilespmem:v6+s23+$0x0], $0xffff;
	_ =	sdelay $0x4  }
0x22e: {  	v9 =	vld.idx.msk [tilespmem:v7+s20+$0x0], $0xffff;
	v63 =	vadd.s32 $0x1, v62  }
0x22f: {  	v7 =	vld.idx.msk [tilespmem:v7+s29+$0x0], $0xffff;
	[tilespmem:v6+s23+$0x0] =	vst.idx.msk $0xffff, v63  }
0x230: {  	v6 =	vld.idx.msk [tilespmem:v5+s31+$0x0], $0xffff  }
0x231: {  	v8 =	vcvt.s32.f32 v62;
	_ =	sdelay $0x1  }
0x232: {  	v8 =	vadd.f32 $5.000000000e-01, v8;
	_ =	sdelay $0x1  }
0x233: {  	v8 =	vmul.f32 v6, v8;
	_ =	sdelay $0x1  }
0x234: {  	v8 =	vtrunc.f32 v8  }
0x235: {  	v8 =	vcvt.f32.s32 v8  }
0x236: {  	v5 =	vmul.u32 $0xF, v5  }
0x237: {  	vm14 =	vgt.f32 v6, $0.0e+00;
	vm15 =	vlt.s32 v8, $0xF  }
0x238: {  	v5 =	vadd.s32 v8, v5;
	vm0 =	vmand vm14, vm15  }
0x239: {  	v5 =	vadd.s32 v3, v5  }
0x23a: {  	p0 =	sne.s32 s30, $0x1FC  }
.Ltmp2:
0x23b: {  	_ = 	snop;
	(pc) =	sbr.rel @p0 .LBB2_6-.Ltmp2, $3  }
0x23c: {  	_ =	sdelay $0x1  }
0x23d: {  	[tilespmem:v5+s0+$0x0] =	vst.idx.add.f32.msk vm0, v9  }
0x23e: {  	s30 =	sadd.s32 $0x4, s30;
	[tilespmem:v5+s24+$0x0] =	vst.idx.add.f32.msk vm0, v7  }
0x23f: {  	_ =	swait.ge [sflag:s21], $0x2000  }
0x240: {  	[sflag:s21] =	ssyncset.done $0x0  }
0x241: {  	[sflag:s21] =	ssyncadd.s32 $0xFFFFE000  }
0x242: {  	_ =	swait.ge [sflag:s21], $0x2000  }
0x243: {  	[sflag:s21] =	ssyncset.done $0x0  }
0x244: {  	[sflag:s21] =	ssyncadd.s32 $0xFFFFE000  }
0x245: {  	_ =	swait.ge [sflag:s21], $0x2000  }
0x246: {  	[sflag:s21] =	ssyncset.done $0x0  }
0x247: {  	s30 =	simm.s32 $0x0;
	s2 =	simm.s32 $0x2080;
	[sflag:s21] =	ssyncadd.s32 $0xFFFFE000  }
0x248: {  	[tilespmem:s2], [sflag:$0x1] =	stream.linear.gather [hbm4b:s8+s30], $0x200, $0x38;
	[tilespmem:$0x18780] =	vst v63  }
0x249: {  	s22 =	sadd.s32 $0x200, s8;
	s3 =	simm.s32 $0x2288  }
0x24a: {  	[tilespmem:s3], [sflag:$0x1] =	stream.linear.gather [hbm4b:s22+s30], $0x200, $0x38;
	[tilespmem:$0x18780] =	vst v63  }
0x24b: {  	s3 =	sadd.s32 $0x400, s8;
	s22 =	simm.s32 $0x2490  }
0x24c: {  	[tilespmem:s22], [sflag:$0x1] =	stream.linear.gather [hbm4b:s3+s30], $0x200, $0x38;
	[tilespmem:$0x18780] =	vst v63  }
0x24d: {  	s3 =	sadd.s32 $0x600, s8;
	s22 =	simm.s32 $0x2698  }
0x24e: {  	[tilespmem:s22], [sflag:$0x1] =	stream.linear.gather [hbm4b:s3+s30], $0x200, $0x38;
	[tilespmem:$0x18780] =	vst v63  }
0x24f: {  	s3 =	sadd.s32 $0x800, s8;
	s22 =	simm.s32 $0x28A0  }
0x250: {  	[tilespmem:s22], [sflag:$0x1] =	stream.linear.gather [hbm4b:s3+s30], $0x200, $0x38;
	[tilespmem:$0x18780] =	vst v63  }
0x251: {  	s3 =	sadd.s32 $0xA00, s8;
	s22 =	simm.s32 $0x2AA8  }
0x252: {  	[tilespmem:s22], [sflag:$0x1] =	stream.linear.gather [hbm4b:s3+s30], $0x200, $0x38;
	[tilespmem:$0x18780] =	vst v63  }
0x253: {  	s3 =	sadd.s32 $0xC00, s8;
	s22 =	simm.s32 $0x2CB0  }
0x254: {  	[tilespmem:s22], [sflag:$0x1] =	stream.linear.gather [hbm4b:s3+s30], $0x200, $0x38;
	[tilespmem:$0x18780] =	vst v63  }
0x255: {  	s3 =	sadd.s32 $0xE00, s8;
	s22 =	simm.s32 $0x2EB8  }
0x256: {  	[tilespmem:s22], [sflag:$0x1] =	stream.linear.gather [hbm4b:s3+s30], $0x200, $0x38;
	[tilespmem:$0x18780] =	vst v63  }
0x257: {  	s3 =	sadd.s32 $0x1000, s8;
	s22 =	simm.s32 $0x30C0  }
0x258: {  	[tilespmem:s22], [sflag:$0x1] =	stream.linear.gather [hbm4b:s3+s30], $0x200, $0x38;
	[tilespmem:$0x18780] =	vst v63  }
0x259: {  	s3 =	sadd.s32 $0x1200, s8;
	s22 =	simm.s32 $0x32C8  }
0x25a: {  	[tilespmem:s22], [sflag:$0x1] =	stream.linear.gather [hbm4b:s3+s30], $0x200, $0x38;
	[tilespmem:$0x18780] =	vst v63  }
0x25b: {  	s3 =	sadd.s32 $0x1400, s8;
	s22 =	simm.s32 $0x34D0  }
0x25c: {  	[tilespmem:s22], [sflag:$0x1] =	stream.linear.gather [hbm4b:s3+s30], $0x200, $0x38;
	[tilespmem:$0x18780] =	vst v63  }
0x25d: {  	s3 =	sadd.s32 $0x1600, s8;
	s22 =	simm.s32 $0x36D8  }
0x25e: {  	[tilespmem:s22], [sflag:$0x1] =	stream.linear.gather [hbm4b:s3+s30], $0x200, $0x38;
	[tilespmem:$0x18780] =	vst v63  }
0x25f: {  	s3 =	sadd.s32 $0x1800, s8;
	s22 =	simm.s32 $0x38E0  }
0x260: {  	[tilespmem:s22], [sflag:$0x1] =	stream.linear.gather [hbm4b:s3+s30], $0x200, $0x38;
	[tilespmem:$0x18780] =	vst v63  }
0x261: {  	s3 =	sadd.s32 $0x1A00, s8;
	s22 =	simm.s32 $0x3AE8  }
0x262: {  	[tilespmem:s22], [sflag:$0x1] =	stream.linear.gather [hbm4b:s3+s30], $0x200, $0x38;
	[tilespmem:$0x18780] =	vst v63  }
0x263: {  	s3 =	sadd.s32 $0x1C00, s8;
	s22 =	simm.s32 $0x3CF0  }
0x264: {  	[tilespmem:s22], [sflag:$0x1] =	stream.linear.gather [hbm4b:s3+s30], $0x200, $0x38;
	[tilespmem:$0x18780] =	vst v63  }
0x265: {  	s3 =	sadd.s32 $0x1E00, s8;
	s22 =	simm.s32 $0x3EF8  }
0x266: {  	[tilespmem:s22], [sflag:$0x1] =	stream.linear.gather [hbm4b:s3+s30], $0x200, $0x38;
	[tilespmem:$0x18780] =	vst v63  }
0x267: {  	s22 =	simm.s32 $0x6180  }
0x268: {  	[tilespmem:s22], [sflag:$0x1] =	stream.linear.gather [hbm4b:s9+s30], $0x200, $0x38;
	[tilespmem:$0x18780] =	vst v63  }
0x269: {  	s3 =	sadd.s32 $0x200, s9;
	s22 =	simm.s32 $0x6388  }
0x26a: {  	[tilespmem:s22], [sflag:$0x1] =	stream.linear.gather [hbm4b:s3+s30], $0x200, $0x38;
	[tilespmem:$0x18780] =	vst v63  }
0x26b: {  	s3 =	sadd.s32 $0x400, s9;
	s22 =	simm.s32 $0x6590  }
0x26c: {  	[tilespmem:s22], [sflag:$0x1] =	stream.linear.gather [hbm4b:s3+s30], $0x200, $0x38;
	[tilespmem:$0x18780] =	vst v63  }
0x26d: {  	s3 =	sadd.s32 $0x600, s9;
	s22 =	simm.s32 $0x6798  }
0x26e: {  	[tilespmem:s22], [sflag:$0x1] =	stream.linear.gather [hbm4b:s3+s30], $0x200, $0x38;
	[tilespmem:$0x18780] =	vst v63  }
0x26f: {  	s3 =	sadd.s32 $0x800, s9;
	s22 =	simm.s32 $0x69A0  }
0x270: {  	[tilespmem:s22], [sflag:$0x1] =	stream.linear.gather [hbm4b:s3+s30], $0x200, $0x38;
	[tilespmem:$0x18780] =	vst v63  }
0x271: {  	s3 =	sadd.s32 $0xA00, s9;
	s22 =	simm.s32 $0x6BA8  }
0x272: {  	[tilespmem:s22], [sflag:$0x1] =	stream.linear.gather [hbm4b:s3+s30], $0x200, $0x38;
	[tilespmem:$0x18780] =	vst v63  }
0x273: {  	s3 =	sadd.s32 $0xC00, s9;
	s22 =	simm.s32 $0x6DB0  }
0x274: {  	[tilespmem:s22], [sflag:$0x1] =	stream.linear.gather [hbm4b:s3+s30], $0x200, $0x38;
	[tilespmem:$0x18780] =	vst v63  }
0x275: {  	s3 =	sadd.s32 $0xE00, s9;
	s22 =	simm.s32 $0x6FB8  }
0x276: {  	[tilespmem:s22], [sflag:$0x1] =	stream.linear.gather [hbm4b:s3+s30], $0x200, $0x38;
	[tilespmem:$0x18780] =	vst v63  }
0x277: {  	s3 =	sadd.s32 $0x1000, s9;
	s22 =	simm.s32 $0x71C0  }
0x278: {  	[tilespmem:s22], [sflag:$0x1] =	stream.linear.gather [hbm4b:s3+s30], $0x200, $0x38;
	[tilespmem:$0x18780] =	vst v63  }
0x279: {  	s3 =	sadd.s32 $0x1200, s9;
	s22 =	simm.s32 $0x73C8  }
0x27a: {  	[tilespmem:s22], [sflag:$0x1] =	stream.linear.gather [hbm4b:s3+s30], $0x200, $0x38;
	[tilespmem:$0x18780] =	vst v63  }
0x27b: {  	s3 =	sadd.s32 $0x1400, s9;
	s22 =	simm.s32 $0x75D0  }
0x27c: {  	[tilespmem:s22], [sflag:$0x1] =	stream.linear.gather [hbm4b:s3+s30], $0x200, $0x38;
	[tilespmem:$0x18780] =	vst v63  }
0x27d: {  	s3 =	sadd.s32 $0x1600, s9;
	s22 =	simm.s32 $0x77D8  }
0x27e: {  	[tilespmem:s22], [sflag:$0x1] =	stream.linear.gather [hbm4b:s3+s30], $0x200, $0x38;
	[tilespmem:$0x18780] =	vst v63  }
0x27f: {  	s3 =	sadd.s32 $0x1800, s9;
	s22 =	simm.s32 $0x79E0  }
0x280: {  	[tilespmem:s22], [sflag:$0x1] =	stream.linear.gather [hbm4b:s3+s30], $0x200, $0x38;
	[tilespmem:$0x18780] =	vst v63  }
0x281: {  	s3 =	sadd.s32 $0x1A00, s9;
	s22 =	simm.s32 $0x7BE8  }
0x282: {  	[tilespmem:s22], [sflag:$0x1] =	stream.linear.gather [hbm4b:s3+s30], $0x200, $0x38;
	[tilespmem:$0x18780] =	vst v63  }
0x283: {  	s3 =	sadd.s32 $0x1C00, s9;
	s22 =	simm.s32 $0x7DF0  }
0x284: {  	[tilespmem:s22], [sflag:$0x1] =	stream.linear.gather [hbm4b:s3+s30], $0x200, $0x38;
	[tilespmem:$0x18780] =	vst v63  }
0x285: {  	s3 =	sadd.s32 $0x1E00, s9;
	s22 =	simm.s32 $0x7FF8  }
0x286: {  	[tilespmem:s22], [sflag:$0x1] =	stream.linear.gather [hbm4b:s3+s30], $0x200, $0x38;
	[tilespmem:$0x18780] =	vst v63  }
0x287: {  	s22 =	simm.s32 $0xA280  }
0x288: {  	[tilespmem:s22], [sflag:$0x1] =	stream.linear.gather [hbm4b:s10+s30], $0x200, $0x38;
	[tilespmem:$0x18780] =	vst v63  }
0x289: {  	s3 =	sadd.s32 $0x200, s10;
	s22 =	simm.s32 $0xA488  }
0x28a: {  	[tilespmem:s22], [sflag:$0x1] =	stream.linear.gather [hbm4b:s3+s30], $0x200, $0x38;
	[tilespmem:$0x18780] =	vst v63  }
0x28b: {  	s3 =	sadd.s32 $0x400, s10;
	s22 =	simm.s32 $0xA690  }
0x28c: {  	[tilespmem:s22], [sflag:$0x1] =	stream.linear.gather [hbm4b:s3+s30], $0x200, $0x38;
	[tilespmem:$0x18780] =	vst v63  }
0x28d: {  	s3 =	sadd.s32 $0x600, s10;
	s22 =	simm.s32 $0xA898  }
0x28e: {  	[tilespmem:s22], [sflag:$0x1] =	stream.linear.gather [hbm4b:s3+s30], $0x200, $0x38;
	[tilespmem:$0x18780] =	vst v63  }
0x28f: {  	s3 =	sadd.s32 $0x800, s10;
	s22 =	simm.s32 $0xAAA0  }
0x290: {  	[tilespmem:s22], [sflag:$0x1] =	stream.linear.gather [hbm4b:s3+s30], $0x200, $0x38;
	[tilespmem:$0x18780] =	vst v63  }
0x291: {  	s3 =	sadd.s32 $0xA00, s10;
	s22 =	simm.s32 $0xACA8  }
0x292: {  	[tilespmem:s22], [sflag:$0x1] =	stream.linear.gather [hbm4b:s3+s30], $0x200, $0x38;
	[tilespmem:$0x18780] =	vst v63  }
0x293: {  	s3 =	sadd.s32 $0xC00, s10;
	s22 =	simm.s32 $0xAEB0  }
0x294: {  	[tilespmem:s22], [sflag:$0x1] =	stream.linear.gather [hbm4b:s3+s30], $0x200, $0x38;
	[tilespmem:$0x18780] =	vst v63  }
0x295: {  	s3 =	sadd.s32 $0xE00, s10;
	s22 =	simm.s32 $0xB0B8  }
0x296: {  	[tilespmem:s22], [sflag:$0x1] =	stream.linear.gather [hbm4b:s3+s30], $0x200, $0x38;
	[tilespmem:$0x18780] =	vst v63  }
0x297: {  	s3 =	sadd.s32 $0x1000, s10;
	s22 =	simm.s32 $0xB2C0  }
0x298: {  	[tilespmem:s22], [sflag:$0x1] =	stream.linear.gather [hbm4b:s3+s30], $0x200, $0x38;
	[tilespmem:$0x18780] =	vst v63  }
0x299: {  	s3 =	sadd.s32 $0x1200, s10;
	s22 =	simm.s32 $0xB4C8  }
0x29a: {  	[tilespmem:s22], [sflag:$0x1] =	stream.linear.gather [hbm4b:s3+s30], $0x200, $0x38;
	[tilespmem:$0x18780] =	vst v63  }
0x29b: {  	s3 =	sadd.s32 $0x1400, s10;
	s22 =	simm.s32 $0xB6D0  }
0x29c: {  	[tilespmem:s22], [sflag:$0x1] =	stream.linear.gather [hbm4b:s3+s30], $0x200, $0x38;
	[tilespmem:$0x18780] =	vst v63  }
0x29d: {  	s3 =	sadd.s32 $0x1600, s10;
	s22 =	simm.s32 $0xB8D8  }
0x29e: {  	[tilespmem:s22], [sflag:$0x1] =	stream.linear.gather [hbm4b:s3+s30], $0x200, $0x38;
	[tilespmem:$0x18780] =	vst v63  }
0x29f: {  	s3 =	sadd.s32 $0x1800, s10;
	s22 =	simm.s32 $0xBAE0  }
0x2a0: {  	[tilespmem:s22], [sflag:$0x1] =	stream.linear.gather [hbm4b:s3+s30], $0x200, $0x38;
	[tilespmem:$0x18780] =	vst v63  }
0x2a1: {  	s3 =	sadd.s32 $0x1A00, s10;
	s22 =	simm.s32 $0xBCE8  }
0x2a2: {  	[tilespmem:s22], [sflag:$0x1] =	stream.linear.gather [hbm4b:s3+s30], $0x200, $0x38;
	[tilespmem:$0x18780] =	vst v63  }
0x2a3: {  	s3 =	sadd.s32 $0x1C00, s10;
	s22 =	simm.s32 $0xBEF0  }
0x2a4: {  	[tilespmem:s22], [sflag:$0x1] =	stream.linear.gather [hbm4b:s3+s30], $0x200, $0x38;
	[tilespmem:$0x18780] =	vst v63  }
0x2a5: {  	s3 =	sadd.s32 $0x1E00, s10;
	s22 =	simm.s32 $0xC0F8  }
0x2a6: {  	[tilespmem:s22], [sflag:$0x1] =	stream.linear.gather [hbm4b:s3+s30], $0x200, $0x38;
	[tilespmem:$0x18780] =	vst v63  }
.LBB2_8:
0x2a7: {  	v5 =	vmov s30  }
0x2a8: {  	v5 =	vand.u32 $0x1FC, v5  }
0x2a9: {  	v5 =	vadd.s32 v0, v5;
	_ =	sdelay $0x4  }
0x2aa: {  	v6 =	vld.idx.msk [tilespmem:v5+s1+$0x0], $0xffff;
	_ =	sdelay $0x4  }
0x2ab: {  	v7 =	vadd.s32 v2, v6;
	_ =	sdelay $0x4  }
0x2ac: {  	v8 =	vld.idx.msk [tilespmem:v7+s23+$0x0], $0xffff;
	_ =	sdelay $0x4  }
0x2ad: {  	v9 =	vld.idx.msk [tilespmem:v5+s20+$0x0], $0xffff;
	v10 =	vadd.s32 $0x1, v8  }
0x2ae: {  	v5 =	vld.idx.msk [tilespmem:v5+s29+$0x0], $0xffff;
	[tilespmem:v7+s23+$0x0] =	vst.idx.msk $0xffff, v10  }
0x2af: {  	v7 =	vld.idx.msk [tilespmem:v6+s31+$0x0], $0xffff  }
0x2b0: {  	v8 =	vcvt.s32.f32 v8;
	_ =	sdelay $0x1  }
0x2b1: {  	v8 =	vadd.f32 $5.000000000e-01, v8;
	_ =	sdelay $0x1  }
0x2b2: {  	v8 =	vmul.f32 v7, v8;
	_ =	sdelay $0x1  }
0x2b3: {  	v8 =	vtrunc.f32 v8  }
0x2b4: {  	v8 =	vcvt.f32.s32 v8  }
0x2b5: {  	v6 =	vmul.u32 $0xF, v6  }
0x2b6: {  	vm0 =	vgt.f32 v7, $0.0e+00;
	vm1 =	vlt.s32 v8, $0xF  }
0x2b7: {  	s2 =	sadd.s32 $0x1, s30;
	v6 =	vadd.s32 v8, v6;
	vm0 =	vmand vm0, vm1  }
0x2b8: {  	v7 =	vmov s2;
	v6 =	vadd.s32 v3, v6  }
0x2b9: {  	v7 =	vand.u32 $0x1FD, v7  }
0x2ba: {  	v7 =	vadd.s32 v0, v7;
	_ =	sdelay $0x2  }
0x2bb: {  	[tilespmem:v6+s0+$0x0] =	vst.idx.add.f32.msk vm0, v9  }
0x2bc: {  	[tilespmem:v6+s24+$0x0] =	vst.idx.add.f32.msk vm0, v5  }
0x2bd: {  	v5 =	vld.idx.msk [tilespmem:v7+s1+$0x0], $0xffff;
	_ =	sdelay $0x4  }
0x2be: {  	v6 =	vadd.s32 v2, v5;
	_ =	sdelay $0x4  }
0x2bf: {  	v58 =	vld.idx.msk [tilespmem:v6+s23+$0x0], $0xffff;
	_ =	sdelay $0x4  }
0x2c0: {  	v9 =	vld.idx.msk [tilespmem:v7+s20+$0x0], $0xffff;
	v59 =	vadd.s32 $0x1, v58  }
0x2c1: {  	v7 =	vld.idx.msk [tilespmem:v7+s29+$0x0], $0xffff;
	[tilespmem:v6+s23+$0x0] =	vst.idx.msk $0xffff, v59  }
0x2c2: {  	v6 =	vld.idx.msk [tilespmem:v5+s31+$0x0], $0xffff  }
0x2c3: {  	v8 =	vcvt.s32.f32 v58;
	_ =	sdelay $0x1  }
0x2c4: {  	v8 =	vadd.f32 $5.000000000e-01, v8;
	_ =	sdelay $0x1  }
0x2c5: {  	v8 =	vmul.f32 v6, v8;
	_ =	sdelay $0x1  }
0x2c6: {  	v8 =	vtrunc.f32 v8  }
0x2c7: {  	v8 =	vcvt.f32.s32 v8  }
0x2c8: {  	v5 =	vmul.u32 $0xF, v5  }
0x2c9: {  	vm10 =	vgt.f32 v6, $0.0e+00;
	vm11 =	vlt.s32 v8, $0xF  }
0x2ca: {  	s3 =	sadd.s32 $0x2, s30;
	v5 =	vadd.s32 v8, v5;
	vm0 =	vmand vm10, vm11  }
0x2cb: {  	v6 =	vmov s3;
	v5 =	vadd.s32 v3, v5  }
0x2cc: {  	v6 =	vand.u32 $0x1FE, v6  }
0x2cd: {  	v6 =	vadd.s32 v0, v6;
	_ =	sdelay $0x2  }
0x2ce: {  	[tilespmem:v5+s0+$0x0] =	vst.idx.add.f32.msk vm0, v9  }
0x2cf: {  	[tilespmem:v5+s24+$0x0] =	vst.idx.add.f32.msk vm0, v7  }
0x2d0: {  	v5 =	vld.idx.msk [tilespmem:v6+s1+$0x0], $0xffff;
	_ =	sdelay $0x4  }
0x2d1: {  	v7 =	vadd.s32 v2, v5;
	_ =	sdelay $0x4  }
0x2d2: {  	v60 =	vld.idx.msk [tilespmem:v7+s23+$0x0], $0xffff;
	_ =	sdelay $0x4  }
0x2d3: {  	v9 =	vld.idx.msk [tilespmem:v6+s20+$0x0], $0xffff;
	v61 =	vadd.s32 $0x1, v60  }
0x2d4: {  	v6 =	vld.idx.msk [tilespmem:v6+s29+$0x0], $0xffff;
	[tilespmem:v7+s23+$0x0] =	vst.idx.msk $0xffff, v61  }
0x2d5: {  	v7 =	vld.idx.msk [tilespmem:v5+s31+$0x0], $0xffff  }
0x2d6: {  	v8 =	vcvt.s32.f32 v60;
	_ =	sdelay $0x1  }
0x2d7: {  	v8 =	vadd.f32 $5.000000000e-01, v8;
	_ =	sdelay $0x1  }
0x2d8: {  	v8 =	vmul.f32 v7, v8;
	_ =	sdelay $0x1  }
0x2d9: {  	v8 =	vtrunc.f32 v8  }
0x2da: {  	v8 =	vcvt.f32.s32 v8  }
0x2db: {  	v5 =	vmul.u32 $0xF, v5  }
0x2dc: {  	vm12 =	vgt.f32 v7, $0.0e+00;
	vm13 =	vlt.s32 v8, $0xF  }
0x2dd: {  	s22 =	sadd.s32 $0x3, s30;
	v5 =	vadd.s32 v8, v5;
	vm0 =	vmand vm12, vm13  }
0x2de: {  	v7 =	vmov s22;
	v5 =	vadd.s32 v3, v5  }
0x2df: {  	v7 =	vand.u32 $0x1FF, v7  }
0x2e0: {  	v7 =	vadd.s32 v0, v7;
	_ =	sdelay $0x2  }
0x2e1: {  	[tilespmem:v5+s0+$0x0] =	vst.idx.add.f32.msk vm0, v9  }
0x2e2: {  	[tilespmem:v5+s24+$0x0] =	vst.idx.add.f32.msk vm0, v6  }
0x2e3: {  	v5 =	vld.idx.msk [tilespmem:v7+s1+$0x0], $0xffff;
	_ =	sdelay $0x4  }
0x2e4: {  	v6 =	vadd.s32 v2, v5;
	_ =	sdelay $0x4  }
0x2e5: {  	v62 =	vld.idx.msk [tilespmem:v6+s23+$0x0], $0xffff;
	_ =	sdelay $0x4  }
0x2e6: {  	v9 =	vld.idx.msk [tilespmem:v7+s20+$0x0], $0xffff;
	v63 =	vadd.s32 $0x1, v62  }
0x2e7: {  	v7 =	vld.idx.msk [tilespmem:v7+s29+$0x0], $0xffff;
	[tilespmem:v6+s23+$0x0] =	vst.idx.msk $0xffff, v63  }
0x2e8: {  	v6 =	vld.idx.msk [tilespmem:v5+s31+$0x0], $0xffff  }
0x2e9: {  	v8 =	vcvt.s32.f32 v62;
	_ =	sdelay $0x1  }
0x2ea: {  	v8 =	vadd.f32 $5.000000000e-01, v8;
	_ =	sdelay $0x1  }
0x2eb: {  	v8 =	vmul.f32 v6, v8;
	_ =	sdelay $0x1  }
0x2ec: {  	v8 =	vtrunc.f32 v8  }
0x2ed: {  	v8 =	vcvt.f32.s32 v8  }
0x2ee: {  	v5 =	vmul.u32 $0xF, v5  }
0x2ef: {  	vm14 =	vgt.f32 v6, $0.0e+00;
	vm15 =	vlt.s32 v8, $0xF  }
0x2f0: {  	v5 =	vadd.s32 v8, v5;
	vm0 =	vmand vm14, vm15  }
0x2f1: {  	v5 =	vadd.s32 v3, v5  }
0x2f2: {  	p0 =	sne.s32 s30, $0x1FC  }
.Ltmp3:
0x2f3: {  	_ = 	snop;
	(pc) =	sbr.rel @p0 .LBB2_8-.Ltmp3, $3  }
0x2f4: {  	_ =	sdelay $0x1  }
0x2f5: {  	[tilespmem:v5+s0+$0x0] =	vst.idx.add.f32.msk vm0, v9  }
0x2f6: {  	s30 =	sadd.s32 $0x4, s30;
	[tilespmem:v5+s24+$0x0] =	vst.idx.add.f32.msk vm0, v7  }
0x2f7: {  	_ =	swait.ge [sflag:s21], $0x2000  }
0x2f8: {  	[sflag:s21] =	ssyncset.done $0x0  }
0x2f9: {  	[sflag:s21] =	ssyncadd.s32 $0xFFFFE000  }
0x2fa: {  	_ =	swait.ge [sflag:s21], $0x2000  }
0x2fb: {  	[sflag:s21] =	ssyncset.done $0x0  }
0x2fc: {  	[sflag:s21] =	ssyncadd.s32 $0xFFFFE000  }
0x2fd: {  	_ =	swait.ge [sflag:s21], $0x2000  }
0x2fe: {  	[sflag:s21] =	ssyncset.done $0x0  }
0x2ff: {  	s30 =	simm.s32 $0x0;
	[sflag:s21] =	ssyncadd.s32 $0xFFFFE000  }
0x300: {  	[tilespmem:s30], [sflag:$0x1] =	stream.linear.gather [hbm4b:s11+s30], $0x200, $0x38;
	[tilespmem:$0x18780] =	vst v63  }
0x301: {  	s2 =	sadd.s32 $0x200, s11;
	s3 =	simm.s32 $0x208  }
0x302: {  	[tilespmem:s3], [sflag:$0x1] =	stream.linear.gather [hbm4b:s2+s30], $0x200, $0x38;
	[tilespmem:$0x18780] =	vst v63  }
0x303: {  	s22 =	simm.s32 $0x410;
	s3 =	sadd.s32 $0x400, s11  }
0x304: {  	[tilespmem:s22], [sflag:$0x1] =	stream.linear.gather [hbm4b:s3+s30], $0x200, $0x38;
	[tilespmem:$0x18780] =	vst v63  }
0x305: {  	s22 =	sadd.s32 $0x600, s11;
	s3 =	simm.s32 $0x618  }
0x306: {  	[tilespmem:s3], [sflag:$0x1] =	stream.linear.gather [hbm4b:s22+s30], $0x200, $0x38;
	[tilespmem:$0x18780] =	vst v63  }
0x307: {  	s22 =	sadd.s32 $0x800, s11;
	s3 =	simm.s32 $0x820  }
0x308: {  	[tilespmem:s3], [sflag:$0x1] =	stream.linear.gather [hbm4b:s22+s30], $0x200, $0x38;
	[tilespmem:$0x18780] =	vst v63  }
0x309: {  	s22 =	sadd.s32 $0xA00, s11;
	s3 =	simm.s32 $0xA28  }
0x30a: {  	[tilespmem:s3], [sflag:$0x1] =	stream.linear.gather [hbm4b:s22+s30], $0x200, $0x38;
	[tilespmem:$0x18780] =	vst v63  }
0x30b: {  	s22 =	sadd.s32 $0xC00, s11;
	s3 =	simm.s32 $0xC30  }
0x30c: {  	[tilespmem:s3], [sflag:$0x1] =	stream.linear.gather [hbm4b:s22+s30], $0x200, $0x38;
	[tilespmem:$0x18780] =	vst v63  }
0x30d: {  	s22 =	sadd.s32 $0xE00, s11;
	s3 =	simm.s32 $0xE38  }
0x30e: {  	[tilespmem:s3], [sflag:$0x1] =	stream.linear.gather [hbm4b:s22+s30], $0x200, $0x38;
	[tilespmem:$0x18780] =	vst v63  }
0x30f: {  	s22 =	sadd.s32 $0x1000, s11;
	s3 =	simm.s32 $0x1040  }
0x310: {  	[tilespmem:s3], [sflag:$0x1] =	stream.linear.gather [hbm4b:s22+s30], $0x200, $0x38;
	[tilespmem:$0x18780] =	vst v63  }
0x311: {  	s22 =	sadd.s32 $0x1200, s11;
	s3 =	simm.s32 $0x1248  }
0x312: {  	[tilespmem:s3], [sflag:$0x1] =	stream.linear.gather [hbm4b:s22+s30], $0x200, $0x38;
	[tilespmem:$0x18780] =	vst v63  }
0x313: {  	s22 =	sadd.s32 $0x1400, s11;
	s3 =	simm.s32 $0x1450  }
0x314: {  	[tilespmem:s3], [sflag:$0x1] =	stream.linear.gather [hbm4b:s22+s30], $0x200, $0x38;
	[tilespmem:$0x18780] =	vst v63  }
0x315: {  	s22 =	sadd.s32 $0x1600, s11;
	s3 =	simm.s32 $0x1658  }
0x316: {  	[tilespmem:s3], [sflag:$0x1] =	stream.linear.gather [hbm4b:s22+s30], $0x200, $0x38;
	[tilespmem:$0x18780] =	vst v63  }
0x317: {  	s22 =	sadd.s32 $0x1800, s11;
	s3 =	simm.s32 $0x1860  }
0x318: {  	[tilespmem:s3], [sflag:$0x1] =	stream.linear.gather [hbm4b:s22+s30], $0x200, $0x38;
	[tilespmem:$0x18780] =	vst v63  }
0x319: {  	s22 =	sadd.s32 $0x1A00, s11;
	s3 =	simm.s32 $0x1A68  }
0x31a: {  	[tilespmem:s3], [sflag:$0x1] =	stream.linear.gather [hbm4b:s22+s30], $0x200, $0x38;
	[tilespmem:$0x18780] =	vst v63  }
0x31b: {  	s22 =	sadd.s32 $0x1C00, s11;
	s3 =	simm.s32 $0x1C70  }
0x31c: {  	[tilespmem:s3], [sflag:$0x1] =	stream.linear.gather [hbm4b:s22+s30], $0x200, $0x38;
	[tilespmem:$0x18780] =	vst v63  }
0x31d: {  	s22 =	sadd.s32 $0x1E00, s11;
	s3 =	simm.s32 $0x1E78  }
0x31e: {  	[tilespmem:s3], [sflag:$0x1] =	stream.linear.gather [hbm4b:s22+s30], $0x200, $0x38;
	[tilespmem:$0x18780] =	vst v63  }
0x31f: {  	_ = 	snop  }
0x320: {  	[tilespmem:s20], [sflag:$0x1] =	stream.linear.gather [hbm4b:s12+s30], $0x200, $0x38;
	[tilespmem:$0x18780] =	vst v63  }
0x321: {  	s22 =	sadd.s32 $0x200, s12;
	s3 =	simm.s32 $0x4308  }
0x322: {  	[tilespmem:s3], [sflag:$0x1] =	stream.linear.gather [hbm4b:s22+s30], $0x200, $0x38;
	[tilespmem:$0x18780] =	vst v63  }
0x323: {  	s22 =	sadd.s32 $0x400, s12;
	s3 =	simm.s32 $0x4510  }
0x324: {  	[tilespmem:s3], [sflag:$0x1] =	stream.linear.gather [hbm4b:s22+s30], $0x200, $0x38;
	[tilespmem:$0x18780] =	vst v63  }
0x325: {  	s22 =	sadd.s32 $0x600, s12;
	s3 =	simm.s32 $0x4718  }
0x326: {  	[tilespmem:s3], [sflag:$0x1] =	stream.linear.gather [hbm4b:s22+s30], $0x200, $0x38;
	[tilespmem:$0x18780] =	vst v63  }
0x327: {  	s22 =	sadd.s32 $0x800, s12;
	s3 =	simm.s32 $0x4920  }
0x328: {  	[tilespmem:s3], [sflag:$0x1] =	stream.linear.gather [hbm4b:s22+s30], $0x200, $0x38;
	[tilespmem:$0x18780] =	vst v63  }
0x329: {  	s22 =	sadd.s32 $0xA00, s12;
	s3 =	simm.s32 $0x4B28  }
0x32a: {  	[tilespmem:s3], [sflag:$0x1] =	stream.linear.gather [hbm4b:s22+s30], $0x200, $0x38;
	[tilespmem:$0x18780] =	vst v63  }
0x32b: {  	s22 =	sadd.s32 $0xC00, s12;
	s3 =	simm.s32 $0x4D30  }
0x32c: {  	[tilespmem:s3], [sflag:$0x1] =	stream.linear.gather [hbm4b:s22+s30], $0x200, $0x38;
	[tilespmem:$0x18780] =	vst v63  }
0x32d: {  	s22 =	sadd.s32 $0xE00, s12;
	s3 =	simm.s32 $0x4F38  }
0x32e: {  	[tilespmem:s3], [sflag:$0x1] =	stream.linear.gather [hbm4b:s22+s30], $0x200, $0x38;
	[tilespmem:$0x18780] =	vst v63  }
0x32f: {  	s22 =	sadd.s32 $0x1000, s12;
	s3 =	simm.s32 $0x5140  }
0x330: {  	[tilespmem:s3], [sflag:$0x1] =	stream.linear.gather [hbm4b:s22+s30], $0x200, $0x38;
	[tilespmem:$0x18780] =	vst v63  }
0x331: {  	s22 =	sadd.s32 $0x1200, s12;
	s3 =	simm.s32 $0x5348  }
0x332: {  	[tilespmem:s3], [sflag:$0x1] =	stream.linear.gather [hbm4b:s22+s30], $0x200, $0x38;
	[tilespmem:$0x18780] =	vst v63  }
0x333: {  	s22 =	sadd.s32 $0x1400, s12;
	s3 =	simm.s32 $0x5550  }
0x334: {  	[tilespmem:s3], [sflag:$0x1] =	stream.linear.gather [hbm4b:s22+s30], $0x200, $0x38;
	[tilespmem:$0x18780] =	vst v63  }
0x335: {  	s22 =	sadd.s32 $0x1600, s12;
	s3 =	simm.s32 $0x5758  }
0x336: {  	[tilespmem:s3], [sflag:$0x1] =	stream.linear.gather [hbm4b:s22+s30], $0x200, $0x38;
	[tilespmem:$0x18780] =	vst v63  }
0x337: {  	s22 =	sadd.s32 $0x1800, s12;
	s3 =	simm.s32 $0x5960  }
0x338: {  	[tilespmem:s3], [sflag:$0x1] =	stream.linear.gather [hbm4b:s22+s30], $0x200, $0x38;
	[tilespmem:$0x18780] =	vst v63  }
0x339: {  	s22 =	sadd.s32 $0x1A00, s12;
	s3 =	simm.s32 $0x5B68  }
0x33a: {  	[tilespmem:s3], [sflag:$0x1] =	stream.linear.gather [hbm4b:s22+s30], $0x200, $0x38;
	[tilespmem:$0x18780] =	vst v63  }
0x33b: {  	s22 =	sadd.s32 $0x1C00, s12;
	s3 =	simm.s32 $0x5D70  }
0x33c: {  	[tilespmem:s3], [sflag:$0x1] =	stream.linear.gather [hbm4b:s22+s30], $0x200, $0x38;
	[tilespmem:$0x18780] =	vst v63  }
0x33d: {  	s22 =	sadd.s32 $0x1E00, s12;
	s3 =	simm.s32 $0x5F78  }
0x33e: {  	[tilespmem:s3], [sflag:$0x1] =	stream.linear.gather [hbm4b:s22+s30], $0x200, $0x38;
	[tilespmem:$0x18780] =	vst v63  }
0x33f: {  	_ = 	snop  }
0x340: {  	[tilespmem:s29], [sflag:$0x1] =	stream.linear.gather [hbm4b:s13+s30], $0x200, $0x38;
	[tilespmem:$0x18780] =	vst v63  }
0x341: {  	s22 =	sadd.s32 $0x200, s13;
	s3 =	simm.s32 $0x8408  }
0x342: {  	[tilespmem:s3], [sflag:$0x1] =	stream.linear.gather [hbm4b:s22+s30], $0x200, $0x38;
	[tilespmem:$0x18780] =	vst v63  }
0x343: {  	s22 =	sadd.s32 $0x400, s13;
	s3 =	simm.s32 $0x8610  }
0x344: {  	[tilespmem:s3], [sflag:$0x1] =	stream.linear.gather [hbm4b:s22+s30], $0x200, $0x38;
	[tilespmem:$0x18780] =	vst v63  }
0x345: {  	s22 =	sadd.s32 $0x600, s13;
	s3 =	simm.s32 $0x8818  }
0x346: {  	[tilespmem:s3], [sflag:$0x1] =	stream.linear.gather [hbm4b:s22+s30], $0x200, $0x38;
	[tilespmem:$0x18780] =	vst v63  }
0x347: {  	s22 =	sadd.s32 $0x800, s13;
	s3 =	simm.s32 $0x8A20  }
0x348: {  	[tilespmem:s3], [sflag:$0x1] =	stream.linear.gather [hbm4b:s22+s30], $0x200, $0x38;
	[tilespmem:$0x18780] =	vst v63  }
0x349: {  	s22 =	sadd.s32 $0xA00, s13;
	s3 =	simm.s32 $0x8C28  }
0x34a: {  	[tilespmem:s3], [sflag:$0x1] =	stream.linear.gather [hbm4b:s22+s30], $0x200, $0x38;
	[tilespmem:$0x18780] =	vst v63  }
0x34b: {  	s22 =	sadd.s32 $0xC00, s13;
	s3 =	simm.s32 $0x8E30  }
0x34c: {  	[tilespmem:s3], [sflag:$0x1] =	stream.linear.gather [hbm4b:s22+s30], $0x200, $0x38;
	[tilespmem:$0x18780] =	vst v63  }
0x34d: {  	s22 =	sadd.s32 $0xE00, s13;
	s3 =	simm.s32 $0x9038  }
0x34e: {  	[tilespmem:s3], [sflag:$0x1] =	stream.linear.gather [hbm4b:s22+s30], $0x200, $0x38;
	[tilespmem:$0x18780] =	vst v63  }
0x34f: {  	s22 =	sadd.s32 $0x1000, s13;
	s3 =	simm.s32 $0x9240  }
0x350: {  	[tilespmem:s3], [sflag:$0x1] =	stream.linear.gather [hbm4b:s22+s30], $0x200, $0x38;
	[tilespmem:$0x18780] =	vst v63  }
0x351: {  	s22 =	sadd.s32 $0x1200, s13;
	s3 =	simm.s32 $0x9448  }
0x352: {  	[tilespmem:s3], [sflag:$0x1] =	stream.linear.gather [hbm4b:s22+s30], $0x200, $0x38;
	[tilespmem:$0x18780] =	vst v63  }
0x353: {  	s22 =	sadd.s32 $0x1400, s13;
	s3 =	simm.s32 $0x9650  }
0x354: {  	[tilespmem:s3], [sflag:$0x1] =	stream.linear.gather [hbm4b:s22+s30], $0x200, $0x38;
	[tilespmem:$0x18780] =	vst v63  }
0x355: {  	s22 =	sadd.s32 $0x1600, s13;
	s3 =	simm.s32 $0x9858  }
0x356: {  	[tilespmem:s3], [sflag:$0x1] =	stream.linear.gather [hbm4b:s22+s30], $0x200, $0x38;
	[tilespmem:$0x18780] =	vst v63  }
0x357: {  	s22 =	sadd.s32 $0x1800, s13;
	s3 =	simm.s32 $0x9A60  }
0x358: {  	[tilespmem:s3], [sflag:$0x1] =	stream.linear.gather [hbm4b:s22+s30], $0x200, $0x38;
	[tilespmem:$0x18780] =	vst v63  }
0x359: {  	s22 =	sadd.s32 $0x1A00, s13;
	s3 =	simm.s32 $0x9C68  }
0x35a: {  	[tilespmem:s3], [sflag:$0x1] =	stream.linear.gather [hbm4b:s22+s30], $0x200, $0x38;
	[tilespmem:$0x18780] =	vst v63  }
0x35b: {  	s22 =	sadd.s32 $0x1C00, s13;
	s3 =	simm.s32 $0x9E70  }
0x35c: {  	[tilespmem:s3], [sflag:$0x1] =	stream.linear.gather [hbm4b:s22+s30], $0x200, $0x38;
	[tilespmem:$0x18780] =	vst v63  }
0x35d: {  	s22 =	sadd.s32 $0x1E00, s13;
	s3 =	simm.s32 $0xA078  }
0x35e: {  	[tilespmem:s3], [sflag:$0x1] =	stream.linear.gather [hbm4b:s22+s30], $0x200, $0x38;
	[tilespmem:$0x18780] =	vst v63  }
.LBB2_10:
0x35f: {  	v5 =	vmov s30  }
0x360: {  	v5 =	vand.u32 $0x1FC, v5  }
0x361: {  	v5 =	vadd.s32 v4, v5;
	_ =	sdelay $0x4  }
0x362: {  	v6 =	vld.idx.msk [tilespmem:v5+s1+$0x0], $0xffff;
	_ =	sdelay $0x4  }
0x363: {  	v7 =	vadd.s32 v2, v6;
	_ =	sdelay $0x4  }
0x364: {  	v8 =	vld.idx.msk [tilespmem:v7+s23+$0x0], $0xffff;
	_ =	sdelay $0x4  }
0x365: {  	v9 =	vld.idx.msk [tilespmem:v5+s20+$0x0], $0xffff;
	v10 =	vadd.s32 $0x1, v8  }
0x366: {  	v5 =	vld.idx.msk [tilespmem:v5+s29+$0x0], $0xffff;
	[tilespmem:v7+s23+$0x0] =	vst.idx.msk $0xffff, v10  }
0x367: {  	v7 =	vld.idx.msk [tilespmem:v6+s31+$0x0], $0xffff  }
0x368: {  	v8 =	vcvt.s32.f32 v8;
	_ =	sdelay $0x1  }
0x369: {  	v8 =	vadd.f32 $5.000000000e-01, v8;
	_ =	sdelay $0x1  }
0x36a: {  	v8 =	vmul.f32 v7, v8;
	_ =	sdelay $0x1  }
0x36b: {  	v8 =	vtrunc.f32 v8  }
0x36c: {  	v8 =	vcvt.f32.s32 v8  }
0x36d: {  	v6 =	vmul.u32 $0xF, v6  }
0x36e: {  	vm0 =	vgt.f32 v7, $0.0e+00;
	vm1 =	vlt.s32 v8, $0xF  }
0x36f: {  	s2 =	sadd.s32 $0x1, s30;
	v6 =	vadd.s32 v8, v6;
	vm0 =	vmand vm0, vm1  }
0x370: {  	v7 =	vmov s2;
	v6 =	vadd.s32 v3, v6  }
0x371: {  	v7 =	vand.u32 $0x1FD, v7  }
0x372: {  	v7 =	vadd.s32 v4, v7;
	_ =	sdelay $0x2  }
0x373: {  	[tilespmem:v6+s0+$0x0] =	vst.idx.add.f32.msk vm0, v9  }
0x374: {  	[tilespmem:v6+s24+$0x0] =	vst.idx.add.f32.msk vm0, v5  }
0x375: {  	v5 =	vld.idx.msk [tilespmem:v7+s1+$0x0], $0xffff;
	_ =	sdelay $0x4  }
0x376: {  	v6 =	vadd.s32 v2, v5;
	_ =	sdelay $0x4  }
0x377: {  	v58 =	vld.idx.msk [tilespmem:v6+s23+$0x0], $0xffff;
	_ =	sdelay $0x4  }
0x378: {  	v9 =	vld.idx.msk [tilespmem:v7+s20+$0x0], $0xffff;
	v59 =	vadd.s32 $0x1, v58  }
0x379: {  	v7 =	vld.idx.msk [tilespmem:v7+s29+$0x0], $0xffff;
	[tilespmem:v6+s23+$0x0] =	vst.idx.msk $0xffff, v59  }
0x37a: {  	v6 =	vld.idx.msk [tilespmem:v5+s31+$0x0], $0xffff  }
0x37b: {  	v8 =	vcvt.s32.f32 v58;
	_ =	sdelay $0x1  }
0x37c: {  	v8 =	vadd.f32 $5.000000000e-01, v8;
	_ =	sdelay $0x1  }
0x37d: {  	v8 =	vmul.f32 v6, v8;
	_ =	sdelay $0x1  }
0x37e: {  	v8 =	vtrunc.f32 v8  }
0x37f: {  	v8 =	vcvt.f32.s32 v8  }
0x380: {  	v5 =	vmul.u32 $0xF, v5  }
0x381: {  	vm10 =	vgt.f32 v6, $0.0e+00;
	vm11 =	vlt.s32 v8, $0xF  }
0x382: {  	s3 =	sadd.s32 $0x2, s30;
	v5 =	vadd.s32 v8, v5;
	vm0 =	vmand vm10, vm11  }
0x383: {  	v6 =	vmov s3;
	v5 =	vadd.s32 v3, v5  }
0x384: {  	v6 =	vand.u32 $0x1FE, v6  }
0x385: {  	v6 =	vadd.s32 v4, v6;
	_ =	sdelay $0x2  }
0x386: {  	[tilespmem:v5+s0+$0x0] =	vst.idx.add.f32.msk vm0, v9  }
0x387: {  	[tilespmem:v5+s24+$0x0] =	vst.idx.add.f32.msk vm0, v7  }
0x388: {  	v5 =	vld.idx.msk [tilespmem:v6+s1+$0x0], $0xffff;
	_ =	sdelay $0x4  }
0x389: {  	v7 =	vadd.s32 v2, v5;
	_ =	sdelay $0x4  }
0x38a: {  	v60 =	vld.idx.msk [tilespmem:v7+s23+$0x0], $0xffff;
	_ =	sdelay $0x4  }
0x38b: {  	v9 =	vld.idx.msk [tilespmem:v6+s20+$0x0], $0xffff;
	v61 =	vadd.s32 $0x1, v60  }
0x38c: {  	v6 =	vld.idx.msk [tilespmem:v6+s29+$0x0], $0xffff;
	[tilespmem:v7+s23+$0x0] =	vst.idx.msk $0xffff, v61  }
0x38d: {  	v7 =	vld.idx.msk [tilespmem:v5+s31+$0x0], $0xffff  }
0x38e: {  	v8 =	vcvt.s32.f32 v60;
	_ =	sdelay $0x1  }
0x38f: {  	v8 =	vadd.f32 $5.000000000e-01, v8;
	_ =	sdelay $0x1  }
0x390: {  	v8 =	vmul.f32 v7, v8;
	_ =	sdelay $0x1  }
0x391: {  	v8 =	vtrunc.f32 v8  }
0x392: {  	v8 =	vcvt.f32.s32 v8  }
0x393: {  	v5 =	vmul.u32 $0xF, v5  }
0x394: {  	vm12 =	vgt.f32 v7, $0.0e+00;
	vm13 =	vlt.s32 v8, $0xF  }
0x395: {  	s22 =	sadd.s32 $0x3, s30;
	v5 =	vadd.s32 v8, v5;
	vm0 =	vmand vm12, vm13  }
0x396: {  	v7 =	vmov s22;
	v5 =	vadd.s32 v3, v5  }
0x397: {  	v7 =	vand.u32 $0x1FF, v7  }
0x398: {  	v7 =	vadd.s32 v4, v7;
	_ =	sdelay $0x2  }
0x399: {  	[tilespmem:v5+s0+$0x0] =	vst.idx.add.f32.msk vm0, v9  }
0x39a: {  	[tilespmem:v5+s24+$0x0] =	vst.idx.add.f32.msk vm0, v6  }
0x39b: {  	v5 =	vld.idx.msk [tilespmem:v7+s1+$0x0], $0xffff;
	_ =	sdelay $0x4  }
0x39c: {  	v6 =	vadd.s32 v2, v5;
	_ =	sdelay $0x4  }
0x39d: {  	v62 =	vld.idx.msk [tilespmem:v6+s23+$0x0], $0xffff;
	_ =	sdelay $0x4  }
0x39e: {  	v9 =	vld.idx.msk [tilespmem:v7+s20+$0x0], $0xffff;
	v63 =	vadd.s32 $0x1, v62  }
0x39f: {  	v7 =	vld.idx.msk [tilespmem:v7+s29+$0x0], $0xffff;
	[tilespmem:v6+s23+$0x0] =	vst.idx.msk $0xffff, v63  }
0x3a0: {  	v6 =	vld.idx.msk [tilespmem:v5+s31+$0x0], $0xffff  }
0x3a1: {  	v8 =	vcvt.s32.f32 v62;
	_ =	sdelay $0x1  }
0x3a2: {  	v8 =	vadd.f32 $5.000000000e-01, v8;
	_ =	sdelay $0x1  }
0x3a3: {  	v8 =	vmul.f32 v6, v8;
	_ =	sdelay $0x1  }
0x3a4: {  	v8 =	vtrunc.f32 v8  }
0x3a5: {  	v8 =	vcvt.f32.s32 v8  }
0x3a6: {  	v5 =	vmul.u32 $0xF, v5  }
0x3a7: {  	vm14 =	vgt.f32 v6, $0.0e+00;
	vm15 =	vlt.s32 v8, $0xF  }
0x3a8: {  	v5 =	vadd.s32 v8, v5;
	vm0 =	vmand vm14, vm15  }
0x3a9: {  	v5 =	vadd.s32 v3, v5  }
0x3aa: {  	p0 =	sne.s32 s30, $0x1FC  }
.Ltmp4:
0x3ab: {  	_ = 	snop;
	(pc) =	sbr.rel @p0 .LBB2_10-.Ltmp4, $3  }
0x3ac: {  	_ =	sdelay $0x1  }
0x3ad: {  	[tilespmem:v5+s0+$0x0] =	vst.idx.add.f32.msk vm0, v9  }
0x3ae: {  	s30 =	sadd.s32 $0x4, s30;
	[tilespmem:v5+s24+$0x0] =	vst.idx.add.f32.msk vm0, v7  }
0x3af: {  	_ =	swait.ge [sflag:s21], $0x2000  }
0x3b0: {  	[sflag:s21] =	ssyncset.done $0x0  }
0x3b1: {  	[sflag:s21] =	ssyncadd.s32 $0xFFFFE000  }
0x3b2: {  	_ =	swait.ge [sflag:s21], $0x2000  }
0x3b3: {  	[sflag:s21] =	ssyncset.done $0x0  }
0x3b4: {  	[sflag:s21] =	ssyncadd.s32 $0xFFFFE000  }
0x3b5: {  	_ =	swait.ge [sflag:s21], $0x2000  }
0x3b6: {  	[sflag:s21] =	ssyncset.done $0x0  }
0x3b7: {  	s30 =	simm.s32 $0x0;
	s2 =	simm.s32 $0x2080;
	[sflag:s21] =	ssyncadd.s32 $0xFFFFE000  }
0x3b8: {  	[tilespmem:s2], [sflag:$0x1] =	stream.linear.gather [hbm4b:s14+s30], $0x200, $0x38;
	[tilespmem:$0x18780] =	vst v63  }
0x3b9: {  	s22 =	sadd.s32 $0x200, s14;
	s3 =	simm.s32 $0x2288  }
0x3ba: {  	[tilespmem:s3], [sflag:$0x1] =	stream.linear.gather [hbm4b:s22+s30], $0x200, $0x38;
	[tilespmem:$0x18780] =	vst v63  }
0x3bb: {  	s3 =	sadd.s32 $0x400, s14;
	s22 =	simm.s32 $0x2490  }
0x3bc: {  	[tilespmem:s22], [sflag:$0x1] =	stream.linear.gather [hbm4b:s3+s30], $0x200, $0x38;
	[tilespmem:$0x18780] =	vst v63  }
0x3bd: {  	s3 =	sadd.s32 $0x600, s14;
	s22 =	simm.s32 $0x2698  }
0x3be: {  	[tilespmem:s22], [sflag:$0x1] =	stream.linear.gather [hbm4b:s3+s30], $0x200, $0x38;
	[tilespmem:$0x18780] =	vst v63  }
0x3bf: {  	s3 =	sadd.s32 $0x800, s14;
	s22 =	simm.s32 $0x28A0  }
0x3c0: {  	[tilespmem:s22], [sflag:$0x1] =	stream.linear.gather [hbm4b:s3+s30], $0x200, $0x38;
	[tilespmem:$0x18780] =	vst v63  }
0x3c1: {  	s3 =	sadd.s32 $0xA00, s14;
	s22 =	simm.s32 $0x2AA8  }
0x3c2: {  	[tilespmem:s22], [sflag:$0x1] =	stream.linear.gather [hbm4b:s3+s30], $0x200, $0x38;
	[tilespmem:$0x18780] =	vst v63  }
0x3c3: {  	s3 =	sadd.s32 $0xC00, s14;
	s22 =	simm.s32 $0x2CB0  }
0x3c4: {  	[tilespmem:s22], [sflag:$0x1] =	stream.linear.gather [hbm4b:s3+s30], $0x200, $0x38;
	[tilespmem:$0x18780] =	vst v63  }
0x3c5: {  	s3 =	sadd.s32 $0xE00, s14;
	s22 =	simm.s32 $0x2EB8  }
0x3c6: {  	[tilespmem:s22], [sflag:$0x1] =	stream.linear.gather [hbm4b:s3+s30], $0x200, $0x38;
	[tilespmem:$0x18780] =	vst v63  }
0x3c7: {  	s3 =	sadd.s32 $0x1000, s14;
	s22 =	simm.s32 $0x30C0  }
0x3c8: {  	[tilespmem:s22], [sflag:$0x1] =	stream.linear.gather [hbm4b:s3+s30], $0x200, $0x38;
	[tilespmem:$0x18780] =	vst v63  }
0x3c9: {  	s3 =	sadd.s32 $0x1200, s14;
	s22 =	simm.s32 $0x32C8  }
0x3ca: {  	[tilespmem:s22], [sflag:$0x1] =	stream.linear.gather [hbm4b:s3+s30], $0x200, $0x38;
	[tilespmem:$0x18780] =	vst v63  }
0x3cb: {  	s3 =	sadd.s32 $0x1400, s14;
	s22 =	simm.s32 $0x34D0  }
0x3cc: {  	[tilespmem:s22], [sflag:$0x1] =	stream.linear.gather [hbm4b:s3+s30], $0x200, $0x38;
	[tilespmem:$0x18780] =	vst v63  }
0x3cd: {  	s3 =	sadd.s32 $0x1600, s14;
	s22 =	simm.s32 $0x36D8  }
0x3ce: {  	[tilespmem:s22], [sflag:$0x1] =	stream.linear.gather [hbm4b:s3+s30], $0x200, $0x38;
	[tilespmem:$0x18780] =	vst v63  }
0x3cf: {  	s3 =	sadd.s32 $0x1800, s14;
	s22 =	simm.s32 $0x38E0  }
0x3d0: {  	[tilespmem:s22], [sflag:$0x1] =	stream.linear.gather [hbm4b:s3+s30], $0x200, $0x38;
	[tilespmem:$0x18780] =	vst v63  }
0x3d1: {  	s3 =	sadd.s32 $0x1A00, s14;
	s22 =	simm.s32 $0x3AE8  }
0x3d2: {  	[tilespmem:s22], [sflag:$0x1] =	stream.linear.gather [hbm4b:s3+s30], $0x200, $0x38;
	[tilespmem:$0x18780] =	vst v63  }
0x3d3: {  	s3 =	sadd.s32 $0x1C00, s14;
	s22 =	simm.s32 $0x3CF0  }
0x3d4: {  	[tilespmem:s22], [sflag:$0x1] =	stream.linear.gather [hbm4b:s3+s30], $0x200, $0x38;
	[tilespmem:$0x18780] =	vst v63  }
0x3d5: {  	s3 =	sadd.s32 $0x1E00, s14;
	s22 =	simm.s32 $0x3EF8  }
0x3d6: {  	[tilespmem:s22], [sflag:$0x1] =	stream.linear.gather [hbm4b:s3+s30], $0x200, $0x38;
	[tilespmem:$0x18780] =	vst v63  }
0x3d7: {  	s22 =	simm.s32 $0x6180  }
0x3d8: {  	[tilespmem:s22], [sflag:$0x1] =	stream.linear.gather [hbm4b:s15+s30], $0x200, $0x38;
	[tilespmem:$0x18780] =	vst v63  }
0x3d9: {  	s3 =	sadd.s32 $0x200, s15;
	s22 =	simm.s32 $0x6388  }
0x3da: {  	[tilespmem:s22], [sflag:$0x1] =	stream.linear.gather [hbm4b:s3+s30], $0x200, $0x38;
	[tilespmem:$0x18780] =	vst v63  }
0x3db: {  	s3 =	sadd.s32 $0x400, s15;
	s22 =	simm.s32 $0x6590  }
0x3dc: {  	[tilespmem:s22], [sflag:$0x1] =	stream.linear.gather [hbm4b:s3+s30], $0x200, $0x38;
	[tilespmem:$0x18780] =	vst v63  }
0x3dd: {  	s3 =	sadd.s32 $0x600, s15;
	s22 =	simm.s32 $0x6798  }
0x3de: {  	[tilespmem:s22], [sflag:$0x1] =	stream.linear.gather [hbm4b:s3+s30], $0x200, $0x38;
	[tilespmem:$0x18780] =	vst v63  }
0x3df: {  	s3 =	sadd.s32 $0x800, s15;
	s22 =	simm.s32 $0x69A0  }
0x3e0: {  	[tilespmem:s22], [sflag:$0x1] =	stream.linear.gather [hbm4b:s3+s30], $0x200, $0x38;
	[tilespmem:$0x18780] =	vst v63  }
0x3e1: {  	s3 =	sadd.s32 $0xA00, s15;
	s22 =	simm.s32 $0x6BA8  }
0x3e2: {  	[tilespmem:s22], [sflag:$0x1] =	stream.linear.gather [hbm4b:s3+s30], $0x200, $0x38;
	[tilespmem:$0x18780] =	vst v63  }
0x3e3: {  	s3 =	sadd.s32 $0xC00, s15;
	s22 =	simm.s32 $0x6DB0  }
0x3e4: {  	[tilespmem:s22], [sflag:$0x1] =	stream.linear.gather [hbm4b:s3+s30], $0x200, $0x38;
	[tilespmem:$0x18780] =	vst v63  }
0x3e5: {  	s3 =	sadd.s32 $0xE00, s15;
	s22 =	simm.s32 $0x6FB8  }
0x3e6: {  	[tilespmem:s22], [sflag:$0x1] =	stream.linear.gather [hbm4b:s3+s30], $0x200, $0x38;
	[tilespmem:$0x18780] =	vst v63  }
0x3e7: {  	s3 =	sadd.s32 $0x1000, s15;
	s22 =	simm.s32 $0x71C0  }
0x3e8: {  	[tilespmem:s22], [sflag:$0x1] =	stream.linear.gather [hbm4b:s3+s30], $0x200, $0x38;
	[tilespmem:$0x18780] =	vst v63  }
0x3e9: {  	s3 =	sadd.s32 $0x1200, s15;
	s22 =	simm.s32 $0x73C8  }
0x3ea: {  	[tilespmem:s22], [sflag:$0x1] =	stream.linear.gather [hbm4b:s3+s30], $0x200, $0x38;
	[tilespmem:$0x18780] =	vst v63  }
0x3eb: {  	s3 =	sadd.s32 $0x1400, s15;
	s22 =	simm.s32 $0x75D0  }
0x3ec: {  	[tilespmem:s22], [sflag:$0x1] =	stream.linear.gather [hbm4b:s3+s30], $0x200, $0x38;
	[tilespmem:$0x18780] =	vst v63  }
0x3ed: {  	s3 =	sadd.s32 $0x1600, s15;
	s22 =	simm.s32 $0x77D8  }
0x3ee: {  	[tilespmem:s22], [sflag:$0x1] =	stream.linear.gather [hbm4b:s3+s30], $0x200, $0x38;
	[tilespmem:$0x18780] =	vst v63  }
0x3ef: {  	s3 =	sadd.s32 $0x1800, s15;
	s22 =	simm.s32 $0x79E0  }
0x3f0: {  	[tilespmem:s22], [sflag:$0x1] =	stream.linear.gather [hbm4b:s3+s30], $0x200, $0x38;
	[tilespmem:$0x18780] =	vst v63  }
0x3f1: {  	s3 =	sadd.s32 $0x1A00, s15;
	s22 =	simm.s32 $0x7BE8  }
0x3f2: {  	[tilespmem:s22], [sflag:$0x1] =	stream.linear.gather [hbm4b:s3+s30], $0x200, $0x38;
	[tilespmem:$0x18780] =	vst v63  }
0x3f3: {  	s3 =	sadd.s32 $0x1C00, s15;
	s22 =	simm.s32 $0x7DF0  }
0x3f4: {  	[tilespmem:s22], [sflag:$0x1] =	stream.linear.gather [hbm4b:s3+s30], $0x200, $0x38;
	[tilespmem:$0x18780] =	vst v63  }
0x3f5: {  	s3 =	sadd.s32 $0x1E00, s15;
	s22 =	simm.s32 $0x7FF8  }
0x3f6: {  	[tilespmem:s22], [sflag:$0x1] =	stream.linear.gather [hbm4b:s3+s30], $0x200, $0x38;
	[tilespmem:$0x18780] =	vst v63  }
0x3f7: {  	s22 =	simm.s32 $0xA280  }
0x3f8: {  	[tilespmem:s22], [sflag:$0x1] =	stream.linear.gather [hbm4b:s16+s30], $0x200, $0x38;
	[tilespmem:$0x18780] =	vst v63  }
0x3f9: {  	s3 =	sadd.s32 $0x200, s16;
	s22 =	simm.s32 $0xA488  }
0x3fa: {  	[tilespmem:s22], [sflag:$0x1] =	stream.linear.gather [hbm4b:s3+s30], $0x200, $0x38;
	[tilespmem:$0x18780] =	vst v63  }
0x3fb: {  	s3 =	sadd.s32 $0x400, s16;
	s22 =	simm.s32 $0xA690  }
0x3fc: {  	[tilespmem:s22], [sflag:$0x1] =	stream.linear.gather [hbm4b:s3+s30], $0x200, $0x38;
	[tilespmem:$0x18780] =	vst v63  }
0x3fd: {  	s3 =	sadd.s32 $0x600, s16;
	s22 =	simm.s32 $0xA898  }
0x3fe: {  	[tilespmem:s22], [sflag:$0x1] =	stream.linear.gather [hbm4b:s3+s30], $0x200, $0x38;
	[tilespmem:$0x18780] =	vst v63  }
0x3ff: {  	s3 =	sadd.s32 $0x800, s16;
	s22 =	simm.s32 $0xAAA0  }
0x400: {  	[tilespmem:s22], [sflag:$0x1] =	stream.linear.gather [hbm4b:s3+s30], $0x200, $0x38;
	[tilespmem:$0x18780] =	vst v63  }
0x401: {  	s3 =	sadd.s32 $0xA00, s16;
	s22 =	simm.s32 $0xACA8  }
0x402: {  	[tilespmem:s22], [sflag:$0x1] =	stream.linear.gather [hbm4b:s3+s30], $0x200, $0x38;
	[tilespmem:$0x18780] =	vst v63  }
0x403: {  	s3 =	sadd.s32 $0xC00, s16;
	s22 =	simm.s32 $0xAEB0  }
0x404: {  	[tilespmem:s22], [sflag:$0x1] =	stream.linear.gather [hbm4b:s3+s30], $0x200, $0x38;
	[tilespmem:$0x18780] =	vst v63  }
0x405: {  	s3 =	sadd.s32 $0xE00, s16;
	s22 =	simm.s32 $0xB0B8  }
0x406: {  	[tilespmem:s22], [sflag:$0x1] =	stream.linear.gather [hbm4b:s3+s30], $0x200, $0x38;
	[tilespmem:$0x18780] =	vst v63  }
0x407: {  	s3 =	sadd.s32 $0x1000, s16;
	s22 =	simm.s32 $0xB2C0  }
0x408: {  	[tilespmem:s22], [sflag:$0x1] =	stream.linear.gather [hbm4b:s3+s30], $0x200, $0x38;
	[tilespmem:$0x18780] =	vst v63  }
0x409: {  	s3 =	sadd.s32 $0x1200, s16;
	s22 =	simm.s32 $0xB4C8  }
0x40a: {  	[tilespmem:s22], [sflag:$0x1] =	stream.linear.gather [hbm4b:s3+s30], $0x200, $0x38;
	[tilespmem:$0x18780] =	vst v63  }
0x40b: {  	s3 =	sadd.s32 $0x1400, s16;
	s22 =	simm.s32 $0xB6D0  }
0x40c: {  	[tilespmem:s22], [sflag:$0x1] =	stream.linear.gather [hbm4b:s3+s30], $0x200, $0x38;
	[tilespmem:$0x18780] =	vst v63  }
0x40d: {  	s3 =	sadd.s32 $0x1600, s16;
	s22 =	simm.s32 $0xB8D8  }
0x40e: {  	[tilespmem:s22], [sflag:$0x1] =	stream.linear.gather [hbm4b:s3+s30], $0x200, $0x38;
	[tilespmem:$0x18780] =	vst v63  }
0x40f: {  	s3 =	sadd.s32 $0x1800, s16;
	s22 =	simm.s32 $0xBAE0  }
0x410: {  	[tilespmem:s22], [sflag:$0x1] =	stream.linear.gather [hbm4b:s3+s30], $0x200, $0x38;
	[tilespmem:$0x18780] =	vst v63  }
0x411: {  	s3 =	sadd.s32 $0x1A00, s16;
	s22 =	simm.s32 $0xBCE8  }
0x412: {  	[tilespmem:s22], [sflag:$0x1] =	stream.linear.gather [hbm4b:s3+s30], $0x200, $0x38;
	[tilespmem:$0x18780] =	vst v63  }
0x413: {  	s3 =	sadd.s32 $0x1C00, s16;
	s22 =	simm.s32 $0xBEF0  }
0x414: {  	[tilespmem:s22], [sflag:$0x1] =	stream.linear.gather [hbm4b:s3+s30], $0x200, $0x38;
	[tilespmem:$0x18780] =	vst v63  }
0x415: {  	s3 =	sadd.s32 $0x1E00, s16;
	s22 =	simm.s32 $0xC0F8  }
0x416: {  	[tilespmem:s22], [sflag:$0x1] =	stream.linear.gather [hbm4b:s3+s30], $0x200, $0x38;
	[tilespmem:$0x18780] =	vst v63  }
.LBB2_12:
0x417: {  	v5 =	vmov s30  }
0x418: {  	v5 =	vand.u32 $0x1FC, v5  }
0x419: {  	v5 =	vadd.s32 v0, v5;
	_ =	sdelay $0x4  }
0x41a: {  	v6 =	vld.idx.msk [tilespmem:v5+s1+$0x0], $0xffff;
	_ =	sdelay $0x4  }
0x41b: {  	v7 =	vadd.s32 v2, v6;
	_ =	sdelay $0x4  }
0x41c: {  	v8 =	vld.idx.msk [tilespmem:v7+s23+$0x0], $0xffff;
	_ =	sdelay $0x4  }
0x41d: {  	v9 =	vld.idx.msk [tilespmem:v5+s20+$0x0], $0xffff;
	v10 =	vadd.s32 $0x1, v8  }
0x41e: {  	v5 =	vld.idx.msk [tilespmem:v5+s29+$0x0], $0xffff;
	[tilespmem:v7+s23+$0x0] =	vst.idx.msk $0xffff, v10  }
0x41f: {  	v7 =	vld.idx.msk [tilespmem:v6+s31+$0x0], $0xffff  }
0x420: {  	v8 =	vcvt.s32.f32 v8;
	_ =	sdelay $0x1  }
0x421: {  	v8 =	vadd.f32 $5.000000000e-01, v8;
	_ =	sdelay $0x1  }
0x422: {  	v8 =	vmul.f32 v7, v8;
	_ =	sdelay $0x1  }
0x423: {  	v8 =	vtrunc.f32 v8  }
0x424: {  	v8 =	vcvt.f32.s32 v8  }
0x425: {  	v6 =	vmul.u32 $0xF, v6  }
0x426: {  	vm0 =	vgt.f32 v7, $0.0e+00;
	vm1 =	vlt.s32 v8, $0xF  }
0x427: {  	s2 =	sadd.s32 $0x1, s30;
	v6 =	vadd.s32 v8, v6;
	vm0 =	vmand vm0, vm1  }
0x428: {  	v7 =	vmov s2;
	v6 =	vadd.s32 v3, v6  }
0x429: {  	v7 =	vand.u32 $0x1FD, v7  }
0x42a: {  	v7 =	vadd.s32 v0, v7;
	_ =	sdelay $0x2  }
0x42b: {  	[tilespmem:v6+s0+$0x0] =	vst.idx.add.f32.msk vm0, v9  }
0x42c: {  	[tilespmem:v6+s24+$0x0] =	vst.idx.add.f32.msk vm0, v5  }
0x42d: {  	v5 =	vld.idx.msk [tilespmem:v7+s1+$0x0], $0xffff;
	_ =	sdelay $0x4  }
0x42e: {  	v6 =	vadd.s32 v2, v5;
	_ =	sdelay $0x4  }
0x42f: {  	v58 =	vld.idx.msk [tilespmem:v6+s23+$0x0], $0xffff;
	_ =	sdelay $0x4  }
0x430: {  	v9 =	vld.idx.msk [tilespmem:v7+s20+$0x0], $0xffff;
	v59 =	vadd.s32 $0x1, v58  }
0x431: {  	v7 =	vld.idx.msk [tilespmem:v7+s29+$0x0], $0xffff;
	[tilespmem:v6+s23+$0x0] =	vst.idx.msk $0xffff, v59  }
0x432: {  	v6 =	vld.idx.msk [tilespmem:v5+s31+$0x0], $0xffff  }
0x433: {  	v8 =	vcvt.s32.f32 v58;
	_ =	sdelay $0x1  }
0x434: {  	v8 =	vadd.f32 $5.000000000e-01, v8;
	_ =	sdelay $0x1  }
0x435: {  	v8 =	vmul.f32 v6, v8;
	_ =	sdelay $0x1  }
0x436: {  	v8 =	vtrunc.f32 v8  }
0x437: {  	v8 =	vcvt.f32.s32 v8  }
0x438: {  	v5 =	vmul.u32 $0xF, v5  }
0x439: {  	vm10 =	vgt.f32 v6, $0.0e+00;
	vm11 =	vlt.s32 v8, $0xF  }
0x43a: {  	s3 =	sadd.s32 $0x2, s30;
	v5 =	vadd.s32 v8, v5;
	vm0 =	vmand vm10, vm11  }
0x43b: {  	v6 =	vmov s3;
	v5 =	vadd.s32 v3, v5  }
0x43c: {  	v6 =	vand.u32 $0x1FE, v6  }
0x43d: {  	v6 =	vadd.s32 v0, v6;
	_ =	sdelay $0x2  }
0x43e: {  	[tilespmem:v5+s0+$0x0] =	vst.idx.add.f32.msk vm0, v9  }
0x43f: {  	[tilespmem:v5+s24+$0x0] =	vst.idx.add.f32.msk vm0, v7  }
0x440: {  	v5 =	vld.idx.msk [tilespmem:v6+s1+$0x0], $0xffff;
	_ =	sdelay $0x4  }
0x441: {  	v7 =	vadd.s32 v2, v5;
	_ =	sdelay $0x4  }
0x442: {  	v60 =	vld.idx.msk [tilespmem:v7+s23+$0x0], $0xffff;
	_ =	sdelay $0x4  }
0x443: {  	v9 =	vld.idx.msk [tilespmem:v6+s20+$0x0], $0xffff;
	v61 =	vadd.s32 $0x1, v60  }
0x444: {  	v6 =	vld.idx.msk [tilespmem:v6+s29+$0x0], $0xffff;
	[tilespmem:v7+s23+$0x0] =	vst.idx.msk $0xffff, v61  }
0x445: {  	v7 =	vld.idx.msk [tilespmem:v5+s31+$0x0], $0xffff  }
0x446: {  	v8 =	vcvt.s32.f32 v60;
	_ =	sdelay $0x1  }
0x447: {  	v8 =	vadd.f32 $5.000000000e-01, v8;
	_ =	sdelay $0x1  }
0x448: {  	v8 =	vmul.f32 v7, v8;
	_ =	sdelay $0x1  }
0x449: {  	v8 =	vtrunc.f32 v8  }
0x44a: {  	v8 =	vcvt.f32.s32 v8  }
0x44b: {  	v5 =	vmul.u32 $0xF, v5  }
0x44c: {  	vm12 =	vgt.f32 v7, $0.0e+00;
	vm13 =	vlt.s32 v8, $0xF  }
0x44d: {  	s22 =	sadd.s32 $0x3, s30;
	v5 =	vadd.s32 v8, v5;
	vm0 =	vmand vm12, vm13  }
0x44e: {  	v7 =	vmov s22;
	v5 =	vadd.s32 v3, v5  }
0x44f: {  	v7 =	vand.u32 $0x1FF, v7  }
0x450: {  	v7 =	vadd.s32 v0, v7;
	_ =	sdelay $0x2  }
0x451: {  	[tilespmem:v5+s0+$0x0] =	vst.idx.add.f32.msk vm0, v9  }
0x452: {  	[tilespmem:v5+s24+$0x0] =	vst.idx.add.f32.msk vm0, v6  }
0x453: {  	v5 =	vld.idx.msk [tilespmem:v7+s1+$0x0], $0xffff;
	_ =	sdelay $0x4  }
0x454: {  	v6 =	vadd.s32 v2, v5;
	_ =	sdelay $0x4  }
0x455: {  	v62 =	vld.idx.msk [tilespmem:v6+s23+$0x0], $0xffff;
	_ =	sdelay $0x4  }
0x456: {  	v9 =	vld.idx.msk [tilespmem:v7+s20+$0x0], $0xffff;
	v63 =	vadd.s32 $0x1, v62  }
0x457: {  	v7 =	vld.idx.msk [tilespmem:v7+s29+$0x0], $0xffff;
	[tilespmem:v6+s23+$0x0] =	vst.idx.msk $0xffff, v63  }
0x458: {  	v6 =	vld.idx.msk [tilespmem:v5+s31+$0x0], $0xffff  }
0x459: {  	v8 =	vcvt.s32.f32 v62;
	_ =	sdelay $0x1  }
0x45a: {  	v8 =	vadd.f32 $5.000000000e-01, v8;
	_ =	sdelay $0x1  }
0x45b: {  	v8 =	vmul.f32 v6, v8;
	_ =	sdelay $0x1  }
0x45c: {  	v8 =	vtrunc.f32 v8  }
0x45d: {  	v8 =	vcvt.f32.s32 v8  }
0x45e: {  	v5 =	vmul.u32 $0xF, v5  }
0x45f: {  	vm14 =	vgt.f32 v6, $0.0e+00;
	vm15 =	vlt.s32 v8, $0xF  }
0x460: {  	v5 =	vadd.s32 v8, v5;
	vm0 =	vmand vm14, vm15  }
0x461: {  	v5 =	vadd.s32 v3, v5  }
0x462: {  	p0 =	sne.s32 s30, $0x1FC  }
.Ltmp5:
0x463: {  	_ = 	snop;
	(pc) =	sbr.rel @p0 .LBB2_12-.Ltmp5, $3  }
0x464: {  	_ =	sdelay $0x1  }
0x465: {  	[tilespmem:v5+s0+$0x0] =	vst.idx.add.f32.msk vm0, v9  }
0x466: {  	s30 =	sadd.s32 $0x4, s30;
	[tilespmem:v5+s24+$0x0] =	vst.idx.add.f32.msk vm0, v7  }
0x467: {  	_ =	swait.ge [sflag:s21], $0x2000  }
0x468: {  	[sflag:s21] =	ssyncset.done $0x0  }
0x469: {  	[sflag:s21] =	ssyncadd.s32 $0xFFFFE000  }
0x46a: {  	_ =	swait.ge [sflag:s21], $0x2000  }
0x46b: {  	[sflag:s21] =	ssyncset.done $0x0  }
0x46c: {  	[sflag:s21] =	ssyncadd.s32 $0xFFFFE000  }
0x46d: {  	_ =	swait.ge [sflag:s21], $0x2000  }
0x46e: {  	[sflag:s21] =	ssyncset.done $0x0  }
0x46f: {  	s30 =	simm.s32 $0x0;
	[sflag:s21] =	ssyncadd.s32 $0xFFFFE000  }
0x470: {  	[tilespmem:s30], [sflag:$0x1] =	stream.linear.gather [hbm4b:s17+s30], $0x200, $0x38;
	[tilespmem:$0x18780] =	vst v63  }
0x471: {  	s2 =	sadd.s32 $0x200, s17;
	s3 =	simm.s32 $0x208  }
0x472: {  	[tilespmem:s3], [sflag:$0x1] =	stream.linear.gather [hbm4b:s2+s30], $0x200, $0x38;
	[tilespmem:$0x18780] =	vst v63  }
0x473: {  	s22 =	simm.s32 $0x410;
	s3 =	sadd.s32 $0x400, s17  }
0x474: {  	[tilespmem:s22], [sflag:$0x1] =	stream.linear.gather [hbm4b:s3+s30], $0x200, $0x38;
	[tilespmem:$0x18780] =	vst v63  }
0x475: {  	s22 =	sadd.s32 $0x600, s17;
	s3 =	simm.s32 $0x618  }
0x476: {  	[tilespmem:s3], [sflag:$0x1] =	stream.linear.gather [hbm4b:s22+s30], $0x200, $0x38;
	[tilespmem:$0x18780] =	vst v63  }
0x477: {  	s22 =	sadd.s32 $0x800, s17;
	s3 =	simm.s32 $0x820  }
0x478: {  	[tilespmem:s3], [sflag:$0x1] =	stream.linear.gather [hbm4b:s22+s30], $0x200, $0x38;
	[tilespmem:$0x18780] =	vst v63  }
0x479: {  	s22 =	sadd.s32 $0xA00, s17;
	s3 =	simm.s32 $0xA28  }
0x47a: {  	[tilespmem:s3], [sflag:$0x1] =	stream.linear.gather [hbm4b:s22+s30], $0x200, $0x38;
	[tilespmem:$0x18780] =	vst v63  }
0x47b: {  	s22 =	sadd.s32 $0xC00, s17;
	s3 =	simm.s32 $0xC30  }
0x47c: {  	[tilespmem:s3], [sflag:$0x1] =	stream.linear.gather [hbm4b:s22+s30], $0x200, $0x38;
	[tilespmem:$0x18780] =	vst v63  }
0x47d: {  	s22 =	sadd.s32 $0xE00, s17;
	s3 =	simm.s32 $0xE38  }
0x47e: {  	[tilespmem:s3], [sflag:$0x1] =	stream.linear.gather [hbm4b:s22+s30], $0x200, $0x38;
	[tilespmem:$0x18780] =	vst v63  }
0x47f: {  	s22 =	sadd.s32 $0x1000, s17;
	s3 =	simm.s32 $0x1040  }
0x480: {  	[tilespmem:s3], [sflag:$0x1] =	stream.linear.gather [hbm4b:s22+s30], $0x200, $0x38;
	[tilespmem:$0x18780] =	vst v63  }
0x481: {  	s22 =	sadd.s32 $0x1200, s17;
	s3 =	simm.s32 $0x1248  }
0x482: {  	[tilespmem:s3], [sflag:$0x1] =	stream.linear.gather [hbm4b:s22+s30], $0x200, $0x38;
	[tilespmem:$0x18780] =	vst v63  }
0x483: {  	s22 =	sadd.s32 $0x1400, s17;
	s3 =	simm.s32 $0x1450  }
0x484: {  	[tilespmem:s3], [sflag:$0x1] =	stream.linear.gather [hbm4b:s22+s30], $0x200, $0x38;
	[tilespmem:$0x18780] =	vst v63  }
0x485: {  	s22 =	sadd.s32 $0x1600, s17;
	s3 =	simm.s32 $0x1658  }
0x486: {  	[tilespmem:s3], [sflag:$0x1] =	stream.linear.gather [hbm4b:s22+s30], $0x200, $0x38;
	[tilespmem:$0x18780] =	vst v63  }
0x487: {  	s22 =	sadd.s32 $0x1800, s17;
	s3 =	simm.s32 $0x1860  }
0x488: {  	[tilespmem:s3], [sflag:$0x1] =	stream.linear.gather [hbm4b:s22+s30], $0x200, $0x38;
	[tilespmem:$0x18780] =	vst v63  }
0x489: {  	s22 =	sadd.s32 $0x1A00, s17;
	s3 =	simm.s32 $0x1A68  }
0x48a: {  	[tilespmem:s3], [sflag:$0x1] =	stream.linear.gather [hbm4b:s22+s30], $0x200, $0x38;
	[tilespmem:$0x18780] =	vst v63  }
0x48b: {  	s22 =	sadd.s32 $0x1C00, s17;
	s3 =	simm.s32 $0x1C70  }
0x48c: {  	[tilespmem:s3], [sflag:$0x1] =	stream.linear.gather [hbm4b:s22+s30], $0x200, $0x38;
	[tilespmem:$0x18780] =	vst v63  }
0x48d: {  	s22 =	sadd.s32 $0x1E00, s17;
	s3 =	simm.s32 $0x1E78  }
0x48e: {  	[tilespmem:s3], [sflag:$0x1] =	stream.linear.gather [hbm4b:s22+s30], $0x200, $0x38;
	[tilespmem:$0x18780] =	vst v63  }
0x48f: {  	_ = 	snop  }
0x490: {  	[tilespmem:s20], [sflag:$0x1] =	stream.linear.gather [hbm4b:s18+s30], $0x200, $0x38;
	[tilespmem:$0x18780] =	vst v63  }
0x491: {  	s22 =	sadd.s32 $0x200, s18;
	s3 =	simm.s32 $0x4308  }
0x492: {  	[tilespmem:s3], [sflag:$0x1] =	stream.linear.gather [hbm4b:s22+s30], $0x200, $0x38;
	[tilespmem:$0x18780] =	vst v63  }
0x493: {  	s22 =	sadd.s32 $0x400, s18;
	s3 =	simm.s32 $0x4510  }
0x494: {  	[tilespmem:s3], [sflag:$0x1] =	stream.linear.gather [hbm4b:s22+s30], $0x200, $0x38;
	[tilespmem:$0x18780] =	vst v63  }
0x495: {  	s22 =	sadd.s32 $0x600, s18;
	s3 =	simm.s32 $0x4718  }
0x496: {  	[tilespmem:s3], [sflag:$0x1] =	stream.linear.gather [hbm4b:s22+s30], $0x200, $0x38;
	[tilespmem:$0x18780] =	vst v63  }
0x497: {  	s22 =	sadd.s32 $0x800, s18;
	s3 =	simm.s32 $0x4920  }
0x498: {  	[tilespmem:s3], [sflag:$0x1] =	stream.linear.gather [hbm4b:s22+s30], $0x200, $0x38;
	[tilespmem:$0x18780] =	vst v63  }
0x499: {  	s22 =	sadd.s32 $0xA00, s18;
	s3 =	simm.s32 $0x4B28  }
0x49a: {  	[tilespmem:s3], [sflag:$0x1] =	stream.linear.gather [hbm4b:s22+s30], $0x200, $0x38;
	[tilespmem:$0x18780] =	vst v63  }
0x49b: {  	s22 =	sadd.s32 $0xC00, s18;
	s3 =	simm.s32 $0x4D30  }
0x49c: {  	[tilespmem:s3], [sflag:$0x1] =	stream.linear.gather [hbm4b:s22+s30], $0x200, $0x38;
	[tilespmem:$0x18780] =	vst v63  }
0x49d: {  	s22 =	sadd.s32 $0xE00, s18;
	s3 =	simm.s32 $0x4F38  }
0x49e: {  	[tilespmem:s3], [sflag:$0x1] =	stream.linear.gather [hbm4b:s22+s30], $0x200, $0x38;
	[tilespmem:$0x18780] =	vst v63  }
0x49f: {  	s22 =	sadd.s32 $0x1000, s18;
	s3 =	simm.s32 $0x5140  }
0x4a0: {  	[tilespmem:s3], [sflag:$0x1] =	stream.linear.gather [hbm4b:s22+s30], $0x200, $0x38;
	[tilespmem:$0x18780] =	vst v63  }
0x4a1: {  	s22 =	sadd.s32 $0x1200, s18;
	s3 =	simm.s32 $0x5348  }
0x4a2: {  	[tilespmem:s3], [sflag:$0x1] =	stream.linear.gather [hbm4b:s22+s30], $0x200, $0x38;
	[tilespmem:$0x18780] =	vst v63  }
0x4a3: {  	s22 =	sadd.s32 $0x1400, s18;
	s3 =	simm.s32 $0x5550  }
0x4a4: {  	[tilespmem:s3], [sflag:$0x1] =	stream.linear.gather [hbm4b:s22+s30], $0x200, $0x38;
	[tilespmem:$0x18780] =	vst v63  }
0x4a5: {  	s22 =	sadd.s32 $0x1600, s18;
	s3 =	simm.s32 $0x5758  }
0x4a6: {  	[tilespmem:s3], [sflag:$0x1] =	stream.linear.gather [hbm4b:s22+s30], $0x200, $0x38;
	[tilespmem:$0x18780] =	vst v63  }
0x4a7: {  	s22 =	sadd.s32 $0x1800, s18;
	s3 =	simm.s32 $0x5960  }
0x4a8: {  	[tilespmem:s3], [sflag:$0x1] =	stream.linear.gather [hbm4b:s22+s30], $0x200, $0x38;
	[tilespmem:$0x18780] =	vst v63  }
0x4a9: {  	s22 =	sadd.s32 $0x1A00, s18;
	s3 =	simm.s32 $0x5B68  }
0x4aa: {  	[tilespmem:s3], [sflag:$0x1] =	stream.linear.gather [hbm4b:s22+s30], $0x200, $0x38;
	[tilespmem:$0x18780] =	vst v63  }
0x4ab: {  	s22 =	sadd.s32 $0x1C00, s18;
	s3 =	simm.s32 $0x5D70  }
0x4ac: {  	[tilespmem:s3], [sflag:$0x1] =	stream.linear.gather [hbm4b:s22+s30], $0x200, $0x38;
	[tilespmem:$0x18780] =	vst v63  }
0x4ad: {  	s22 =	sadd.s32 $0x1E00, s18;
	s3 =	simm.s32 $0x5F78  }
0x4ae: {  	[tilespmem:s3], [sflag:$0x1] =	stream.linear.gather [hbm4b:s22+s30], $0x200, $0x38;
	[tilespmem:$0x18780] =	vst v63  }
0x4af: {  	_ = 	snop  }
0x4b0: {  	[tilespmem:s29], [sflag:$0x1] =	stream.linear.gather [hbm4b:s19+s30], $0x200, $0x38;
	[tilespmem:$0x18780] =	vst v63  }
0x4b1: {  	s22 =	sadd.s32 $0x200, s19;
	s3 =	simm.s32 $0x8408  }
0x4b2: {  	[tilespmem:s3], [sflag:$0x1] =	stream.linear.gather [hbm4b:s22+s30], $0x200, $0x38;
	[tilespmem:$0x18780] =	vst v63  }
0x4b3: {  	s22 =	sadd.s32 $0x400, s19;
	s3 =	simm.s32 $0x8610  }
0x4b4: {  	[tilespmem:s3], [sflag:$0x1] =	stream.linear.gather [hbm4b:s22+s30], $0x200, $0x38;
	[tilespmem:$0x18780] =	vst v63  }
0x4b5: {  	s22 =	sadd.s32 $0x600, s19;
	s3 =	simm.s32 $0x8818  }
0x4b6: {  	[tilespmem:s3], [sflag:$0x1] =	stream.linear.gather [hbm4b:s22+s30], $0x200, $0x38;
	[tilespmem:$0x18780] =	vst v63  }
0x4b7: {  	s22 =	sadd.s32 $0x800, s19;
	s3 =	simm.s32 $0x8A20  }
0x4b8: {  	[tilespmem:s3], [sflag:$0x1] =	stream.linear.gather [hbm4b:s22+s30], $0x200, $0x38;
	[tilespmem:$0x18780] =	vst v63  }
0x4b9: {  	s22 =	sadd.s32 $0xA00, s19;
	s3 =	simm.s32 $0x8C28  }
0x4ba: {  	[tilespmem:s3], [sflag:$0x1] =	stream.linear.gather [hbm4b:s22+s30], $0x200, $0x38;
	[tilespmem:$0x18780] =	vst v63  }
0x4bb: {  	s22 =	sadd.s32 $0xC00, s19;
	s3 =	simm.s32 $0x8E30  }
0x4bc: {  	[tilespmem:s3], [sflag:$0x1] =	stream.linear.gather [hbm4b:s22+s30], $0x200, $0x38;
	[tilespmem:$0x18780] =	vst v63  }
0x4bd: {  	s22 =	sadd.s32 $0xE00, s19;
	s3 =	simm.s32 $0x9038  }
0x4be: {  	[tilespmem:s3], [sflag:$0x1] =	stream.linear.gather [hbm4b:s22+s30], $0x200, $0x38;
	[tilespmem:$0x18780] =	vst v63  }
0x4bf: {  	s22 =	sadd.s32 $0x1000, s19;
	s3 =	simm.s32 $0x9240  }
0x4c0: {  	[tilespmem:s3], [sflag:$0x1] =	stream.linear.gather [hbm4b:s22+s30], $0x200, $0x38;
	[tilespmem:$0x18780] =	vst v63  }
0x4c1: {  	s22 =	sadd.s32 $0x1200, s19;
	s3 =	simm.s32 $0x9448  }
0x4c2: {  	[tilespmem:s3], [sflag:$0x1] =	stream.linear.gather [hbm4b:s22+s30], $0x200, $0x38;
	[tilespmem:$0x18780] =	vst v63  }
0x4c3: {  	s22 =	sadd.s32 $0x1400, s19;
	s3 =	simm.s32 $0x9650  }
0x4c4: {  	[tilespmem:s3], [sflag:$0x1] =	stream.linear.gather [hbm4b:s22+s30], $0x200, $0x38;
	[tilespmem:$0x18780] =	vst v63  }
0x4c5: {  	s22 =	sadd.s32 $0x1600, s19;
	s3 =	simm.s32 $0x9858  }
0x4c6: {  	[tilespmem:s3], [sflag:$0x1] =	stream.linear.gather [hbm4b:s22+s30], $0x200, $0x38;
	[tilespmem:$0x18780] =	vst v63  }
0x4c7: {  	s22 =	sadd.s32 $0x1800, s19;
	s3 =	simm.s32 $0x9A60  }
0x4c8: {  	[tilespmem:s3], [sflag:$0x1] =	stream.linear.gather [hbm4b:s22+s30], $0x200, $0x38;
	[tilespmem:$0x18780] =	vst v63  }
0x4c9: {  	s22 =	sadd.s32 $0x1A00, s19;
	s3 =	simm.s32 $0x9C68  }
0x4ca: {  	[tilespmem:s3], [sflag:$0x1] =	stream.linear.gather [hbm4b:s22+s30], $0x200, $0x38;
	[tilespmem:$0x18780] =	vst v63  }
0x4cb: {  	s22 =	sadd.s32 $0x1C00, s19;
	s3 =	simm.s32 $0x9E70  }
0x4cc: {  	[tilespmem:s3], [sflag:$0x1] =	stream.linear.gather [hbm4b:s22+s30], $0x200, $0x38;
	[tilespmem:$0x18780] =	vst v63  }
0x4cd: {  	s22 =	sadd.s32 $0x1E00, s19;
	s3 =	simm.s32 $0xA078  }
0x4ce: {  	[tilespmem:s3], [sflag:$0x1] =	stream.linear.gather [hbm4b:s22+s30], $0x200, $0x38;
	[tilespmem:$0x18780] =	vst v63  }
.LBB2_14:
0x4cf: {  	v5 =	vmov s30  }
0x4d0: {  	v5 =	vand.u32 $0x1FC, v5  }
0x4d1: {  	v5 =	vadd.s32 v4, v5;
	_ =	sdelay $0x4  }
0x4d2: {  	v6 =	vld.idx.msk [tilespmem:v5+s1+$0x0], $0xffff;
	_ =	sdelay $0x4  }
0x4d3: {  	v7 =	vadd.s32 v2, v6;
	_ =	sdelay $0x4  }
0x4d4: {  	v8 =	vld.idx.msk [tilespmem:v7+s23+$0x0], $0xffff;
	_ =	sdelay $0x4  }
0x4d5: {  	v9 =	vld.idx.msk [tilespmem:v5+s20+$0x0], $0xffff;
	v10 =	vadd.s32 $0x1, v8  }
0x4d6: {  	v5 =	vld.idx.msk [tilespmem:v5+s29+$0x0], $0xffff;
	[tilespmem:v7+s23+$0x0] =	vst.idx.msk $0xffff, v10  }
0x4d7: {  	v7 =	vld.idx.msk [tilespmem:v6+s31+$0x0], $0xffff  }
0x4d8: {  	v8 =	vcvt.s32.f32 v8;
	_ =	sdelay $0x1  }
0x4d9: {  	v8 =	vadd.f32 $5.000000000e-01, v8;
	_ =	sdelay $0x1  }
0x4da: {  	v8 =	vmul.f32 v7, v8;
	_ =	sdelay $0x1  }
0x4db: {  	v8 =	vtrunc.f32 v8  }
0x4dc: {  	v8 =	vcvt.f32.s32 v8  }
0x4dd: {  	v6 =	vmul.u32 $0xF, v6  }
0x4de: {  	vm0 =	vgt.f32 v7, $0.0e+00;
	vm1 =	vlt.s32 v8, $0xF  }
0x4df: {  	s2 =	sadd.s32 $0x1, s30;
	v6 =	vadd.s32 v8, v6;
	vm0 =	vmand vm0, vm1  }
0x4e0: {  	v7 =	vmov s2;
	v6 =	vadd.s32 v3, v6  }
0x4e1: {  	v7 =	vand.u32 $0x1FD, v7  }
0x4e2: {  	v7 =	vadd.s32 v4, v7;
	_ =	sdelay $0x2  }
0x4e3: {  	[tilespmem:v6+s0+$0x0] =	vst.idx.add.f32.msk vm0, v9  }
0x4e4: {  	[tilespmem:v6+s24+$0x0] =	vst.idx.add.f32.msk vm0, v5  }
0x4e5: {  	v5 =	vld.idx.msk [tilespmem:v7+s1+$0x0], $0xffff;
	_ =	sdelay $0x4  }
0x4e6: {  	v6 =	vadd.s32 v2, v5;
	_ =	sdelay $0x4  }
0x4e7: {  	v58 =	vld.idx.msk [tilespmem:v6+s23+$0x0], $0xffff;
	_ =	sdelay $0x4  }
0x4e8: {  	v9 =	vld.idx.msk [tilespmem:v7+s20+$0x0], $0xffff;
	v59 =	vadd.s32 $0x1, v58  }
0x4e9: {  	v7 =	vld.idx.msk [tilespmem:v7+s29+$0x0], $0xffff;
	[tilespmem:v6+s23+$0x0] =	vst.idx.msk $0xffff, v59  }
0x4ea: {  	v6 =	vld.idx.msk [tilespmem:v5+s31+$0x0], $0xffff  }
0x4eb: {  	v8 =	vcvt.s32.f32 v58;
	_ =	sdelay $0x1  }
0x4ec: {  	v8 =	vadd.f32 $5.000000000e-01, v8;
	_ =	sdelay $0x1  }
0x4ed: {  	v8 =	vmul.f32 v6, v8;
	_ =	sdelay $0x1  }
0x4ee: {  	v8 =	vtrunc.f32 v8  }
0x4ef: {  	v8 =	vcvt.f32.s32 v8  }
0x4f0: {  	v5 =	vmul.u32 $0xF, v5  }
0x4f1: {  	vm10 =	vgt.f32 v6, $0.0e+00;
	vm11 =	vlt.s32 v8, $0xF  }
0x4f2: {  	s3 =	sadd.s32 $0x2, s30;
	v5 =	vadd.s32 v8, v5;
	vm0 =	vmand vm10, vm11  }
0x4f3: {  	v6 =	vmov s3;
	v5 =	vadd.s32 v3, v5  }
0x4f4: {  	v6 =	vand.u32 $0x1FE, v6  }
0x4f5: {  	v6 =	vadd.s32 v4, v6;
	_ =	sdelay $0x2  }
0x4f6: {  	[tilespmem:v5+s0+$0x0] =	vst.idx.add.f32.msk vm0, v9  }
0x4f7: {  	[tilespmem:v5+s24+$0x0] =	vst.idx.add.f32.msk vm0, v7  }
0x4f8: {  	v5 =	vld.idx.msk [tilespmem:v6+s1+$0x0], $0xffff;
	_ =	sdelay $0x4  }
0x4f9: {  	v7 =	vadd.s32 v2, v5;
	_ =	sdelay $0x4  }
0x4fa: {  	v60 =	vld.idx.msk [tilespmem:v7+s23+$0x0], $0xffff;
	_ =	sdelay $0x4  }
0x4fb: {  	v9 =	vld.idx.msk [tilespmem:v6+s20+$0x0], $0xffff;
	v61 =	vadd.s32 $0x1, v60  }
0x4fc: {  	v6 =	vld.idx.msk [tilespmem:v6+s29+$0x0], $0xffff;
	[tilespmem:v7+s23+$0x0] =	vst.idx.msk $0xffff, v61  }
0x4fd: {  	v7 =	vld.idx.msk [tilespmem:v5+s31+$0x0], $0xffff  }
0x4fe: {  	v8 =	vcvt.s32.f32 v60;
	_ =	sdelay $0x1  }
0x4ff: {  	v8 =	vadd.f32 $5.000000000e-01, v8;
	_ =	sdelay $0x1  }
0x500: {  	v8 =	vmul.f32 v7, v8;
	_ =	sdelay $0x1  }
0x501: {  	v8 =	vtrunc.f32 v8  }
0x502: {  	v8 =	vcvt.f32.s32 v8  }
0x503: {  	v5 =	vmul.u32 $0xF, v5  }
0x504: {  	vm12 =	vgt.f32 v7, $0.0e+00;
	vm13 =	vlt.s32 v8, $0xF  }
0x505: {  	s22 =	sadd.s32 $0x3, s30;
	v5 =	vadd.s32 v8, v5;
	vm0 =	vmand vm12, vm13  }
0x506: {  	v7 =	vmov s22;
	v5 =	vadd.s32 v3, v5  }
0x507: {  	v7 =	vand.u32 $0x1FF, v7  }
0x508: {  	v7 =	vadd.s32 v4, v7;
	_ =	sdelay $0x2  }
0x509: {  	[tilespmem:v5+s0+$0x0] =	vst.idx.add.f32.msk vm0, v9  }
0x50a: {  	[tilespmem:v5+s24+$0x0] =	vst.idx.add.f32.msk vm0, v6  }
0x50b: {  	v5 =	vld.idx.msk [tilespmem:v7+s1+$0x0], $0xffff;
	_ =	sdelay $0x4  }
0x50c: {  	v6 =	vadd.s32 v2, v5;
	_ =	sdelay $0x4  }
0x50d: {  	v62 =	vld.idx.msk [tilespmem:v6+s23+$0x0], $0xffff;
	_ =	sdelay $0x4  }
0x50e: {  	v9 =	vld.idx.msk [tilespmem:v7+s20+$0x0], $0xffff;
	v63 =	vadd.s32 $0x1, v62  }
0x50f: {  	v7 =	vld.idx.msk [tilespmem:v7+s29+$0x0], $0xffff;
	[tilespmem:v6+s23+$0x0] =	vst.idx.msk $0xffff, v63  }
0x510: {  	v6 =	vld.idx.msk [tilespmem:v5+s31+$0x0], $0xffff  }
0x511: {  	v8 =	vcvt.s32.f32 v62;
	_ =	sdelay $0x1  }
0x512: {  	v8 =	vadd.f32 $5.000000000e-01, v8;
	_ =	sdelay $0x1  }
0x513: {  	v8 =	vmul.f32 v6, v8;
	_ =	sdelay $0x1  }
0x514: {  	v8 =	vtrunc.f32 v8  }
0x515: {  	v8 =	vcvt.f32.s32 v8  }
0x516: {  	v5 =	vmul.u32 $0xF, v5  }
0x517: {  	vm14 =	vgt.f32 v6, $0.0e+00;
	vm15 =	vlt.s32 v8, $0xF  }
0x518: {  	v5 =	vadd.s32 v8, v5;
	vm0 =	vmand vm14, vm15  }
0x519: {  	v5 =	vadd.s32 v3, v5  }
0x51a: {  	p0 =	sne.s32 s30, $0x1FC  }
.Ltmp6:
0x51b: {  	_ = 	snop;
	(pc) =	sbr.rel @p0 .LBB2_14-.Ltmp6, $3  }
0x51c: {  	_ =	sdelay $0x1  }
0x51d: {  	[tilespmem:v5+s0+$0x0] =	vst.idx.add.f32.msk vm0, v9  }
0x51e: {  	s30 =	sadd.s32 $0x4, s30;
	[tilespmem:v5+s24+$0x0] =	vst.idx.add.f32.msk vm0, v7  }
0x51f: {  	_ =	swait.ge [sflag:s21], $0x2000  }
0x520: {  	[sflag:s21] =	ssyncset.done $0x0  }
0x521: {  	[sflag:s21] =	ssyncadd.s32 $0xFFFFE000  }
0x522: {  	_ =	swait.ge [sflag:s21], $0x2000  }
0x523: {  	[sflag:s21] =	ssyncset.done $0x0  }
0x524: {  	[sflag:s21] =	ssyncadd.s32 $0xFFFFE000  }
0x525: {  	_ =	swait.ge [sflag:s21], $0x2000  }
0x526: {  	[sflag:s21] =	ssyncset.done $0x0  }
0x527: {  	s30 =	simm.s32 $0x0;
	s2 =	simm.s32 $0x2080;
	[sflag:s21] =	ssyncadd.s32 $0xFFFFE000  }
0x528: {  	[tilespmem:s2], [sflag:$0x1] =	stream.linear.gather [hbm4b:s25+s30], $0x200, $0x38;
	[tilespmem:$0x18780] =	vst v63  }
0x529: {  	s22 =	sadd.s32 $0x200, s25;
	s3 =	simm.s32 $0x2288  }
0x52a: {  	[tilespmem:s3], [sflag:$0x1] =	stream.linear.gather [hbm4b:s22+s30], $0x200, $0x38;
	[tilespmem:$0x18780] =	vst v63  }
0x52b: {  	s3 =	sadd.s32 $0x400, s25;
	s22 =	simm.s32 $0x2490  }
0x52c: {  	[tilespmem:s22], [sflag:$0x1] =	stream.linear.gather [hbm4b:s3+s30], $0x200, $0x38;
	[tilespmem:$0x18780] =	vst v63  }
0x52d: {  	s3 =	sadd.s32 $0x600, s25;
	s22 =	simm.s32 $0x2698  }
0x52e: {  	[tilespmem:s22], [sflag:$0x1] =	stream.linear.gather [hbm4b:s3+s30], $0x200, $0x38;
	[tilespmem:$0x18780] =	vst v63  }
0x52f: {  	s3 =	sadd.s32 $0x800, s25;
	s22 =	simm.s32 $0x28A0  }
0x530: {  	[tilespmem:s22], [sflag:$0x1] =	stream.linear.gather [hbm4b:s3+s30], $0x200, $0x38;
	[tilespmem:$0x18780] =	vst v63  }
0x531: {  	s3 =	sadd.s32 $0xA00, s25;
	s22 =	simm.s32 $0x2AA8  }
0x532: {  	[tilespmem:s22], [sflag:$0x1] =	stream.linear.gather [hbm4b:s3+s30], $0x200, $0x38;
	[tilespmem:$0x18780] =	vst v63  }
0x533: {  	s3 =	sadd.s32 $0xC00, s25;
	s22 =	simm.s32 $0x2CB0  }
0x534: {  	[tilespmem:s22], [sflag:$0x1] =	stream.linear.gather [hbm4b:s3+s30], $0x200, $0x38;
	[tilespmem:$0x18780] =	vst v63  }
0x535: {  	s3 =	sadd.s32 $0xE00, s25;
	s22 =	simm.s32 $0x2EB8  }
0x536: {  	[tilespmem:s22], [sflag:$0x1] =	stream.linear.gather [hbm4b:s3+s30], $0x200, $0x38;
	[tilespmem:$0x18780] =	vst v63  }
0x537: {  	s3 =	sadd.s32 $0x1000, s25;
	s22 =	simm.s32 $0x30C0  }
0x538: {  	[tilespmem:s22], [sflag:$0x1] =	stream.linear.gather [hbm4b:s3+s30], $0x200, $0x38;
	[tilespmem:$0x18780] =	vst v63  }
0x539: {  	s3 =	sadd.s32 $0x1200, s25;
	s22 =	simm.s32 $0x32C8  }
0x53a: {  	[tilespmem:s22], [sflag:$0x1] =	stream.linear.gather [hbm4b:s3+s30], $0x200, $0x38;
	[tilespmem:$0x18780] =	vst v63  }
0x53b: {  	s3 =	sadd.s32 $0x1400, s25;
	s22 =	simm.s32 $0x34D0  }
0x53c: {  	[tilespmem:s22], [sflag:$0x1] =	stream.linear.gather [hbm4b:s3+s30], $0x200, $0x38;
	[tilespmem:$0x18780] =	vst v63  }
0x53d: {  	s3 =	sadd.s32 $0x1600, s25;
	s22 =	simm.s32 $0x36D8  }
0x53e: {  	[tilespmem:s22], [sflag:$0x1] =	stream.linear.gather [hbm4b:s3+s30], $0x200, $0x38;
	[tilespmem:$0x18780] =	vst v63  }
0x53f: {  	s3 =	sadd.s32 $0x1800, s25;
	s22 =	simm.s32 $0x38E0  }
0x540: {  	[tilespmem:s22], [sflag:$0x1] =	stream.linear.gather [hbm4b:s3+s30], $0x200, $0x38;
	[tilespmem:$0x18780] =	vst v63  }
0x541: {  	s3 =	sadd.s32 $0x1A00, s25;
	s22 =	simm.s32 $0x3AE8  }
0x542: {  	[tilespmem:s22], [sflag:$0x1] =	stream.linear.gather [hbm4b:s3+s30], $0x200, $0x38;
	[tilespmem:$0x18780] =	vst v63  }
0x543: {  	s3 =	sadd.s32 $0x1C00, s25;
	s22 =	simm.s32 $0x3CF0  }
0x544: {  	[tilespmem:s22], [sflag:$0x1] =	stream.linear.gather [hbm4b:s3+s30], $0x200, $0x38;
	[tilespmem:$0x18780] =	vst v63  }
0x545: {  	s3 =	sadd.s32 $0x1E00, s25;
	s22 =	simm.s32 $0x3EF8  }
0x546: {  	[tilespmem:s22], [sflag:$0x1] =	stream.linear.gather [hbm4b:s3+s30], $0x200, $0x38;
	[tilespmem:$0x18780] =	vst v63  }
0x547: {  	s22 =	simm.s32 $0x6180  }
0x548: {  	[tilespmem:s22], [sflag:$0x1] =	stream.linear.gather [hbm4b:s26+s30], $0x200, $0x38;
	[tilespmem:$0x18780] =	vst v63  }
0x549: {  	s3 =	sadd.s32 $0x200, s26;
	s22 =	simm.s32 $0x6388  }
0x54a: {  	[tilespmem:s22], [sflag:$0x1] =	stream.linear.gather [hbm4b:s3+s30], $0x200, $0x38;
	[tilespmem:$0x18780] =	vst v63  }
0x54b: {  	s3 =	sadd.s32 $0x400, s26;
	s22 =	simm.s32 $0x6590  }
0x54c: {  	[tilespmem:s22], [sflag:$0x1] =	stream.linear.gather [hbm4b:s3+s30], $0x200, $0x38;
	[tilespmem:$0x18780] =	vst v63  }
0x54d: {  	s3 =	sadd.s32 $0x600, s26;
	s22 =	simm.s32 $0x6798  }
0x54e: {  	[tilespmem:s22], [sflag:$0x1] =	stream.linear.gather [hbm4b:s3+s30], $0x200, $0x38;
	[tilespmem:$0x18780] =	vst v63  }
0x54f: {  	s3 =	sadd.s32 $0x800, s26;
	s22 =	simm.s32 $0x69A0  }
0x550: {  	[tilespmem:s22], [sflag:$0x1] =	stream.linear.gather [hbm4b:s3+s30], $0x200, $0x38;
	[tilespmem:$0x18780] =	vst v63  }
0x551: {  	s3 =	sadd.s32 $0xA00, s26;
	s22 =	simm.s32 $0x6BA8  }
0x552: {  	[tilespmem:s22], [sflag:$0x1] =	stream.linear.gather [hbm4b:s3+s30], $0x200, $0x38;
	[tilespmem:$0x18780] =	vst v63  }
0x553: {  	s3 =	sadd.s32 $0xC00, s26;
	s22 =	simm.s32 $0x6DB0  }
0x554: {  	[tilespmem:s22], [sflag:$0x1] =	stream.linear.gather [hbm4b:s3+s30], $0x200, $0x38;
	[tilespmem:$0x18780] =	vst v63  }
0x555: {  	s3 =	sadd.s32 $0xE00, s26;
	s22 =	simm.s32 $0x6FB8  }
0x556: {  	[tilespmem:s22], [sflag:$0x1] =	stream.linear.gather [hbm4b:s3+s30], $0x200, $0x38;
	[tilespmem:$0x18780] =	vst v63  }
0x557: {  	s3 =	sadd.s32 $0x1000, s26;
	s22 =	simm.s32 $0x71C0  }
0x558: {  	[tilespmem:s22], [sflag:$0x1] =	stream.linear.gather [hbm4b:s3+s30], $0x200, $0x38;
	[tilespmem:$0x18780] =	vst v63  }
0x559: {  	s3 =	sadd.s32 $0x1200, s26;
	s22 =	simm.s32 $0x73C8  }
0x55a: {  	[tilespmem:s22], [sflag:$0x1] =	stream.linear.gather [hbm4b:s3+s30], $0x200, $0x38;
	[tilespmem:$0x18780] =	vst v63  }
0x55b: {  	s3 =	sadd.s32 $0x1400, s26;
	s22 =	simm.s32 $0x75D0  }
0x55c: {  	[tilespmem:s22], [sflag:$0x1] =	stream.linear.gather [hbm4b:s3+s30], $0x200, $0x38;
	[tilespmem:$0x18780] =	vst v63  }
0x55d: {  	s3 =	sadd.s32 $0x1600, s26;
	s22 =	simm.s32 $0x77D8  }
0x55e: {  	[tilespmem:s22], [sflag:$0x1] =	stream.linear.gather [hbm4b:s3+s30], $0x200, $0x38;
	[tilespmem:$0x18780] =	vst v63  }
0x55f: {  	s3 =	sadd.s32 $0x1800, s26;
	s22 =	simm.s32 $0x79E0  }
0x560: {  	[tilespmem:s22], [sflag:$0x1] =	stream.linear.gather [hbm4b:s3+s30], $0x200, $0x38;
	[tilespmem:$0x18780] =	vst v63  }
0x561: {  	s3 =	sadd.s32 $0x1A00, s26;
	s22 =	simm.s32 $0x7BE8  }
0x562: {  	[tilespmem:s22], [sflag:$0x1] =	stream.linear.gather [hbm4b:s3+s30], $0x200, $0x38;
	[tilespmem:$0x18780] =	vst v63  }
0x563: {  	s3 =	sadd.s32 $0x1C00, s26;
	s22 =	simm.s32 $0x7DF0  }
0x564: {  	[tilespmem:s22], [sflag:$0x1] =	stream.linear.gather [hbm4b:s3+s30], $0x200, $0x38;
	[tilespmem:$0x18780] =	vst v63  }
0x565: {  	s3 =	sadd.s32 $0x1E00, s26;
	s22 =	simm.s32 $0x7FF8  }
0x566: {  	[tilespmem:s22], [sflag:$0x1] =	stream.linear.gather [hbm4b:s3+s30], $0x200, $0x38;
	[tilespmem:$0x18780] =	vst v63  }
0x567: {  	s22 =	simm.s32 $0xA280  }
0x568: {  	[tilespmem:s22], [sflag:$0x1] =	stream.linear.gather [hbm4b:s28+s30], $0x200, $0x38;
	[tilespmem:$0x18780] =	vst v63  }
0x569: {  	s3 =	sadd.s32 $0x200, s28;
	s22 =	simm.s32 $0xA488  }
0x56a: {  	[tilespmem:s22], [sflag:$0x1] =	stream.linear.gather [hbm4b:s3+s30], $0x200, $0x38;
	[tilespmem:$0x18780] =	vst v63  }
0x56b: {  	s3 =	sadd.s32 $0x400, s28;
	s22 =	simm.s32 $0xA690  }
0x56c: {  	[tilespmem:s22], [sflag:$0x1] =	stream.linear.gather [hbm4b:s3+s30], $0x200, $0x38;
	[tilespmem:$0x18780] =	vst v63  }
0x56d: {  	s3 =	sadd.s32 $0x600, s28;
	s22 =	simm.s32 $0xA898  }
0x56e: {  	[tilespmem:s22], [sflag:$0x1] =	stream.linear.gather [hbm4b:s3+s30], $0x200, $0x38;
	[tilespmem:$0x18780] =	vst v63  }
0x56f: {  	s3 =	sadd.s32 $0x800, s28;
	s22 =	simm.s32 $0xAAA0  }
0x570: {  	[tilespmem:s22], [sflag:$0x1] =	stream.linear.gather [hbm4b:s3+s30], $0x200, $0x38;
	[tilespmem:$0x18780] =	vst v63  }
0x571: {  	s3 =	sadd.s32 $0xA00, s28;
	s22 =	simm.s32 $0xACA8  }
0x572: {  	[tilespmem:s22], [sflag:$0x1] =	stream.linear.gather [hbm4b:s3+s30], $0x200, $0x38;
	[tilespmem:$0x18780] =	vst v63  }
0x573: {  	s3 =	sadd.s32 $0xC00, s28;
	s22 =	simm.s32 $0xAEB0  }
0x574: {  	[tilespmem:s22], [sflag:$0x1] =	stream.linear.gather [hbm4b:s3+s30], $0x200, $0x38;
	[tilespmem:$0x18780] =	vst v63  }
0x575: {  	s3 =	sadd.s32 $0xE00, s28;
	s22 =	simm.s32 $0xB0B8  }
0x576: {  	[tilespmem:s22], [sflag:$0x1] =	stream.linear.gather [hbm4b:s3+s30], $0x200, $0x38;
	[tilespmem:$0x18780] =	vst v63  }
0x577: {  	s3 =	sadd.s32 $0x1000, s28;
	s22 =	simm.s32 $0xB2C0  }
0x578: {  	[tilespmem:s22], [sflag:$0x1] =	stream.linear.gather [hbm4b:s3+s30], $0x200, $0x38;
	[tilespmem:$0x18780] =	vst v63  }
0x579: {  	s3 =	sadd.s32 $0x1200, s28;
	s22 =	simm.s32 $0xB4C8  }
0x57a: {  	[tilespmem:s22], [sflag:$0x1] =	stream.linear.gather [hbm4b:s3+s30], $0x200, $0x38;
	[tilespmem:$0x18780] =	vst v63  }
0x57b: {  	s3 =	sadd.s32 $0x1400, s28;
	s22 =	simm.s32 $0xB6D0  }
0x57c: {  	[tilespmem:s22], [sflag:$0x1] =	stream.linear.gather [hbm4b:s3+s30], $0x200, $0x38;
	[tilespmem:$0x18780] =	vst v63  }
0x57d: {  	s3 =	sadd.s32 $0x1600, s28;
	s22 =	simm.s32 $0xB8D8  }
0x57e: {  	[tilespmem:s22], [sflag:$0x1] =	stream.linear.gather [hbm4b:s3+s30], $0x200, $0x38;
	[tilespmem:$0x18780] =	vst v63  }
0x57f: {  	s3 =	sadd.s32 $0x1800, s28;
	s22 =	simm.s32 $0xBAE0  }
0x580: {  	[tilespmem:s22], [sflag:$0x1] =	stream.linear.gather [hbm4b:s3+s30], $0x200, $0x38;
	[tilespmem:$0x18780] =	vst v63  }
0x581: {  	s3 =	sadd.s32 $0x1A00, s28;
	s22 =	simm.s32 $0xBCE8  }
0x582: {  	[tilespmem:s22], [sflag:$0x1] =	stream.linear.gather [hbm4b:s3+s30], $0x200, $0x38;
	[tilespmem:$0x18780] =	vst v63  }
0x583: {  	s3 =	sadd.s32 $0x1C00, s28;
	s22 =	simm.s32 $0xBEF0  }
0x584: {  	[tilespmem:s22], [sflag:$0x1] =	stream.linear.gather [hbm4b:s3+s30], $0x200, $0x38;
	[tilespmem:$0x18780] =	vst v63  }
0x585: {  	s3 =	sadd.s32 $0x1E00, s28;
	s22 =	simm.s32 $0xC0F8  }
0x586: {  	[tilespmem:s22], [sflag:$0x1] =	stream.linear.gather [hbm4b:s3+s30], $0x200, $0x38;
	[tilespmem:$0x18780] =	vst v63  }
.LBB2_16:
0x587: {  	v5 =	vmov s30  }
0x588: {  	v5 =	vand.u32 $0x1FC, v5  }
0x589: {  	v5 =	vadd.s32 v0, v5;
	_ =	sdelay $0x4  }
0x58a: {  	v6 =	vld.idx.msk [tilespmem:v5+s1+$0x0], $0xffff;
	_ =	sdelay $0x4  }
0x58b: {  	v7 =	vadd.s32 v2, v6;
	_ =	sdelay $0x4  }
0x58c: {  	v8 =	vld.idx.msk [tilespmem:v7+s23+$0x0], $0xffff;
	_ =	sdelay $0x4  }
0x58d: {  	v9 =	vld.idx.msk [tilespmem:v5+s20+$0x0], $0xffff;
	v10 =	vadd.s32 $0x1, v8  }
0x58e: {  	v5 =	vld.idx.msk [tilespmem:v5+s29+$0x0], $0xffff;
	[tilespmem:v7+s23+$0x0] =	vst.idx.msk $0xffff, v10  }
0x58f: {  	v7 =	vld.idx.msk [tilespmem:v6+s31+$0x0], $0xffff  }
0x590: {  	v8 =	vcvt.s32.f32 v8;
	_ =	sdelay $0x1  }
0x591: {  	v8 =	vadd.f32 $5.000000000e-01, v8;
	_ =	sdelay $0x1  }
0x592: {  	v8 =	vmul.f32 v7, v8;
	_ =	sdelay $0x1  }
0x593: {  	v8 =	vtrunc.f32 v8  }
0x594: {  	v8 =	vcvt.f32.s32 v8  }
0x595: {  	v6 =	vmul.u32 $0xF, v6  }
0x596: {  	vm0 =	vgt.f32 v7, $0.0e+00;
	vm1 =	vlt.s32 v8, $0xF  }
0x597: {  	s2 =	sadd.s32 $0x1, s30;
	v6 =	vadd.s32 v8, v6;
	vm0 =	vmand vm0, vm1  }
0x598: {  	v7 =	vmov s2;
	v6 =	vadd.s32 v3, v6  }
0x599: {  	v7 =	vand.u32 $0x1FD, v7  }
0x59a: {  	v7 =	vadd.s32 v0, v7;
	_ =	sdelay $0x2  }
0x59b: {  	[tilespmem:v6+s0+$0x0] =	vst.idx.add.f32.msk vm0, v9  }
0x59c: {  	[tilespmem:v6+s24+$0x0] =	vst.idx.add.f32.msk vm0, v5  }
0x59d: {  	v5 =	vld.idx.msk [tilespmem:v7+s1+$0x0], $0xffff;
	_ =	sdelay $0x4  }
0x59e: {  	v6 =	vadd.s32 v2, v5;
	_ =	sdelay $0x4  }
0x59f: {  	v58 =	vld.idx.msk [tilespmem:v6+s23+$0x0], $0xffff;
	_ =	sdelay $0x4  }
0x5a0: {  	v9 =	vld.idx.msk [tilespmem:v7+s20+$0x0], $0xffff;
	v59 =	vadd.s32 $0x1, v58  }
0x5a1: {  	v7 =	vld.idx.msk [tilespmem:v7+s29+$0x0], $0xffff;
	[tilespmem:v6+s23+$0x0] =	vst.idx.msk $0xffff, v59  }
0x5a2: {  	v6 =	vld.idx.msk [tilespmem:v5+s31+$0x0], $0xffff  }
0x5a3: {  	v8 =	vcvt.s32.f32 v58;
	_ =	sdelay $0x1  }
0x5a4: {  	v8 =	vadd.f32 $5.000000000e-01, v8;
	_ =	sdelay $0x1  }
0x5a5: {  	v8 =	vmul.f32 v6, v8;
	_ =	sdelay $0x1  }
0x5a6: {  	v8 =	vtrunc.f32 v8  }
0x5a7: {  	v8 =	vcvt.f32.s32 v8  }
0x5a8: {  	v5 =	vmul.u32 $0xF, v5  }
0x5a9: {  	vm10 =	vgt.f32 v6, $0.0e+00;
	vm11 =	vlt.s32 v8, $0xF  }
0x5aa: {  	s3 =	sadd.s32 $0x2, s30;
	v5 =	vadd.s32 v8, v5;
	vm0 =	vmand vm10, vm11  }
0x5ab: {  	v6 =	vmov s3;
	v5 =	vadd.s32 v3, v5  }
0x5ac: {  	v6 =	vand.u32 $0x1FE, v6  }
0x5ad: {  	v6 =	vadd.s32 v0, v6;
	_ =	sdelay $0x2  }
0x5ae: {  	[tilespmem:v5+s0+$0x0] =	vst.idx.add.f32.msk vm0, v9  }
0x5af: {  	[tilespmem:v5+s24+$0x0] =	vst.idx.add.f32.msk vm0, v7  }
0x5b0: {  	v5 =	vld.idx.msk [tilespmem:v6+s1+$0x0], $0xffff;
	_ =	sdelay $0x4  }
0x5b1: {  	v7 =	vadd.s32 v2, v5;
	_ =	sdelay $0x4  }
0x5b2: {  	v60 =	vld.idx.msk [tilespmem:v7+s23+$0x0], $0xffff;
	_ =	sdelay $0x4  }
0x5b3: {  	v9 =	vld.idx.msk [tilespmem:v6+s20+$0x0], $0xffff;
	v61 =	vadd.s32 $0x1, v60  }
0x5b4: {  	v6 =	vld.idx.msk [tilespmem:v6+s29+$0x0], $0xffff;
	[tilespmem:v7+s23+$0x0] =	vst.idx.msk $0xffff, v61  }
0x5b5: {  	v7 =	vld.idx.msk [tilespmem:v5+s31+$0x0], $0xffff  }
0x5b6: {  	v8 =	vcvt.s32.f32 v60;
	_ =	sdelay $0x1  }
0x5b7: {  	v8 =	vadd.f32 $5.000000000e-01, v8;
	_ =	sdelay $0x1  }
0x5b8: {  	v8 =	vmul.f32 v7, v8;
	_ =	sdelay $0x1  }
0x5b9: {  	v8 =	vtrunc.f32 v8  }
0x5ba: {  	v8 =	vcvt.f32.s32 v8  }
0x5bb: {  	v5 =	vmul.u32 $0xF, v5  }
0x5bc: {  	vm12 =	vgt.f32 v7, $0.0e+00;
	vm13 =	vlt.s32 v8, $0xF  }
0x5bd: {  	s22 =	sadd.s32 $0x3, s30;
	v5 =	vadd.s32 v8, v5;
	vm0 =	vmand vm12, vm13  }
0x5be: {  	v7 =	vmov s22;
	v5 =	vadd.s32 v3, v5  }
0x5bf: {  	v7 =	vand.u32 $0x1FF, v7  }
0x5c0: {  	v7 =	vadd.s32 v0, v7;
	_ =	sdelay $0x2  }
0x5c1: {  	[tilespmem:v5+s0+$0x0] =	vst.idx.add.f32.msk vm0, v9  }
0x5c2: {  	[tilespmem:v5+s24+$0x0] =	vst.idx.add.f32.msk vm0, v6  }
0x5c3: {  	v5 =	vld.idx.msk [tilespmem:v7+s1+$0x0], $0xffff;
	_ =	sdelay $0x4  }
0x5c4: {  	v6 =	vadd.s32 v2, v5;
	_ =	sdelay $0x4  }
0x5c5: {  	v62 =	vld.idx.msk [tilespmem:v6+s23+$0x0], $0xffff;
	_ =	sdelay $0x4  }
0x5c6: {  	v9 =	vld.idx.msk [tilespmem:v7+s20+$0x0], $0xffff;
	v63 =	vadd.s32 $0x1, v62  }
0x5c7: {  	v7 =	vld.idx.msk [tilespmem:v7+s29+$0x0], $0xffff;
	[tilespmem:v6+s23+$0x0] =	vst.idx.msk $0xffff, v63  }
0x5c8: {  	v6 =	vld.idx.msk [tilespmem:v5+s31+$0x0], $0xffff  }
0x5c9: {  	v8 =	vcvt.s32.f32 v62;
	_ =	sdelay $0x1  }
0x5ca: {  	v8 =	vadd.f32 $5.000000000e-01, v8;
	_ =	sdelay $0x1  }
0x5cb: {  	v8 =	vmul.f32 v6, v8;
	_ =	sdelay $0x1  }
0x5cc: {  	v8 =	vtrunc.f32 v8  }
0x5cd: {  	v8 =	vcvt.f32.s32 v8  }
0x5ce: {  	v5 =	vmul.u32 $0xF, v5  }
0x5cf: {  	vm14 =	vgt.f32 v6, $0.0e+00;
	vm15 =	vlt.s32 v8, $0xF  }
0x5d0: {  	v5 =	vadd.s32 v8, v5;
	vm0 =	vmand vm14, vm15  }
0x5d1: {  	v5 =	vadd.s32 v3, v5  }
0x5d2: {  	p0 =	sne.s32 s30, $0x1FC  }
.Ltmp7:
0x5d3: {  	_ = 	snop;
	(pc) =	sbr.rel @p0 .LBB2_16-.Ltmp7, $3  }
0x5d4: {  	_ =	sdelay $0x1  }
0x5d5: {  	[tilespmem:v5+s0+$0x0] =	vst.idx.add.f32.msk vm0, v9  }
0x5d6: {  	s30 =	sadd.s32 $0x4, s30;
	[tilespmem:v5+s24+$0x0] =	vst.idx.add.f32.msk vm0, v7  }
0x5d7: {  	_ =	swait.ge [sflag:s21], $0x2000  }
0x5d8: {  	[sflag:s21] =	ssyncset.done $0x0  }
0x5d9: {  	[sflag:s21] =	ssyncadd.s32 $0xFFFFE000  }
0x5da: {  	_ =	swait.ge [sflag:s21], $0x2000  }
0x5db: {  	[sflag:s21] =	ssyncset.done $0x0  }
0x5dc: {  	[sflag:s21] =	ssyncadd.s32 $0xFFFFE000  }
0x5dd: {  	_ =	swait.ge [sflag:s21], $0x2000  }
0x5de: {  	[sflag:s21] =	ssyncset.done $0x0  }
0x5df: {  	s30 =	simm.s32 $0x0;
	s3 =	sld [smem:$0x7E4];
	[sflag:s21] =	ssyncadd.s32 $0xFFFFE000  }
.LBB2_18:
0x5e0: {  	v5 =	vmov s30  }
0x5e1: {  	v5 =	vand.u32 $0x1FC, v5  }
0x5e2: {  	v5 =	vadd.s32 v4, v5;
	_ =	sdelay $0x4  }
0x5e3: {  	v6 =	vld.idx.msk [tilespmem:v5+s1+$0x0], $0xffff;
	_ =	sdelay $0x4  }
0x5e4: {  	v7 =	vadd.s32 v2, v6;
	_ =	sdelay $0x4  }
0x5e5: {  	v8 =	vld.idx.msk [tilespmem:v7+s23+$0x0], $0xffff;
	_ =	sdelay $0x4  }
0x5e6: {  	v9 =	vld.idx.msk [tilespmem:v5+s20+$0x0], $0xffff;
	v10 =	vadd.s32 $0x1, v8  }
0x5e7: {  	v5 =	vld.idx.msk [tilespmem:v5+s29+$0x0], $0xffff;
	[tilespmem:v7+s23+$0x0] =	vst.idx.msk $0xffff, v10  }
0x5e8: {  	v7 =	vld.idx.msk [tilespmem:v6+s31+$0x0], $0xffff  }
0x5e9: {  	v8 =	vcvt.s32.f32 v8;
	_ =	sdelay $0x1  }
0x5ea: {  	v8 =	vadd.f32 $5.000000000e-01, v8;
	_ =	sdelay $0x1  }
0x5eb: {  	v8 =	vmul.f32 v7, v8;
	_ =	sdelay $0x1  }
0x5ec: {  	v8 =	vtrunc.f32 v8  }
0x5ed: {  	v8 =	vcvt.f32.s32 v8  }
0x5ee: {  	v6 =	vmul.u32 $0xF, v6  }
0x5ef: {  	vm0 =	vgt.f32 v7, $0.0e+00;
	vm1 =	vlt.s32 v8, $0xF  }
0x5f0: {  	s2 =	sadd.s32 $0x1, s30;
	v6 =	vadd.s32 v8, v6;
	vm0 =	vmand vm0, vm1  }
0x5f1: {  	v7 =	vmov s2;
	v6 =	vadd.s32 v3, v6  }
0x5f2: {  	v7 =	vand.u32 $0x1FD, v7  }
0x5f3: {  	v7 =	vadd.s32 v4, v7;
	_ =	sdelay $0x2  }
0x5f4: {  	[tilespmem:v6+s0+$0x0] =	vst.idx.add.f32.msk vm0, v9  }
0x5f5: {  	[tilespmem:v6+s24+$0x0] =	vst.idx.add.f32.msk vm0, v5  }
0x5f6: {  	v5 =	vld.idx.msk [tilespmem:v7+s1+$0x0], $0xffff;
	_ =	sdelay $0x4  }
0x5f7: {  	v6 =	vadd.s32 v2, v5;
	_ =	sdelay $0x4  }
0x5f8: {  	v58 =	vld.idx.msk [tilespmem:v6+s23+$0x0], $0xffff;
	_ =	sdelay $0x4  }
0x5f9: {  	v9 =	vld.idx.msk [tilespmem:v7+s20+$0x0], $0xffff;
	v59 =	vadd.s32 $0x1, v58  }
0x5fa: {  	v7 =	vld.idx.msk [tilespmem:v7+s29+$0x0], $0xffff;
	[tilespmem:v6+s23+$0x0] =	vst.idx.msk $0xffff, v59  }
0x5fb: {  	v6 =	vld.idx.msk [tilespmem:v5+s31+$0x0], $0xffff  }
0x5fc: {  	v8 =	vcvt.s32.f32 v58;
	_ =	sdelay $0x1  }
0x5fd: {  	v8 =	vadd.f32 $5.000000000e-01, v8;
	_ =	sdelay $0x1  }
0x5fe: {  	v8 =	vmul.f32 v6, v8;
	_ =	sdelay $0x1  }
0x5ff: {  	v8 =	vtrunc.f32 v8  }
0x600: {  	v8 =	vcvt.f32.s32 v8  }
0x601: {  	v5 =	vmul.u32 $0xF, v5  }
0x602: {  	vm10 =	vgt.f32 v6, $0.0e+00;
	vm11 =	vlt.s32 v8, $0xF  }
0x603: {  	s22 =	sadd.s32 $0x2, s30;
	v5 =	vadd.s32 v8, v5;
	vm0 =	vmand vm10, vm11  }
0x604: {  	v6 =	vmov s22;
	v5 =	vadd.s32 v3, v5  }
0x605: {  	v6 =	vand.u32 $0x1FE, v6  }
0x606: {  	v6 =	vadd.s32 v4, v6;
	_ =	sdelay $0x2  }
0x607: {  	[tilespmem:v5+s0+$0x0] =	vst.idx.add.f32.msk vm0, v9  }
0x608: {  	[tilespmem:v5+s24+$0x0] =	vst.idx.add.f32.msk vm0, v7  }
0x609: {  	v5 =	vld.idx.msk [tilespmem:v6+s1+$0x0], $0xffff;
	_ =	sdelay $0x4  }
0x60a: {  	v7 =	vadd.s32 v2, v5;
	_ =	sdelay $0x4  }
0x60b: {  	v60 =	vld.idx.msk [tilespmem:v7+s23+$0x0], $0xffff;
	_ =	sdelay $0x4  }
0x60c: {  	v9 =	vld.idx.msk [tilespmem:v6+s20+$0x0], $0xffff;
	v61 =	vadd.s32 $0x1, v60  }
0x60d: {  	v6 =	vld.idx.msk [tilespmem:v6+s29+$0x0], $0xffff;
	[tilespmem:v7+s23+$0x0] =	vst.idx.msk $0xffff, v61  }
0x60e: {  	v7 =	vld.idx.msk [tilespmem:v5+s31+$0x0], $0xffff  }
0x60f: {  	v8 =	vcvt.s32.f32 v60;
	_ =	sdelay $0x1  }
0x610: {  	v8 =	vadd.f32 $5.000000000e-01, v8;
	_ =	sdelay $0x1  }
0x611: {  	v8 =	vmul.f32 v7, v8;
	_ =	sdelay $0x1  }
0x612: {  	v8 =	vtrunc.f32 v8  }
0x613: {  	v8 =	vcvt.f32.s32 v8  }
0x614: {  	v5 =	vmul.u32 $0xF, v5  }
0x615: {  	vm12 =	vgt.f32 v7, $0.0e+00;
	vm13 =	vlt.s32 v8, $0xF  }
0x616: {  	s22 =	sadd.s32 $0x3, s30;
	v5 =	vadd.s32 v8, v5;
	vm0 =	vmand vm12, vm13  }
0x617: {  	v7 =	vmov s22;
	v5 =	vadd.s32 v3, v5  }
0x618: {  	v7 =	vand.u32 $0x1FF, v7  }
0x619: {  	v7 =	vadd.s32 v4, v7;
	_ =	sdelay $0x2  }
0x61a: {  	[tilespmem:v5+s0+$0x0] =	vst.idx.add.f32.msk vm0, v9  }
0x61b: {  	[tilespmem:v5+s24+$0x0] =	vst.idx.add.f32.msk vm0, v6  }
0x61c: {  	v5 =	vld.idx.msk [tilespmem:v7+s1+$0x0], $0xffff;
	_ =	sdelay $0x4  }
0x61d: {  	v6 =	vadd.s32 v2, v5;
	_ =	sdelay $0x4  }
0x61e: {  	v62 =	vld.idx.msk [tilespmem:v6+s23+$0x0], $0xffff;
	_ =	sdelay $0x4  }
0x61f: {  	v9 =	vld.idx.msk [tilespmem:v7+s20+$0x0], $0xffff;
	v63 =	vadd.s32 $0x1, v62  }
0x620: {  	v7 =	vld.idx.msk [tilespmem:v7+s29+$0x0], $0xffff;
	[tilespmem:v6+s23+$0x0] =	vst.idx.msk $0xffff, v63  }
0x621: {  	v6 =	vld.idx.msk [tilespmem:v5+s31+$0x0], $0xffff  }
0x622: {  	v8 =	vcvt.s32.f32 v62;
	_ =	sdelay $0x1  }
0x623: {  	v8 =	vadd.f32 $5.000000000e-01, v8;
	_ =	sdelay $0x1  }
0x624: {  	v8 =	vmul.f32 v6, v8;
	_ =	sdelay $0x1  }
0x625: {  	v8 =	vtrunc.f32 v8  }
0x626: {  	v8 =	vcvt.f32.s32 v8  }
0x627: {  	v5 =	vmul.u32 $0xF, v5  }
0x628: {  	vm14 =	vgt.f32 v6, $0.0e+00;
	vm15 =	vlt.s32 v8, $0xF  }
0x629: {  	v5 =	vadd.s32 v8, v5;
	vm0 =	vmand vm14, vm15  }
0x62a: {  	v5 =	vadd.s32 v3, v5  }
0x62b: {  	p0 =	sne.s32 s30, $0x1FC  }
.Ltmp8:
0x62c: {  	_ = 	snop;
	(pc) =	sbr.rel @p0 .LBB2_18-.Ltmp8, $3  }
0x62d: {  	_ =	sdelay $0x1  }
0x62e: {  	[tilespmem:v5+s0+$0x0] =	vst.idx.add.f32.msk vm0, v9  }
0x62f: {  	s30 =	sadd.s32 $0x4, s30;
	[tilespmem:v5+s24+$0x0] =	vst.idx.add.f32.msk vm0, v7  }
0x630: {  	[bflag:$0x0] =	sbarrier.arrive $0xFFFF  }
0x631: {  	_ =	sdelay $0x7ff  }
0x632: {  	_ =	sdelay $0x20d  }
0x633: {  	s30 =	simm.s32 $0x2;
	s2 =	rddreg [dreg:$0x8]  }
0x634: {  	[hbm4b:s2+s1] =	stream.linear.scatter [tilespmem:s0], [sflag:$0x2], $0x5E00, $0x38;
	[tilespmem:$0x18780] =	vst v63  }
0x635: {  	_ =	swait.ge [sflag:s30], $0x5E00  }
0x636: {  	[sflag:s30] =	ssyncset.done $0x0  }
0x637: {  	s22 =	rddreg [dreg:$0x9];
	[sflag:s30] =	ssyncadd.s32 $0xFFFFA200  }
0x638: {  	[hbm4b:s22+s1] =	stream.linear.scatter [tilespmem:s24], [sflag:$0x2], $0x5E00, $0x38;
	[tilespmem:$0x18780] =	vst v63  }
0x639: {  	_ =	swait.ge [sflag:s30], $0x5E00  }
0x63a: {  	s3 =	sadd.s32 $0x1, s3;
	s22 =	rddreg [dreg:$0xa]  }
0x63b: {  	p0 =	sne.s32 s3, s22  }
.Ltmp9:
0x63c: {  	_ = 	snop;
	(pc) =	sbr.rel @p0 .LBB2_1-.Ltmp9, $3  }
0x63d: {  	_ =	sdelay $0x1  }
0x63e: {  	[sflag:s30] =	ssyncset.done $0x0  }
0x63f: {  	[sflag:s30] =	ssyncadd.s32 $0xFFFFA200  }
0x640: {  	_ =	sfence.sel $0x180000  }
0x641: {  	[bflag:$0x0] =	sbarrier.arrive $0xFFFF  }
0x642: {  	_ =	strace $0x9000004A  }
0x643: {  	s0 =	stileid.u32;
	[bflag:$0x2] =	sbarrier.arrive $0xFFFF  }
0x644: {  	p0 =	sne.s32 s0, $0x0;
	s0 =	rddreg [dreg:$0x2]  }
0x645: {  	s0 =	sadd.s32 @!p0 $0x100000, s0  }
0x646: {  	[sflag:s0] =	ssyncadd.tile.s32 @!p0 $0x1;
	_ =	shalt  }
.Lfunc_end2:
_tile_overlayer_lowered:
.L_overlay_start_2:
0x647: {  	(tag) =	ssettag $0x2  }
0x648: {  	s0 =	rddreg [dreg:$0x0];
	s2 =	stileid.u32  }
0x649: {  	s1 =	rddreg [dreg:$0x1];
	p0 =	sne.s32 s2, $0x0  }
0x64a: {  	s3 =	rddreg [dreg:$0x2];
	[bflag:$0x3] =	sbarrier.arrive $0xFFFF;
	s2 =	simm.s32 @!p0 $0x1C02  }
0x64b: {  	[timem:s3], [sflag:s2] =	dma.local @!p0 [hbm:s0], s1  }
0x64c: {  	s0 =	simm.s32 @!p0 $0x2  }
0x64d: {  	_ =	swait.ge @!p0 [sflag:s0], s1  }
0x64e: {  	s1 =	ssub.s32 @!p0 $0x0, s1;
	[sflag:s0] =	ssyncset.done @!p0 $0x0  }
0x64f: {  	[sflag:s0] =	ssyncadd.s32 @!p0 s1  }
0x650: {  	[bflag:$0x3] =	sbarrier.arrive $0xFFFF  }
0x651: {  	_ =	shalt  }

</sc_bundles>
